<compile_context>
chip_gen: v7x
topology: tpu7x:2x2x1
jax: 0.10.2.dev20260603
libtpu: 0.0.44.dev20260713+nightly
codegen_flags: <defaults>
</compile_context>

<pallas_src>
import functools

import jax
import jax.numpy as jnp
from jax import lax
from jax.experimental import pallas as pl
from jax.experimental.pallas import tpu as pltpu
from jax.experimental.pallas import tpu_sc as plsc

N = 10000
NP = 10240
D = 128
DH = 64
E = 160000
NSUB = 16
K = 128
PD = 4
CH = 80
EPT = CH * K
RPT = NP // NSUB
ZR = 128
DEGW = 16
NB = 4


def _sc_agg_body(with_deg, x_hbm, src_hbm, dst_hbm, out_hbm, deg_hbm,
                 srcb, dstb, rows, ones, zbuf, degbuf, acc, dega, sems):
  c = lax.axis_index("c")
  s = lax.axis_index("s")

  z16 = jnp.zeros((16,), jnp.float32)

  def _zrow(r, _):
    def _zcol(k8, _):
      zbuf[r, pl.ds(k8 * 16, 16)] = z16
      return 0
    lax.fori_loop(0, DH // 16, _zcol, 0)
    if with_deg:
      degbuf[r, :] = z16
    return 0
  lax.fori_loop(0, ZR, _zrow, 0)

  if with_deg:
    o16 = jnp.ones((16,), jnp.float32)
    def _orow(r, _):
      ones[r, :] = o16
      return 0
    lax.fori_loop(0, K, _orow, 0)

  def _zacc(k, _):
    pltpu.sync_copy(zbuf, acc.at[pl.ds(s * RPT + k * ZR, ZR)])
    if with_deg:
      pltpu.sync_copy(degbuf, dega.at[pl.ds(s * RPT + k * ZR, ZR)])
    return 0
  lax.fori_loop(0, RPT // ZR, _zacc, 0)

  plsc.subcore_barrier()

  row0 = (c * NSUB + s) * CH
  pltpu.sync_copy(src_hbm.at[pl.ds(row0, CH)], srcb)
  pltpu.sync_copy(dst_hbm.at[pl.ds(row0, CH)], dstb)

  def _fire(j, b):
    pltpu.async_copy(x_hbm.at[srcb.at[j]], rows[b], sems[b])

  for b in range(PD):
    _fire(b, b)

  def _group(g, _):
    for b in range(PD):
      j = g * PD + b
      pltpu.make_async_copy(x_hbm.at[srcb.at[j]], rows[b], sems[b]).wait()
      pltpu.sync_copy(rows[b], acc.at[dstb.at[j]], add=True)
      if with_deg:
        pltpu.sync_copy(ones, dega.at[dstb.at[j]], add=True)
      @pl.when(j + PD < CH)
      def _():
        _fire(j + PD, b)
    return 0
  lax.fori_loop(0, CH // PD, _group, 0)

  plsc.subcore_barrier()

  def _wout(k, _):
    r = s * RPT + k * ZR
    pltpu.sync_copy(acc.at[pl.ds(r, ZR)], zbuf)
    pltpu.sync_copy(zbuf, out_hbm.at[pl.ds(c * NP + r, ZR)])
    if with_deg:
      pltpu.sync_copy(dega.at[pl.ds(r, ZR)], degbuf)
      pltpu.sync_copy(degbuf, deg_hbm.at[pl.ds(c * NP + r, ZR)])
    return 0
  lax.fori_loop(0, RPT // ZR, _wout, 0)


def _make_sc_agg(with_deg):
  mesh = plsc.VectorSubcoreMesh(core_axis_name="c", subcore_axis_name="s")
  out_type = [jax.ShapeDtypeStruct((2 * NP, DH), jnp.float32),
              jax.ShapeDtypeStruct((2 * NP, DEGW), jnp.float32)]
  scratch = [
      pltpu.VMEM((CH, K), jnp.int32),
      pltpu.VMEM((CH, K), jnp.int32),
      [pltpu.VMEM((K, DH), jnp.float32) for _ in range(PD)],
      pltpu.VMEM((K, DEGW), jnp.float32),
      pltpu.VMEM((ZR, DH), jnp.float32),
      pltpu.VMEM((ZR, DEGW), jnp.float32),
      pltpu.VMEM_SHARED((NP, DH), jnp.float32),
      pltpu.VMEM_SHARED((NP, DEGW), jnp.float32),
      [pltpu.SemaphoreType.DMA for _ in range(PD)],
  ]
  return pl.kernel(functools.partial(_sc_agg_body, with_deg),
                   out_type=out_type, mesh=mesh, scratch_types=scratch,
                   compiler_params=pltpu.CompilerParams(
                       use_tc_tiling_on_sc=False))


_sc_agg_deg = _make_sc_agg(True)
_sc_agg_nd = _make_sc_agg(False)

BR = 1280


def _tc_dense_body(relu, split_out, xlo_ref, xhi_ref, alo_ref, ahi_ref,
                   deg_ref, basis_ref, comp_ref, root_ref, bias_ref,
                   *o_refs):
  g = pl.program_id(0)
  wu = jnp.zeros((D, D), jnp.float32)
  wi = jnp.zeros((D, D), jnp.float32)
  for b in range(NB):
    wu = wu + comp_ref[1, b] * basis_ref[b]
    wi = wi + comp_ref[0, b] * basis_ref[b]
  w = jnp.where(g < (NP // BR), wu, wi)
  dinv = 1.0 / jnp.maximum(deg_ref[:, 0:1], 1.0)
  root = root_ref[...]
  h = (jnp.dot(xlo_ref[...], root[:DH], preferred_element_type=jnp.float32)
       + jnp.dot(xhi_ref[...], root[DH:], preferred_element_type=jnp.float32)
       + jnp.dot(alo_ref[...] * dinv, w[:DH],
                 preferred_element_type=jnp.float32)
       + jnp.dot(ahi_ref[...] * dinv, w[DH:],
                 preferred_element_type=jnp.float32)
       + bias_ref[...])
  if relu:
    h = jnp.maximum(h, 0.0)
  if split_out:
    o_refs[0][...] = h[:, :DH]
    o_refs[1][...] = h[:, DH:]
  else:
    o_refs[0][...] = h


def _make_tc_dense(relu, split_out):
  half = pl.BlockSpec((BR, DH), lambda g: (g, 0))
  full = pl.BlockSpec((BR, D), lambda g: (g, 0))
  if split_out:
    out_specs = [half, half]
    out_shape = [jax.ShapeDtypeStruct((2 * NP, DH), jnp.float32),
                 jax.ShapeDtypeStruct((2 * NP, DH), jnp.float32)]
  else:
    out_specs = [full]
    out_shape = [jax.ShapeDtypeStruct((2 * NP, D), jnp.float32)]

  return pl.pallas_call(
      functools.partial(_tc_dense_body, relu, split_out),
      grid=(2 * NP // BR,),
      in_specs=[
          half, half, half, half,
          pl.BlockSpec((BR, DEGW), lambda g: (g, 0)),
          pl.BlockSpec((NB, D, D), lambda g: (0, 0, 0)),
          pl.BlockSpec(memory_space=pltpu.SMEM),
          pl.BlockSpec((D, D), lambda g: (0, 0)),
          pl.BlockSpec((1, D), lambda g: (0, 0)),
      ],
      out_specs=out_specs,
      out_shape=out_shape,
  )


_tc_dense_relu = _make_tc_dense(True, True)
_tc_dense_lin = _make_tc_dense(False, False)


def _prep_edges(ei, src_off):
  src = (ei[0].astype(jnp.int32) + src_off).reshape(NSUB, E // NSUB)
  dst = ei[1].astype(jnp.int32).reshape(NSUB, E // NSUB)
  pad = EPT - E // NSUB
  src = jnp.pad(src, ((0, 0), (0, pad)), constant_values=0)
  dst = jnp.pad(dst, ((0, 0), (0, pad)), constant_values=N)
  return src, dst


def _pad_half(xu, xi, col):
  zpad = jnp.zeros((NP - N, DH), jnp.float32)
  return jnp.concatenate([xu[:, col:col + DH], zpad,
                          xi[:, col:col + DH], zpad], axis=0)


def kernel(x_user, x_item, edge_index_user_item, edge_index_item_user,
           basis0, comp0, root0, bias0, basis1, comp1, root1, bias1):
  s0, d0 = _prep_edges(edge_index_item_user, NP)
  s1, d1 = _prep_edges(edge_index_user_item, 0)
  src2 = jnp.stack([s0, s1]).reshape(2 * NSUB * CH, K)
  dst2 = jnp.stack([d0, d1]).reshape(2 * NSUB * CH, K)

  x0lo = _pad_half(x_user, x_item, 0)
  x0hi = _pad_half(x_user, x_item, DH)

  a0lo, deg = _sc_agg_deg(x0lo, src2, dst2)
  a0hi, _ = _sc_agg_nd(x0hi, src2, dst2)
  h1lo, h1hi = _tc_dense_relu(x0lo, x0hi, a0lo, a0hi, deg, basis0, comp0,
                              root0, bias0.reshape(1, D))
  a1lo, _ = _sc_agg_nd(h1lo, src2, dst2)
  a1hi, _ = _sc_agg_nd(h1hi, src2, dst2)
  (h2,) = _tc_dense_lin(h1lo, h1hi, a1lo, a1hi, deg, basis1, comp1,
                        root1, bias1.reshape(1, D))
  return (h2[:N], h2[NP:NP + N])

# --- scband reference (transcript-rebuilt; emitter-appended) ---
"""Pipeline reference for scband-hetero-gnn-71897752535763 (READ-ONLY COPY).

The authoritative reference and input builder live on the scoring server;
editing this copy changes nothing except your own understanding.
"""

import jax, jax.numpy as jnp
import numpy as np

N_USER = 10000
N_ITEM = 10000
D = 128
E = 160000
NB = 4
NR = 2


def _init_w(k, shape, fan_in):
    return jax.random.normal(k, shape, jnp.float32) * (1.0 / np.sqrt(fan_in))


def setup_inputs(seed: int = 0):
    key = jax.random.key(seed)
    ks = jax.random.split(key, 12)
    inp = {}
    inp["x_user"] = jax.random.normal(ks[0], (N_USER, D), jnp.float32)
    inp["x_item"] = jax.random.normal(ks[1], (N_ITEM, D), jnp.float32)
    inp["edge_index_user_item"] = jax.random.randint(ks[2], (2, E), 0, N_ITEM)
    inp["edge_index_item_user"] = jax.random.randint(ks[3], (2, E), 0, N_USER)
    # RGCN layer 0 params (basis decomposition, num_bases=4, shared root weight)
    inp["basis0"] = _init_w(ks[4], (NB, D, D), D)
    inp["comp0"] = _init_w(ks[5], (NR, NB), NB)
    inp["root0"] = _init_w(ks[6], (D, D), D)
    inp["bias0"] = jnp.zeros((D,), jnp.float32)
    # RGCN layer 1 params
    inp["basis1"] = _init_w(ks[7], (NB, D, D), D)
    inp["comp1"] = _init_w(ks[8], (NR, NB), NB)
    inp["root1"] = _init_w(ks[9], (D, D), D)
    inp["bias1"] = jnp.zeros((D,), jnp.float32)
    return inp


def _rgcn_layer(x_user, x_item, basis, comp, root, bias, ei_ui, ei_iu):
    # root/self transform (shared root weight as in PyG RGCNConv)
    out_u = x_user @ root + bias
    out_i = x_item @ root + bias
    # relation 0: user -> item
    W0 = jnp.einsum('b,bio->io', comp[0], basis)
    m0 = jnp.take(x_user, ei_ui[0], axis=0) @ W0
    agg0 = jax.ops.segment_sum(m0, ei_ui[1], num_segments=N_ITEM)
    deg0 = jax.ops.segment_sum(jnp.ones((ei_ui.shape[1],), jnp.float32), ei_ui[1], num_segments=N_ITEM)
    out_i = out_i + agg0 / jnp.clip(deg0, 1.0)[:, None]
    # relation 1: item -> user
    W1 = jnp.einsum('b,bio->io', comp[1], basis)
    m1 = jnp.take(x_item, ei_iu[0], axis=0) @ W1
    agg1 = jax.ops.segment_sum(m1, ei_iu[1], num_segments=N_USER)
    deg1 = jax.ops.segment_sum(jnp.ones((ei_iu.shape[1],), jnp.float32), ei_iu[1], num_segments=N_USER)
    out_u = out_u + agg1 / jnp.clip(deg1, 1.0)[:, None]
    return out_u, out_i


def reference(x_user, x_item, edge_index_user_item, edge_index_item_user,
              basis0, comp0, root0, bias0, basis1, comp1, root1, bias1):
    hu, hi = _rgcn_layer(x_user, x_item, basis0, comp0, root0, bias0,
                         edge_index_user_item, edge_index_item_user)
    # inter-layer nonlinearity; dropout is identity in eval mode
    hu = jax.nn.relu(hu)
    hi = jax.nn.relu(hi)
    ou, oi = _rgcn_layer(hu, hi, basis1, comp1, root1, bias1,
                         edge_index_user_item, edge_index_item_user)
    return (ou, oi)

if __name__ == "__main__":
    import jax
    _d = setup_inputs()
    print(jax.jit(kernel)(*tuple(_d.values())))

</pallas_src>

<mosaic_0001>
#map = affine_map<(d0, d1) -> (0, 0)>
module attributes {stable_mosaic.version = 14 : i64} {
  func.func @_sc_agg_body(%arg0: i32, %arg1: i32, %arg2: memref<20480x64xf32, #tpu.memory_space<hbm>>, %arg3: memref<2560x128xi32, #tpu.memory_space<hbm>>, %arg4: memref<2560x128xi32, #tpu.memory_space<hbm>>, %arg5: memref<20480x64xf32, #tpu.memory_space<hbm>>, %arg6: memref<20480x16xf32, #tpu.memory_space<hbm>>, %arg7: memref<80x128xi32, #tpu.memory_space<vmem>>, %arg8: memref<80x128xi32, #tpu.memory_space<vmem>>, %arg9: memref<128x64xf32, #tpu.memory_space<vmem>>, %arg10: memref<128x64xf32, #tpu.memory_space<vmem>>, %arg11: memref<128x64xf32, #tpu.memory_space<vmem>>, %arg12: memref<128x64xf32, #tpu.memory_space<vmem>>, %arg13: memref<128x16xf32, #tpu.memory_space<vmem>>, %arg14: memref<128x64xf32, #tpu.memory_space<vmem>>, %arg15: memref<128x16xf32, #tpu.memory_space<vmem>>, %arg16: memref<10240x64xf32, #tpu.memory_space<vmem_shared>>, %arg17: memref<10240x16xf32, #tpu.memory_space<vmem_shared>>, %arg18: memref<!tpu.dma_semaphore, #tpu.memory_space<semaphore_mem>>, %arg19: memref<!tpu.dma_semaphore, #tpu.memory_space<semaphore_mem>>, %arg20: memref<!tpu.dma_semaphore, #tpu.memory_space<semaphore_mem>>, %arg21: memref<!tpu.dma_semaphore, #tpu.memory_space<semaphore_mem>>) attributes {dimension_semantics = [#tpu.dimension_semantics<core_parallel>, #tpu.dimension_semantics<subcore_parallel>], iteration_bounds = array<i64: 2, 16>, scalar_prefetch = 0 : i64, scratch_operands = 15 : i64, tpu.core_type = #tpu.core_type<sc_vector_subcore>, window_params = [{transform_indices = #map}, {transform_indices = #map}, {transform_indices = #map}, {transform_indices = #map}, {transform_indices = #map}]} {
    %broadcast_in_dim3A = arith.constant 0.000000e+00 : f32
    %broadcast_in_dim3A_0 = vector.broadcast %broadcast_in_dim3A : f32 to vector<16xf32>
    %scan3A = arith.constant 0 : i32
    %scan3A_1 = arith.constant 0 : i32
    %scan3A_2 = arith.constant 128 : i32
    %scan3A_3 = arith.addi %scan3A_1, %scan3A_2 : i32
    %scan3A_4 = arith.constant 1 : i32
    %scan3A_5 = scf.for %scan3A_68 = %scan3A_1 to %scan3A_3 step %scan3A_4 iter_args(%scan3A_69 = %scan3A) -> (i32)  : i32 {
      %scan3A_70 = arith.constant 0 : i32
      %scan3A_71 = arith.constant 0 : i32
      %scan3A_72 = arith.constant 4 : i32
      %scan3A_73 = arith.addi %scan3A_71, %scan3A_72 : i32
      %scan3A_74 = arith.constant 1 : i32
      %scan3A_75 = scf.for %scan3A_82 = %scan3A_71 to %scan3A_73 step %scan3A_74 iter_args(%scan3A_83 = %scan3A_70) -> (i32)  : i32 {
        %mul3A_84 = arith.constant 16 : i32
        %mul3A_85 = arith.muli %scan3A_82, %mul3A_84 : i32
        %swap3A_86 = arith.index_cast %scan3A_68 : i32 to index
        %swap3A_87 = arith.index_cast %mul3A_85 : i32 to index
        %swap3A_88 = tpu.vector_load %arg14[%swap3A_86, %swap3A_87] {strides = array<i32>} : memref<128x64xf32, #tpu.memory_space<vmem>>, vector<1x16xf32>,
        %swap3A_89 = vector.shape_cast %swap3A_88 : vector<1x16xf32> to vector<16xf32>
        %swap3A_90 = vector.shape_cast %broadcast_in_dim3A_0 : vector<16xf32> to vector<1x16xf32>
        tpu.vector_store %arg14[%swap3A_86, %swap3A_87], %swap3A_90 {strides = array<i32>} : memref<128x64xf32, #tpu.memory_space<vmem>>, vector<1x16xf32>,
        %scan3A_91 = arith.constant 0 : i32
        scf.yield %scan3A_91 : i32
      }
      %scan3A_76 = arith.constant 4 : i32
      %swap3A = arith.index_cast %scan3A_68 : i32 to index
      %swap3A_77 = arith.constant 0 : index
      %swap3A_78 = tpu.vector_load %arg15[%swap3A, %swap3A_77] {strides = array<i32>} : memref<128x16xf32, #tpu.memory_space<vmem>>, vector<1x16xf32>,
      %swap3A_79 = vector.shape_cast %swap3A_78 : vector<1x16xf32> to vector<16xf32>
      %swap3A_80 = vector.shape_cast %broadcast_in_dim3A_0 : vector<16xf32> to vector<1x16xf32>
      tpu.vector_store %arg15[%swap3A, %swap3A_77], %swap3A_80 {strides = array<i32>} : memref<128x16xf32, #tpu.memory_space<vmem>>, vector<1x16xf32>,
      %scan3A_81 = arith.constant 0 : i32
      scf.yield %scan3A_81 : i32
    }
    %scan3A_6 = arith.constant 128 : i32
    %broadcast_in_dim3A_7 = arith.constant 1.000000e+00 : f32
    %broadcast_in_dim3A_8 = vector.broadcast %broadcast_in_dim3A_7 : f32 to vector<16xf32>
    %scan3A_9 = arith.constant 0 : i32
    %scan3A_10 = arith.constant 0 : i32
    %scan3A_11 = arith.constant 128 : i32
    %scan3A_12 = arith.addi %scan3A_10, %scan3A_11 : i32
    %scan3A_13 = arith.constant 1 : i32
    %scan3A_14 = scf.for %scan3A_68 = %scan3A_10 to %scan3A_12 step %scan3A_13 iter_args(%scan3A_69 = %scan3A_9) -> (i32)  : i32 {
      %swap3A = arith.index_cast %scan3A_68 : i32 to index
      %swap3A_70 = arith.constant 0 : index
      %swap3A_71 = tpu.vector_load %arg13[%swap3A, %swap3A_70] {strides = array<i32>} : memref<128x16xf32, #tpu.memory_space<vmem>>, vector<1x16xf32>,
      %swap3A_72 = vector.shape_cast %swap3A_71 : vector<1x16xf32> to vector<16xf32>
      %swap3A_73 = vector.shape_cast %broadcast_in_dim3A_8 : vector<16xf32> to vector<1x16xf32>
      tpu.vector_store %arg13[%swap3A, %swap3A_70], %swap3A_73 {strides = array<i32>} : memref<128x16xf32, #tpu.memory_space<vmem>>, vector<1x16xf32>,
      %scan3A_74 = arith.constant 0 : i32
      scf.yield %scan3A_74 : i32
    }
    %scan3A_15 = arith.constant 128 : i32
    %scan3A_16 = arith.constant 0 : i32
    %scan3A_17 = arith.constant 0 : i32
    %scan3A_18 = arith.constant 5 : i32
    %scan3A_19 = arith.addi %scan3A_17, %scan3A_18 : i32
    %scan3A_20 = arith.constant 1 : i32
    %scan3A_21 = scf.for %scan3A_68 = %scan3A_17 to %scan3A_19 step %scan3A_20 iter_args(%scan3A_69 = %scan3A_16) -> (i32)  : i32 {
      %mul3A_70 = arith.constant 640 : i32
      %mul3A_71 = arith.muli %arg1, %mul3A_70 : i32
      %mul3A_72 = arith.constant 128 : i32
      %mul3A_73 = arith.muli %scan3A_68, %mul3A_72 : i32
      %add3A_74 = arith.addi %mul3A_71, %mul3A_73 : i32
      "tpu.region"() ({
        %run_scoped3A = tpu.sem_alloc : memref<!tpu.dma_semaphore, #tpu.memory_space<semaphore_mem>>
        %dma_start3A_81 = arith.constant 0 : i32
        %dma_start3A_82 = tpu.memref_slice %arg16[%add3A_74, %dma_start3A_81] : memref<10240x64xf32, #tpu.memory_space<vmem_shared>> -> memref<128x64xf32, #tpu.memory_space<vmem_shared>>
        %dma_start3A_83 = arith.constant 0 : i32
        %dma_start3A_84 = tpu.memref_slice %arg16[%add3A_74, %dma_start3A_83] : memref<10240x64xf32, #tpu.memory_space<vmem_shared>> -> memref<128x64xf32, #tpu.memory_space<vmem_shared>>
        tpu.enqueue_dma source(%arg14 : memref<128x64xf32, #tpu.memory_space<vmem>>) target(%dma_start3A_84 : memref<128x64xf32, #tpu.memory_space<vmem_shared>>) target_semaphore(%run_scoped3A : memref<!tpu.dma_semaphore, #tpu.memory_space<semaphore_mem>>)
        %dma_wait3A = arith.constant 0 : i32
        %dma_wait3A_85 = tpu.memref_slice %arg16[%add3A_74, %dma_wait3A] : memref<10240x64xf32, #tpu.memory_space<vmem_shared>> -> memref<128x64xf32, #tpu.memory_space<vmem_shared>>
        %dma_wait3A_86 = arith.constant 0 : i32
        %dma_wait3A_87 = tpu.memref_slice %arg16[%add3A_74, %dma_wait3A_86] : memref<10240x64xf32, #tpu.memory_space<vmem_shared>> -> memref<128x64xf32, #tpu.memory_space<vmem_shared>>
        tpu.wait_dma2 semaphore(%run_scoped3A : memref<!tpu.dma_semaphore, #tpu.memory_space<semaphore_mem>>) src(%arg14 : memref<128x64xf32, #tpu.memory_space<vmem>>) dst(%dma_wait3A_87 : memref<128x64xf32, #tpu.memory_space<vmem_shared>>)
        tpu.yield
      }) : () -> ()
      %mul3A_75 = arith.constant 640 : i32
      %mul3A_76 = arith.muli %arg1, %mul3A_75 : i32
      %mul3A_77 = arith.constant 128 : i32
      %mul3A_78 = arith.muli %scan3A_68, %mul3A_77 : i32
      %add3A_79 = arith.addi %mul3A_76, %mul3A_78 : i32
      "tpu.region"() ({
        %run_scoped3A = tpu.sem_alloc : memref<!tpu.dma_semaphore, #tpu.memory_space<semaphore_mem>>
        %dma_start3A_81 = arith.constant 0 : i32
        %dma_start3A_82 = tpu.memref_slice %arg17[%add3A_79, %dma_start3A_81] : memref<10240x16xf32, #tpu.memory_space<vmem_shared>> -> memref<128x16xf32, #tpu.memory_space<vmem_shared>>
        %dma_start3A_83 = arith.constant 0 : i32
        %dma_start3A_84 = tpu.memref_slice %arg17[%add3A_79, %dma_start3A_83] : memref<10240x16xf32, #tpu.memory_space<vmem_shared>> -> memref<128x16xf32, #tpu.memory_space<vmem_shared>>
        tpu.enqueue_dma source(%arg15 : memref<128x16xf32, #tpu.memory_space<vmem>>) target(%dma_start3A_84 : memref<128x16xf32, #tpu.memory_space<vmem_shared>>) target_semaphore(%run_scoped3A : memref<!tpu.dma_semaphore, #tpu.memory_space<semaphore_mem>>)
        %dma_wait3A = arith.constant 0 : i32
        %dma_wait3A_85 = tpu.memref_slice %arg17[%add3A_79, %dma_wait3A] : memref<10240x16xf32, #tpu.memory_space<vmem_shared>> -> memref<128x16xf32, #tpu.memory_space<vmem_shared>>
        %dma_wait3A_86 = arith.constant 0 : i32
        %dma_wait3A_87 = tpu.memref_slice %arg17[%add3A_79, %dma_wait3A_86] : memref<10240x16xf32, #tpu.memory_space<vmem_shared>> -> memref<128x16xf32, #tpu.memory_space<vmem_shared>>
        tpu.wait_dma2 semaphore(%run_scoped3A : memref<!tpu.dma_semaphore, #tpu.memory_space<semaphore_mem>>) src(%arg15 : memref<128x16xf32, #tpu.memory_space<vmem>>) dst(%dma_wait3A_87 : memref<128x16xf32, #tpu.memory_space<vmem_shared>>)
        tpu.yield
      }) : () -> ()
      %scan3A_80 = arith.constant 0 : i32
      scf.yield %scan3A_80 : i32
    }
    %scan3A_22 = arith.constant 5 : i32
    %barrier3A = arith.constant 0 : index
    tpu.barrier barrier_id(%barrier3A)
    %mul3A = arith.constant 16 : i32
    %mul3A_23 = arith.muli %arg0, %mul3A : i32
    %add3A = arith.addi %mul3A_23, %arg1 : i32
    %mul3A_24 = arith.constant 80 : i32
    %mul3A_25 = arith.muli %add3A, %mul3A_24 : i32
    "tpu.region"() ({
      %run_scoped3A = tpu.sem_alloc : memref<!tpu.dma_semaphore, #tpu.memory_space<semaphore_mem>>
      %dma_start3A_68 = arith.constant 0 : i32
      %dma_start3A_69 = tpu.memref_slice %arg3[%mul3A_25, %dma_start3A_68] : memref<2560x128xi32, #tpu.memory_space<hbm>> -> memref<80x128xi32, #tpu.memory_space<hbm>>
      %dma_start3A_70 = arith.constant 0 : i32
      %dma_start3A_71 = tpu.memref_slice %arg3[%mul3A_25, %dma_start3A_70] : memref<2560x128xi32, #tpu.memory_space<hbm>> -> memref<80x128xi32, #tpu.memory_space<hbm>>
      tpu.enqueue_dma source(%dma_start3A_71 : memref<80x128xi32, #tpu.memory_space<hbm>>) target(%arg7 : memref<80x128xi32, #tpu.memory_space<vmem>>) target_semaphore(%run_scoped3A : memref<!tpu.dma_semaphore, #tpu.memory_space<semaphore_mem>>)
      %dma_wait3A = arith.constant 0 : i32
      %dma_wait3A_72 = tpu.memref_slice %arg3[%mul3A_25, %dma_wait3A] : memref<2560x128xi32, #tpu.memory_space<hbm>> -> memref<80x128xi32, #tpu.memory_space<hbm>>
      %dma_wait3A_73 = arith.constant 0 : i32
      %dma_wait3A_74 = tpu.memref_slice %arg3[%mul3A_25, %dma_wait3A_73] : memref<2560x128xi32, #tpu.memory_space<hbm>> -> memref<80x128xi32, #tpu.memory_space<hbm>>
      tpu.wait_dma2 semaphore(%run_scoped3A : memref<!tpu.dma_semaphore, #tpu.memory_space<semaphore_mem>>) src(%dma_wait3A_74 : memref<80x128xi32, #tpu.memory_space<hbm>>) dst(%arg7 : memref<80x128xi32, #tpu.memory_space<vmem>>)
      tpu.yield
    }) : () -> ()
    "tpu.region"() ({
      %run_scoped3A = tpu.sem_alloc : memref<!tpu.dma_semaphore, #tpu.memory_space<semaphore_mem>>
      %dma_start3A_68 = arith.constant 0 : i32
      %dma_start3A_69 = tpu.memref_slice %arg4[%mul3A_25, %dma_start3A_68] : memref<2560x128xi32, #tpu.memory_space<hbm>> -> memref<80x128xi32, #tpu.memory_space<hbm>>
      %dma_start3A_70 = arith.constant 0 : i32
      %dma_start3A_71 = tpu.memref_slice %arg4[%mul3A_25, %dma_start3A_70] : memref<2560x128xi32, #tpu.memory_space<hbm>> -> memref<80x128xi32, #tpu.memory_space<hbm>>
      tpu.enqueue_dma source(%dma_start3A_71 : memref<80x128xi32, #tpu.memory_space<hbm>>) target(%arg8 : memref<80x128xi32, #tpu.memory_space<vmem>>) target_semaphore(%run_scoped3A : memref<!tpu.dma_semaphore, #tpu.memory_space<semaphore_mem>>)
      %dma_wait3A = arith.constant 0 : i32
      %dma_wait3A_72 = tpu.memref_slice %arg4[%mul3A_25, %dma_wait3A] : memref<2560x128xi32, #tpu.memory_space<hbm>> -> memref<80x128xi32, #tpu.memory_space<hbm>>
      %dma_wait3A_73 = arith.constant 0 : i32
      %dma_wait3A_74 = tpu.memref_slice %arg4[%mul3A_25, %dma_wait3A_73] : memref<2560x128xi32, #tpu.memory_space<hbm>> -> memref<80x128xi32, #tpu.memory_space<hbm>>
      tpu.wait_dma2 semaphore(%run_scoped3A : memref<!tpu.dma_semaphore, #tpu.memory_space<semaphore_mem>>) src(%dma_wait3A_74 : memref<80x128xi32, #tpu.memory_space<hbm>>) dst(%arg8 : memref<80x128xi32, #tpu.memory_space<vmem>>)
      tpu.yield
    }) : () -> ()
    %dma_start3A = arith.constant 0 : i32
    %dma_start3A_26 = arith.constant 0 : i32
    %dma_start3A_27 = tpu.memref_slice %arg7[%dma_start3A, %dma_start3A_26] : memref<80x128xi32, #tpu.memory_space<vmem>> -> memref<1x128xi32, #tpu.memory_space<vmem>>
    %dma_start3A_28 = tpu.memref_squeeze %dma_start3A_27 : memref<1x128xi32, #tpu.memory_space<vmem>> -> memref<128xi32, #tpu.memory_space<vmem>>
    %dma_start3A_29 = arith.constant 0 : i32
    %dma_start3A_30 = arith.constant 0 : i32
    %dma_start3A_31 = tpu.memref_slice %arg2[%dma_start3A_29, %dma_start3A_30] : memref<20480x64xf32, #tpu.memory_space<hbm>> -> memref<20480x64xf32, #tpu.memory_space<hbm>>
    tpu.enqueue_indirect_dma source(%dma_start3A_31 : memref<20480x64xf32, #tpu.memory_space<hbm>>) target(%arg9 : memref<128x64xf32, #tpu.memory_space<vmem>>) offsets(%dma_start3A_28 : memref<128xi32, #tpu.memory_space<vmem>>) semaphore(%arg18 : memref<!tpu.dma_semaphore, #tpu.memory_space<semaphore_mem>>)
    %dma_start3A_32 = arith.constant 1 : i32
    %dma_start3A_33 = arith.constant 0 : i32
    %dma_start3A_34 = tpu.memref_slice %arg7[%dma_start3A_32, %dma_start3A_33] : memref<80x128xi32, #tpu.memory_space<vmem>> -> memref<1x128xi32, #tpu.memory_space<vmem>>
    %dma_start3A_35 = tpu.memref_squeeze %dma_start3A_34 : memref<1x128xi32, #tpu.memory_space<vmem>> -> memref<128xi32, #tpu.memory_space<vmem>>
    %dma_start3A_36 = arith.constant 0 : i32
    %dma_start3A_37 = arith.constant 0 : i32
    %dma_start3A_38 = tpu.memref_slice %arg2[%dma_start3A_36, %dma_start3A_37] : memref<20480x64xf32, #tpu.memory_space<hbm>> -> memref<20480x64xf32, #tpu.memory_space<hbm>>
    tpu.enqueue_indirect_dma source(%dma_start3A_38 : memref<20480x64xf32, #tpu.memory_space<hbm>>) target(%arg10 : memref<128x64xf32, #tpu.memory_space<vmem>>) offsets(%dma_start3A_35 : memref<128xi32, #tpu.memory_space<vmem>>) semaphore(%arg19 : memref<!tpu.dma_semaphore, #tpu.memory_space<semaphore_mem>>)
    %dma_start3A_39 = arith.constant 2 : i32
    %dma_start3A_40 = arith.constant 0 : i32
    %dma_start3A_41 = tpu.memref_slice %arg7[%dma_start3A_39, %dma_start3A_40] : memref<80x128xi32, #tpu.memory_space<vmem>> -> memref<1x128xi32, #tpu.memory_space<vmem>>
    %dma_start3A_42 = tpu.memref_squeeze %dma_start3A_41 : memref<1x128xi32, #tpu.memory_space<vmem>> -> memref<128xi32, #tpu.memory_space<vmem>>
    %dma_start3A_43 = arith.constant 0 : i32
    %dma_start3A_44 = arith.constant 0 : i32
    %dma_start3A_45 = tpu.memref_slice %arg2[%dma_start3A_43, %dma_start3A_44] : memref<20480x64xf32, #tpu.memory_space<hbm>> -> memref<20480x64xf32, #tpu.memory_space<hbm>>
    tpu.enqueue_indirect_dma source(%dma_start3A_45 : memref<20480x64xf32, #tpu.memory_space<hbm>>) target(%arg11 : memref<128x64xf32, #tpu.memory_space<vmem>>) offsets(%dma_start3A_42 : memref<128xi32, #tpu.memory_space<vmem>>) semaphore(%arg20 : memref<!tpu.dma_semaphore, #tpu.memory_space<semaphore_mem>>)
    %dma_start3A_46 = arith.constant 3 : i32
    %dma_start3A_47 = arith.constant 0 : i32
    %dma_start3A_48 = tpu.memref_slice %arg7[%dma_start3A_46, %dma_start3A_47] : memref<80x128xi32, #tpu.memory_space<vmem>> -> memref<1x128xi32, #tpu.memory_space<vmem>>
    %dma_start3A_49 = tpu.memref_squeeze %dma_start3A_48 : memref<1x128xi32, #tpu.memory_space<vmem>> -> memref<128xi32, #tpu.memory_space<vmem>>
    %dma_start3A_50 = arith.constant 0 : i32
    %dma_start3A_51 = arith.constant 0 : i32
    %dma_start3A_52 = tpu.memref_slice %arg2[%dma_start3A_50, %dma_start3A_51] : memref<20480x64xf32, #tpu.memory_space<hbm>> -> memref<20480x64xf32, #tpu.memory_space<hbm>>
    tpu.enqueue_indirect_dma source(%dma_start3A_52 : memref<20480x64xf32, #tpu.memory_space<hbm>>) target(%arg12 : memref<128x64xf32, #tpu.memory_space<vmem>>) offsets(%dma_start3A_49 : memref<128xi32, #tpu.memory_space<vmem>>) semaphore(%arg21 : memref<!tpu.dma_semaphore, #tpu.memory_space<semaphore_mem>>)
    %scan3A_53 = arith.constant 0 : i32
    %scan3A_54 = arith.constant 0 : i32
    %scan3A_55 = arith.constant 20 : i32
    %scan3A_56 = arith.addi %scan3A_54, %scan3A_55 : i32
    %scan3A_57 = arith.constant 1 : i32
    %scan3A_58 = scf.for %scan3A_68 = %scan3A_54 to %scan3A_56 step %scan3A_57 iter_args(%scan3A_69 = %scan3A_53) -> (i32)  : i32 {
      %mul3A_70 = arith.constant 4 : i32
      %mul3A_71 = arith.muli %scan3A_68, %mul3A_70 : i32
      %add3A_72 = arith.constant 0 : i32
      %add3A_73 = arith.addi %mul3A_71, %add3A_72 : i32
      %dma_wait3A = arith.constant 0 : i32
      %dma_wait3A_74 = tpu.memref_slice %arg7[%add3A_73, %dma_wait3A] : memref<80x128xi32, #tpu.memory_space<vmem>> -> memref<1x128xi32, #tpu.memory_space<vmem>>
      %dma_wait3A_75 = tpu.memref_squeeze %dma_wait3A_74 : memref<1x128xi32, #tpu.memory_space<vmem>> -> memref<128xi32, #tpu.memory_space<vmem>>
      %dma_wait3A_76 = arith.constant 0 : i32
      %dma_wait3A_77 = arith.constant 0 : i32
      %dma_wait3A_78 = tpu.memref_slice %arg2[%dma_wait3A_76, %dma_wait3A_77] : memref<20480x64xf32, #tpu.memory_space<hbm>> -> memref<20480x64xf32, #tpu.memory_space<hbm>>
      tpu.wait_indirect_dma semaphore(%arg18 : memref<!tpu.dma_semaphore, #tpu.memory_space<semaphore_mem>>) src(%dma_wait3A_78 : memref<20480x64xf32, #tpu.memory_space<hbm>>) dst(%arg9 : memref<128x64xf32, #tpu.memory_space<vmem>>)
      "tpu.region"() ({
        %run_scoped3A = tpu.sem_alloc : memref<!tpu.dma_semaphore, #tpu.memory_space<semaphore_mem>>
        %dma_start3A_135 = arith.constant 0 : i32
        %dma_start3A_136 = tpu.memref_slice %arg8[%add3A_73, %dma_start3A_135] : memref<80x128xi32, #tpu.memory_space<vmem>> -> memref<1x128xi32, #tpu.memory_space<vmem>>
        %dma_start3A_137 = tpu.memref_squeeze %dma_start3A_136 : memref<1x128xi32, #tpu.memory_space<vmem>> -> memref<128xi32, #tpu.memory_space<vmem>>
        %dma_start3A_138 = arith.constant 0 : i32
        %dma_start3A_139 = arith.constant 0 : i32
        %dma_start3A_140 = tpu.memref_slice %arg16[%dma_start3A_138, %dma_start3A_139] : memref<10240x64xf32, #tpu.memory_space<vmem_shared>> -> memref<10240x64xf32, #tpu.memory_space<vmem_shared>>
        tpu.enqueue_indirect_dma source(%arg9 : memref<128x64xf32, #tpu.memory_space<vmem>>) target(%dma_start3A_140 : memref<10240x64xf32, #tpu.memory_space<vmem_shared>>) offsets(%dma_start3A_137 : memref<128xi32, #tpu.memory_space<vmem>>) semaphore(%run_scoped3A : memref<!tpu.dma_semaphore, #tpu.memory_space<semaphore_mem>>) {add = true}
        %dma_wait3A_141 = arith.constant 0 : i32
        %dma_wait3A_142 = tpu.memref_slice %arg8[%add3A_73, %dma_wait3A_141] : memref<80x128xi32, #tpu.memory_space<vmem>> -> memref<1x128xi32, #tpu.memory_space<vmem>>
        %dma_wait3A_143 = tpu.memref_squeeze %dma_wait3A_142 : memref<1x128xi32, #tpu.memory_space<vmem>> -> memref<128xi32, #tpu.memory_space<vmem>>
        %dma_wait3A_144 = arith.constant 0 : i32
        %dma_wait3A_145 = arith.constant 0 : i32
        %dma_wait3A_146 = tpu.memref_slice %arg16[%dma_wait3A_144, %dma_wait3A_145] : memref<10240x64xf32, #tpu.memory_space<vmem_shared>> -> memref<10240x64xf32, #tpu.memory_space<vmem_shared>>
        tpu.wait_indirect_dma semaphore(%run_scoped3A : memref<!tpu.dma_semaphore, #tpu.memory_space<semaphore_mem>>) src(%arg9 : memref<128x64xf32, #tpu.memory_space<vmem>>) dst(%dma_wait3A_146 : memref<10240x64xf32, #tpu.memory_space<vmem_shared>>)
        tpu.yield
      }) : () -> ()
      "tpu.region"() ({
        %run_scoped3A = tpu.sem_alloc : memref<!tpu.dma_semaphore, #tpu.memory_space<semaphore_mem>>
        %dma_start3A_135 = arith.constant 0 : i32
        %dma_start3A_136 = tpu.memref_slice %arg8[%add3A_73, %dma_start3A_135] : memref<80x128xi32, #tpu.memory_space<vmem>> -> memref<1x128xi32, #tpu.memory_space<vmem>>
        %dma_start3A_137 = tpu.memref_squeeze %dma_start3A_136 : memref<1x128xi32, #tpu.memory_space<vmem>> -> memref<128xi32, #tpu.memory_space<vmem>>
        %dma_start3A_138 = arith.constant 0 : i32
        %dma_start3A_139 = arith.constant 0 : i32
        %dma_start3A_140 = tpu.memref_slice %arg17[%dma_start3A_138, %dma_start3A_139] : memref<10240x16xf32, #tpu.memory_space<vmem_shared>> -> memref<10240x16xf32, #tpu.memory_space<vmem_shared>>
        tpu.enqueue_indirect_dma source(%arg13 : memref<128x16xf32, #tpu.memory_space<vmem>>) target(%dma_start3A_140 : memref<10240x16xf32, #tpu.memory_space<vmem_shared>>) offsets(%dma_start3A_137 : memref<128xi32, #tpu.memory_space<vmem>>) semaphore(%run_scoped3A : memref<!tpu.dma_semaphore, #tpu.memory_space<semaphore_mem>>) {add = true}
        %dma_wait3A_141 = arith.constant 0 : i32
        %dma_wait3A_142 = tpu.memref_slice %arg8[%add3A_73, %dma_wait3A_141] : memref<80x128xi32, #tpu.memory_space<vmem>> -> memref<1x128xi32, #tpu.memory_space<vmem>>
        %dma_wait3A_143 = tpu.memref_squeeze %dma_wait3A_142 : memref<1x128xi32, #tpu.memory_space<vmem>> -> memref<128xi32, #tpu.memory_space<vmem>>
        %dma_wait3A_144 = arith.constant 0 : i32
        %dma_wait3A_145 = arith.constant 0 : i32
        %dma_wait3A_146 = tpu.memref_slice %arg17[%dma_wait3A_144, %dma_wait3A_145] : memref<10240x16xf32, #tpu.memory_space<vmem_shared>> -> memref<10240x16xf32, #tpu.memory_space<vmem_shared>>
        tpu.wait_indirect_dma semaphore(%run_scoped3A : memref<!tpu.dma_semaphore, #tpu.memory_space<semaphore_mem>>) src(%arg13 : memref<128x16xf32, #tpu.memory_space<vmem>>) dst(%dma_wait3A_146 : memref<10240x16xf32, #tpu.memory_space<vmem_shared>>)
        tpu.yield
      }) : () -> ()
      %add3A_79 = arith.constant 4 : i32
      %add3A_80 = arith.addi %add3A_73, %add3A_79 : i32
      %lt3A = arith.constant 80 : i32
      %lt3A_81 = arith.cmpi slt, %add3A_80, %lt3A : i32
      %convert_element_type3A = arith.extui %lt3A_81 : i1 to i32
      %cond3A = arith.constant 0 : i32
      %cond3A_82 = arith.cmpi ne, %convert_element_type3A, %cond3A : i32
      scf.if %cond3A_82 {
        %add3A_135 = arith.constant 4 : i32
        %add3A_136 = arith.addi %add3A_73, %add3A_135 : i32
        %dma_start3A_137 = arith.constant 0 : i32
        %dma_start3A_138 = tpu.memref_slice %arg7[%add3A_136, %dma_start3A_137] : memref<80x128xi32, #tpu.memory_space<vmem>> -> memref<1x128xi32, #tpu.memory_space<vmem>>
        %dma_start3A_139 = tpu.memref_squeeze %dma_start3A_138 : memref<1x128xi32, #tpu.memory_space<vmem>> -> memref<128xi32, #tpu.memory_space<vmem>>
        %dma_start3A_140 = arith.constant 0 : i32
        %dma_start3A_141 = arith.constant 0 : i32
        %dma_start3A_142 = tpu.memref_slice %arg2[%dma_start3A_140, %dma_start3A_141] : memref<20480x64xf32, #tpu.memory_space<hbm>> -> memref<20480x64xf32, #tpu.memory_space<hbm>>
        tpu.enqueue_indirect_dma source(%dma_start3A_142 : memref<20480x64xf32, #tpu.memory_space<hbm>>) target(%arg9 : memref<128x64xf32, #tpu.memory_space<vmem>>) offsets(%dma_start3A_139 : memref<128xi32, #tpu.memory_space<vmem>>) semaphore(%arg18 : memref<!tpu.dma_semaphore, #tpu.memory_space<semaphore_mem>>)
      } else {
      }
      %mul3A_83 = arith.constant 4 : i32
      %mul3A_84 = arith.muli %scan3A_68, %mul3A_83 : i32
      %add3A_85 = arith.constant 1 : i32
      %add3A_86 = arith.addi %mul3A_84, %add3A_85 : i32
      %dma_wait3A_87 = arith.constant 0 : i32
      %dma_wait3A_88 = tpu.memref_slice %arg7[%add3A_86, %dma_wait3A_87] : memref<80x128xi32, #tpu.memory_space<vmem>> -> memref<1x128xi32, #tpu.memory_space<vmem>>
      %dma_wait3A_89 = tpu.memref_squeeze %dma_wait3A_88 : memref<1x128xi32, #tpu.memory_space<vmem>> -> memref<128xi32, #tpu.memory_space<vmem>>
      %dma_wait3A_90 = arith.constant 0 : i32
      %dma_wait3A_91 = arith.constant 0 : i32
      %dma_wait3A_92 = tpu.memref_slice %arg2[%dma_wait3A_90, %dma_wait3A_91] : memref<20480x64xf32, #tpu.memory_space<hbm>> -> memref<20480x64xf32, #tpu.memory_space<hbm>>
      tpu.wait_indirect_dma semaphore(%arg19 : memref<!tpu.dma_semaphore, #tpu.memory_space<semaphore_mem>>) src(%dma_wait3A_92 : memref<20480x64xf32, #tpu.memory_space<hbm>>) dst(%arg10 : memref<128x64xf32, #tpu.memory_space<vmem>>)
      "tpu.region"() ({
        %run_scoped3A = tpu.sem_alloc : memref<!tpu.dma_semaphore, #tpu.memory_space<semaphore_mem>>
        %dma_start3A_135 = arith.constant 0 : i32
        %dma_start3A_136 = tpu.memref_slice %arg8[%add3A_86, %dma_start3A_135] : memref<80x128xi32, #tpu.memory_space<vmem>> -> memref<1x128xi32, #tpu.memory_space<vmem>>
        %dma_start3A_137 = tpu.memref_squeeze %dma_start3A_136 : memref<1x128xi32, #tpu.memory_space<vmem>> -> memref<128xi32, #tpu.memory_space<vmem>>
        %dma_start3A_138 = arith.constant 0 : i32
        %dma_start3A_139 = arith.constant 0 : i32
        %dma_start3A_140 = tpu.memref_slice %arg16[%dma_start3A_138, %dma_start3A_139] : memref<10240x64xf32, #tpu.memory_space<vmem_shared>> -> memref<10240x64xf32, #tpu.memory_space<vmem_shared>>
        tpu.enqueue_indirect_dma source(%arg10 : memref<128x64xf32, #tpu.memory_space<vmem>>) target(%dma_start3A_140 : memref<10240x64xf32, #tpu.memory_space<vmem_shared>>) offsets(%dma_start3A_137 : memref<128xi32, #tpu.memory_space<vmem>>) semaphore(%run_scoped3A : memref<!tpu.dma_semaphore, #tpu.memory_space<semaphore_mem>>) {add = true}
        %dma_wait3A_141 = arith.constant 0 : i32
        %dma_wait3A_142 = tpu.memref_slice %arg8[%add3A_86, %dma_wait3A_141] : memref<80x128xi32, #tpu.memory_space<vmem>> -> memref<1x128xi32, #tpu.memory_space<vmem>>
        %dma_wait3A_143 = tpu.memref_squeeze %dma_wait3A_142 : memref<1x128xi32, #tpu.memory_space<vmem>> -> memref<128xi32, #tpu.memory_space<vmem>>
        %dma_wait3A_144 = arith.constant 0 : i32
        %dma_wait3A_145 = arith.constant 0 : i32
        %dma_wait3A_146 = tpu.memref_slice %arg16[%dma_wait3A_144, %dma_wait3A_145] : memref<10240x64xf32, #tpu.memory_space<vmem_shared>> -> memref<10240x64xf32, #tpu.memory_space<vmem_shared>>
        tpu.wait_indirect_dma semaphore(%run_scoped3A : memref<!tpu.dma_semaphore, #tpu.memory_space<semaphore_mem>>) src(%arg10 : memref<128x64xf32, #tpu.memory_space<vmem>>) dst(%dma_wait3A_146 : memref<10240x64xf32, #tpu.memory_space<vmem_shared>>)
        tpu.yield
      }) : () -> ()
      "tpu.region"() ({
        %run_scoped3A = tpu.sem_alloc : memref<!tpu.dma_semaphore, #tpu.memory_space<semaphore_mem>>
        %dma_start3A_135 = arith.constant 0 : i32
        %dma_start3A_136 = tpu.memref_slice %arg8[%add3A_86, %dma_start3A_135] : memref<80x128xi32, #tpu.memory_space<vmem>> -> memref<1x128xi32, #tpu.memory_space<vmem>>
        %dma_start3A_137 = tpu.memref_squeeze %dma_start3A_136 : memref<1x128xi32, #tpu.memory_space<vmem>> -> memref<128xi32, #tpu.memory_space<vmem>>
        %dma_start3A_138 = arith.constant 0 : i32
        %dma_start3A_139 = arith.constant 0 : i32
        %dma_start3A_140 = tpu.memref_slice %arg17[%dma_start3A_138, %dma_start3A_139] : memref<10240x16xf32, #tpu.memory_space<vmem_shared>> -> memref<10240x16xf32, #tpu.memory_space<vmem_shared>>
        tpu.enqueue_indirect_dma source(%arg13 : memref<128x16xf32, #tpu.memory_space<vmem>>) target(%dma_start3A_140 : memref<10240x16xf32, #tpu.memory_space<vmem_shared>>) offsets(%dma_start3A_137 : memref<128xi32, #tpu.memory_space<vmem>>) semaphore(%run_scoped3A : memref<!tpu.dma_semaphore, #tpu.memory_space<semaphore_mem>>) {add = true}
        %dma_wait3A_141 = arith.constant 0 : i32
        %dma_wait3A_142 = tpu.memref_slice %arg8[%add3A_86, %dma_wait3A_141] : memref<80x128xi32, #tpu.memory_space<vmem>> -> memref<1x128xi32, #tpu.memory_space<vmem>>
        %dma_wait3A_143 = tpu.memref_squeeze %dma_wait3A_142 : memref<1x128xi32, #tpu.memory_space<vmem>> -> memref<128xi32, #tpu.memory_space<vmem>>
        %dma_wait3A_144 = arith.constant 0 : i32
        %dma_wait3A_145 = arith.constant 0 : i32
        %dma_wait3A_146 = tpu.memref_slice %arg17[%dma_wait3A_144, %dma_wait3A_145] : memref<10240x16xf32, #tpu.memory_space<vmem_shared>> -> memref<10240x16xf32, #tpu.memory_space<vmem_shared>>
        tpu.wait_indirect_dma semaphore(%run_scoped3A : memref<!tpu.dma_semaphore, #tpu.memory_space<semaphore_mem>>) src(%arg13 : memref<128x16xf32, #tpu.memory_space<vmem>>) dst(%dma_wait3A_146 : memref<10240x16xf32, #tpu.memory_space<vmem_shared>>)
        tpu.yield
      }) : () -> ()
      %add3A_93 = arith.constant 4 : i32
      %add3A_94 = arith.addi %add3A_86, %add3A_93 : i32
      %lt3A_95 = arith.constant 80 : i32
      %lt3A_96 = arith.cmpi slt, %add3A_94, %lt3A_95 : i32
      %convert_element_type3A_97 = arith.extui %lt3A_96 : i1 to i32
      %cond3A_98 = arith.constant 0 : i32
      %cond3A_99 = arith.cmpi ne, %convert_element_type3A_97, %cond3A_98 : i32
      scf.if %cond3A_99 {
        %add3A_135 = arith.constant 4 : i32
        %add3A_136 = arith.addi %add3A_86, %add3A_135 : i32
        %dma_start3A_137 = arith.constant 0 : i32
        %dma_start3A_138 = tpu.memref_slice %arg7[%add3A_136, %dma_start3A_137] : memref<80x128xi32, #tpu.memory_space<vmem>> -> memref<1x128xi32, #tpu.memory_space<vmem>>
        %dma_start3A_139 = tpu.memref_squeeze %dma_start3A_138 : memref<1x128xi32, #tpu.memory_space<vmem>> -> memref<128xi32, #tpu.memory_space<vmem>>
        %dma_start3A_140 = arith.constant 0 : i32
        %dma_start3A_141 = arith.constant 0 : i32
        %dma_start3A_142 = tpu.memref_slice %arg2[%dma_start3A_140, %dma_start3A_141] : memref<20480x64xf32, #tpu.memory_space<hbm>> -> memref<20480x64xf32, #tpu.memory_space<hbm>>
        tpu.enqueue_indirect_dma source(%dma_start3A_142 : memref<20480x64xf32, #tpu.memory_space<hbm>>) target(%arg10 : memref<128x64xf32, #tpu.memory_space<vmem>>) offsets(%dma_start3A_139 : memref<128xi32, #tpu.memory_space<vmem>>) semaphore(%arg19 : memref<!tpu.dma_semaphore, #tpu.memory_space<semaphore_mem>>)
      } else {
      }
      %mul3A_100 = arith.constant 4 : i32
      %mul3A_101 = arith.muli %scan3A_68, %mul3A_100 : i32
      %add3A_102 = arith.constant 2 : i32
      %add3A_103 = arith.addi %mul3A_101, %add3A_102 : i32
      %dma_wait3A_104 = arith.constant 0 : i32
      %dma_wait3A_105 = tpu.memref_slice %arg7[%add3A_103, %dma_wait3A_104] : memref<80x128xi32, #tpu.memory_space<vmem>> -> memref<1x128xi32, #tpu.memory_space<vmem>>
      %dma_wait3A_106 = tpu.memref_squeeze %dma_wait3A_105 : memref<1x128xi32, #tpu.memory_space<vmem>> -> memref<128xi32, #tpu.memory_space<vmem>>
      %dma_wait3A_107 = arith.constant 0 : i32
      %dma_wait3A_108 = arith.constant 0 : i32
      %dma_wait3A_109 = tpu.memref_slice %arg2[%dma_wait3A_107, %dma_wait3A_108] : memref<20480x64xf32, #tpu.memory_space<hbm>> -> memref<20480x64xf32, #tpu.memory_space<hbm>>
      tpu.wait_indirect_dma semaphore(%arg20 : memref<!tpu.dma_semaphore, #tpu.memory_space<semaphore_mem>>) src(%dma_wait3A_109 : memref<20480x64xf32, #tpu.memory_space<hbm>>) dst(%arg11 : memref<128x64xf32, #tpu.memory_space<vmem>>)
      "tpu.region"() ({
        %run_scoped3A = tpu.sem_alloc : memref<!tpu.dma_semaphore, #tpu.memory_space<semaphore_mem>>
        %dma_start3A_135 = arith.constant 0 : i32
        %dma_start3A_136 = tpu.memref_slice %arg8[%add3A_103, %dma_start3A_135] : memref<80x128xi32, #tpu.memory_space<vmem>> -> memref<1x128xi32, #tpu.memory_space<vmem>>
        %dma_start3A_137 = tpu.memref_squeeze %dma_start3A_136 : memref<1x128xi32, #tpu.memory_space<vmem>> -> memref<128xi32, #tpu.memory_space<vmem>>
        %dma_start3A_138 = arith.constant 0 : i32
        %dma_start3A_139 = arith.constant 0 : i32
        %dma_start3A_140 = tpu.memref_slice %arg16[%dma_start3A_138, %dma_start3A_139] : memref<10240x64xf32, #tpu.memory_space<vmem_shared>> -> memref<10240x64xf32, #tpu.memory_space<vmem_shared>>
        tpu.enqueue_indirect_dma source(%arg11 : memref<128x64xf32, #tpu.memory_space<vmem>>) target(%dma_start3A_140 : memref<10240x64xf32, #tpu.memory_space<vmem_shared>>) offsets(%dma_start3A_137 : memref<128xi32, #tpu.memory_space<vmem>>) semaphore(%run_scoped3A : memref<!tpu.dma_semaphore, #tpu.memory_space<semaphore_mem>>) {add = true}
        %dma_wait3A_141 = arith.constant 0 : i32
        %dma_wait3A_142 = tpu.memref_slice %arg8[%add3A_103, %dma_wait3A_141] : memref<80x128xi32, #tpu.memory_space<vmem>> -> memref<1x128xi32, #tpu.memory_space<vmem>>
        %dma_wait3A_143 = tpu.memref_squeeze %dma_wait3A_142 : memref<1x128xi32, #tpu.memory_space<vmem>> -> memref<128xi32, #tpu.memory_space<vmem>>
        %dma_wait3A_144 = arith.constant 0 : i32
        %dma_wait3A_145 = arith.constant 0 : i32
        %dma_wait3A_146 = tpu.memref_slice %arg16[%dma_wait3A_144, %dma_wait3A_145] : memref<10240x64xf32, #tpu.memory_space<vmem_shared>> -> memref<10240x64xf32, #tpu.memory_space<vmem_shared>>
        tpu.wait_indirect_dma semaphore(%run_scoped3A : memref<!tpu.dma_semaphore, #tpu.memory_space<semaphore_mem>>) src(%arg11 : memref<128x64xf32, #tpu.memory_space<vmem>>) dst(%dma_wait3A_146 : memref<10240x64xf32, #tpu.memory_space<vmem_shared>>)
        tpu.yield
      }) : () -> ()
      "tpu.region"() ({
        %run_scoped3A = tpu.sem_alloc : memref<!tpu.dma_semaphore, #tpu.memory_space<semaphore_mem>>
        %dma_start3A_135 = arith.constant 0 : i32
        %dma_start3A_136 = tpu.memref_slice %arg8[%add3A_103, %dma_start3A_135] : memref<80x128xi32, #tpu.memory_space<vmem>> -> memref<1x128xi32, #tpu.memory_space<vmem>>
        %dma_start3A_137 = tpu.memref_squeeze %dma_start3A_136 : memref<1x128xi32, #tpu.memory_space<vmem>> -> memref<128xi32, #tpu.memory_space<vmem>>
        %dma_start3A_138 = arith.constant 0 : i32
        %dma_start3A_139 = arith.constant 0 : i32
        %dma_start3A_140 = tpu.memref_slice %arg17[%dma_start3A_138, %dma_start3A_139] : memref<10240x16xf32, #tpu.memory_space<vmem_shared>> -> memref<10240x16xf32, #tpu.memory_space<vmem_shared>>
        tpu.enqueue_indirect_dma source(%arg13 : memref<128x16xf32, #tpu.memory_space<vmem>>) target(%dma_start3A_140 : memref<10240x16xf32, #tpu.memory_space<vmem_shared>>) offsets(%dma_start3A_137 : memref<128xi32, #tpu.memory_space<vmem>>) semaphore(%run_scoped3A : memref<!tpu.dma_semaphore, #tpu.memory_space<semaphore_mem>>) {add = true}
        %dma_wait3A_141 = arith.constant 0 : i32
        %dma_wait3A_142 = tpu.memref_slice %arg8[%add3A_103, %dma_wait3A_141] : memref<80x128xi32, #tpu.memory_space<vmem>> -> memref<1x128xi32, #tpu.memory_space<vmem>>
        %dma_wait3A_143 = tpu.memref_squeeze %dma_wait3A_142 : memref<1x128xi32, #tpu.memory_space<vmem>> -> memref<128xi32, #tpu.memory_space<vmem>>
        %dma_wait3A_144 = arith.constant 0 : i32
        %dma_wait3A_145 = arith.constant 0 : i32
        %dma_wait3A_146 = tpu.memref_slice %arg17[%dma_wait3A_144, %dma_wait3A_145] : memref<10240x16xf32, #tpu.memory_space<vmem_shared>> -> memref<10240x16xf32, #tpu.memory_space<vmem_shared>>
        tpu.wait_indirect_dma semaphore(%run_scoped3A : memref<!tpu.dma_semaphore, #tpu.memory_space<semaphore_mem>>) src(%arg13 : memref<128x16xf32, #tpu.memory_space<vmem>>) dst(%dma_wait3A_146 : memref<10240x16xf32, #tpu.memory_space<vmem_shared>>)
        tpu.yield
      }) : () -> ()
      %add3A_110 = arith.constant 4 : i32
      %add3A_111 = arith.addi %add3A_103, %add3A_110 : i32
      %lt3A_112 = arith.constant 80 : i32
      %lt3A_113 = arith.cmpi slt, %add3A_111, %lt3A_112 : i32
      %convert_element_type3A_114 = arith.extui %lt3A_113 : i1 to i32
      %cond3A_115 = arith.constant 0 : i32
      %cond3A_116 = arith.cmpi ne, %convert_element_type3A_114, %cond3A_115 : i32
      scf.if %cond3A_116 {
        %add3A_135 = arith.constant 4 : i32
        %add3A_136 = arith.addi %add3A_103, %add3A_135 : i32
        %dma_start3A_137 = arith.constant 0 : i32
        %dma_start3A_138 = tpu.memref_slice %arg7[%add3A_136, %dma_start3A_137] : memref<80x128xi32, #tpu.memory_space<vmem>> -> memref<1x128xi32, #tpu.memory_space<vmem>>
        %dma_start3A_139 = tpu.memref_squeeze %dma_start3A_138 : memref<1x128xi32, #tpu.memory_space<vmem>> -> memref<128xi32, #tpu.memory_space<vmem>>
        %dma_start3A_140 = arith.constant 0 : i32
        %dma_start3A_141 = arith.constant 0 : i32
        %dma_start3A_142 = tpu.memref_slice %arg2[%dma_start3A_140, %dma_start3A_141] : memref<20480x64xf32, #tpu.memory_space<hbm>> -> memref<20480x64xf32, #tpu.memory_space<hbm>>
        tpu.enqueue_indirect_dma source(%dma_start3A_142 : memref<20480x64xf32, #tpu.memory_space<hbm>>) target(%arg11 : memref<128x64xf32, #tpu.memory_space<vmem>>) offsets(%dma_start3A_139 : memref<128xi32, #tpu.memory_space<vmem>>) semaphore(%arg20 : memref<!tpu.dma_semaphore, #tpu.memory_space<semaphore_mem>>)
      } else {
      }
      %mul3A_117 = arith.constant 4 : i32
      %mul3A_118 = arith.muli %scan3A_68, %mul3A_117 : i32
      %add3A_119 = arith.constant 3 : i32
      %add3A_120 = arith.addi %mul3A_118, %add3A_119 : i32
      %dma_wait3A_121 = arith.constant 0 : i32
      %dma_wait3A_122 = tpu.memref_slice %arg7[%add3A_120, %dma_wait3A_121] : memref<80x128xi32, #tpu.memory_space<vmem>> -> memref<1x128xi32, #tpu.memory_space<vmem>>
      %dma_wait3A_123 = tpu.memref_squeeze %dma_wait3A_122 : memref<1x128xi32, #tpu.memory_space<vmem>> -> memref<128xi32, #tpu.memory_space<vmem>>
      %dma_wait3A_124 = arith.constant 0 : i32
      %dma_wait3A_125 = arith.constant 0 : i32
      %dma_wait3A_126 = tpu.memref_slice %arg2[%dma_wait3A_124, %dma_wait3A_125] : memref<20480x64xf32, #tpu.memory_space<hbm>> -> memref<20480x64xf32, #tpu.memory_space<hbm>>
      tpu.wait_indirect_dma semaphore(%arg21 : memref<!tpu.dma_semaphore, #tpu.memory_space<semaphore_mem>>) src(%dma_wait3A_126 : memref<20480x64xf32, #tpu.memory_space<hbm>>) dst(%arg12 : memref<128x64xf32, #tpu.memory_space<vmem>>)
      "tpu.region"() ({
        %run_scoped3A = tpu.sem_alloc : memref<!tpu.dma_semaphore, #tpu.memory_space<semaphore_mem>>
        %dma_start3A_135 = arith.constant 0 : i32
        %dma_start3A_136 = tpu.memref_slice %arg8[%add3A_120, %dma_start3A_135] : memref<80x128xi32, #tpu.memory_space<vmem>> -> memref<1x128xi32, #tpu.memory_space<vmem>>
        %dma_start3A_137 = tpu.memref_squeeze %dma_start3A_136 : memref<1x128xi32, #tpu.memory_space<vmem>> -> memref<128xi32, #tpu.memory_space<vmem>>
        %dma_start3A_138 = arith.constant 0 : i32
        %dma_start3A_139 = arith.constant 0 : i32
        %dma_start3A_140 = tpu.memref_slice %arg16[%dma_start3A_138, %dma_start3A_139] : memref<10240x64xf32, #tpu.memory_space<vmem_shared>> -> memref<10240x64xf32, #tpu.memory_space<vmem_shared>>
        tpu.enqueue_indirect_dma source(%arg12 : memref<128x64xf32, #tpu.memory_space<vmem>>) target(%dma_start3A_140 : memref<10240x64xf32, #tpu.memory_space<vmem_shared>>) offsets(%dma_start3A_137 : memref<128xi32, #tpu.memory_space<vmem>>) semaphore(%run_scoped3A : memref<!tpu.dma_semaphore, #tpu.memory_space<semaphore_mem>>) {add = true}
        %dma_wait3A_141 = arith.constant 0 : i32
        %dma_wait3A_142 = tpu.memref_slice %arg8[%add3A_120, %dma_wait3A_141] : memref<80x128xi32, #tpu.memory_space<vmem>> -> memref<1x128xi32, #tpu.memory_space<vmem>>
        %dma_wait3A_143 = tpu.memref_squeeze %dma_wait3A_142 : memref<1x128xi32, #tpu.memory_space<vmem>> -> memref<128xi32, #tpu.memory_space<vmem>>
        %dma_wait3A_144 = arith.constant 0 : i32
        %dma_wait3A_145 = arith.constant 0 : i32
        %dma_wait3A_146 = tpu.memref_slice %arg16[%dma_wait3A_144, %dma_wait3A_145] : memref<10240x64xf32, #tpu.memory_space<vmem_shared>> -> memref<10240x64xf32, #tpu.memory_space<vmem_shared>>
        tpu.wait_indirect_dma semaphore(%run_scoped3A : memref<!tpu.dma_semaphore, #tpu.memory_space<semaphore_mem>>) src(%arg12 : memref<128x64xf32, #tpu.memory_space<vmem>>) dst(%dma_wait3A_146 : memref<10240x64xf32, #tpu.memory_space<vmem_shared>>)
        tpu.yield
      }) : () -> ()
      "tpu.region"() ({
        %run_scoped3A = tpu.sem_alloc : memref<!tpu.dma_semaphore, #tpu.memory_space<semaphore_mem>>
        %dma_start3A_135 = arith.constant 0 : i32
        %dma_start3A_136 = tpu.memref_slice %arg8[%add3A_120, %dma_start3A_135] : memref<80x128xi32, #tpu.memory_space<vmem>> -> memref<1x128xi32, #tpu.memory_space<vmem>>
        %dma_start3A_137 = tpu.memref_squeeze %dma_start3A_136 : memref<1x128xi32, #tpu.memory_space<vmem>> -> memref<128xi32, #tpu.memory_space<vmem>>
        %dma_start3A_138 = arith.constant 0 : i32
        %dma_start3A_139 = arith.constant 0 : i32
        %dma_start3A_140 = tpu.memref_slice %arg17[%dma_start3A_138, %dma_start3A_139] : memref<10240x16xf32, #tpu.memory_space<vmem_shared>> -> memref<10240x16xf32, #tpu.memory_space<vmem_shared>>
        tpu.enqueue_indirect_dma source(%arg13 : memref<128x16xf32, #tpu.memory_space<vmem>>) target(%dma_start3A_140 : memref<10240x16xf32, #tpu.memory_space<vmem_shared>>) offsets(%dma_start3A_137 : memref<128xi32, #tpu.memory_space<vmem>>) semaphore(%run_scoped3A : memref<!tpu.dma_semaphore, #tpu.memory_space<semaphore_mem>>) {add = true}
        %dma_wait3A_141 = arith.constant 0 : i32
        %dma_wait3A_142 = tpu.memref_slice %arg8[%add3A_120, %dma_wait3A_141] : memref<80x128xi32, #tpu.memory_space<vmem>> -> memref<1x128xi32, #tpu.memory_space<vmem>>
        %dma_wait3A_143 = tpu.memref_squeeze %dma_wait3A_142 : memref<1x128xi32, #tpu.memory_space<vmem>> -> memref<128xi32, #tpu.memory_space<vmem>>
        %dma_wait3A_144 = arith.constant 0 : i32
        %dma_wait3A_145 = arith.constant 0 : i32
        %dma_wait3A_146 = tpu.memref_slice %arg17[%dma_wait3A_144, %dma_wait3A_145] : memref<10240x16xf32, #tpu.memory_space<vmem_shared>> -> memref<10240x16xf32, #tpu.memory_space<vmem_shared>>
        tpu.wait_indirect_dma semaphore(%run_scoped3A : memref<!tpu.dma_semaphore, #tpu.memory_space<semaphore_mem>>) src(%arg13 : memref<128x16xf32, #tpu.memory_space<vmem>>) dst(%dma_wait3A_146 : memref<10240x16xf32, #tpu.memory_space<vmem_shared>>)
        tpu.yield
      }) : () -> ()
      %add3A_127 = arith.constant 4 : i32
      %add3A_128 = arith.addi %add3A_120, %add3A_127 : i32
      %lt3A_129 = arith.constant 80 : i32
      %lt3A_130 = arith.cmpi slt, %add3A_128, %lt3A_129 : i32
      %convert_element_type3A_131 = arith.extui %lt3A_130 : i1 to i32
      %cond3A_132 = arith.constant 0 : i32
      %cond3A_133 = arith.cmpi ne, %convert_element_type3A_131, %cond3A_132 : i32
      scf.if %cond3A_133 {
        %add3A_135 = arith.constant 4 : i32
        %add3A_136 = arith.addi %add3A_120, %add3A_135 : i32
        %dma_start3A_137 = arith.constant 0 : i32
        %dma_start3A_138 = tpu.memref_slice %arg7[%add3A_136, %dma_start3A_137] : memref<80x128xi32, #tpu.memory_space<vmem>> -> memref<1x128xi32, #tpu.memory_space<vmem>>
        %dma_start3A_139 = tpu.memref_squeeze %dma_start3A_138 : memref<1x128xi32, #tpu.memory_space<vmem>> -> memref<128xi32, #tpu.memory_space<vmem>>
        %dma_start3A_140 = arith.constant 0 : i32
        %dma_start3A_141 = arith.constant 0 : i32
        %dma_start3A_142 = tpu.memref_slice %arg2[%dma_start3A_140, %dma_start3A_141] : memref<20480x64xf32, #tpu.memory_space<hbm>> -> memref<20480x64xf32, #tpu.memory_space<hbm>>
        tpu.enqueue_indirect_dma source(%dma_start3A_142 : memref<20480x64xf32, #tpu.memory_space<hbm>>) target(%arg12 : memref<128x64xf32, #tpu.memory_space<vmem>>) offsets(%dma_start3A_139 : memref<128xi32, #tpu.memory_space<vmem>>) semaphore(%arg21 : memref<!tpu.dma_semaphore, #tpu.memory_space<semaphore_mem>>)
      } else {
      }
      %scan3A_134 = arith.constant 0 : i32
      scf.yield %scan3A_134 : i32
    }
    %scan3A_59 = arith.constant 20 : i32
    %barrier3A_60 = arith.constant 0 : index
    tpu.barrier barrier_id(%barrier3A_60)
    %scan3A_61 = arith.constant 0 : i32
    %scan3A_62 = arith.constant 0 : i32
    %scan3A_63 = arith.constant 5 : i32
    %scan3A_64 = arith.addi %scan3A_62, %scan3A_63 : i32
    %scan3A_65 = arith.constant 1 : i32
    %scan3A_66 = scf.for %scan3A_68 = %scan3A_62 to %scan3A_64 step %scan3A_65 iter_args(%scan3A_69 = %scan3A_61) -> (i32)  : i32 {
      %mul3A_70 = arith.constant 640 : i32
      %mul3A_71 = arith.muli %arg1, %mul3A_70 : i32
      %mul3A_72 = arith.constant 128 : i32
      %mul3A_73 = arith.muli %scan3A_68, %mul3A_72 : i32
      %add3A_74 = arith.addi %mul3A_71, %mul3A_73 : i32
      "tpu.region"() ({
        %run_scoped3A = tpu.sem_alloc : memref<!tpu.dma_semaphore, #tpu.memory_space<semaphore_mem>>
        %dma_start3A_82 = arith.constant 0 : i32
        %dma_start3A_83 = tpu.memref_slice %arg16[%add3A_74, %dma_start3A_82] : memref<10240x64xf32, #tpu.memory_space<vmem_shared>> -> memref<128x64xf32, #tpu.memory_space<vmem_shared>>
        %dma_start3A_84 = arith.constant 0 : i32
        %dma_start3A_85 = tpu.memref_slice %arg16[%add3A_74, %dma_start3A_84] : memref<10240x64xf32, #tpu.memory_space<vmem_shared>> -> memref<128x64xf32, #tpu.memory_space<vmem_shared>>
        tpu.enqueue_dma source(%dma_start3A_85 : memref<128x64xf32, #tpu.memory_space<vmem_shared>>) target(%arg14 : memref<128x64xf32, #tpu.memory_space<vmem>>) target_semaphore(%run_scoped3A : memref<!tpu.dma_semaphore, #tpu.memory_space<semaphore_mem>>)
        %dma_wait3A = arith.constant 0 : i32
        %dma_wait3A_86 = tpu.memref_slice %arg16[%add3A_74, %dma_wait3A] : memref<10240x64xf32, #tpu.memory_space<vmem_shared>> -> memref<128x64xf32, #tpu.memory_space<vmem_shared>>
        %dma_wait3A_87 = arith.constant 0 : i32
        %dma_wait3A_88 = tpu.memref_slice %arg16[%add3A_74, %dma_wait3A_87] : memref<10240x64xf32, #tpu.memory_space<vmem_shared>> -> memref<128x64xf32, #tpu.memory_space<vmem_shared>>
        tpu.wait_dma2 semaphore(%run_scoped3A : memref<!tpu.dma_semaphore, #tpu.memory_space<semaphore_mem>>) src(%dma_wait3A_88 : memref<128x64xf32, #tpu.memory_space<vmem_shared>>) dst(%arg14 : memref<128x64xf32, #tpu.memory_space<vmem>>)
        tpu.yield
      }) : () -> ()
      %mul3A_75 = arith.constant 10240 : i32
      %mul3A_76 = arith.muli %arg0, %mul3A_75 : i32
      %add3A_77 = arith.addi %mul3A_76, %add3A_74 : i32
      "tpu.region"() ({
        %run_scoped3A = tpu.sem_alloc : memref<!tpu.dma_semaphore, #tpu.memory_space<semaphore_mem>>
        %dma_start3A_82 = arith.constant 0 : i32
        %dma_start3A_83 = tpu.memref_slice %arg5[%add3A_77, %dma_start3A_82] : memref<20480x64xf32, #tpu.memory_space<hbm>> -> memref<128x64xf32, #tpu.memory_space<hbm>>
        %dma_start3A_84 = arith.constant 0 : i32
        %dma_start3A_85 = tpu.memref_slice %arg5[%add3A_77, %dma_start3A_84] : memref<20480x64xf32, #tpu.memory_space<hbm>> -> memref<128x64xf32, #tpu.memory_space<hbm>>
        tpu.enqueue_dma source(%arg14 : memref<128x64xf32, #tpu.memory_space<vmem>>) target(%dma_start3A_85 : memref<128x64xf32, #tpu.memory_space<hbm>>) target_semaphore(%run_scoped3A : memref<!tpu.dma_semaphore, #tpu.memory_space<semaphore_mem>>)
        %dma_wait3A = arith.constant 0 : i32
        %dma_wait3A_86 = tpu.memref_slice %arg5[%add3A_77, %dma_wait3A] : memref<20480x64xf32, #tpu.memory_space<hbm>> -> memref<128x64xf32, #tpu.memory_space<hbm>>
        %dma_wait3A_87 = arith.constant 0 : i32
        %dma_wait3A_88 = tpu.memref_slice %arg5[%add3A_77, %dma_wait3A_87] : memref<20480x64xf32, #tpu.memory_space<hbm>> -> memref<128x64xf32, #tpu.memory_space<hbm>>
        tpu.wait_dma2 semaphore(%run_scoped3A : memref<!tpu.dma_semaphore, #tpu.memory_space<semaphore_mem>>) src(%arg14 : memref<128x64xf32, #tpu.memory_space<vmem>>) dst(%dma_wait3A_88 : memref<128x64xf32, #tpu.memory_space<hbm>>)
        tpu.yield
      }) : () -> ()
      "tpu.region"() ({
        %run_scoped3A = tpu.sem_alloc : memref<!tpu.dma_semaphore, #tpu.memory_space<semaphore_mem>>
        %dma_start3A_82 = arith.constant 0 : i32
        %dma_start3A_83 = tpu.memref_slice %arg17[%add3A_74, %dma_start3A_82] : memref<10240x16xf32, #tpu.memory_space<vmem_shared>> -> memref<128x16xf32, #tpu.memory_space<vmem_shared>>
        %dma_start3A_84 = arith.constant 0 : i32
        %dma_start3A_85 = tpu.memref_slice %arg17[%add3A_74, %dma_start3A_84] : memref<10240x16xf32, #tpu.memory_space<vmem_shared>> -> memref<128x16xf32, #tpu.memory_space<vmem_shared>>
        tpu.enqueue_dma source(%dma_start3A_85 : memref<128x16xf32, #tpu.memory_space<vmem_shared>>) target(%arg15 : memref<128x16xf32, #tpu.memory_space<vmem>>) target_semaphore(%run_scoped3A : memref<!tpu.dma_semaphore, #tpu.memory_space<semaphore_mem>>)
        %dma_wait3A = arith.constant 0 : i32
        %dma_wait3A_86 = tpu.memref_slice %arg17[%add3A_74, %dma_wait3A] : memref<10240x16xf32, #tpu.memory_space<vmem_shared>> -> memref<128x16xf32, #tpu.memory_space<vmem_shared>>
        %dma_wait3A_87 = arith.constant 0 : i32
        %dma_wait3A_88 = tpu.memref_slice %arg17[%add3A_74, %dma_wait3A_87] : memref<10240x16xf32, #tpu.memory_space<vmem_shared>> -> memref<128x16xf32, #tpu.memory_space<vmem_shared>>
        tpu.wait_dma2 semaphore(%run_scoped3A : memref<!tpu.dma_semaphore, #tpu.memory_space<semaphore_mem>>) src(%dma_wait3A_88 : memref<128x16xf32, #tpu.memory_space<vmem_shared>>) dst(%arg15 : memref<128x16xf32, #tpu.memory_space<vmem>>)
        tpu.yield
      }) : () -> ()
      %mul3A_78 = arith.constant 10240 : i32
      %mul3A_79 = arith.muli %arg0, %mul3A_78 : i32
      %add3A_80 = arith.addi %mul3A_79, %add3A_74 : i32
      "tpu.region"() ({
        %run_scoped3A = tpu.sem_alloc : memref<!tpu.dma_semaphore, #tpu.memory_space<semaphore_mem>>
        %dma_start3A_82 = arith.constant 0 : i32
        %dma_start3A_83 = tpu.memref_slice %arg6[%add3A_80, %dma_start3A_82] : memref<20480x16xf32, #tpu.memory_space<hbm>> -> memref<128x16xf32, #tpu.memory_space<hbm>>
        %dma_start3A_84 = arith.constant 0 : i32
        %dma_start3A_85 = tpu.memref_slice %arg6[%add3A_80, %dma_start3A_84] : memref<20480x16xf32, #tpu.memory_space<hbm>> -> memref<128x16xf32, #tpu.memory_space<hbm>>
        tpu.enqueue_dma source(%arg15 : memref<128x16xf32, #tpu.memory_space<vmem>>) target(%dma_start3A_85 : memref<128x16xf32, #tpu.memory_space<hbm>>) target_semaphore(%run_scoped3A : memref<!tpu.dma_semaphore, #tpu.memory_space<semaphore_mem>>)
        %dma_wait3A = arith.constant 0 : i32
        %dma_wait3A_86 = tpu.memref_slice %arg6[%add3A_80, %dma_wait3A] : memref<20480x16xf32, #tpu.memory_space<hbm>> -> memref<128x16xf32, #tpu.memory_space<hbm>>
        %dma_wait3A_87 = arith.constant 0 : i32
        %dma_wait3A_88 = tpu.memref_slice %arg6[%add3A_80, %dma_wait3A_87] : memref<20480x16xf32, #tpu.memory_space<hbm>> -> memref<128x16xf32, #tpu.memory_space<hbm>>
        tpu.wait_dma2 semaphore(%run_scoped3A : memref<!tpu.dma_semaphore, #tpu.memory_space<semaphore_mem>>) src(%arg15 : memref<128x16xf32, #tpu.memory_space<vmem>>) dst(%dma_wait3A_88 : memref<128x16xf32, #tpu.memory_space<hbm>>)
        tpu.yield
      }) : () -> ()
      %scan3A_81 = arith.constant 0 : i32
      scf.yield %scan3A_81 : i32
    }
    %scan3A_67 = arith.constant 5 : i32
    return
  }
}

#map = affine_map<(d0, d1) -> (0, 0)>
module attributes {stable_mosaic.version = 14 : i64} {
  func.func @_sc_agg_body(%arg0: i32, %arg1: i32, %arg2: memref<20480x64xf32, #tpu.memory_space<hbm>>, %arg3: memref<2560x128xi32, #tpu.memory_space<hbm>>, %arg4: memref<2560x128xi32, #tpu.memory_space<hbm>>, %arg5: memref<20480x64xf32, #tpu.memory_space<hbm>>, %arg6: memref<20480x16xf32, #tpu.memory_space<hbm>>, %arg7: memref<80x128xi32, #tpu.memory_space<vmem>>, %arg8: memref<80x128xi32, #tpu.memory_space<vmem>>, %arg9: memref<128x64xf32, #tpu.memory_space<vmem>>, %arg10: memref<128x64xf32, #tpu.memory_space<vmem>>, %arg11: memref<128x64xf32, #tpu.memory_space<vmem>>, %arg12: memref<128x64xf32, #tpu.memory_space<vmem>>, %arg13: memref<128x16xf32, #tpu.memory_space<vmem>>, %arg14: memref<128x64xf32, #tpu.memory_space<vmem>>, %arg15: memref<128x16xf32, #tpu.memory_space<vmem>>, %arg16: memref<10240x64xf32, #tpu.memory_space<vmem_shared>>, %arg17: memref<10240x16xf32, #tpu.memory_space<vmem_shared>>, %arg18: memref<!tpu.dma_semaphore, #tpu.memory_space<semaphore_mem>>, %arg19: memref<!tpu.dma_semaphore, #tpu.memory_space<semaphore_mem>>, %arg20: memref<!tpu.dma_semaphore, #tpu.memory_space<semaphore_mem>>, %arg21: memref<!tpu.dma_semaphore, #tpu.memory_space<semaphore_mem>>) attributes {dimension_semantics = [#tpu.dimension_semantics<core_parallel>, #tpu.dimension_semantics<subcore_parallel>], iteration_bounds = array<i64: 2, 16>, scalar_prefetch = 0 : i64, scratch_operands = 15 : i64, tpu.core_type = #tpu.core_type<sc_vector_subcore>, window_params = [{transform_indices = #map}, {transform_indices = #map}, {transform_indices = #map}, {transform_indices = #map}, {transform_indices = #map}]} {
    %broadcast_in_dim3A = arith.constant 0.000000e+00 : f32
    %broadcast_in_dim3A_0 = vector.broadcast %broadcast_in_dim3A : f32 to vector<16xf32>
    %scan3A = arith.constant 0 : i32
    %scan3A_1 = arith.constant 0 : i32
    %scan3A_2 = arith.constant 128 : i32
    %scan3A_3 = arith.addi %scan3A_1, %scan3A_2 : i32
    %scan3A_4 = arith.constant 1 : i32
    %scan3A_5 = scf.for %scan3A_59 = %scan3A_1 to %scan3A_3 step %scan3A_4 iter_args(%scan3A_60 = %scan3A) -> (i32)  : i32 {
      %scan3A_61 = arith.constant 0 : i32
      %scan3A_62 = arith.constant 0 : i32
      %scan3A_63 = arith.constant 4 : i32
      %scan3A_64 = arith.addi %scan3A_62, %scan3A_63 : i32
      %scan3A_65 = arith.constant 1 : i32
      %scan3A_66 = scf.for %scan3A_69 = %scan3A_62 to %scan3A_64 step %scan3A_65 iter_args(%scan3A_70 = %scan3A_61) -> (i32)  : i32 {
        %mul3A_71 = arith.constant 16 : i32
        %mul3A_72 = arith.muli %scan3A_69, %mul3A_71 : i32
        %swap3A = arith.index_cast %scan3A_59 : i32 to index
        %swap3A_73 = arith.index_cast %mul3A_72 : i32 to index
        %swap3A_74 = tpu.vector_load %arg14[%swap3A, %swap3A_73] {strides = array<i32>} : memref<128x64xf32, #tpu.memory_space<vmem>>, vector<1x16xf32>,
        %swap3A_75 = vector.shape_cast %swap3A_74 : vector<1x16xf32> to vector<16xf32>
        %swap3A_76 = vector.shape_cast %broadcast_in_dim3A_0 : vector<16xf32> to vector<1x16xf32>
        tpu.vector_store %arg14[%swap3A, %swap3A_73], %swap3A_76 {strides = array<i32>} : memref<128x64xf32, #tpu.memory_space<vmem>>, vector<1x16xf32>,
        %scan3A_77 = arith.constant 0 : i32
        scf.yield %scan3A_77 : i32
      }
      %scan3A_67 = arith.constant 4 : i32
      %scan3A_68 = arith.constant 0 : i32
      scf.yield %scan3A_68 : i32
    }
    %scan3A_6 = arith.constant 128 : i32
    %scan3A_7 = arith.constant 0 : i32
    %scan3A_8 = arith.constant 0 : i32
    %scan3A_9 = arith.constant 5 : i32
    %scan3A_10 = arith.addi %scan3A_8, %scan3A_9 : i32
    %scan3A_11 = arith.constant 1 : i32
    %scan3A_12 = scf.for %scan3A_59 = %scan3A_8 to %scan3A_10 step %scan3A_11 iter_args(%scan3A_60 = %scan3A_7) -> (i32)  : i32 {
      %mul3A_61 = arith.constant 640 : i32
      %mul3A_62 = arith.muli %arg1, %mul3A_61 : i32
      %mul3A_63 = arith.constant 128 : i32
      %mul3A_64 = arith.muli %scan3A_59, %mul3A_63 : i32
      %add3A_65 = arith.addi %mul3A_62, %mul3A_64 : i32
      "tpu.region"() ({
        %run_scoped3A = tpu.sem_alloc : memref<!tpu.dma_semaphore, #tpu.memory_space<semaphore_mem>>
        %dma_start3A_67 = arith.constant 0 : i32
        %dma_start3A_68 = tpu.memref_slice %arg16[%add3A_65, %dma_start3A_67] : memref<10240x64xf32, #tpu.memory_space<vmem_shared>> -> memref<128x64xf32, #tpu.memory_space<vmem_shared>>
        %dma_start3A_69 = arith.constant 0 : i32
        %dma_start3A_70 = tpu.memref_slice %arg16[%add3A_65, %dma_start3A_69] : memref<10240x64xf32, #tpu.memory_space<vmem_shared>> -> memref<128x64xf32, #tpu.memory_space<vmem_shared>>
        tpu.enqueue_dma source(%arg14 : memref<128x64xf32, #tpu.memory_space<vmem>>) target(%dma_start3A_70 : memref<128x64xf32, #tpu.memory_space<vmem_shared>>) target_semaphore(%run_scoped3A : memref<!tpu.dma_semaphore, #tpu.memory_space<semaphore_mem>>)
        %dma_wait3A = arith.constant 0 : i32
        %dma_wait3A_71 = tpu.memref_slice %arg16[%add3A_65, %dma_wait3A] : memref<10240x64xf32, #tpu.memory_space<vmem_shared>> -> memref<128x64xf32, #tpu.memory_space<vmem_shared>>
        %dma_wait3A_72 = arith.constant 0 : i32
        %dma_wait3A_73 = tpu.memref_slice %arg16[%add3A_65, %dma_wait3A_72] : memref<10240x64xf32, #tpu.memory_space<vmem_shared>> -> memref<128x64xf32, #tpu.memory_space<vmem_shared>>
        tpu.wait_dma2 semaphore(%run_scoped3A : memref<!tpu.dma_semaphore, #tpu.memory_space<semaphore_mem>>) src(%arg14 : memref<128x64xf32, #tpu.memory_space<vmem>>) dst(%dma_wait3A_73 : memref<128x64xf32, #tpu.memory_space<vmem_shared>>)
        tpu.yield
      }) : () -> ()
      %scan3A_66 = arith.constant 0 : i32
      scf.yield %scan3A_66 : i32
    }
    %scan3A_13 = arith.constant 5 : i32
    %barrier3A = arith.constant 0 : index
    tpu.barrier barrier_id(%barrier3A)
    %mul3A = arith.constant 16 : i32
    %mul3A_14 = arith.muli %arg0, %mul3A : i32
    %add3A = arith.addi %mul3A_14, %arg1 : i32
    %mul3A_15 = arith.constant 80 : i32
    %mul3A_16 = arith.muli %add3A, %mul3A_15 : i32
    "tpu.region"() ({
      %run_scoped3A = tpu.sem_alloc : memref<!tpu.dma_semaphore, #tpu.memory_space<semaphore_mem>>
      %dma_start3A_59 = arith.constant 0 : i32
      %dma_start3A_60 = tpu.memref_slice %arg3[%mul3A_16, %dma_start3A_59] : memref<2560x128xi32, #tpu.memory_space<hbm>> -> memref<80x128xi32, #tpu.memory_space<hbm>>
      %dma_start3A_61 = arith.constant 0 : i32
      %dma_start3A_62 = tpu.memref_slice %arg3[%mul3A_16, %dma_start3A_61] : memref<2560x128xi32, #tpu.memory_space<hbm>> -> memref<80x128xi32, #tpu.memory_space<hbm>>
      tpu.enqueue_dma source(%dma_start3A_62 : memref<80x128xi32, #tpu.memory_space<hbm>>) target(%arg7 : memref<80x128xi32, #tpu.memory_space<vmem>>) target_semaphore(%run_scoped3A : memref<!tpu.dma_semaphore, #tpu.memory_space<semaphore_mem>>)
      %dma_wait3A = arith.constant 0 : i32
      %dma_wait3A_63 = tpu.memref_slice %arg3[%mul3A_16, %dma_wait3A] : memref<2560x128xi32, #tpu.memory_space<hbm>> -> memref<80x128xi32, #tpu.memory_space<hbm>>
      %dma_wait3A_64 = arith.constant 0 : i32
      %dma_wait3A_65 = tpu.memref_slice %arg3[%mul3A_16, %dma_wait3A_64] : memref<2560x128xi32, #tpu.memory_space<hbm>> -> memref<80x128xi32, #tpu.memory_space<hbm>>
      tpu.wait_dma2 semaphore(%run_scoped3A : memref<!tpu.dma_semaphore, #tpu.memory_space<semaphore_mem>>) src(%dma_wait3A_65 : memref<80x128xi32, #tpu.memory_space<hbm>>) dst(%arg7 : memref<80x128xi32, #tpu.memory_space<vmem>>)
      tpu.yield
    }) : () -> ()
    "tpu.region"() ({
      %run_scoped3A = tpu.sem_alloc : memref<!tpu.dma_semaphore, #tpu.memory_space<semaphore_mem>>
      %dma_start3A_59 = arith.constant 0 : i32
      %dma_start3A_60 = tpu.memref_slice %arg4[%mul3A_16, %dma_start3A_59] : memref<2560x128xi32, #tpu.memory_space<hbm>> -> memref<80x128xi32, #tpu.memory_space<hbm>>
      %dma_start3A_61 = arith.constant 0 : i32
      %dma_start3A_62 = tpu.memref_slice %arg4[%mul3A_16, %dma_start3A_61] : memref<2560x128xi32, #tpu.memory_space<hbm>> -> memref<80x128xi32, #tpu.memory_space<hbm>>
      tpu.enqueue_dma source(%dma_start3A_62 : memref<80x128xi32, #tpu.memory_space<hbm>>) target(%arg8 : memref<80x128xi32, #tpu.memory_space<vmem>>) target_semaphore(%run_scoped3A : memref<!tpu.dma_semaphore, #tpu.memory_space<semaphore_mem>>)
      %dma_wait3A = arith.constant 0 : i32
      %dma_wait3A_63 = tpu.memref_slice %arg4[%mul3A_16, %dma_wait3A] : memref<2560x128xi32, #tpu.memory_space<hbm>> -> memref<80x128xi32, #tpu.memory_space<hbm>>
      %dma_wait3A_64 = arith.constant 0 : i32
      %dma_wait3A_65 = tpu.memref_slice %arg4[%mul3A_16, %dma_wait3A_64] : memref<2560x128xi32, #tpu.memory_space<hbm>> -> memref<80x128xi32, #tpu.memory_space<hbm>>
      tpu.wait_dma2 semaphore(%run_scoped3A : memref<!tpu.dma_semaphore, #tpu.memory_space<semaphore_mem>>) src(%dma_wait3A_65 : memref<80x128xi32, #tpu.memory_space<hbm>>) dst(%arg8 : memref<80x128xi32, #tpu.memory_space<vmem>>)
      tpu.yield
    }) : () -> ()
    %dma_start3A = arith.constant 0 : i32
    %dma_start3A_17 = arith.constant 0 : i32
    %dma_start3A_18 = tpu.memref_slice %arg7[%dma_start3A, %dma_start3A_17] : memref<80x128xi32, #tpu.memory_space<vmem>> -> memref<1x128xi32, #tpu.memory_space<vmem>>
    %dma_start3A_19 = tpu.memref_squeeze %dma_start3A_18 : memref<1x128xi32, #tpu.memory_space<vmem>> -> memref<128xi32, #tpu.memory_space<vmem>>
    %dma_start3A_20 = arith.constant 0 : i32
    %dma_start3A_21 = arith.constant 0 : i32
    %dma_start3A_22 = tpu.memref_slice %arg2[%dma_start3A_20, %dma_start3A_21] : memref<20480x64xf32, #tpu.memory_space<hbm>> -> memref<20480x64xf32, #tpu.memory_space<hbm>>
    tpu.enqueue_indirect_dma source(%dma_start3A_22 : memref<20480x64xf32, #tpu.memory_space<hbm>>) target(%arg9 : memref<128x64xf32, #tpu.memory_space<vmem>>) offsets(%dma_start3A_19 : memref<128xi32, #tpu.memory_space<vmem>>) semaphore(%arg18 : memref<!tpu.dma_semaphore, #tpu.memory_space<semaphore_mem>>)
    %dma_start3A_23 = arith.constant 1 : i32
    %dma_start3A_24 = arith.constant 0 : i32
    %dma_start3A_25 = tpu.memref_slice %arg7[%dma_start3A_23, %dma_start3A_24] : memref<80x128xi32, #tpu.memory_space<vmem>> -> memref<1x128xi32, #tpu.memory_space<vmem>>
    %dma_start3A_26 = tpu.memref_squeeze %dma_start3A_25 : memref<1x128xi32, #tpu.memory_space<vmem>> -> memref<128xi32, #tpu.memory_space<vmem>>
    %dma_start3A_27 = arith.constant 0 : i32
    %dma_start3A_28 = arith.constant 0 : i32
    %dma_start3A_29 = tpu.memref_slice %arg2[%dma_start3A_27, %dma_start3A_28] : memref<20480x64xf32, #tpu.memory_space<hbm>> -> memref<20480x64xf32, #tpu.memory_space<hbm>>
    tpu.enqueue_indirect_dma source(%dma_start3A_29 : memref<20480x64xf32, #tpu.memory_space<hbm>>) target(%arg10 : memref<128x64xf32, #tpu.memory_space<vmem>>) offsets(%dma_start3A_26 : memref<128xi32, #tpu.memory_space<vmem>>) semaphore(%arg19 : memref<!tpu.dma_semaphore, #tpu.memory_space<semaphore_mem>>)
    %dma_start3A_30 = arith.constant 2 : i32
    %dma_start3A_31 = arith.constant 0 : i32
    %dma_start3A_32 = tpu.memref_slice %arg7[%dma_start3A_30, %dma_start3A_31] : memref<80x128xi32, #tpu.memory_space<vmem>> -> memref<1x128xi32, #tpu.memory_space<vmem>>
    %dma_start3A_33 = tpu.memref_squeeze %dma_start3A_32 : memref<1x128xi32, #tpu.memory_space<vmem>> -> memref<128xi32, #tpu.memory_space<vmem>>
    %dma_start3A_34 = arith.constant 0 : i32
    %dma_start3A_35 = arith.constant 0 : i32
    %dma_start3A_36 = tpu.memref_slice %arg2[%dma_start3A_34, %dma_start3A_35] : memref<20480x64xf32, #tpu.memory_space<hbm>> -> memref<20480x64xf32, #tpu.memory_space<hbm>>
    tpu.enqueue_indirect_dma source(%dma_start3A_36 : memref<20480x64xf32, #tpu.memory_space<hbm>>) target(%arg11 : memref<128x64xf32, #tpu.memory_space<vmem>>) offsets(%dma_start3A_33 : memref<128xi32, #tpu.memory_space<vmem>>) semaphore(%arg20 : memref<!tpu.dma_semaphore, #tpu.memory_space<semaphore_mem>>)
    %dma_start3A_37 = arith.constant 3 : i32
    %dma_start3A_38 = arith.constant 0 : i32
    %dma_start3A_39 = tpu.memref_slice %arg7[%dma_start3A_37, %dma_start3A_38] : memref<80x128xi32, #tpu.memory_space<vmem>> -> memref<1x128xi32, #tpu.memory_space<vmem>>
    %dma_start3A_40 = tpu.memref_squeeze %dma_start3A_39 : memref<1x128xi32, #tpu.memory_space<vmem>> -> memref<128xi32, #tpu.memory_space<vmem>>
    %dma_start3A_41 = arith.constant 0 : i32
    %dma_start3A_42 = arith.constant 0 : i32
    %dma_start3A_43 = tpu.memref_slice %arg2[%dma_start3A_41, %dma_start3A_42] : memref<20480x64xf32, #tpu.memory_space<hbm>> -> memref<20480x64xf32, #tpu.memory_space<hbm>>
    tpu.enqueue_indirect_dma source(%dma_start3A_43 : memref<20480x64xf32, #tpu.memory_space<hbm>>) target(%arg12 : memref<128x64xf32, #tpu.memory_space<vmem>>) offsets(%dma_start3A_40 : memref<128xi32, #tpu.memory_space<vmem>>) semaphore(%arg21 : memref<!tpu.dma_semaphore, #tpu.memory_space<semaphore_mem>>)
    %scan3A_44 = arith.constant 0 : i32
    %scan3A_45 = arith.constant 0 : i32
    %scan3A_46 = arith.constant 20 : i32
    %scan3A_47 = arith.addi %scan3A_45, %scan3A_46 : i32
    %scan3A_48 = arith.constant 1 : i32
    %scan3A_49 = scf.for %scan3A_59 = %scan3A_45 to %scan3A_47 step %scan3A_48 iter_args(%scan3A_60 = %scan3A_44) -> (i32)  : i32 {
      %mul3A_61 = arith.constant 4 : i32
      %mul3A_62 = arith.muli %scan3A_59, %mul3A_61 : i32
      %add3A_63 = arith.constant 0 : i32
      %add3A_64 = arith.addi %mul3A_62, %add3A_63 : i32
      %dma_wait3A = arith.constant 0 : i32
      %dma_wait3A_65 = tpu.memref_slice %arg7[%add3A_64, %dma_wait3A] : memref<80x128xi32, #tpu.memory_space<vmem>> -> memref<1x128xi32, #tpu.memory_space<vmem>>
      %dma_wait3A_66 = tpu.memref_squeeze %dma_wait3A_65 : memref<1x128xi32, #tpu.memory_space<vmem>> -> memref<128xi32, #tpu.memory_space<vmem>>
      %dma_wait3A_67 = arith.constant 0 : i32
      %dma_wait3A_68 = arith.constant 0 : i32
      %dma_wait3A_69 = tpu.memref_slice %arg2[%dma_wait3A_67, %dma_wait3A_68] : memref<20480x64xf32, #tpu.memory_space<hbm>> -> memref<20480x64xf32, #tpu.memory_space<hbm>>
      tpu.wait_indirect_dma semaphore(%arg18 : memref<!tpu.dma_semaphore, #tpu.memory_space<semaphore_mem>>) src(%dma_wait3A_69 : memref<20480x64xf32, #tpu.memory_space<hbm>>) dst(%arg9 : memref<128x64xf32, #tpu.memory_space<vmem>>)
      "tpu.region"() ({
        %run_scoped3A = tpu.sem_alloc : memref<!tpu.dma_semaphore, #tpu.memory_space<semaphore_mem>>
        %dma_start3A_126 = arith.constant 0 : i32
        %dma_start3A_127 = tpu.memref_slice %arg8[%add3A_64, %dma_start3A_126] : memref<80x128xi32, #tpu.memory_space<vmem>> -> memref<1x128xi32, #tpu.memory_space<vmem>>
        %dma_start3A_128 = tpu.memref_squeeze %dma_start3A_127 : memref<1x128xi32, #tpu.memory_space<vmem>> -> memref<128xi32, #tpu.memory_space<vmem>>
        %dma_start3A_129 = arith.constant 0 : i32
        %dma_start3A_130 = arith.constant 0 : i32
        %dma_start3A_131 = tpu.memref_slice %arg16[%dma_start3A_129, %dma_start3A_130] : memref<10240x64xf32, #tpu.memory_space<vmem_shared>> -> memref<10240x64xf32, #tpu.memory_space<vmem_shared>>
        tpu.enqueue_indirect_dma source(%arg9 : memref<128x64xf32, #tpu.memory_space<vmem>>) target(%dma_start3A_131 : memref<10240x64xf32, #tpu.memory_space<vmem_shared>>) offsets(%dma_start3A_128 : memref<128xi32, #tpu.memory_space<vmem>>) semaphore(%run_scoped3A : memref<!tpu.dma_semaphore, #tpu.memory_space<semaphore_mem>>) {add = true}
        %dma_wait3A_132 = arith.constant 0 : i32
        %dma_wait3A_133 = tpu.memref_slice %arg8[%add3A_64, %dma_wait3A_132] : memref<80x128xi32, #tpu.memory_space<vmem>> -> memref<1x128xi32, #tpu.memory_space<vmem>>
        %dma_wait3A_134 = tpu.memref_squeeze %dma_wait3A_133 : memref<1x128xi32, #tpu.memory_space<vmem>> -> memref<128xi32, #tpu.memory_space<vmem>>
        %dma_wait3A_135 = arith.constant 0 : i32
        %dma_wait3A_136 = arith.constant 0 : i32
        %dma_wait3A_137 = tpu.memref_slice %arg16[%dma_wait3A_135, %dma_wait3A_136] : memref<10240x64xf32, #tpu.memory_space<vmem_shared>> -> memref<10240x64xf32, #tpu.memory_space<vmem_shared>>
        tpu.wait_indirect_dma semaphore(%run_scoped3A : memref<!tpu.dma_semaphore, #tpu.memory_space<semaphore_mem>>) src(%arg9 : memref<128x64xf32, #tpu.memory_space<vmem>>) dst(%dma_wait3A_137 : memref<10240x64xf32, #tpu.memory_space<vmem_shared>>)
        tpu.yield
      }) : () -> ()
      %add3A_70 = arith.constant 4 : i32
      %add3A_71 = arith.addi %add3A_64, %add3A_70 : i32
      %lt3A = arith.constant 80 : i32
      %lt3A_72 = arith.cmpi slt, %add3A_71, %lt3A : i32
      %convert_element_type3A = arith.extui %lt3A_72 : i1 to i32
      %cond3A = arith.constant 0 : i32
      %cond3A_73 = arith.cmpi ne, %convert_element_type3A, %cond3A : i32
      scf.if %cond3A_73 {
        %add3A_126 = arith.constant 4 : i32
        %add3A_127 = arith.addi %add3A_64, %add3A_126 : i32
        %dma_start3A_128 = arith.constant 0 : i32
        %dma_start3A_129 = tpu.memref_slice %arg7[%add3A_127, %dma_start3A_128] : memref<80x128xi32, #tpu.memory_space<vmem>> -> memref<1x128xi32, #tpu.memory_space<vmem>>
        %dma_start3A_130 = tpu.memref_squeeze %dma_start3A_129 : memref<1x128xi32, #tpu.memory_space<vmem>> -> memref<128xi32, #tpu.memory_space<vmem>>
        %dma_start3A_131 = arith.constant 0 : i32
        %dma_start3A_132 = arith.constant 0 : i32
        %dma_start3A_133 = tpu.memref_slice %arg2[%dma_start3A_131, %dma_start3A_132] : memref<20480x64xf32, #tpu.memory_space<hbm>> -> memref<20480x64xf32, #tpu.memory_space<hbm>>
        tpu.enqueue_indirect_dma source(%dma_start3A_133 : memref<20480x64xf32, #tpu.memory_space<hbm>>) target(%arg9 : memref<128x64xf32, #tpu.memory_space<vmem>>) offsets(%dma_start3A_130 : memref<128xi32, #tpu.memory_space<vmem>>) semaphore(%arg18 : memref<!tpu.dma_semaphore, #tpu.memory_space<semaphore_mem>>)
      } else {
      }
      %mul3A_74 = arith.constant 4 : i32
      %mul3A_75 = arith.muli %scan3A_59, %mul3A_74 : i32
      %add3A_76 = arith.constant 1 : i32
      %add3A_77 = arith.addi %mul3A_75, %add3A_76 : i32
      %dma_wait3A_78 = arith.constant 0 : i32
      %dma_wait3A_79 = tpu.memref_slice %arg7[%add3A_77, %dma_wait3A_78] : memref<80x128xi32, #tpu.memory_space<vmem>> -> memref<1x128xi32, #tpu.memory_space<vmem>>
      %dma_wait3A_80 = tpu.memref_squeeze %dma_wait3A_79 : memref<1x128xi32, #tpu.memory_space<vmem>> -> memref<128xi32, #tpu.memory_space<vmem>>
      %dma_wait3A_81 = arith.constant 0 : i32
      %dma_wait3A_82 = arith.constant 0 : i32
      %dma_wait3A_83 = tpu.memref_slice %arg2[%dma_wait3A_81, %dma_wait3A_82] : memref<20480x64xf32, #tpu.memory_space<hbm>> -> memref<20480x64xf32, #tpu.memory_space<hbm>>
      tpu.wait_indirect_dma semaphore(%arg19 : memref<!tpu.dma_semaphore, #tpu.memory_space<semaphore_mem>>) src(%dma_wait3A_83 : memref<20480x64xf32, #tpu.memory_space<hbm>>) dst(%arg10 : memref<128x64xf32, #tpu.memory_space<vmem>>)
      "tpu.region"() ({
        %run_scoped3A = tpu.sem_alloc : memref<!tpu.dma_semaphore, #tpu.memory_space<semaphore_mem>>
        %dma_start3A_126 = arith.constant 0 : i32
        %dma_start3A_127 = tpu.memref_slice %arg8[%add3A_77, %dma_start3A_126] : memref<80x128xi32, #tpu.memory_space<vmem>> -> memref<1x128xi32, #tpu.memory_space<vmem>>
        %dma_start3A_128 = tpu.memref_squeeze %dma_start3A_127 : memref<1x128xi32, #tpu.memory_space<vmem>> -> memref<128xi32, #tpu.memory_space<vmem>>
        %dma_start3A_129 = arith.constant 0 : i32
        %dma_start3A_130 = arith.constant 0 : i32
        %dma_start3A_131 = tpu.memref_slice %arg16[%dma_start3A_129, %dma_start3A_130] : memref<10240x64xf32, #tpu.memory_space<vmem_shared>> -> memref<10240x64xf32, #tpu.memory_space<vmem_shared>>
        tpu.enqueue_indirect_dma source(%arg10 : memref<128x64xf32, #tpu.memory_space<vmem>>) target(%dma_start3A_131 : memref<10240x64xf32, #tpu.memory_space<vmem_shared>>) offsets(%dma_start3A_128 : memref<128xi32, #tpu.memory_space<vmem>>) semaphore(%run_scoped3A : memref<!tpu.dma_semaphore, #tpu.memory_space<semaphore_mem>>) {add = true}
        %dma_wait3A_132 = arith.constant 0 : i32
        %dma_wait3A_133 = tpu.memref_slice %arg8[%add3A_77, %dma_wait3A_132] : memref<80x128xi32, #tpu.memory_space<vmem>> -> memref<1x128xi32, #tpu.memory_space<vmem>>
        %dma_wait3A_134 = tpu.memref_squeeze %dma_wait3A_133 : memref<1x128xi32, #tpu.memory_space<vmem>> -> memref<128xi32, #tpu.memory_space<vmem>>
        %dma_wait3A_135 = arith.constant 0 : i32
        %dma_wait3A_136 = arith.constant 0 : i32
        %dma_wait3A_137 = tpu.memref_slice %arg16[%dma_wait3A_135, %dma_wait3A_136] : memref<10240x64xf32, #tpu.memory_space<vmem_shared>> -> memref<10240x64xf32, #tpu.memory_space<vmem_shared>>
        tpu.wait_indirect_dma semaphore(%run_scoped3A : memref<!tpu.dma_semaphore, #tpu.memory_space<semaphore_mem>>) src(%arg10 : memref<128x64xf32, #tpu.memory_space<vmem>>) dst(%dma_wait3A_137 : memref<10240x64xf32, #tpu.memory_space<vmem_shared>>)
        tpu.yield
      }) : () -> ()
      %add3A_84 = arith.constant 4 : i32
      %add3A_85 = arith.addi %add3A_77, %add3A_84 : i32
      %lt3A_86 = arith.constant 80 : i32
      %lt3A_87 = arith.cmpi slt, %add3A_85, %lt3A_86 : i32
      %convert_element_type3A_88 = arith.extui %lt3A_87 : i1 to i32
      %cond3A_89 = arith.constant 0 : i32
      %cond3A_90 = arith.cmpi ne, %convert_element_type3A_88, %cond3A_89 : i32
      scf.if %cond3A_90 {
        %add3A_126 = arith.constant 4 : i32
        %add3A_127 = arith.addi %add3A_77, %add3A_126 : i32
        %dma_start3A_128 = arith.constant 0 : i32
        %dma_start3A_129 = tpu.memref_slice %arg7[%add3A_127, %dma_start3A_128] : memref<80x128xi32, #tpu.memory_space<vmem>> -> memref<1x128xi32, #tpu.memory_space<vmem>>
        %dma_start3A_130 = tpu.memref_squeeze %dma_start3A_129 : memref<1x128xi32, #tpu.memory_space<vmem>> -> memref<128xi32, #tpu.memory_space<vmem>>
        %dma_start3A_131 = arith.constant 0 : i32
        %dma_start3A_132 = arith.constant 0 : i32
        %dma_start3A_133 = tpu.memref_slice %arg2[%dma_start3A_131, %dma_start3A_132] : memref<20480x64xf32, #tpu.memory_space<hbm>> -> memref<20480x64xf32, #tpu.memory_space<hbm>>
        tpu.enqueue_indirect_dma source(%dma_start3A_133 : memref<20480x64xf32, #tpu.memory_space<hbm>>) target(%arg10 : memref<128x64xf32, #tpu.memory_space<vmem>>) offsets(%dma_start3A_130 : memref<128xi32, #tpu.memory_space<vmem>>) semaphore(%arg19 : memref<!tpu.dma_semaphore, #tpu.memory_space<semaphore_mem>>)
      } else {
      }
      %mul3A_91 = arith.constant 4 : i32
      %mul3A_92 = arith.muli %scan3A_59, %mul3A_91 : i32
      %add3A_93 = arith.constant 2 : i32
      %add3A_94 = arith.addi %mul3A_92, %add3A_93 : i32
      %dma_wait3A_95 = arith.constant 0 : i32
      %dma_wait3A_96 = tpu.memref_slice %arg7[%add3A_94, %dma_wait3A_95] : memref<80x128xi32, #tpu.memory_space<vmem>> -> memref<1x128xi32, #tpu.memory_space<vmem>>
      %dma_wait3A_97 = tpu.memref_squeeze %dma_wait3A_96 : memref<1x128xi32, #tpu.memory_space<vmem>> -> memref<128xi32, #tpu.memory_space<vmem>>
      %dma_wait3A_98 = arith.constant 0 : i32
      %dma_wait3A_99 = arith.constant 0 : i32
      %dma_wait3A_100 = tpu.memref_slice %arg2[%dma_wait3A_98, %dma_wait3A_99] : memref<20480x64xf32, #tpu.memory_space<hbm>> -> memref<20480x64xf32, #tpu.memory_space<hbm>>
      tpu.wait_indirect_dma semaphore(%arg20 : memref<!tpu.dma_semaphore, #tpu.memory_space<semaphore_mem>>) src(%dma_wait3A_100 : memref<20480x64xf32, #tpu.memory_space<hbm>>) dst(%arg11 : memref<128x64xf32, #tpu.memory_space<vmem>>)
      "tpu.region"() ({
        %run_scoped3A = tpu.sem_alloc : memref<!tpu.dma_semaphore, #tpu.memory_space<semaphore_mem>>
        %dma_start3A_126 = arith.constant 0 : i32
        %dma_start3A_127 = tpu.memref_slice %arg8[%add3A_94, %dma_start3A_126] : memref<80x128xi32, #tpu.memory_space<vmem>> -> memref<1x128xi32, #tpu.memory_space<vmem>>
        %dma_start3A_128 = tpu.memref_squeeze %dma_start3A_127 : memref<1x128xi32, #tpu.memory_space<vmem>> -> memref<128xi32, #tpu.memory_space<vmem>>
        %dma_start3A_129 = arith.constant 0 : i32
        %dma_start3A_130 = arith.constant 0 : i32
        %dma_start3A_131 = tpu.memref_slice %arg16[%dma_start3A_129, %dma_start3A_130] : memref<10240x64xf32, #tpu.memory_space<vmem_shared>> -> memref<10240x64xf32, #tpu.memory_space<vmem_shared>>
        tpu.enqueue_indirect_dma source(%arg11 : memref<128x64xf32, #tpu.memory_space<vmem>>) target(%dma_start3A_131 : memref<10240x64xf32, #tpu.memory_space<vmem_shared>>) offsets(%dma_start3A_128 : memref<128xi32, #tpu.memory_space<vmem>>) semaphore(%run_scoped3A : memref<!tpu.dma_semaphore, #tpu.memory_space<semaphore_mem>>) {add = true}
        %dma_wait3A_132 = arith.constant 0 : i32
        %dma_wait3A_133 = tpu.memref_slice %arg8[%add3A_94, %dma_wait3A_132] : memref<80x128xi32, #tpu.memory_space<vmem>> -> memref<1x128xi32, #tpu.memory_space<vmem>>
        %dma_wait3A_134 = tpu.memref_squeeze %dma_wait3A_133 : memref<1x128xi32, #tpu.memory_space<vmem>> -> memref<128xi32, #tpu.memory_space<vmem>>
        %dma_wait3A_135 = arith.constant 0 : i32
        %dma_wait3A_136 = arith.constant 0 : i32
        %dma_wait3A_137 = tpu.memref_slice %arg16[%dma_wait3A_135, %dma_wait3A_136] : memref<10240x64xf32, #tpu.memory_space<vmem_shared>> -> memref<10240x64xf32, #tpu.memory_space<vmem_shared>>
        tpu.wait_indirect_dma semaphore(%run_scoped3A : memref<!tpu.dma_semaphore, #tpu.memory_space<semaphore_mem>>) src(%arg11 : memref<128x64xf32, #tpu.memory_space<vmem>>) dst(%dma_wait3A_137 : memref<10240x64xf32, #tpu.memory_space<vmem_shared>>)
        tpu.yield
      }) : () -> ()
      %add3A_101 = arith.constant 4 : i32
      %add3A_102 = arith.addi %add3A_94, %add3A_101 : i32
      %lt3A_103 = arith.constant 80 : i32
      %lt3A_104 = arith.cmpi slt, %add3A_102, %lt3A_103 : i32
      %convert_element_type3A_105 = arith.extui %lt3A_104 : i1 to i32
      %cond3A_106 = arith.constant 0 : i32
      %cond3A_107 = arith.cmpi ne, %convert_element_type3A_105, %cond3A_106 : i32
      scf.if %cond3A_107 {
        %add3A_126 = arith.constant 4 : i32
        %add3A_127 = arith.addi %add3A_94, %add3A_126 : i32
        %dma_start3A_128 = arith.constant 0 : i32
        %dma_start3A_129 = tpu.memref_slice %arg7[%add3A_127, %dma_start3A_128] : memref<80x128xi32, #tpu.memory_space<vmem>> -> memref<1x128xi32, #tpu.memory_space<vmem>>
        %dma_start3A_130 = tpu.memref_squeeze %dma_start3A_129 : memref<1x128xi32, #tpu.memory_space<vmem>> -> memref<128xi32, #tpu.memory_space<vmem>>
        %dma_start3A_131 = arith.constant 0 : i32
        %dma_start3A_132 = arith.constant 0 : i32
        %dma_start3A_133 = tpu.memref_slice %arg2[%dma_start3A_131, %dma_start3A_132] : memref<20480x64xf32, #tpu.memory_space<hbm>> -> memref<20480x64xf32, #tpu.memory_space<hbm>>
        tpu.enqueue_indirect_dma source(%dma_start3A_133 : memref<20480x64xf32, #tpu.memory_space<hbm>>) target(%arg11 : memref<128x64xf32, #tpu.memory_space<vmem>>) offsets(%dma_start3A_130 : memref<128xi32, #tpu.memory_space<vmem>>) semaphore(%arg20 : memref<!tpu.dma_semaphore, #tpu.memory_space<semaphore_mem>>)
      } else {
      }
      %mul3A_108 = arith.constant 4 : i32
      %mul3A_109 = arith.muli %scan3A_59, %mul3A_108 : i32
      %add3A_110 = arith.constant 3 : i32
      %add3A_111 = arith.addi %mul3A_109, %add3A_110 : i32
      %dma_wait3A_112 = arith.constant 0 : i32
      %dma_wait3A_113 = tpu.memref_slice %arg7[%add3A_111, %dma_wait3A_112] : memref<80x128xi32, #tpu.memory_space<vmem>> -> memref<1x128xi32, #tpu.memory_space<vmem>>
      %dma_wait3A_114 = tpu.memref_squeeze %dma_wait3A_113 : memref<1x128xi32, #tpu.memory_space<vmem>> -> memref<128xi32, #tpu.memory_space<vmem>>
      %dma_wait3A_115 = arith.constant 0 : i32
      %dma_wait3A_116 = arith.constant 0 : i32
      %dma_wait3A_117 = tpu.memref_slice %arg2[%dma_wait3A_115, %dma_wait3A_116] : memref<20480x64xf32, #tpu.memory_space<hbm>> -> memref<20480x64xf32, #tpu.memory_space<hbm>>
      tpu.wait_indirect_dma semaphore(%arg21 : memref<!tpu.dma_semaphore, #tpu.memory_space<semaphore_mem>>) src(%dma_wait3A_117 : memref<20480x64xf32, #tpu.memory_space<hbm>>) dst(%arg12 : memref<128x64xf32, #tpu.memory_space<vmem>>)
      "tpu.region"() ({
        %run_scoped3A = tpu.sem_alloc : memref<!tpu.dma_semaphore, #tpu.memory_space<semaphore_mem>>
        %dma_start3A_126 = arith.constant 0 : i32
        %dma_start3A_127 = tpu.memref_slice %arg8[%add3A_111, %dma_start3A_126] : memref<80x128xi32, #tpu.memory_space<vmem>> -> memref<1x128xi32, #tpu.memory_space<vmem>>
        %dma_start3A_128 = tpu.memref_squeeze %dma_start3A_127 : memref<1x128xi32, #tpu.memory_space<vmem>> -> memref<128xi32, #tpu.memory_space<vmem>>
        %dma_start3A_129 = arith.constant 0 : i32
        %dma_start3A_130 = arith.constant 0 : i32
        %dma_start3A_131 = tpu.memref_slice %arg16[%dma_start3A_129, %dma_start3A_130] : memref<10240x64xf32, #tpu.memory_space<vmem_shared>> -> memref<10240x64xf32, #tpu.memory_space<vmem_shared>>
        tpu.enqueue_indirect_dma source(%arg12 : memref<128x64xf32, #tpu.memory_space<vmem>>) target(%dma_start3A_131 : memref<10240x64xf32, #tpu.memory_space<vmem_shared>>) offsets(%dma_start3A_128 : memref<128xi32, #tpu.memory_space<vmem>>) semaphore(%run_scoped3A : memref<!tpu.dma_semaphore, #tpu.memory_space<semaphore_mem>>) {add = true}
        %dma_wait3A_132 = arith.constant 0 : i32
        %dma_wait3A_133 = tpu.memref_slice %arg8[%add3A_111, %dma_wait3A_132] : memref<80x128xi32, #tpu.memory_space<vmem>> -> memref<1x128xi32, #tpu.memory_space<vmem>>
        %dma_wait3A_134 = tpu.memref_squeeze %dma_wait3A_133 : memref<1x128xi32, #tpu.memory_space<vmem>> -> memref<128xi32, #tpu.memory_space<vmem>>
        %dma_wait3A_135 = arith.constant 0 : i32
        %dma_wait3A_136 = arith.constant 0 : i32
        %dma_wait3A_137 = tpu.memref_slice %arg16[%dma_wait3A_135, %dma_wait3A_136] : memref<10240x64xf32, #tpu.memory_space<vmem_shared>> -> memref<10240x64xf32, #tpu.memory_space<vmem_shared>>
        tpu.wait_indirect_dma semaphore(%run_scoped3A : memref<!tpu.dma_semaphore, #tpu.memory_space<semaphore_mem>>) src(%arg12 : memref<128x64xf32, #tpu.memory_space<vmem>>) dst(%dma_wait3A_137 : memref<10240x64xf32, #tpu.memory_space<vmem_shared>>)
        tpu.yield
      }) : () -> ()
      %add3A_118 = arith.constant 4 : i32
      %add3A_119 = arith.addi %add3A_111, %add3A_118 : i32
      %lt3A_120 = arith.constant 80 : i32
      %lt3A_121 = arith.cmpi slt, %add3A_119, %lt3A_120 : i32
      %convert_element_type3A_122 = arith.extui %lt3A_121 : i1 to i32
      %cond3A_123 = arith.constant 0 : i32
      %cond3A_124 = arith.cmpi ne, %convert_element_type3A_122, %cond3A_123 : i32
      scf.if %cond3A_124 {
        %add3A_126 = arith.constant 4 : i32
        %add3A_127 = arith.addi %add3A_111, %add3A_126 : i32
        %dma_start3A_128 = arith.constant 0 : i32
        %dma_start3A_129 = tpu.memref_slice %arg7[%add3A_127, %dma_start3A_128] : memref<80x128xi32, #tpu.memory_space<vmem>> -> memref<1x128xi32, #tpu.memory_space<vmem>>
        %dma_start3A_130 = tpu.memref_squeeze %dma_start3A_129 : memref<1x128xi32, #tpu.memory_space<vmem>> -> memref<128xi32, #tpu.memory_space<vmem>>
        %dma_start3A_131 = arith.constant 0 : i32
        %dma_start3A_132 = arith.constant 0 : i32
        %dma_start3A_133 = tpu.memref_slice %arg2[%dma_start3A_131, %dma_start3A_132] : memref<20480x64xf32, #tpu.memory_space<hbm>> -> memref<20480x64xf32, #tpu.memory_space<hbm>>
        tpu.enqueue_indirect_dma source(%dma_start3A_133 : memref<20480x64xf32, #tpu.memory_space<hbm>>) target(%arg12 : memref<128x64xf32, #tpu.memory_space<vmem>>) offsets(%dma_start3A_130 : memref<128xi32, #tpu.memory_space<vmem>>) semaphore(%arg21 : memref<!tpu.dma_semaphore, #tpu.memory_space<semaphore_mem>>)
      } else {
      }
      %scan3A_125 = arith.constant 0 : i32
      scf.yield %scan3A_125 : i32
    }
    %scan3A_50 = arith.constant 20 : i32
    %barrier3A_51 = arith.constant 0 : index
    tpu.barrier barrier_id(%barrier3A_51)
    %scan3A_52 = arith.constant 0 : i32
    %scan3A_53 = arith.constant 0 : i32
    %scan3A_54 = arith.constant 5 : i32
    %scan3A_55 = arith.addi %scan3A_53, %scan3A_54 : i32
    %scan3A_56 = arith.constant 1 : i32
    %scan3A_57 = scf.for %scan3A_59 = %scan3A_53 to %scan3A_55 step %scan3A_56 iter_args(%scan3A_60 = %scan3A_52) -> (i32)  : i32 {
      %mul3A_61 = arith.constant 640 : i32
      %mul3A_62 = arith.muli %arg1, %mul3A_61 : i32
      %mul3A_63 = arith.constant 128 : i32
      %mul3A_64 = arith.muli %scan3A_59, %mul3A_63 : i32
      %add3A_65 = arith.addi %mul3A_62, %mul3A_64 : i32
      "tpu.region"() ({
        %run_scoped3A = tpu.sem_alloc : memref<!tpu.dma_semaphore, #tpu.memory_space<semaphore_mem>>
        %dma_start3A_70 = arith.constant 0 : i32
        %dma_start3A_71 = tpu.memref_slice %arg16[%add3A_65, %dma_start3A_70] : memref<10240x64xf32, #tpu.memory_space<vmem_shared>> -> memref<128x64xf32, #tpu.memory_space<vmem_shared>>
        %dma_start3A_72 = arith.constant 0 : i32
        %dma_start3A_73 = tpu.memref_slice %arg16[%add3A_65, %dma_start3A_72] : memref<10240x64xf32, #tpu.memory_space<vmem_shared>> -> memref<128x64xf32, #tpu.memory_space<vmem_shared>>
        tpu.enqueue_dma source(%dma_start3A_73 : memref<128x64xf32, #tpu.memory_space<vmem_shared>>) target(%arg14 : memref<128x64xf32, #tpu.memory_space<vmem>>) target_semaphore(%run_scoped3A : memref<!tpu.dma_semaphore, #tpu.memory_space<semaphore_mem>>)
        %dma_wait3A = arith.constant 0 : i32
        %dma_wait3A_74 = tpu.memref_slice %arg16[%add3A_65, %dma_wait3A] : memref<10240x64xf32, #tpu.memory_space<vmem_shared>> -> memref<128x64xf32, #tpu.memory_space<vmem_shared>>
        %dma_wait3A_75 = arith.constant 0 : i32
        %dma_wait3A_76 = tpu.memref_slice %arg16[%add3A_65, %dma_wait3A_75] : memref<10240x64xf32, #tpu.memory_space<vmem_shared>> -> memref<128x64xf32, #tpu.memory_space<vmem_shared>>
        tpu.wait_dma2 semaphore(%run_scoped3A : memref<!tpu.dma_semaphore, #tpu.memory_space<semaphore_mem>>) src(%dma_wait3A_76 : memref<128x64xf32, #tpu.memory_space<vmem_shared>>) dst(%arg14 : memref<128x64xf32, #tpu.memory_space<vmem>>)
        tpu.yield
      }) : () -> ()
      %mul3A_66 = arith.constant 10240 : i32
      %mul3A_67 = arith.muli %arg0, %mul3A_66 : i32
      %add3A_68 = arith.addi %mul3A_67, %add3A_65 : i32
      "tpu.region"() ({
        %run_scoped3A = tpu.sem_alloc : memref<!tpu.dma_semaphore, #tpu.memory_space<semaphore_mem>>
        %dma_start3A_70 = arith.constant 0 : i32
        %dma_start3A_71 = tpu.memref_slice %arg5[%add3A_68, %dma_start3A_70] : memref<20480x64xf32, #tpu.memory_space<hbm>> -> memref<128x64xf32, #tpu.memory_space<hbm>>
        %dma_start3A_72 = arith.constant 0 : i32
        %dma_start3A_73 = tpu.memref_slice %arg5[%add3A_68, %dma_start3A_72] : memref<20480x64xf32, #tpu.memory_space<hbm>> -> memref<128x64xf32, #tpu.memory_space<hbm>>
        tpu.enqueue_dma source(%arg14 : memref<128x64xf32, #tpu.memory_space<vmem>>) target(%dma_start3A_73 : memref<128x64xf32, #tpu.memory_space<hbm>>) target_semaphore(%run_scoped3A : memref<!tpu.dma_semaphore, #tpu.memory_space<semaphore_mem>>)
        %dma_wait3A = arith.constant 0 : i32
        %dma_wait3A_74 = tpu.memref_slice %arg5[%add3A_68, %dma_wait3A] : memref<20480x64xf32, #tpu.memory_space<hbm>> -> memref<128x64xf32, #tpu.memory_space<hbm>>
        %dma_wait3A_75 = arith.constant 0 : i32
        %dma_wait3A_76 = tpu.memref_slice %arg5[%add3A_68, %dma_wait3A_75] : memref<20480x64xf32, #tpu.memory_space<hbm>> -> memref<128x64xf32, #tpu.memory_space<hbm>>
        tpu.wait_dma2 semaphore(%run_scoped3A : memref<!tpu.dma_semaphore, #tpu.memory_space<semaphore_mem>>) src(%arg14 : memref<128x64xf32, #tpu.memory_space<vmem>>) dst(%dma_wait3A_76 : memref<128x64xf32, #tpu.memory_space<hbm>>)
        tpu.yield
      }) : () -> ()
      %scan3A_69 = arith.constant 0 : i32
      scf.yield %scan3A_69 : i32
    }
    %scan3A_58 = arith.constant 5 : i32
    return
  }
}

#map = affine_map<(d0, d1) -> (0, 0)>
module attributes {stable_mosaic.version = 14 : i64} {
  func.func @_sc_agg_body(%arg0: i32, %arg1: i32, %arg2: memref<20480x64xf32, #tpu.memory_space<hbm>>, %arg3: memref<2560x128xi32, #tpu.memory_space<hbm>>, %arg4: memref<2560x128xi32, #tpu.memory_space<hbm>>, %arg5: memref<20480x64xf32, #tpu.memory_space<hbm>>, %arg6: memref<20480x16xf32, #tpu.memory_space<hbm>>, %arg7: memref<80x128xi32, #tpu.memory_space<vmem>>, %arg8: memref<80x128xi32, #tpu.memory_space<vmem>>, %arg9: memref<128x64xf32, #tpu.memory_space<vmem>>, %arg10: memref<128x64xf32, #tpu.memory_space<vmem>>, %arg11: memref<128x64xf32, #tpu.memory_space<vmem>>, %arg12: memref<128x64xf32, #tpu.memory_space<vmem>>, %arg13: memref<128x16xf32, #tpu.memory_space<vmem>>, %arg14: memref<128x64xf32, #tpu.memory_space<vmem>>, %arg15: memref<128x16xf32, #tpu.memory_space<vmem>>, %arg16: memref<10240x64xf32, #tpu.memory_space<vmem_shared>>, %arg17: memref<10240x16xf32, #tpu.memory_space<vmem_shared>>, %arg18: memref<!tpu.dma_semaphore, #tpu.memory_space<semaphore_mem>>, %arg19: memref<!tpu.dma_semaphore, #tpu.memory_space<semaphore_mem>>, %arg20: memref<!tpu.dma_semaphore, #tpu.memory_space<semaphore_mem>>, %arg21: memref<!tpu.dma_semaphore, #tpu.memory_space<semaphore_mem>>) attributes {dimension_semantics = [#tpu.dimension_semantics<core_parallel>, #tpu.dimension_semantics<subcore_parallel>], iteration_bounds = array<i64: 2, 16>, scalar_prefetch = 0 : i64, scratch_operands = 15 : i64, tpu.core_type = #tpu.core_type<sc_vector_subcore>, window_params = [{transform_indices = #map}, {transform_indices = #map}, {transform_indices = #map}, {transform_indices = #map}, {transform_indices = #map}]} {
    %broadcast_in_dim3A = arith.constant 0.000000e+00 : f32
    %broadcast_in_dim3A_0 = vector.broadcast %broadcast_in_dim3A : f32 to vector<16xf32>
    %scan3A = arith.constant 0 : i32
    %scan3A_1 = arith.constant 0 : i32
    %scan3A_2 = arith.constant 128 : i32
    %scan3A_3 = arith.addi %scan3A_1, %scan3A_2 : i32
    %scan3A_4 = arith.constant 1 : i32
    %scan3A_5 = scf.for %scan3A_59 = %scan3A_1 to %scan3A_3 step %scan3A_4 iter_args(%scan3A_60 = %scan3A) -> (i32)  : i32 {
      %scan3A_61 = arith.constant 0 : i32
      %scan3A_62 = arith.constant 0 : i32
      %scan3A_63 = arith.constant 4 : i32
      %scan3A_64 = arith.addi %scan3A_62, %scan3A_63 : i32
      %scan3A_65 = arith.constant 1 : i32
      %scan3A_66 = scf.for %scan3A_69 = %scan3A_62 to %scan3A_64 step %scan3A_65 iter_args(%scan3A_70 = %scan3A_61) -> (i32)  : i32 {
        %mul3A_71 = arith.constant 16 : i32
        %mul3A_72 = arith.muli %scan3A_69, %mul3A_71 : i32
        %swap3A = arith.index_cast %scan3A_59 : i32 to index
        %swap3A_73 = arith.index_cast %mul3A_72 : i32 to index
        %swap3A_74 = tpu.vector_load %arg14[%swap3A, %swap3A_73] {strides = array<i32>} : memref<128x64xf32, #tpu.memory_space<vmem>>, vector<1x16xf32>,
        %swap3A_75 = vector.shape_cast %swap3A_74 : vector<1x16xf32> to vector<16xf32>
        %swap3A_76 = vector.shape_cast %broadcast_in_dim3A_0 : vector<16xf32> to vector<1x16xf32>
        tpu.vector_store %arg14[%swap3A, %swap3A_73], %swap3A_76 {strides = array<i32>} : memref<128x64xf32, #tpu.memory_space<vmem>>, vector<1x16xf32>,
        %scan3A_77 = arith.constant 0 : i32
        scf.yield %scan3A_77 : i32
      }
      %scan3A_67 = arith.constant 4 : i32
      %scan3A_68 = arith.constant 0 : i32
      scf.yield %scan3A_68 : i32
    }
    %scan3A_6 = arith.constant 128 : i32
    %scan3A_7 = arith.constant 0 : i32
    %scan3A_8 = arith.constant 0 : i32
    %scan3A_9 = arith.constant 5 : i32
    %scan3A_10 = arith.addi %scan3A_8, %scan3A_9 : i32
    %scan3A_11 = arith.constant 1 : i32
    %scan3A_12 = scf.for %scan3A_59 = %scan3A_8 to %scan3A_10 step %scan3A_11 iter_args(%scan3A_60 = %scan3A_7) -> (i32)  : i32 {
      %mul3A_61 = arith.constant 640 : i32
      %mul3A_62 = arith.muli %arg1, %mul3A_61 : i32
      %mul3A_63 = arith.constant 128 : i32
      %mul3A_64 = arith.muli %scan3A_59, %mul3A_63 : i32
      %add3A_65 = arith.addi %mul3A_62, %mul3A_64 : i32
      "tpu.region"() ({
        %run_scoped3A = tpu.sem_alloc : memref<!tpu.dma_semaphore, #tpu.memory_space<semaphore_mem>>
        %dma_start3A_67 = arith.constant 0 : i32
        %dma_start3A_68 = tpu.memref_slice %arg16[%add3A_65, %dma_start3A_67] : memref<10240x64xf32, #tpu.memory_space<vmem_shared>> -> memref<128x64xf32, #tpu.memory_space<vmem_shared>>
        %dma_start3A_69 = arith.constant 0 : i32
        %dma_start3A_70 = tpu.memref_slice %arg16[%add3A_65, %dma_start3A_69] : memref<10240x64xf32, #tpu.memory_space<vmem_shared>> -> memref<128x64xf32, #tpu.memory_space<vmem_shared>>
        tpu.enqueue_dma source(%arg14 : memref<128x64xf32, #tpu.memory_space<vmem>>) target(%dma_start3A_70 : memref<128x64xf32, #tpu.memory_space<vmem_shared>>) target_semaphore(%run_scoped3A : memref<!tpu.dma_semaphore, #tpu.memory_space<semaphore_mem>>)
        %dma_wait3A = arith.constant 0 : i32
        %dma_wait3A_71 = tpu.memref_slice %arg16[%add3A_65, %dma_wait3A] : memref<10240x64xf32, #tpu.memory_space<vmem_shared>> -> memref<128x64xf32, #tpu.memory_space<vmem_shared>>
        %dma_wait3A_72 = arith.constant 0 : i32
        %dma_wait3A_73 = tpu.memref_slice %arg16[%add3A_65, %dma_wait3A_72] : memref<10240x64xf32, #tpu.memory_space<vmem_shared>> -> memref<128x64xf32, #tpu.memory_space<vmem_shared>>
        tpu.wait_dma2 semaphore(%run_scoped3A : memref<!tpu.dma_semaphore, #tpu.memory_space<semaphore_mem>>) src(%arg14 : memref<128x64xf32, #tpu.memory_space<vmem>>) dst(%dma_wait3A_73 : memref<128x64xf32, #tpu.memory_space<vmem_shared>>)
        tpu.yield
      }) : () -> ()
      %scan3A_66 = arith.constant 0 : i32
      scf.yield %scan3A_66 : i32
    }
    %scan3A_13 = arith.constant 5 : i32
    %barrier3A = arith.constant 0 : index
    tpu.barrier barrier_id(%barrier3A)
    %mul3A = arith.constant 16 : i32
    %mul3A_14 = arith.muli %arg0, %mul3A : i32
    %add3A = arith.addi %mul3A_14, %arg1 : i32
    %mul3A_15 = arith.constant 80 : i32
    %mul3A_16 = arith.muli %add3A, %mul3A_15 : i32
    "tpu.region"() ({
      %run_scoped3A = tpu.sem_alloc : memref<!tpu.dma_semaphore, #tpu.memory_space<semaphore_mem>>
      %dma_start3A_59 = arith.constant 0 : i32
      %dma_start3A_60 = tpu.memref_slice %arg3[%mul3A_16, %dma_start3A_59] : memref<2560x128xi32, #tpu.memory_space<hbm>> -> memref<80x128xi32, #tpu.memory_space<hbm>>
      %dma_start3A_61 = arith.constant 0 : i32
      %dma_start3A_62 = tpu.memref_slice %arg3[%mul3A_16, %dma_start3A_61] : memref<2560x128xi32, #tpu.memory_space<hbm>> -> memref<80x128xi32, #tpu.memory_space<hbm>>
      tpu.enqueue_dma source(%dma_start3A_62 : memref<80x128xi32, #tpu.memory_space<hbm>>) target(%arg7 : memref<80x128xi32, #tpu.memory_space<vmem>>) target_semaphore(%run_scoped3A : memref<!tpu.dma_semaphore, #tpu.memory_space<semaphore_mem>>)
      %dma_wait3A = arith.constant 0 : i32
      %dma_wait3A_63 = tpu.memref_slice %arg3[%mul3A_16, %dma_wait3A] : memref<2560x128xi32, #tpu.memory_space<hbm>> -> memref<80x128xi32, #tpu.memory_space<hbm>>
      %dma_wait3A_64 = arith.constant 0 : i32
      %dma_wait3A_65 = tpu.memref_slice %arg3[%mul3A_16, %dma_wait3A_64] : memref<2560x128xi32, #tpu.memory_space<hbm>> -> memref<80x128xi32, #tpu.memory_space<hbm>>
      tpu.wait_dma2 semaphore(%run_scoped3A : memref<!tpu.dma_semaphore, #tpu.memory_space<semaphore_mem>>) src(%dma_wait3A_65 : memref<80x128xi32, #tpu.memory_space<hbm>>) dst(%arg7 : memref<80x128xi32, #tpu.memory_space<vmem>>)
      tpu.yield
    }) : () -> ()
    "tpu.region"() ({
      %run_scoped3A = tpu.sem_alloc : memref<!tpu.dma_semaphore, #tpu.memory_space<semaphore_mem>>
      %dma_start3A_59 = arith.constant 0 : i32
      %dma_start3A_60 = tpu.memref_slice %arg4[%mul3A_16, %dma_start3A_59] : memref<2560x128xi32, #tpu.memory_space<hbm>> -> memref<80x128xi32, #tpu.memory_space<hbm>>
      %dma_start3A_61 = arith.constant 0 : i32
      %dma_start3A_62 = tpu.memref_slice %arg4[%mul3A_16, %dma_start3A_61] : memref<2560x128xi32, #tpu.memory_space<hbm>> -> memref<80x128xi32, #tpu.memory_space<hbm>>
      tpu.enqueue_dma source(%dma_start3A_62 : memref<80x128xi32, #tpu.memory_space<hbm>>) target(%arg8 : memref<80x128xi32, #tpu.memory_space<vmem>>) target_semaphore(%run_scoped3A : memref<!tpu.dma_semaphore, #tpu.memory_space<semaphore_mem>>)
      %dma_wait3A = arith.constant 0 : i32
      %dma_wait3A_63 = tpu.memref_slice %arg4[%mul3A_16, %dma_wait3A] : memref<2560x128xi32, #tpu.memory_space<hbm>> -> memref<80x128xi32, #tpu.memory_space<hbm>>
      %dma_wait3A_64 = arith.constant 0 : i32
      %dma_wait3A_65 = tpu.memref_slice %arg4[%mul3A_16, %dma_wait3A_64] : memref<2560x128xi32, #tpu.memory_space<hbm>> -> memref<80x128xi32, #tpu.memory_space<hbm>>
      tpu.wait_dma2 semaphore(%run_scoped3A : memref<!tpu.dma_semaphore, #tpu.memory_space<semaphore_mem>>) src(%dma_wait3A_65 : memref<80x128xi32, #tpu.memory_space<hbm>>) dst(%arg8 : memref<80x128xi32, #tpu.memory_space<vmem>>)
      tpu.yield
    }) : () -> ()
    %dma_start3A = arith.constant 0 : i32
    %dma_start3A_17 = arith.constant 0 : i32
    %dma_start3A_18 = tpu.memref_slice %arg7[%dma_start3A, %dma_start3A_17] : memref<80x128xi32, #tpu.memory_space<vmem>> -> memref<1x128xi32, #tpu.memory_space<vmem>>
    %dma_start3A_19 = tpu.memref_squeeze %dma_start3A_18 : memref<1x128xi32, #tpu.memory_space<vmem>> -> memref<128xi32, #tpu.memory_space<vmem>>
    %dma_start3A_20 = arith.constant 0 : i32
    %dma_start3A_21 = arith.constant 0 : i32
    %dma_start3A_22 = tpu.memref_slice %arg2[%dma_start3A_20, %dma_start3A_21] : memref<20480x64xf32, #tpu.memory_space<hbm>> -> memref<20480x64xf32, #tpu.memory_space<hbm>>
    tpu.enqueue_indirect_dma source(%dma_start3A_22 : memref<20480x64xf32, #tpu.memory_space<hbm>>) target(%arg9 : memref<128x64xf32, #tpu.memory_space<vmem>>) offsets(%dma_start3A_19 : memref<128xi32, #tpu.memory_space<vmem>>) semaphore(%arg18 : memref<!tpu.dma_semaphore, #tpu.memory_space<semaphore_mem>>)
    %dma_start3A_23 = arith.constant 1 : i32
    %dma_start3A_24 = arith.constant 0 : i32
    %dma_start3A_25 = tpu.memref_slice %arg7[%dma_start3A_23, %dma_start3A_24] : memref<80x128xi32, #tpu.memory_space<vmem>> -> memref<1x128xi32, #tpu.memory_space<vmem>>
    %dma_start3A_26 = tpu.memref_squeeze %dma_start3A_25 : memref<1x128xi32, #tpu.memory_space<vmem>> -> memref<128xi32, #tpu.memory_space<vmem>>
    %dma_start3A_27 = arith.constant 0 : i32
    %dma_start3A_28 = arith.constant 0 : i32
    %dma_start3A_29 = tpu.memref_slice %arg2[%dma_start3A_27, %dma_start3A_28] : memref<20480x64xf32, #tpu.memory_space<hbm>> -> memref<20480x64xf32, #tpu.memory_space<hbm>>
    tpu.enqueue_indirect_dma source(%dma_start3A_29 : memref<20480x64xf32, #tpu.memory_space<hbm>>) target(%arg10 : memref<128x64xf32, #tpu.memory_space<vmem>>) offsets(%dma_start3A_26 : memref<128xi32, #tpu.memory_space<vmem>>) semaphore(%arg19 : memref<!tpu.dma_semaphore, #tpu.memory_space<semaphore_mem>>)
    %dma_start3A_30 = arith.constant 2 : i32
    %dma_start3A_31 = arith.constant 0 : i32
    %dma_start3A_32 = tpu.memref_slice %arg7[%dma_start3A_30, %dma_start3A_31] : memref<80x128xi32, #tpu.memory_space<vmem>> -> memref<1x128xi32, #tpu.memory_space<vmem>>
    %dma_start3A_33 = tpu.memref_squeeze %dma_start3A_32 : memref<1x128xi32, #tpu.memory_space<vmem>> -> memref<128xi32, #tpu.memory_space<vmem>>
    %dma_start3A_34 = arith.constant 0 : i32
    %dma_start3A_35 = arith.constant 0 : i32
    %dma_start3A_36 = tpu.memref_slice %arg2[%dma_start3A_34, %dma_start3A_35] : memref<20480x64xf32, #tpu.memory_space<hbm>> -> memref<20480x64xf32, #tpu.memory_space<hbm>>
    tpu.enqueue_indirect_dma source(%dma_start3A_36 : memref<20480x64xf32, #tpu.memory_space<hbm>>) target(%arg11 : memref<128x64xf32, #tpu.memory_space<vmem>>) offsets(%dma_start3A_33 : memref<128xi32, #tpu.memory_space<vmem>>) semaphore(%arg20 : memref<!tpu.dma_semaphore, #tpu.memory_space<semaphore_mem>>)
    %dma_start3A_37 = arith.constant 3 : i32
    %dma_start3A_38 = arith.constant 0 : i32
    %dma_start3A_39 = tpu.memref_slice %arg7[%dma_start3A_37, %dma_start3A_38] : memref<80x128xi32, #tpu.memory_space<vmem>> -> memref<1x128xi32, #tpu.memory_space<vmem>>
    %dma_start3A_40 = tpu.memref_squeeze %dma_start3A_39 : memref<1x128xi32, #tpu.memory_space<vmem>> -> memref<128xi32, #tpu.memory_space<vmem>>
    %dma_start3A_41 = arith.constant 0 : i32
    %dma_start3A_42 = arith.constant 0 : i32
    %dma_start3A_43 = tpu.memref_slice %arg2[%dma_start3A_41, %dma_start3A_42] : memref<20480x64xf32, #tpu.memory_space<hbm>> -> memref<20480x64xf32, #tpu.memory_space<hbm>>
    tpu.enqueue_indirect_dma source(%dma_start3A_43 : memref<20480x64xf32, #tpu.memory_space<hbm>>) target(%arg12 : memref<128x64xf32, #tpu.memory_space<vmem>>) offsets(%dma_start3A_40 : memref<128xi32, #tpu.memory_space<vmem>>) semaphore(%arg21 : memref<!tpu.dma_semaphore, #tpu.memory_space<semaphore_mem>>)
    %scan3A_44 = arith.constant 0 : i32
    %scan3A_45 = arith.constant 0 : i32
    %scan3A_46 = arith.constant 20 : i32
    %scan3A_47 = arith.addi %scan3A_45, %scan3A_46 : i32
    %scan3A_48 = arith.constant 1 : i32
    %scan3A_49 = scf.for %scan3A_59 = %scan3A_45 to %scan3A_47 step %scan3A_48 iter_args(%scan3A_60 = %scan3A_44) -> (i32)  : i32 {
      %mul3A_61 = arith.constant 4 : i32
      %mul3A_62 = arith.muli %scan3A_59, %mul3A_61 : i32
      %add3A_63 = arith.constant 0 : i32
      %add3A_64 = arith.addi %mul3A_62, %add3A_63 : i32
      %dma_wait3A = arith.constant 0 : i32
      %dma_wait3A_65 = tpu.memref_slice %arg7[%add3A_64, %dma_wait3A] : memref<80x128xi32, #tpu.memory_space<vmem>> -> memref<1x128xi32, #tpu.memory_space<vmem>>
      %dma_wait3A_66 = tpu.memref_squeeze %dma_wait3A_65 : memref<1x128xi32, #tpu.memory_space<vmem>> -> memref<128xi32, #tpu.memory_space<vmem>>
      %dma_wait3A_67 = arith.constant 0 : i32
      %dma_wait3A_68 = arith.constant 0 : i32
      %dma_wait3A_69 = tpu.memref_slice %arg2[%dma_wait3A_67, %dma_wait3A_68] : memref<20480x64xf32, #tpu.memory_space<hbm>> -> memref<20480x64xf32, #tpu.memory_space<hbm>>
      tpu.wait_indirect_dma semaphore(%arg18 : memref<!tpu.dma_semaphore, #tpu.memory_space<semaphore_mem>>) src(%dma_wait3A_69 : memref<20480x64xf32, #tpu.memory_space<hbm>>) dst(%arg9 : memref<128x64xf32, #tpu.memory_space<vmem>>)
      "tpu.region"() ({
        %run_scoped3A = tpu.sem_alloc : memref<!tpu.dma_semaphore, #tpu.memory_space<semaphore_mem>>
        %dma_start3A_126 = arith.constant 0 : i32
        %dma_start3A_127 = tpu.memref_slice %arg8[%add3A_64, %dma_start3A_126] : memref<80x128xi32, #tpu.memory_space<vmem>> -> memref<1x128xi32, #tpu.memory_space<vmem>>
        %dma_start3A_128 = tpu.memref_squeeze %dma_start3A_127 : memref<1x128xi32, #tpu.memory_space<vmem>> -> memref<128xi32, #tpu.memory_space<vmem>>
        %dma_start3A_129 = arith.constant 0 : i32
        %dma_start3A_130 = arith.constant 0 : i32
        %dma_start3A_131 = tpu.memref_slice %arg16[%dma_start3A_129, %dma_start3A_130] : memref<10240x64xf32, #tpu.memory_space<vmem_shared>> -> memref<10240x64xf32, #tpu.memory_space<vmem_shared>>
        tpu.enqueue_indirect_dma source(%arg9 : memref<128x64xf32, #tpu.memory_space<vmem>>) target(%dma_start3A_131 : memref<10240x64xf32, #tpu.memory_space<vmem_shared>>) offsets(%dma_start3A_128 : memref<128xi32, #tpu.memory_space<vmem>>) semaphore(%run_scoped3A : memref<!tpu.dma_semaphore, #tpu.memory_space<semaphore_mem>>) {add = true}
        %dma_wait3A_132 = arith.constant 0 : i32
        %dma_wait3A_133 = tpu.memref_slice %arg8[%add3A_64, %dma_wait3A_132] : memref<80x128xi32, #tpu.memory_space<vmem>> -> memref<1x128xi32, #tpu.memory_space<vmem>>
        %dma_wait3A_134 = tpu.memref_squeeze %dma_wait3A_133 : memref<1x128xi32, #tpu.memory_space<vmem>> -> memref<128xi32, #tpu.memory_space<vmem>>
        %dma_wait3A_135 = arith.constant 0 : i32
        %dma_wait3A_136 = arith.constant 0 : i32
        %dma_wait3A_137 = tpu.memref_slice %arg16[%dma_wait3A_135, %dma_wait3A_136] : memref<10240x64xf32, #tpu.memory_space<vmem_shared>> -> memref<10240x64xf32, #tpu.memory_space<vmem_shared>>
        tpu.wait_indirect_dma semaphore(%run_scoped3A : memref<!tpu.dma_semaphore, #tpu.memory_space<semaphore_mem>>) src(%arg9 : memref<128x64xf32, #tpu.memory_space<vmem>>) dst(%dma_wait3A_137 : memref<10240x64xf32, #tpu.memory_space<vmem_shared>>)
        tpu.yield
      }) : () -> ()
      %add3A_70 = arith.constant 4 : i32
      %add3A_71 = arith.addi %add3A_64, %add3A_70 : i32
      %lt3A = arith.constant 80 : i32
      %lt3A_72 = arith.cmpi slt, %add3A_71, %lt3A : i32
      %convert_element_type3A = arith.extui %lt3A_72 : i1 to i32
      %cond3A = arith.constant 0 : i32
      %cond3A_73 = arith.cmpi ne, %convert_element_type3A, %cond3A : i32
      scf.if %cond3A_73 {
        %add3A_126 = arith.constant 4 : i32
        %add3A_127 = arith.addi %add3A_64, %add3A_126 : i32
        %dma_start3A_128 = arith.constant 0 : i32
        %dma_start3A_129 = tpu.memref_slice %arg7[%add3A_127, %dma_start3A_128] : memref<80x128xi32, #tpu.memory_space<vmem>> -> memref<1x128xi32, #tpu.memory_space<vmem>>
        %dma_start3A_130 = tpu.memref_squeeze %dma_start3A_129 : memref<1x128xi32, #tpu.memory_space<vmem>> -> memref<128xi32, #tpu.memory_space<vmem>>
        %dma_start3A_131 = arith.constant 0 : i32
        %dma_start3A_132 = arith.constant 0 : i32
        %dma_start3A_133 = tpu.memref_slice %arg2[%dma_start3A_131, %dma_start3A_132] : memref<20480x64xf32, #tpu.memory_space<hbm>> -> memref<20480x64xf32, #tpu.memory_space<hbm>>
        tpu.enqueue_indirect_dma source(%dma_start3A_133 : memref<20480x64xf32, #tpu.memory_space<hbm>>) target(%arg9 : memref<128x64xf32, #tpu.memory_space<vmem>>) offsets(%dma_start3A_130 : memref<128xi32, #tpu.memory_space<vmem>>) semaphore(%arg18 : memref<!tpu.dma_semaphore, #tpu.memory_space<semaphore_mem>>)
      } else {
      }
      %mul3A_74 = arith.constant 4 : i32
      %mul3A_75 = arith.muli %scan3A_59, %mul3A_74 : i32
      %add3A_76 = arith.constant 1 : i32
      %add3A_77 = arith.addi %mul3A_75, %add3A_76 : i32
      %dma_wait3A_78 = arith.constant 0 : i32
      %dma_wait3A_79 = tpu.memref_slice %arg7[%add3A_77, %dma_wait3A_78] : memref<80x128xi32, #tpu.memory_space<vmem>> -> memref<1x128xi32, #tpu.memory_space<vmem>>
      %dma_wait3A_80 = tpu.memref_squeeze %dma_wait3A_79 : memref<1x128xi32, #tpu.memory_space<vmem>> -> memref<128xi32, #tpu.memory_space<vmem>>
      %dma_wait3A_81 = arith.constant 0 : i32
      %dma_wait3A_82 = arith.constant 0 : i32
      %dma_wait3A_83 = tpu.memref_slice %arg2[%dma_wait3A_81, %dma_wait3A_82] : memref<20480x64xf32, #tpu.memory_space<hbm>> -> memref<20480x64xf32, #tpu.memory_space<hbm>>
      tpu.wait_indirect_dma semaphore(%arg19 : memref<!tpu.dma_semaphore, #tpu.memory_space<semaphore_mem>>) src(%dma_wait3A_83 : memref<20480x64xf32, #tpu.memory_space<hbm>>) dst(%arg10 : memref<128x64xf32, #tpu.memory_space<vmem>>)
      "tpu.region"() ({
        %run_scoped3A = tpu.sem_alloc : memref<!tpu.dma_semaphore, #tpu.memory_space<semaphore_mem>>
        %dma_start3A_126 = arith.constant 0 : i32
        %dma_start3A_127 = tpu.memref_slice %arg8[%add3A_77, %dma_start3A_126] : memref<80x128xi32, #tpu.memory_space<vmem>> -> memref<1x128xi32, #tpu.memory_space<vmem>>
        %dma_start3A_128 = tpu.memref_squeeze %dma_start3A_127 : memref<1x128xi32, #tpu.memory_space<vmem>> -> memref<128xi32, #tpu.memory_space<vmem>>
        %dma_start3A_129 = arith.constant 0 : i32
        %dma_start3A_130 = arith.constant 0 : i32
        %dma_start3A_131 = tpu.memref_slice %arg16[%dma_start3A_129, %dma_start3A_130] : memref<10240x64xf32, #tpu.memory_space<vmem_shared>> -> memref<10240x64xf32, #tpu.memory_space<vmem_shared>>
        tpu.enqueue_indirect_dma source(%arg10 : memref<128x64xf32, #tpu.memory_space<vmem>>) target(%dma_start3A_131 : memref<10240x64xf32, #tpu.memory_space<vmem_shared>>) offsets(%dma_start3A_128 : memref<128xi32, #tpu.memory_space<vmem>>) semaphore(%run_scoped3A : memref<!tpu.dma_semaphore, #tpu.memory_space<semaphore_mem>>) {add = true}
        %dma_wait3A_132 = arith.constant 0 : i32
        %dma_wait3A_133 = tpu.memref_slice %arg8[%add3A_77, %dma_wait3A_132] : memref<80x128xi32, #tpu.memory_space<vmem>> -> memref<1x128xi32, #tpu.memory_space<vmem>>
        %dma_wait3A_134 = tpu.memref_squeeze %dma_wait3A_133 : memref<1x128xi32, #tpu.memory_space<vmem>> -> memref<128xi32, #tpu.memory_space<vmem>>
        %dma_wait3A_135 = arith.constant 0 : i32
        %dma_wait3A_136 = arith.constant 0 : i32
        %dma_wait3A_137 = tpu.memref_slice %arg16[%dma_wait3A_135, %dma_wait3A_136] : memref<10240x64xf32, #tpu.memory_space<vmem_shared>> -> memref<10240x64xf32, #tpu.memory_space<vmem_shared>>
        tpu.wait_indirect_dma semaphore(%run_scoped3A : memref<!tpu.dma_semaphore, #tpu.memory_space<semaphore_mem>>) src(%arg10 : memref<128x64xf32, #tpu.memory_space<vmem>>) dst(%dma_wait3A_137 : memref<10240x64xf32, #tpu.memory_space<vmem_shared>>)
        tpu.yield
      }) : () -> ()
      %add3A_84 = arith.constant 4 : i32
      %add3A_85 = arith.addi %add3A_77, %add3A_84 : i32
      %lt3A_86 = arith.constant 80 : i32
      %lt3A_87 = arith.cmpi slt, %add3A_85, %lt3A_86 : i32
      %convert_element_type3A_88 = arith.extui %lt3A_87 : i1 to i32
      %cond3A_89 = arith.constant 0 : i32
      %cond3A_90 = arith.cmpi ne, %convert_element_type3A_88, %cond3A_89 : i32
      scf.if %cond3A_90 {
        %add3A_126 = arith.constant 4 : i32
        %add3A_127 = arith.addi %add3A_77, %add3A_126 : i32
        %dma_start3A_128 = arith.constant 0 : i32
        %dma_start3A_129 = tpu.memref_slice %arg7[%add3A_127, %dma_start3A_128] : memref<80x128xi32, #tpu.memory_space<vmem>> -> memref<1x128xi32, #tpu.memory_space<vmem>>
        %dma_start3A_130 = tpu.memref_squeeze %dma_start3A_129 : memref<1x128xi32, #tpu.memory_space<vmem>> -> memref<128xi32, #tpu.memory_space<vmem>>
        %dma_start3A_131 = arith.constant 0 : i32
        %dma_start3A_132 = arith.constant 0 : i32
        %dma_start3A_133 = tpu.memref_slice %arg2[%dma_start3A_131, %dma_start3A_132] : memref<20480x64xf32, #tpu.memory_space<hbm>> -> memref<20480x64xf32, #tpu.memory_space<hbm>>
        tpu.enqueue_indirect_dma source(%dma_start3A_133 : memref<20480x64xf32, #tpu.memory_space<hbm>>) target(%arg10 : memref<128x64xf32, #tpu.memory_space<vmem>>) offsets(%dma_start3A_130 : memref<128xi32, #tpu.memory_space<vmem>>) semaphore(%arg19 : memref<!tpu.dma_semaphore, #tpu.memory_space<semaphore_mem>>)
      } else {
      }
      %mul3A_91 = arith.constant 4 : i32
      %mul3A_92 = arith.muli %scan3A_59, %mul3A_91 : i32
      %add3A_93 = arith.constant 2 : i32
      %add3A_94 = arith.addi %mul3A_92, %add3A_93 : i32
      %dma_wait3A_95 = arith.constant 0 : i32
      %dma_wait3A_96 = tpu.memref_slice %arg7[%add3A_94, %dma_wait3A_95] : memref<80x128xi32, #tpu.memory_space<vmem>> -> memref<1x128xi32, #tpu.memory_space<vmem>>
      %dma_wait3A_97 = tpu.memref_squeeze %dma_wait3A_96 : memref<1x128xi32, #tpu.memory_space<vmem>> -> memref<128xi32, #tpu.memory_space<vmem>>
      %dma_wait3A_98 = arith.constant 0 : i32
      %dma_wait3A_99 = arith.constant 0 : i32
      %dma_wait3A_100 = tpu.memref_slice %arg2[%dma_wait3A_98, %dma_wait3A_99] : memref<20480x64xf32, #tpu.memory_space<hbm>> -> memref<20480x64xf32, #tpu.memory_space<hbm>>
      tpu.wait_indirect_dma semaphore(%arg20 : memref<!tpu.dma_semaphore, #tpu.memory_space<semaphore_mem>>) src(%dma_wait3A_100 : memref<20480x64xf32, #tpu.memory_space<hbm>>) dst(%arg11 : memref<128x64xf32, #tpu.memory_space<vmem>>)
      "tpu.region"() ({
        %run_scoped3A = tpu.sem_alloc : memref<!tpu.dma_semaphore, #tpu.memory_space<semaphore_mem>>
        %dma_start3A_126 = arith.constant 0 : i32
        %dma_start3A_127 = tpu.memref_slice %arg8[%add3A_94, %dma_start3A_126] : memref<80x128xi32, #tpu.memory_space<vmem>> -> memref<1x128xi32, #tpu.memory_space<vmem>>
        %dma_start3A_128 = tpu.memref_squeeze %dma_start3A_127 : memref<1x128xi32, #tpu.memory_space<vmem>> -> memref<128xi32, #tpu.memory_space<vmem>>
        %dma_start3A_129 = arith.constant 0 : i32
        %dma_start3A_130 = arith.constant 0 : i32
        %dma_start3A_131 = tpu.memref_slice %arg16[%dma_start3A_129, %dma_start3A_130] : memref<10240x64xf32, #tpu.memory_space<vmem_shared>> -> memref<10240x64xf32, #tpu.memory_space<vmem_shared>>
        tpu.enqueue_indirect_dma source(%arg11 : memref<128x64xf32, #tpu.memory_space<vmem>>) target(%dma_start3A_131 : memref<10240x64xf32, #tpu.memory_space<vmem_shared>>) offsets(%dma_start3A_128 : memref<128xi32, #tpu.memory_space<vmem>>) semaphore(%run_scoped3A : memref<!tpu.dma_semaphore, #tpu.memory_space<semaphore_mem>>) {add = true}
        %dma_wait3A_132 = arith.constant 0 : i32
        %dma_wait3A_133 = tpu.memref_slice %arg8[%add3A_94, %dma_wait3A_132] : memref<80x128xi32, #tpu.memory_space<vmem>> -> memref<1x128xi32, #tpu.memory_space<vmem>>
        %dma_wait3A_134 = tpu.memref_squeeze %dma_wait3A_133 : memref<1x128xi32, #tpu.memory_space<vmem>> -> memref<128xi32, #tpu.memory_space<vmem>>
        %dma_wait3A_135 = arith.constant 0 : i32
        %dma_wait3A_136 = arith.constant 0 : i32
        %dma_wait3A_137 = tpu.memref_slice %arg16[%dma_wait3A_135, %dma_wait3A_136] : memref<10240x64xf32, #tpu.memory_space<vmem_shared>> -> memref<10240x64xf32, #tpu.memory_space<vmem_shared>>
        tpu.wait_indirect_dma semaphore(%run_scoped3A : memref<!tpu.dma_semaphore, #tpu.memory_space<semaphore_mem>>) src(%arg11 : memref<128x64xf32, #tpu.memory_space<vmem>>) dst(%dma_wait3A_137 : memref<10240x64xf32, #tpu.memory_space<vmem_shared>>)
        tpu.yield
      }) : () -> ()
      %add3A_101 = arith.constant 4 : i32
      %add3A_102 = arith.addi %add3A_94, %add3A_101 : i32
      %lt3A_103 = arith.constant 80 : i32
      %lt3A_104 = arith.cmpi slt, %add3A_102, %lt3A_103 : i32
      %convert_element_type3A_105 = arith.extui %lt3A_104 : i1 to i32
      %cond3A_106 = arith.constant 0 : i32
      %cond3A_107 = arith.cmpi ne, %convert_element_type3A_105, %cond3A_106 : i32
      scf.if %cond3A_107 {
        %add3A_126 = arith.constant 4 : i32
        %add3A_127 = arith.addi %add3A_94, %add3A_126 : i32
        %dma_start3A_128 = arith.constant 0 : i32
        %dma_start3A_129 = tpu.memref_slice %arg7[%add3A_127, %dma_start3A_128] : memref<80x128xi32, #tpu.memory_space<vmem>> -> memref<1x128xi32, #tpu.memory_space<vmem>>
        %dma_start3A_130 = tpu.memref_squeeze %dma_start3A_129 : memref<1x128xi32, #tpu.memory_space<vmem>> -> memref<128xi32, #tpu.memory_space<vmem>>
        %dma_start3A_131 = arith.constant 0 : i32
        %dma_start3A_132 = arith.constant 0 : i32
        %dma_start3A_133 = tpu.memref_slice %arg2[%dma_start3A_131, %dma_start3A_132] : memref<20480x64xf32, #tpu.memory_space<hbm>> -> memref<20480x64xf32, #tpu.memory_space<hbm>>
        tpu.enqueue_indirect_dma source(%dma_start3A_133 : memref<20480x64xf32, #tpu.memory_space<hbm>>) target(%arg11 : memref<128x64xf32, #tpu.memory_space<vmem>>) offsets(%dma_start3A_130 : memref<128xi32, #tpu.memory_space<vmem>>) semaphore(%arg20 : memref<!tpu.dma_semaphore, #tpu.memory_space<semaphore_mem>>)
      } else {
      }
      %mul3A_108 = arith.constant 4 : i32
      %mul3A_109 = arith.muli %scan3A_59, %mul3A_108 : i32
      %add3A_110 = arith.constant 3 : i32
      %add3A_111 = arith.addi %mul3A_109, %add3A_110 : i32
      %dma_wait3A_112 = arith.constant 0 : i32
      %dma_wait3A_113 = tpu.memref_slice %arg7[%add3A_111, %dma_wait3A_112] : memref<80x128xi32, #tpu.memory_space<vmem>> -> memref<1x128xi32, #tpu.memory_space<vmem>>
      %dma_wait3A_114 = tpu.memref_squeeze %dma_wait3A_113 : memref<1x128xi32, #tpu.memory_space<vmem>> -> memref<128xi32, #tpu.memory_space<vmem>>
      %dma_wait3A_115 = arith.constant 0 : i32
      %dma_wait3A_116 = arith.constant 0 : i32
      %dma_wait3A_117 = tpu.memref_slice %arg2[%dma_wait3A_115, %dma_wait3A_116] : memref<20480x64xf32, #tpu.memory_space<hbm>> -> memref<20480x64xf32, #tpu.memory_space<hbm>>
      tpu.wait_indirect_dma semaphore(%arg21 : memref<!tpu.dma_semaphore, #tpu.memory_space<semaphore_mem>>) src(%dma_wait3A_117 : memref<20480x64xf32, #tpu.memory_space<hbm>>) dst(%arg12 : memref<128x64xf32, #tpu.memory_space<vmem>>)
      "tpu.region"() ({
        %run_scoped3A = tpu.sem_alloc : memref<!tpu.dma_semaphore, #tpu.memory_space<semaphore_mem>>
        %dma_start3A_126 = arith.constant 0 : i32
        %dma_start3A_127 = tpu.memref_slice %arg8[%add3A_111, %dma_start3A_126] : memref<80x128xi32, #tpu.memory_space<vmem>> -> memref<1x128xi32, #tpu.memory_space<vmem>>
        %dma_start3A_128 = tpu.memref_squeeze %dma_start3A_127 : memref<1x128xi32, #tpu.memory_space<vmem>> -> memref<128xi32, #tpu.memory_space<vmem>>
        %dma_start3A_129 = arith.constant 0 : i32
        %dma_start3A_130 = arith.constant 0 : i32
        %dma_start3A_131 = tpu.memref_slice %arg16[%dma_start3A_129, %dma_start3A_130] : memref<10240x64xf32, #tpu.memory_space<vmem_shared>> -> memref<10240x64xf32, #tpu.memory_space<vmem_shared>>
        tpu.enqueue_indirect_dma source(%arg12 : memref<128x64xf32, #tpu.memory_space<vmem>>) target(%dma_start3A_131 : memref<10240x64xf32, #tpu.memory_space<vmem_shared>>) offsets(%dma_start3A_128 : memref<128xi32, #tpu.memory_space<vmem>>) semaphore(%run_scoped3A : memref<!tpu.dma_semaphore, #tpu.memory_space<semaphore_mem>>) {add = true}
        %dma_wait3A_132 = arith.constant 0 : i32
        %dma_wait3A_133 = tpu.memref_slice %arg8[%add3A_111, %dma_wait3A_132] : memref<80x128xi32, #tpu.memory_space<vmem>> -> memref<1x128xi32, #tpu.memory_space<vmem>>
        %dma_wait3A_134 = tpu.memref_squeeze %dma_wait3A_133 : memref<1x128xi32, #tpu.memory_space<vmem>> -> memref<128xi32, #tpu.memory_space<vmem>>
        %dma_wait3A_135 = arith.constant 0 : i32
        %dma_wait3A_136 = arith.constant 0 : i32
        %dma_wait3A_137 = tpu.memref_slice %arg16[%dma_wait3A_135, %dma_wait3A_136] : memref<10240x64xf32, #tpu.memory_space<vmem_shared>> -> memref<10240x64xf32, #tpu.memory_space<vmem_shared>>
        tpu.wait_indirect_dma semaphore(%run_scoped3A : memref<!tpu.dma_semaphore, #tpu.memory_space<semaphore_mem>>) src(%arg12 : memref<128x64xf32, #tpu.memory_space<vmem>>) dst(%dma_wait3A_137 : memref<10240x64xf32, #tpu.memory_space<vmem_shared>>)
        tpu.yield
      }) : () -> ()
      %add3A_118 = arith.constant 4 : i32
      %add3A_119 = arith.addi %add3A_111, %add3A_118 : i32
      %lt3A_120 = arith.constant 80 : i32
      %lt3A_121 = arith.cmpi slt, %add3A_119, %lt3A_120 : i32
      %convert_element_type3A_122 = arith.extui %lt3A_121 : i1 to i32
      %cond3A_123 = arith.constant 0 : i32
      %cond3A_124 = arith.cmpi ne, %convert_element_type3A_122, %cond3A_123 : i32
      scf.if %cond3A_124 {
        %add3A_126 = arith.constant 4 : i32
        %add3A_127 = arith.addi %add3A_111, %add3A_126 : i32
        %dma_start3A_128 = arith.constant 0 : i32
        %dma_start3A_129 = tpu.memref_slice %arg7[%add3A_127, %dma_start3A_128] : memref<80x128xi32, #tpu.memory_space<vmem>> -> memref<1x128xi32, #tpu.memory_space<vmem>>
        %dma_start3A_130 = tpu.memref_squeeze %dma_start3A_129 : memref<1x128xi32, #tpu.memory_space<vmem>> -> memref<128xi32, #tpu.memory_space<vmem>>
        %dma_start3A_131 = arith.constant 0 : i32
        %dma_start3A_132 = arith.constant 0 : i32
        %dma_start3A_133 = tpu.memref_slice %arg2[%dma_start3A_131, %dma_start3A_132] : memref<20480x64xf32, #tpu.memory_space<hbm>> -> memref<20480x64xf32, #tpu.memory_space<hbm>>
        tpu.enqueue_indirect_dma source(%dma_start3A_133 : memref<20480x64xf32, #tpu.memory_space<hbm>>) target(%arg12 : memref<128x64xf32, #tpu.memory_space<vmem>>) offsets(%dma_start3A_130 : memref<128xi32, #tpu.memory_space<vmem>>) semaphore(%arg21 : memref<!tpu.dma_semaphore, #tpu.memory_space<semaphore_mem>>)
      } else {
      }
      %scan3A_125 = arith.constant 0 : i32
      scf.yield %scan3A_125 : i32
    }
    %scan3A_50 = arith.constant 20 : i32
    %barrier3A_51 = arith.constant 0 : index
    tpu.barrier barrier_id(%barrier3A_51)
    %scan3A_52 = arith.constant 0 : i32
    %scan3A_53 = arith.constant 0 : i32
    %scan3A_54 = arith.constant 5 : i32
    %scan3A_55 = arith.addi %scan3A_53, %scan3A_54 : i32
    %scan3A_56 = arith.constant 1 : i32
    %scan3A_57 = scf.for %scan3A_59 = %scan3A_53 to %scan3A_55 step %scan3A_56 iter_args(%scan3A_60 = %scan3A_52) -> (i32)  : i32 {
      %mul3A_61 = arith.constant 640 : i32
      %mul3A_62 = arith.muli %arg1, %mul3A_61 : i32
      %mul3A_63 = arith.constant 128 : i32
      %mul3A_64 = arith.muli %scan3A_59, %mul3A_63 : i32
      %add3A_65 = arith.addi %mul3A_62, %mul3A_64 : i32
      "tpu.region"() ({
        %run_scoped3A = tpu.sem_alloc : memref<!tpu.dma_semaphore, #tpu.memory_space<semaphore_mem>>
        %dma_start3A_70 = arith.constant 0 : i32
        %dma_start3A_71 = tpu.memref_slice %arg16[%add3A_65, %dma_start3A_70] : memref<10240x64xf32, #tpu.memory_space<vmem_shared>> -> memref<128x64xf32, #tpu.memory_space<vmem_shared>>
        %dma_start3A_72 = arith.constant 0 : i32
        %dma_start3A_73 = tpu.memref_slice %arg16[%add3A_65, %dma_start3A_72] : memref<10240x64xf32, #tpu.memory_space<vmem_shared>> -> memref<128x64xf32, #tpu.memory_space<vmem_shared>>
        tpu.enqueue_dma source(%dma_start3A_73 : memref<128x64xf32, #tpu.memory_space<vmem_shared>>) target(%arg14 : memref<128x64xf32, #tpu.memory_space<vmem>>) target_semaphore(%run_scoped3A : memref<!tpu.dma_semaphore, #tpu.memory_space<semaphore_mem>>)
        %dma_wait3A = arith.constant 0 : i32
        %dma_wait3A_74 = tpu.memref_slice %arg16[%add3A_65, %dma_wait3A] : memref<10240x64xf32, #tpu.memory_space<vmem_shared>> -> memref<128x64xf32, #tpu.memory_space<vmem_shared>>
        %dma_wait3A_75 = arith.constant 0 : i32
        %dma_wait3A_76 = tpu.memref_slice %arg16[%add3A_65, %dma_wait3A_75] : memref<10240x64xf32, #tpu.memory_space<vmem_shared>> -> memref<128x64xf32, #tpu.memory_space<vmem_shared>>
        tpu.wait_dma2 semaphore(%run_scoped3A : memref<!tpu.dma_semaphore, #tpu.memory_space<semaphore_mem>>) src(%dma_wait3A_76 : memref<128x64xf32, #tpu.memory_space<vmem_shared>>) dst(%arg14 : memref<128x64xf32, #tpu.memory_space<vmem>>)
        tpu.yield
      }) : () -> ()
      %mul3A_66 = arith.constant 10240 : i32
      %mul3A_67 = arith.muli %arg0, %mul3A_66 : i32
      %add3A_68 = arith.addi %mul3A_67, %add3A_65 : i32
      "tpu.region"() ({
        %run_scoped3A = tpu.sem_alloc : memref<!tpu.dma_semaphore, #tpu.memory_space<semaphore_mem>>
        %dma_start3A_70 = arith.constant 0 : i32
        %dma_start3A_71 = tpu.memref_slice %arg5[%add3A_68, %dma_start3A_70] : memref<20480x64xf32, #tpu.memory_space<hbm>> -> memref<128x64xf32, #tpu.memory_space<hbm>>
        %dma_start3A_72 = arith.constant 0 : i32
        %dma_start3A_73 = tpu.memref_slice %arg5[%add3A_68, %dma_start3A_72] : memref<20480x64xf32, #tpu.memory_space<hbm>> -> memref<128x64xf32, #tpu.memory_space<hbm>>
        tpu.enqueue_dma source(%arg14 : memref<128x64xf32, #tpu.memory_space<vmem>>) target(%dma_start3A_73 : memref<128x64xf32, #tpu.memory_space<hbm>>) target_semaphore(%run_scoped3A : memref<!tpu.dma_semaphore, #tpu.memory_space<semaphore_mem>>)
        %dma_wait3A = arith.constant 0 : i32
        %dma_wait3A_74 = tpu.memref_slice %arg5[%add3A_68, %dma_wait3A] : memref<20480x64xf32, #tpu.memory_space<hbm>> -> memref<128x64xf32, #tpu.memory_space<hbm>>
        %dma_wait3A_75 = arith.constant 0 : i32
        %dma_wait3A_76 = tpu.memref_slice %arg5[%add3A_68, %dma_wait3A_75] : memref<20480x64xf32, #tpu.memory_space<hbm>> -> memref<128x64xf32, #tpu.memory_space<hbm>>
        tpu.wait_dma2 semaphore(%run_scoped3A : memref<!tpu.dma_semaphore, #tpu.memory_space<semaphore_mem>>) src(%arg14 : memref<128x64xf32, #tpu.memory_space<vmem>>) dst(%dma_wait3A_76 : memref<128x64xf32, #tpu.memory_space<hbm>>)
        tpu.yield
      }) : () -> ()
      %scan3A_69 = arith.constant 0 : i32
      scf.yield %scan3A_69 : i32
    }
    %scan3A_58 = arith.constant 5 : i32
    return
  }
}

#map = affine_map<(d0, d1) -> (0, 0)>
module attributes {stable_mosaic.version = 14 : i64} {
  func.func @_sc_agg_body(%arg0: i32, %arg1: i32, %arg2: memref<20480x64xf32, #tpu.memory_space<hbm>>, %arg3: memref<2560x128xi32, #tpu.memory_space<hbm>>, %arg4: memref<2560x128xi32, #tpu.memory_space<hbm>>, %arg5: memref<20480x64xf32, #tpu.memory_space<hbm>>, %arg6: memref<20480x16xf32, #tpu.memory_space<hbm>>, %arg7: memref<80x128xi32, #tpu.memory_space<vmem>>, %arg8: memref<80x128xi32, #tpu.memory_space<vmem>>, %arg9: memref<128x64xf32, #tpu.memory_space<vmem>>, %arg10: memref<128x64xf32, #tpu.memory_space<vmem>>, %arg11: memref<128x64xf32, #tpu.memory_space<vmem>>, %arg12: memref<128x64xf32, #tpu.memory_space<vmem>>, %arg13: memref<128x16xf32, #tpu.memory_space<vmem>>, %arg14: memref<128x64xf32, #tpu.memory_space<vmem>>, %arg15: memref<128x16xf32, #tpu.memory_space<vmem>>, %arg16: memref<10240x64xf32, #tpu.memory_space<vmem_shared>>, %arg17: memref<10240x16xf32, #tpu.memory_space<vmem_shared>>, %arg18: memref<!tpu.dma_semaphore, #tpu.memory_space<semaphore_mem>>, %arg19: memref<!tpu.dma_semaphore, #tpu.memory_space<semaphore_mem>>, %arg20: memref<!tpu.dma_semaphore, #tpu.memory_space<semaphore_mem>>, %arg21: memref<!tpu.dma_semaphore, #tpu.memory_space<semaphore_mem>>) attributes {dimension_semantics = [#tpu.dimension_semantics<core_parallel>, #tpu.dimension_semantics<subcore_parallel>], iteration_bounds = array<i64: 2, 16>, scalar_prefetch = 0 : i64, scratch_operands = 15 : i64, tpu.core_type = #tpu.core_type<sc_vector_subcore>, window_params = [{transform_indices = #map}, {transform_indices = #map}, {transform_indices = #map}, {transform_indices = #map}, {transform_indices = #map}]} {
    %broadcast_in_dim3A = arith.constant 0.000000e+00 : f32
    %broadcast_in_dim3A_0 = vector.broadcast %broadcast_in_dim3A : f32 to vector<16xf32>
    %scan3A = arith.constant 0 : i32
    %scan3A_1 = arith.constant 0 : i32
    %scan3A_2 = arith.constant 128 : i32
    %scan3A_3 = arith.addi %scan3A_1, %scan3A_2 : i32
    %scan3A_4 = arith.constant 1 : i32
    %scan3A_5 = scf.for %scan3A_59 = %scan3A_1 to %scan3A_3 step %scan3A_4 iter_args(%scan3A_60 = %scan3A) -> (i32)  : i32 {
      %scan3A_61 = arith.constant 0 : i32
      %scan3A_62 = arith.constant 0 : i32
      %scan3A_63 = arith.constant 4 : i32
      %scan3A_64 = arith.addi %scan3A_62, %scan3A_63 : i32
      %scan3A_65 = arith.constant 1 : i32
      %scan3A_66 = scf.for %scan3A_69 = %scan3A_62 to %scan3A_64 step %scan3A_65 iter_args(%scan3A_70 = %scan3A_61) -> (i32)  : i32 {
        %mul3A_71 = arith.constant 16 : i32
        %mul3A_72 = arith.muli %scan3A_69, %mul3A_71 : i32
        %swap3A = arith.index_cast %scan3A_59 : i32 to index
        %swap3A_73 = arith.index_cast %mul3A_72 : i32 to index
        %swap3A_74 = tpu.vector_load %arg14[%swap3A, %swap3A_73] {strides = array<i32>} : memref<128x64xf32, #tpu.memory_space<vmem>>, vector<1x16xf32>,
        %swap3A_75 = vector.shape_cast %swap3A_74 : vector<1x16xf32> to vector<16xf32>
        %swap3A_76 = vector.shape_cast %broadcast_in_dim3A_0 : vector<16xf32> to vector<1x16xf32>
        tpu.vector_store %arg14[%swap3A, %swap3A_73], %swap3A_76 {strides = array<i32>} : memref<128x64xf32, #tpu.memory_space<vmem>>, vector<1x16xf32>,
        %scan3A_77 = arith.constant 0 : i32
        scf.yield %scan3A_77 : i32
      }
      %scan3A_67 = arith.constant 4 : i32
      %scan3A_68 = arith.constant 0 : i32
      scf.yield %scan3A_68 : i32
    }
    %scan3A_6 = arith.constant 128 : i32
    %scan3A_7 = arith.constant 0 : i32
    %scan3A_8 = arith.constant 0 : i32
    %scan3A_9 = arith.constant 5 : i32
    %scan3A_10 = arith.addi %scan3A_8, %scan3A_9 : i32
    %scan3A_11 = arith.constant 1 : i32
    %scan3A_12 = scf.for %scan3A_59 = %scan3A_8 to %scan3A_10 step %scan3A_11 iter_args(%scan3A_60 = %scan3A_7) -> (i32)  : i32 {
      %mul3A_61 = arith.constant 640 : i32
      %mul3A_62 = arith.muli %arg1, %mul3A_61 : i32
      %mul3A_63 = arith.constant 128 : i32
      %mul3A_64 = arith.muli %scan3A_59, %mul3A_63 : i32
      %add3A_65 = arith.addi %mul3A_62, %mul3A_64 : i32
      "tpu.region"() ({
        %run_scoped3A = tpu.sem_alloc : memref<!tpu.dma_semaphore, #tpu.memory_space<semaphore_mem>>
        %dma_start3A_67 = arith.constant 0 : i32
        %dma_start3A_68 = tpu.memref_slice %arg16[%add3A_65, %dma_start3A_67] : memref<10240x64xf32, #tpu.memory_space<vmem_shared>> -> memref<128x64xf32, #tpu.memory_space<vmem_shared>>
        %dma_start3A_69 = arith.constant 0 : i32
        %dma_start3A_70 = tpu.memref_slice %arg16[%add3A_65, %dma_start3A_69] : memref<10240x64xf32, #tpu.memory_space<vmem_shared>> -> memref<128x64xf32, #tpu.memory_space<vmem_shared>>
        tpu.enqueue_dma source(%arg14 : memref<128x64xf32, #tpu.memory_space<vmem>>) target(%dma_start3A_70 : memref<128x64xf32, #tpu.memory_space<vmem_shared>>) target_semaphore(%run_scoped3A : memref<!tpu.dma_semaphore, #tpu.memory_space<semaphore_mem>>)
        %dma_wait3A = arith.constant 0 : i32
        %dma_wait3A_71 = tpu.memref_slice %arg16[%add3A_65, %dma_wait3A] : memref<10240x64xf32, #tpu.memory_space<vmem_shared>> -> memref<128x64xf32, #tpu.memory_space<vmem_shared>>
        %dma_wait3A_72 = arith.constant 0 : i32
        %dma_wait3A_73 = tpu.memref_slice %arg16[%add3A_65, %dma_wait3A_72] : memref<10240x64xf32, #tpu.memory_space<vmem_shared>> -> memref<128x64xf32, #tpu.memory_space<vmem_shared>>
        tpu.wait_dma2 semaphore(%run_scoped3A : memref<!tpu.dma_semaphore, #tpu.memory_space<semaphore_mem>>) src(%arg14 : memref<128x64xf32, #tpu.memory_space<vmem>>) dst(%dma_wait3A_73 : memref<128x64xf32, #tpu.memory_space<vmem_shared>>)
        tpu.yield
      }) : () -> ()
      %scan3A_66 = arith.constant 0 : i32
      scf.yield %scan3A_66 : i32
    }
    %scan3A_13 = arith.constant 5 : i32
    %barrier3A = arith.constant 0 : index
    tpu.barrier barrier_id(%barrier3A)
    %mul3A = arith.constant 16 : i32
    %mul3A_14 = arith.muli %arg0, %mul3A : i32
    %add3A = arith.addi %mul3A_14, %arg1 : i32
    %mul3A_15 = arith.constant 80 : i32
    %mul3A_16 = arith.muli %add3A, %mul3A_15 : i32
    "tpu.region"() ({
      %run_scoped3A = tpu.sem_alloc : memref<!tpu.dma_semaphore, #tpu.memory_space<semaphore_mem>>
      %dma_start3A_59 = arith.constant 0 : i32
      %dma_start3A_60 = tpu.memref_slice %arg3[%mul3A_16, %dma_start3A_59] : memref<2560x128xi32, #tpu.memory_space<hbm>> -> memref<80x128xi32, #tpu.memory_space<hbm>>
      %dma_start3A_61 = arith.constant 0 : i32
      %dma_start3A_62 = tpu.memref_slice %arg3[%mul3A_16, %dma_start3A_61] : memref<2560x128xi32, #tpu.memory_space<hbm>> -> memref<80x128xi32, #tpu.memory_space<hbm>>
      tpu.enqueue_dma source(%dma_start3A_62 : memref<80x128xi32, #tpu.memory_space<hbm>>) target(%arg7 : memref<80x128xi32, #tpu.memory_space<vmem>>) target_semaphore(%run_scoped3A : memref<!tpu.dma_semaphore, #tpu.memory_space<semaphore_mem>>)
      %dma_wait3A = arith.constant 0 : i32
      %dma_wait3A_63 = tpu.memref_slice %arg3[%mul3A_16, %dma_wait3A] : memref<2560x128xi32, #tpu.memory_space<hbm>> -> memref<80x128xi32, #tpu.memory_space<hbm>>
      %dma_wait3A_64 = arith.constant 0 : i32
      %dma_wait3A_65 = tpu.memref_slice %arg3[%mul3A_16, %dma_wait3A_64] : memref<2560x128xi32, #tpu.memory_space<hbm>> -> memref<80x128xi32, #tpu.memory_space<hbm>>
      tpu.wait_dma2 semaphore(%run_scoped3A : memref<!tpu.dma_semaphore, #tpu.memory_space<semaphore_mem>>) src(%dma_wait3A_65 : memref<80x128xi32, #tpu.memory_space<hbm>>) dst(%arg7 : memref<80x128xi32, #tpu.memory_space<vmem>>)
      tpu.yield
    }) : () -> ()
    "tpu.region"() ({
      %run_scoped3A = tpu.sem_alloc : memref<!tpu.dma_semaphore, #tpu.memory_space<semaphore_mem>>
      %dma_start3A_59 = arith.constant 0 : i32
      %dma_start3A_60 = tpu.memref_slice %arg4[%mul3A_16, %dma_start3A_59] : memref<2560x128xi32, #tpu.memory_space<hbm>> -> memref<80x128xi32, #tpu.memory_space<hbm>>
      %dma_start3A_61 = arith.constant 0 : i32
      %dma_start3A_62 = tpu.memref_slice %arg4[%mul3A_16, %dma_start3A_61] : memref<2560x128xi32, #tpu.memory_space<hbm>> -> memref<80x128xi32, #tpu.memory_space<hbm>>
      tpu.enqueue_dma source(%dma_start3A_62 : memref<80x128xi32, #tpu.memory_space<hbm>>) target(%arg8 : memref<80x128xi32, #tpu.memory_space<vmem>>) target_semaphore(%run_scoped3A : memref<!tpu.dma_semaphore, #tpu.memory_space<semaphore_mem>>)
      %dma_wait3A = arith.constant 0 : i32
      %dma_wait3A_63 = tpu.memref_slice %arg4[%mul3A_16, %dma_wait3A] : memref<2560x128xi32, #tpu.memory_space<hbm>> -> memref<80x128xi32, #tpu.memory_space<hbm>>
      %dma_wait3A_64 = arith.constant 0 : i32
      %dma_wait3A_65 = tpu.memref_slice %arg4[%mul3A_16, %dma_wait3A_64] : memref<2560x128xi32, #tpu.memory_space<hbm>> -> memref<80x128xi32, #tpu.memory_space<hbm>>
      tpu.wait_dma2 semaphore(%run_scoped3A : memref<!tpu.dma_semaphore, #tpu.memory_space<semaphore_mem>>) src(%dma_wait3A_65 : memref<80x128xi32, #tpu.memory_space<hbm>>) dst(%arg8 : memref<80x128xi32, #tpu.memory_space<vmem>>)
      tpu.yield
    }) : () -> ()
    %dma_start3A = arith.constant 0 : i32
    %dma_start3A_17 = arith.constant 0 : i32
    %dma_start3A_18 = tpu.memref_slice %arg7[%dma_start3A, %dma_start3A_17] : memref<80x128xi32, #tpu.memory_space<vmem>> -> memref<1x128xi32, #tpu.memory_space<vmem>>
    %dma_start3A_19 = tpu.memref_squeeze %dma_start3A_18 : memref<1x128xi32, #tpu.memory_space<vmem>> -> memref<128xi32, #tpu.memory_space<vmem>>
    %dma_start3A_20 = arith.constant 0 : i32
    %dma_start3A_21 = arith.constant 0 : i32
    %dma_start3A_22 = tpu.memref_slice %arg2[%dma_start3A_20, %dma_start3A_21] : memref<20480x64xf32, #tpu.memory_space<hbm>> -> memref<20480x64xf32, #tpu.memory_space<hbm>>
    tpu.enqueue_indirect_dma source(%dma_start3A_22 : memref<20480x64xf32, #tpu.memory_space<hbm>>) target(%arg9 : memref<128x64xf32, #tpu.memory_space<vmem>>) offsets(%dma_start3A_19 : memref<128xi32, #tpu.memory_space<vmem>>) semaphore(%arg18 : memref<!tpu.dma_semaphore, #tpu.memory_space<semaphore_mem>>)
    %dma_start3A_23 = arith.constant 1 : i32
    %dma_start3A_24 = arith.constant 0 : i32
    %dma_start3A_25 = tpu.memref_slice %arg7[%dma_start3A_23, %dma_start3A_24] : memref<80x128xi32, #tpu.memory_space<vmem>> -> memref<1x128xi32, #tpu.memory_space<vmem>>
    %dma_start3A_26 = tpu.memref_squeeze %dma_start3A_25 : memref<1x128xi32, #tpu.memory_space<vmem>> -> memref<128xi32, #tpu.memory_space<vmem>>
    %dma_start3A_27 = arith.constant 0 : i32
    %dma_start3A_28 = arith.constant 0 : i32
    %dma_start3A_29 = tpu.memref_slice %arg2[%dma_start3A_27, %dma_start3A_28] : memref<20480x64xf32, #tpu.memory_space<hbm>> -> memref<20480x64xf32, #tpu.memory_space<hbm>>
    tpu.enqueue_indirect_dma source(%dma_start3A_29 : memref<20480x64xf32, #tpu.memory_space<hbm>>) target(%arg10 : memref<128x64xf32, #tpu.memory_space<vmem>>) offsets(%dma_start3A_26 : memref<128xi32, #tpu.memory_space<vmem>>) semaphore(%arg19 : memref<!tpu.dma_semaphore, #tpu.memory_space<semaphore_mem>>)
    %dma_start3A_30 = arith.constant 2 : i32
    %dma_start3A_31 = arith.constant 0 : i32
    %dma_start3A_32 = tpu.memref_slice %arg7[%dma_start3A_30, %dma_start3A_31] : memref<80x128xi32, #tpu.memory_space<vmem>> -> memref<1x128xi32, #tpu.memory_space<vmem>>
    %dma_start3A_33 = tpu.memref_squeeze %dma_start3A_32 : memref<1x128xi32, #tpu.memory_space<vmem>> -> memref<128xi32, #tpu.memory_space<vmem>>
    %dma_start3A_34 = arith.constant 0 : i32
    %dma_start3A_35 = arith.constant 0 : i32
    %dma_start3A_36 = tpu.memref_slice %arg2[%dma_start3A_34, %dma_start3A_35] : memref<20480x64xf32, #tpu.memory_space<hbm>> -> memref<20480x64xf32, #tpu.memory_space<hbm>>
    tpu.enqueue_indirect_dma source(%dma_start3A_36 : memref<20480x64xf32, #tpu.memory_space<hbm>>) target(%arg11 : memref<128x64xf32, #tpu.memory_space<vmem>>) offsets(%dma_start3A_33 : memref<128xi32, #tpu.memory_space<vmem>>) semaphore(%arg20 : memref<!tpu.dma_semaphore, #tpu.memory_space<semaphore_mem>>)
    %dma_start3A_37 = arith.constant 3 : i32
    %dma_start3A_38 = arith.constant 0 : i32
    %dma_start3A_39 = tpu.memref_slice %arg7[%dma_start3A_37, %dma_start3A_38] : memref<80x128xi32, #tpu.memory_space<vmem>> -> memref<1x128xi32, #tpu.memory_space<vmem>>
    %dma_start3A_40 = tpu.memref_squeeze %dma_start3A_39 : memref<1x128xi32, #tpu.memory_space<vmem>> -> memref<128xi32, #tpu.memory_space<vmem>>
    %dma_start3A_41 = arith.constant 0 : i32
    %dma_start3A_42 = arith.constant 0 : i32
    %dma_start3A_43 = tpu.memref_slice %arg2[%dma_start3A_41, %dma_start3A_42] : memref<20480x64xf32, #tpu.memory_space<hbm>> -> memref<20480x64xf32, #tpu.memory_space<hbm>>
    tpu.enqueue_indirect_dma source(%dma_start3A_43 : memref<20480x64xf32, #tpu.memory_space<hbm>>) target(%arg12 : memref<128x64xf32, #tpu.memory_space<vmem>>) offsets(%dma_start3A_40 : memref<128xi32, #tpu.memory_space<vmem>>) semaphore(%arg21 : memref<!tpu.dma_semaphore, #tpu.memory_space<semaphore_mem>>)
    %scan3A_44 = arith.constant 0 : i32
    %scan3A_45 = arith.constant 0 : i32
    %scan3A_46 = arith.constant 20 : i32
    %scan3A_47 = arith.addi %scan3A_45, %scan3A_46 : i32
    %scan3A_48 = arith.constant 1 : i32
    %scan3A_49 = scf.for %scan3A_59 = %scan3A_45 to %scan3A_47 step %scan3A_48 iter_args(%scan3A_60 = %scan3A_44) -> (i32)  : i32 {
      %mul3A_61 = arith.constant 4 : i32
      %mul3A_62 = arith.muli %scan3A_59, %mul3A_61 : i32
      %add3A_63 = arith.constant 0 : i32
      %add3A_64 = arith.addi %mul3A_62, %add3A_63 : i32
      %dma_wait3A = arith.constant 0 : i32
      %dma_wait3A_65 = tpu.memref_slice %arg7[%add3A_64, %dma_wait3A] : memref<80x128xi32, #tpu.memory_space<vmem>> -> memref<1x128xi32, #tpu.memory_space<vmem>>
      %dma_wait3A_66 = tpu.memref_squeeze %dma_wait3A_65 : memref<1x128xi32, #tpu.memory_space<vmem>> -> memref<128xi32, #tpu.memory_space<vmem>>
      %dma_wait3A_67 = arith.constant 0 : i32
      %dma_wait3A_68 = arith.constant 0 : i32
      %dma_wait3A_69 = tpu.memref_slice %arg2[%dma_wait3A_67, %dma_wait3A_68] : memref<20480x64xf32, #tpu.memory_space<hbm>> -> memref<20480x64xf32, #tpu.memory_space<hbm>>
      tpu.wait_indirect_dma semaphore(%arg18 : memref<!tpu.dma_semaphore, #tpu.memory_space<semaphore_mem>>) src(%dma_wait3A_69 : memref<20480x64xf32, #tpu.memory_space<hbm>>) dst(%arg9 : memref<128x64xf32, #tpu.memory_space<vmem>>)
      "tpu.region"() ({
        %run_scoped3A = tpu.sem_alloc : memref<!tpu.dma_semaphore, #tpu.memory_space<semaphore_mem>>
        %dma_start3A_126 = arith.constant 0 : i32
        %dma_start3A_127 = tpu.memref_slice %arg8[%add3A_64, %dma_start3A_126] : memref<80x128xi32, #tpu.memory_space<vmem>> -> memref<1x128xi32, #tpu.memory_space<vmem>>
        %dma_start3A_128 = tpu.memref_squeeze %dma_start3A_127 : memref<1x128xi32, #tpu.memory_space<vmem>> -> memref<128xi32, #tpu.memory_space<vmem>>
        %dma_start3A_129 = arith.constant 0 : i32
        %dma_start3A_130 = arith.constant 0 : i32
        %dma_start3A_131 = tpu.memref_slice %arg16[%dma_start3A_129, %dma_start3A_130] : memref<10240x64xf32, #tpu.memory_space<vmem_shared>> -> memref<10240x64xf32, #tpu.memory_space<vmem_shared>>
        tpu.enqueue_indirect_dma source(%arg9 : memref<128x64xf32, #tpu.memory_space<vmem>>) target(%dma_start3A_131 : memref<10240x64xf32, #tpu.memory_space<vmem_shared>>) offsets(%dma_start3A_128 : memref<128xi32, #tpu.memory_space<vmem>>) semaphore(%run_scoped3A : memref<!tpu.dma_semaphore, #tpu.memory_space<semaphore_mem>>) {add = true}
        %dma_wait3A_132 = arith.constant 0 : i32
        %dma_wait3A_133 = tpu.memref_slice %arg8[%add3A_64, %dma_wait3A_132] : memref<80x128xi32, #tpu.memory_space<vmem>> -> memref<1x128xi32, #tpu.memory_space<vmem>>
        %dma_wait3A_134 = tpu.memref_squeeze %dma_wait3A_133 : memref<1x128xi32, #tpu.memory_space<vmem>> -> memref<128xi32, #tpu.memory_space<vmem>>
        %dma_wait3A_135 = arith.constant 0 : i32
        %dma_wait3A_136 = arith.constant 0 : i32
        %dma_wait3A_137 = tpu.memref_slice %arg16[%dma_wait3A_135, %dma_wait3A_136] : memref<10240x64xf32, #tpu.memory_space<vmem_shared>> -> memref<10240x64xf32, #tpu.memory_space<vmem_shared>>
        tpu.wait_indirect_dma semaphore(%run_scoped3A : memref<!tpu.dma_semaphore, #tpu.memory_space<semaphore_mem>>) src(%arg9 : memref<128x64xf32, #tpu.memory_space<vmem>>) dst(%dma_wait3A_137 : memref<10240x64xf32, #tpu.memory_space<vmem_shared>>)
        tpu.yield
      }) : () -> ()
      %add3A_70 = arith.constant 4 : i32
      %add3A_71 = arith.addi %add3A_64, %add3A_70 : i32
      %lt3A = arith.constant 80 : i32
      %lt3A_72 = arith.cmpi slt, %add3A_71, %lt3A : i32
      %convert_element_type3A = arith.extui %lt3A_72 : i1 to i32
      %cond3A = arith.constant 0 : i32
      %cond3A_73 = arith.cmpi ne, %convert_element_type3A, %cond3A : i32
      scf.if %cond3A_73 {
        %add3A_126 = arith.constant 4 : i32
        %add3A_127 = arith.addi %add3A_64, %add3A_126 : i32
        %dma_start3A_128 = arith.constant 0 : i32
        %dma_start3A_129 = tpu.memref_slice %arg7[%add3A_127, %dma_start3A_128] : memref<80x128xi32, #tpu.memory_space<vmem>> -> memref<1x128xi32, #tpu.memory_space<vmem>>
        %dma_start3A_130 = tpu.memref_squeeze %dma_start3A_129 : memref<1x128xi32, #tpu.memory_space<vmem>> -> memref<128xi32, #tpu.memory_space<vmem>>
        %dma_start3A_131 = arith.constant 0 : i32
        %dma_start3A_132 = arith.constant 0 : i32
        %dma_start3A_133 = tpu.memref_slice %arg2[%dma_start3A_131, %dma_start3A_132] : memref<20480x64xf32, #tpu.memory_space<hbm>> -> memref<20480x64xf32, #tpu.memory_space<hbm>>
        tpu.enqueue_indirect_dma source(%dma_start3A_133 : memref<20480x64xf32, #tpu.memory_space<hbm>>) target(%arg9 : memref<128x64xf32, #tpu.memory_space<vmem>>) offsets(%dma_start3A_130 : memref<128xi32, #tpu.memory_space<vmem>>) semaphore(%arg18 : memref<!tpu.dma_semaphore, #tpu.memory_space<semaphore_mem>>)
      } else {
      }
      %mul3A_74 = arith.constant 4 : i32
      %mul3A_75 = arith.muli %scan3A_59, %mul3A_74 : i32
      %add3A_76 = arith.constant 1 : i32
      %add3A_77 = arith.addi %mul3A_75, %add3A_76 : i32
      %dma_wait3A_78 = arith.constant 0 : i32
      %dma_wait3A_79 = tpu.memref_slice %arg7[%add3A_77, %dma_wait3A_78] : memref<80x128xi32, #tpu.memory_space<vmem>> -> memref<1x128xi32, #tpu.memory_space<vmem>>
      %dma_wait3A_80 = tpu.memref_squeeze %dma_wait3A_79 : memref<1x128xi32, #tpu.memory_space<vmem>> -> memref<128xi32, #tpu.memory_space<vmem>>
      %dma_wait3A_81 = arith.constant 0 : i32
      %dma_wait3A_82 = arith.constant 0 : i32
      %dma_wait3A_83 = tpu.memref_slice %arg2[%dma_wait3A_81, %dma_wait3A_82] : memref<20480x64xf32, #tpu.memory_space<hbm>> -> memref<20480x64xf32, #tpu.memory_space<hbm>>
      tpu.wait_indirect_dma semaphore(%arg19 : memref<!tpu.dma_semaphore, #tpu.memory_space<semaphore_mem>>) src(%dma_wait3A_83 : memref<20480x64xf32, #tpu.memory_space<hbm>>) dst(%arg10 : memref<128x64xf32, #tpu.memory_space<vmem>>)
      "tpu.region"() ({
        %run_scoped3A = tpu.sem_alloc : memref<!tpu.dma_semaphore, #tpu.memory_space<semaphore_mem>>
        %dma_start3A_126 = arith.constant 0 : i32
        %dma_start3A_127 = tpu.memref_slice %arg8[%add3A_77, %dma_start3A_126] : memref<80x128xi32, #tpu.memory_space<vmem>> -> memref<1x128xi32, #tpu.memory_space<vmem>>
        %dma_start3A_128 = tpu.memref_squeeze %dma_start3A_127 : memref<1x128xi32, #tpu.memory_space<vmem>> -> memref<128xi32, #tpu.memory_space<vmem>>
        %dma_start3A_129 = arith.constant 0 : i32
        %dma_start3A_130 = arith.constant 0 : i32
        %dma_start3A_131 = tpu.memref_slice %arg16[%dma_start3A_129, %dma_start3A_130] : memref<10240x64xf32, #tpu.memory_space<vmem_shared>> -> memref<10240x64xf32, #tpu.memory_space<vmem_shared>>
        tpu.enqueue_indirect_dma source(%arg10 : memref<128x64xf32, #tpu.memory_space<vmem>>) target(%dma_start3A_131 : memref<10240x64xf32, #tpu.memory_space<vmem_shared>>) offsets(%dma_start3A_128 : memref<128xi32, #tpu.memory_space<vmem>>) semaphore(%run_scoped3A : memref<!tpu.dma_semaphore, #tpu.memory_space<semaphore_mem>>) {add = true}
        %dma_wait3A_132 = arith.constant 0 : i32
        %dma_wait3A_133 = tpu.memref_slice %arg8[%add3A_77, %dma_wait3A_132] : memref<80x128xi32, #tpu.memory_space<vmem>> -> memref<1x128xi32, #tpu.memory_space<vmem>>
        %dma_wait3A_134 = tpu.memref_squeeze %dma_wait3A_133 : memref<1x128xi32, #tpu.memory_space<vmem>> -> memref<128xi32, #tpu.memory_space<vmem>>
        %dma_wait3A_135 = arith.constant 0 : i32
        %dma_wait3A_136 = arith.constant 0 : i32
        %dma_wait3A_137 = tpu.memref_slice %arg16[%dma_wait3A_135, %dma_wait3A_136] : memref<10240x64xf32, #tpu.memory_space<vmem_shared>> -> memref<10240x64xf32, #tpu.memory_space<vmem_shared>>
        tpu.wait_indirect_dma semaphore(%run_scoped3A : memref<!tpu.dma_semaphore, #tpu.memory_space<semaphore_mem>>) src(%arg10 : memref<128x64xf32, #tpu.memory_space<vmem>>) dst(%dma_wait3A_137 : memref<10240x64xf32, #tpu.memory_space<vmem_shared>>)
        tpu.yield
      }) : () -> ()
      %add3A_84 = arith.constant 4 : i32
      %add3A_85 = arith.addi %add3A_77, %add3A_84 : i32
      %lt3A_86 = arith.constant 80 : i32
      %lt3A_87 = arith.cmpi slt, %add3A_85, %lt3A_86 : i32
      %convert_element_type3A_88 = arith.extui %lt3A_87 : i1 to i32
      %cond3A_89 = arith.constant 0 : i32
      %cond3A_90 = arith.cmpi ne, %convert_element_type3A_88, %cond3A_89 : i32
      scf.if %cond3A_90 {
        %add3A_126 = arith.constant 4 : i32
        %add3A_127 = arith.addi %add3A_77, %add3A_126 : i32
        %dma_start3A_128 = arith.constant 0 : i32
        %dma_start3A_129 = tpu.memref_slice %arg7[%add3A_127, %dma_start3A_128] : memref<80x128xi32, #tpu.memory_space<vmem>> -> memref<1x128xi32, #tpu.memory_space<vmem>>
        %dma_start3A_130 = tpu.memref_squeeze %dma_start3A_129 : memref<1x128xi32, #tpu.memory_space<vmem>> -> memref<128xi32, #tpu.memory_space<vmem>>
        %dma_start3A_131 = arith.constant 0 : i32
        %dma_start3A_132 = arith.constant 0 : i32
        %dma_start3A_133 = tpu.memref_slice %arg2[%dma_start3A_131, %dma_start3A_132] : memref<20480x64xf32, #tpu.memory_space<hbm>> -> memref<20480x64xf32, #tpu.memory_space<hbm>>
        tpu.enqueue_indirect_dma source(%dma_start3A_133 : memref<20480x64xf32, #tpu.memory_space<hbm>>) target(%arg10 : memref<128x64xf32, #tpu.memory_space<vmem>>) offsets(%dma_start3A_130 : memref<128xi32, #tpu.memory_space<vmem>>) semaphore(%arg19 : memref<!tpu.dma_semaphore, #tpu.memory_space<semaphore_mem>>)
      } else {
      }
      %mul3A_91 = arith.constant 4 : i32
      %mul3A_92 = arith.muli %scan3A_59, %mul3A_91 : i32
      %add3A_93 = arith.constant 2 : i32
      %add3A_94 = arith.addi %mul3A_92, %add3A_93 : i32
      %dma_wait3A_95 = arith.constant 0 : i32
      %dma_wait3A_96 = tpu.memref_slice %arg7[%add3A_94, %dma_wait3A_95] : memref<80x128xi32, #tpu.memory_space<vmem>> -> memref<1x128xi32, #tpu.memory_space<vmem>>
      %dma_wait3A_97 = tpu.memref_squeeze %dma_wait3A_96 : memref<1x128xi32, #tpu.memory_space<vmem>> -> memref<128xi32, #tpu.memory_space<vmem>>
      %dma_wait3A_98 = arith.constant 0 : i32
      %dma_wait3A_99 = arith.constant 0 : i32
      %dma_wait3A_100 = tpu.memref_slice %arg2[%dma_wait3A_98, %dma_wait3A_99] : memref<20480x64xf32, #tpu.memory_space<hbm>> -> memref<20480x64xf32, #tpu.memory_space<hbm>>
      tpu.wait_indirect_dma semaphore(%arg20 : memref<!tpu.dma_semaphore, #tpu.memory_space<semaphore_mem>>) src(%dma_wait3A_100 : memref<20480x64xf32, #tpu.memory_space<hbm>>) dst(%arg11 : memref<128x64xf32, #tpu.memory_space<vmem>>)
      "tpu.region"() ({
        %run_scoped3A = tpu.sem_alloc : memref<!tpu.dma_semaphore, #tpu.memory_space<semaphore_mem>>
        %dma_start3A_126 = arith.constant 0 : i32
        %dma_start3A_127 = tpu.memref_slice %arg8[%add3A_94, %dma_start3A_126] : memref<80x128xi32, #tpu.memory_space<vmem>> -> memref<1x128xi32, #tpu.memory_space<vmem>>
        %dma_start3A_128 = tpu.memref_squeeze %dma_start3A_127 : memref<1x128xi32, #tpu.memory_space<vmem>> -> memref<128xi32, #tpu.memory_space<vmem>>
        %dma_start3A_129 = arith.constant 0 : i32
        %dma_start3A_130 = arith.constant 0 : i32
        %dma_start3A_131 = tpu.memref_slice %arg16[%dma_start3A_129, %dma_start3A_130] : memref<10240x64xf32, #tpu.memory_space<vmem_shared>> -> memref<10240x64xf32, #tpu.memory_space<vmem_shared>>
        tpu.enqueue_indirect_dma source(%arg11 : memref<128x64xf32, #tpu.memory_space<vmem>>) target(%dma_start3A_131 : memref<10240x64xf32, #tpu.memory_space<vmem_shared>>) offsets(%dma_start3A_128 : memref<128xi32, #tpu.memory_space<vmem>>) semaphore(%run_scoped3A : memref<!tpu.dma_semaphore, #tpu.memory_space<semaphore_mem>>) {add = true}
        %dma_wait3A_132 = arith.constant 0 : i32
        %dma_wait3A_133 = tpu.memref_slice %arg8[%add3A_94, %dma_wait3A_132] : memref<80x128xi32, #tpu.memory_space<vmem>> -> memref<1x128xi32, #tpu.memory_space<vmem>>
        %dma_wait3A_134 = tpu.memref_squeeze %dma_wait3A_133 : memref<1x128xi32, #tpu.memory_space<vmem>> -> memref<128xi32, #tpu.memory_space<vmem>>
        %dma_wait3A_135 = arith.constant 0 : i32
        %dma_wait3A_136 = arith.constant 0 : i32
        %dma_wait3A_137 = tpu.memref_slice %arg16[%dma_wait3A_135, %dma_wait3A_136] : memref<10240x64xf32, #tpu.memory_space<vmem_shared>> -> memref<10240x64xf32, #tpu.memory_space<vmem_shared>>
        tpu.wait_indirect_dma semaphore(%run_scoped3A : memref<!tpu.dma_semaphore, #tpu.memory_space<semaphore_mem>>) src(%arg11 : memref<128x64xf32, #tpu.memory_space<vmem>>) dst(%dma_wait3A_137 : memref<10240x64xf32, #tpu.memory_space<vmem_shared>>)
        tpu.yield
      }) : () -> ()
      %add3A_101 = arith.constant 4 : i32
      %add3A_102 = arith.addi %add3A_94, %add3A_101 : i32
      %lt3A_103 = arith.constant 80 : i32
      %lt3A_104 = arith.cmpi slt, %add3A_102, %lt3A_103 : i32
      %convert_element_type3A_105 = arith.extui %lt3A_104 : i1 to i32
      %cond3A_106 = arith.constant 0 : i32
      %cond3A_107 = arith.cmpi ne, %convert_element_type3A_105, %cond3A_106 : i32
      scf.if %cond3A_107 {
        %add3A_126 = arith.constant 4 : i32
        %add3A_127 = arith.addi %add3A_94, %add3A_126 : i32
        %dma_start3A_128 = arith.constant 0 : i32
        %dma_start3A_129 = tpu.memref_slice %arg7[%add3A_127, %dma_start3A_128] : memref<80x128xi32, #tpu.memory_space<vmem>> -> memref<1x128xi32, #tpu.memory_space<vmem>>
        %dma_start3A_130 = tpu.memref_squeeze %dma_start3A_129 : memref<1x128xi32, #tpu.memory_space<vmem>> -> memref<128xi32, #tpu.memory_space<vmem>>
        %dma_start3A_131 = arith.constant 0 : i32
        %dma_start3A_132 = arith.constant 0 : i32
        %dma_start3A_133 = tpu.memref_slice %arg2[%dma_start3A_131, %dma_start3A_132] : memref<20480x64xf32, #tpu.memory_space<hbm>> -> memref<20480x64xf32, #tpu.memory_space<hbm>>
        tpu.enqueue_indirect_dma source(%dma_start3A_133 : memref<20480x64xf32, #tpu.memory_space<hbm>>) target(%arg11 : memref<128x64xf32, #tpu.memory_space<vmem>>) offsets(%dma_start3A_130 : memref<128xi32, #tpu.memory_space<vmem>>) semaphore(%arg20 : memref<!tpu.dma_semaphore, #tpu.memory_space<semaphore_mem>>)
      } else {
      }
      %mul3A_108 = arith.constant 4 : i32
      %mul3A_109 = arith.muli %scan3A_59, %mul3A_108 : i32
      %add3A_110 = arith.constant 3 : i32
      %add3A_111 = arith.addi %mul3A_109, %add3A_110 : i32
      %dma_wait3A_112 = arith.constant 0 : i32
      %dma_wait3A_113 = tpu.memref_slice %arg7[%add3A_111, %dma_wait3A_112] : memref<80x128xi32, #tpu.memory_space<vmem>> -> memref<1x128xi32, #tpu.memory_space<vmem>>
      %dma_wait3A_114 = tpu.memref_squeeze %dma_wait3A_113 : memref<1x128xi32, #tpu.memory_space<vmem>> -> memref<128xi32, #tpu.memory_space<vmem>>
      %dma_wait3A_115 = arith.constant 0 : i32
      %dma_wait3A_116 = arith.constant 0 : i32
      %dma_wait3A_117 = tpu.memref_slice %arg2[%dma_wait3A_115, %dma_wait3A_116] : memref<20480x64xf32, #tpu.memory_space<hbm>> -> memref<20480x64xf32, #tpu.memory_space<hbm>>
      tpu.wait_indirect_dma semaphore(%arg21 : memref<!tpu.dma_semaphore, #tpu.memory_space<semaphore_mem>>) src(%dma_wait3A_117 : memref<20480x64xf32, #tpu.memory_space<hbm>>) dst(%arg12 : memref<128x64xf32, #tpu.memory_space<vmem>>)
      "tpu.region"() ({
        %run_scoped3A = tpu.sem_alloc : memref<!tpu.dma_semaphore, #tpu.memory_space<semaphore_mem>>
        %dma_start3A_126 = arith.constant 0 : i32
        %dma_start3A_127 = tpu.memref_slice %arg8[%add3A_111, %dma_start3A_126] : memref<80x128xi32, #tpu.memory_space<vmem>> -> memref<1x128xi32, #tpu.memory_space<vmem>>
        %dma_start3A_128 = tpu.memref_squeeze %dma_start3A_127 : memref<1x128xi32, #tpu.memory_space<vmem>> -> memref<128xi32, #tpu.memory_space<vmem>>
        %dma_start3A_129 = arith.constant 0 : i32
        %dma_start3A_130 = arith.constant 0 : i32
        %dma_start3A_131 = tpu.memref_slice %arg16[%dma_start3A_129, %dma_start3A_130] : memref<10240x64xf32, #tpu.memory_space<vmem_shared>> -> memref<10240x64xf32, #tpu.memory_space<vmem_shared>>
        tpu.enqueue_indirect_dma source(%arg12 : memref<128x64xf32, #tpu.memory_space<vmem>>) target(%dma_start3A_131 : memref<10240x64xf32, #tpu.memory_space<vmem_shared>>) offsets(%dma_start3A_128 : memref<128xi32, #tpu.memory_space<vmem>>) semaphore(%run_scoped3A : memref<!tpu.dma_semaphore, #tpu.memory_space<semaphore_mem>>) {add = true}
        %dma_wait3A_132 = arith.constant 0 : i32
        %dma_wait3A_133 = tpu.memref_slice %arg8[%add3A_111, %dma_wait3A_132] : memref<80x128xi32, #tpu.memory_space<vmem>> -> memref<1x128xi32, #tpu.memory_space<vmem>>
        %dma_wait3A_134 = tpu.memref_squeeze %dma_wait3A_133 : memref<1x128xi32, #tpu.memory_space<vmem>> -> memref<128xi32, #tpu.memory_space<vmem>>
        %dma_wait3A_135 = arith.constant 0 : i32
        %dma_wait3A_136 = arith.constant 0 : i32
        %dma_wait3A_137 = tpu.memref_slice %arg16[%dma_wait3A_135, %dma_wait3A_136] : memref<10240x64xf32, #tpu.memory_space<vmem_shared>> -> memref<10240x64xf32, #tpu.memory_space<vmem_shared>>
        tpu.wait_indirect_dma semaphore(%run_scoped3A : memref<!tpu.dma_semaphore, #tpu.memory_space<semaphore_mem>>) src(%arg12 : memref<128x64xf32, #tpu.memory_space<vmem>>) dst(%dma_wait3A_137 : memref<10240x64xf32, #tpu.memory_space<vmem_shared>>)
        tpu.yield
      }) : () -> ()
      %add3A_118 = arith.constant 4 : i32
      %add3A_119 = arith.addi %add3A_111, %add3A_118 : i32
      %lt3A_120 = arith.constant 80 : i32
      %lt3A_121 = arith.cmpi slt, %add3A_119, %lt3A_120 : i32
      %convert_element_type3A_122 = arith.extui %lt3A_121 : i1 to i32
      %cond3A_123 = arith.constant 0 : i32
      %cond3A_124 = arith.cmpi ne, %convert_element_type3A_122, %cond3A_123 : i32
      scf.if %cond3A_124 {
        %add3A_126 = arith.constant 4 : i32
        %add3A_127 = arith.addi %add3A_111, %add3A_126 : i32
        %dma_start3A_128 = arith.constant 0 : i32
        %dma_start3A_129 = tpu.memref_slice %arg7[%add3A_127, %dma_start3A_128] : memref<80x128xi32, #tpu.memory_space<vmem>> -> memref<1x128xi32, #tpu.memory_space<vmem>>
        %dma_start3A_130 = tpu.memref_squeeze %dma_start3A_129 : memref<1x128xi32, #tpu.memory_space<vmem>> -> memref<128xi32, #tpu.memory_space<vmem>>
        %dma_start3A_131 = arith.constant 0 : i32
        %dma_start3A_132 = arith.constant 0 : i32
        %dma_start3A_133 = tpu.memref_slice %arg2[%dma_start3A_131, %dma_start3A_132] : memref<20480x64xf32, #tpu.memory_space<hbm>> -> memref<20480x64xf32, #tpu.memory_space<hbm>>
        tpu.enqueue_indirect_dma source(%dma_start3A_133 : memref<20480x64xf32, #tpu.memory_space<hbm>>) target(%arg12 : memref<128x64xf32, #tpu.memory_space<vmem>>) offsets(%dma_start3A_130 : memref<128xi32, #tpu.memory_space<vmem>>) semaphore(%arg21 : memref<!tpu.dma_semaphore, #tpu.memory_space<semaphore_mem>>)
      } else {
      }
      %scan3A_125 = arith.constant 0 : i32
      scf.yield %scan3A_125 : i32
    }
    %scan3A_50 = arith.constant 20 : i32
    %barrier3A_51 = arith.constant 0 : index
    tpu.barrier barrier_id(%barrier3A_51)
    %scan3A_52 = arith.constant 0 : i32
    %scan3A_53 = arith.constant 0 : i32
    %scan3A_54 = arith.constant 5 : i32
    %scan3A_55 = arith.addi %scan3A_53, %scan3A_54 : i32
    %scan3A_56 = arith.constant 1 : i32
    %scan3A_57 = scf.for %scan3A_59 = %scan3A_53 to %scan3A_55 step %scan3A_56 iter_args(%scan3A_60 = %scan3A_52) -> (i32)  : i32 {
      %mul3A_61 = arith.constant 640 : i32
      %mul3A_62 = arith.muli %arg1, %mul3A_61 : i32
      %mul3A_63 = arith.constant 128 : i32
      %mul3A_64 = arith.muli %scan3A_59, %mul3A_63 : i32
      %add3A_65 = arith.addi %mul3A_62, %mul3A_64 : i32
      "tpu.region"() ({
        %run_scoped3A = tpu.sem_alloc : memref<!tpu.dma_semaphore, #tpu.memory_space<semaphore_mem>>
        %dma_start3A_70 = arith.constant 0 : i32
        %dma_start3A_71 = tpu.memref_slice %arg16[%add3A_65, %dma_start3A_70] : memref<10240x64xf32, #tpu.memory_space<vmem_shared>> -> memref<128x64xf32, #tpu.memory_space<vmem_shared>>
        %dma_start3A_72 = arith.constant 0 : i32
        %dma_start3A_73 = tpu.memref_slice %arg16[%add3A_65, %dma_start3A_72] : memref<10240x64xf32, #tpu.memory_space<vmem_shared>> -> memref<128x64xf32, #tpu.memory_space<vmem_shared>>
        tpu.enqueue_dma source(%dma_start3A_73 : memref<128x64xf32, #tpu.memory_space<vmem_shared>>) target(%arg14 : memref<128x64xf32, #tpu.memory_space<vmem>>) target_semaphore(%run_scoped3A : memref<!tpu.dma_semaphore, #tpu.memory_space<semaphore_mem>>)
        %dma_wait3A = arith.constant 0 : i32
        %dma_wait3A_74 = tpu.memref_slice %arg16[%add3A_65, %dma_wait3A] : memref<10240x64xf32, #tpu.memory_space<vmem_shared>> -> memref<128x64xf32, #tpu.memory_space<vmem_shared>>
        %dma_wait3A_75 = arith.constant 0 : i32
        %dma_wait3A_76 = tpu.memref_slice %arg16[%add3A_65, %dma_wait3A_75] : memref<10240x64xf32, #tpu.memory_space<vmem_shared>> -> memref<128x64xf32, #tpu.memory_space<vmem_shared>>
        tpu.wait_dma2 semaphore(%run_scoped3A : memref<!tpu.dma_semaphore, #tpu.memory_space<semaphore_mem>>) src(%dma_wait3A_76 : memref<128x64xf32, #tpu.memory_space<vmem_shared>>) dst(%arg14 : memref<128x64xf32, #tpu.memory_space<vmem>>)
        tpu.yield
      }) : () -> ()
      %mul3A_66 = arith.constant 10240 : i32
      %mul3A_67 = arith.muli %arg0, %mul3A_66 : i32
      %add3A_68 = arith.addi %mul3A_67, %add3A_65 : i32
      "tpu.region"() ({
        %run_scoped3A = tpu.sem_alloc : memref<!tpu.dma_semaphore, #tpu.memory_space<semaphore_mem>>
        %dma_start3A_70 = arith.constant 0 : i32
        %dma_start3A_71 = tpu.memref_slice %arg5[%add3A_68, %dma_start3A_70] : memref<20480x64xf32, #tpu.memory_space<hbm>> -> memref<128x64xf32, #tpu.memory_space<hbm>>
        %dma_start3A_72 = arith.constant 0 : i32
        %dma_start3A_73 = tpu.memref_slice %arg5[%add3A_68, %dma_start3A_72] : memref<20480x64xf32, #tpu.memory_space<hbm>> -> memref<128x64xf32, #tpu.memory_space<hbm>>
        tpu.enqueue_dma source(%arg14 : memref<128x64xf32, #tpu.memory_space<vmem>>) target(%dma_start3A_73 : memref<128x64xf32, #tpu.memory_space<hbm>>) target_semaphore(%run_scoped3A : memref<!tpu.dma_semaphore, #tpu.memory_space<semaphore_mem>>)
        %dma_wait3A = arith.constant 0 : i32
        %dma_wait3A_74 = tpu.memref_slice %arg5[%add3A_68, %dma_wait3A] : memref<20480x64xf32, #tpu.memory_space<hbm>> -> memref<128x64xf32, #tpu.memory_space<hbm>>
        %dma_wait3A_75 = arith.constant 0 : i32
        %dma_wait3A_76 = tpu.memref_slice %arg5[%add3A_68, %dma_wait3A_75] : memref<20480x64xf32, #tpu.memory_space<hbm>> -> memref<128x64xf32, #tpu.memory_space<hbm>>
        tpu.wait_dma2 semaphore(%run_scoped3A : memref<!tpu.dma_semaphore, #tpu.memory_space<semaphore_mem>>) src(%arg14 : memref<128x64xf32, #tpu.memory_space<vmem>>) dst(%dma_wait3A_76 : memref<128x64xf32, #tpu.memory_space<hbm>>)
        tpu.yield
      }) : () -> ()
      %scan3A_69 = arith.constant 0 : i32
      scf.yield %scan3A_69 : i32
    }
    %scan3A_58 = arith.constant 5 : i32
    return
  }
}

module attributes {stable_mosaic.version = 14 : i64} {
  func.func @_tc_dense_body(%arg0: i32, %arg1: memref<1280x64xf32, #tpu.memory_space<vmem>>, %arg2: memref<1280x64xf32, #tpu.memory_space<vmem>>, %arg3: memref<1280x64xf32, #tpu.memory_space<vmem>>, %arg4: memref<1280x64xf32, #tpu.memory_space<vmem>>, %arg5: memref<1280x16xf32, #tpu.memory_space<vmem>>, %arg6: memref<4x128x128xf32, #tpu.memory_space<vmem>>, %arg7: memref<2x4xf32, #tpu.memory_space<smem>>, %arg8: memref<128x128xf32, #tpu.memory_space<vmem>>, %arg9: memref<1x128xf32, #tpu.memory_space<vmem>>, %arg10: memref<1280x64xf32, #tpu.memory_space<vmem>>, %arg11: memref<1280x64xf32, #tpu.memory_space<vmem>>) attributes {dimension_semantics = [#tpu.dimension_semantics<arbitrary>], iteration_bounds = array<i64: 16>, scalar_prefetch = 0 : i64, scratch_operands = 0 : i64, tpu.core_type = #tpu.core_type<tc>, window_params = [{transform_indices = @transform_0, window_bounds = array<i64: 1280, 64>}, {transform_indices = @transform_1, window_bounds = array<i64: 1280, 64>}, {transform_indices = @transform_2, window_bounds = array<i64: 1280, 64>}, {transform_indices = @transform_3, window_bounds = array<i64: 1280, 64>}, {transform_indices = @transform_4, window_bounds = array<i64: 1280, 16>}, {pipeline_mode = #tpu.pipeline_mode<synchronous>, transform_indices = @transform_5, window_bounds = array<i64: 4, 128, 128>}, {transform_indices = @transform_6, window_bounds = array<i64: 2, 4>}, {pipeline_mode = #tpu.pipeline_mode<synchronous>, transform_indices = @transform_7, window_bounds = array<i64: 128, 128>}, {pipeline_mode = #tpu.pipeline_mode<synchronous>, transform_indices = @transform_8, window_bounds = array<i64: 1, 128>}, {transform_indices = @transform_9, window_bounds = array<i64: 1280, 64>}, {transform_indices = @transform_10, window_bounds = array<i64: 1280, 64>}]} {
    %broadcast_in_dim3A = arith.constant 0.000000e+00 : f32
    %broadcast_in_dim3A_0 = vector.broadcast %broadcast_in_dim3A : f32 to vector<128x128xf32>
    %broadcast_in_dim3A_1 = arith.constant 0.000000e+00 : f32
    %broadcast_in_dim3A_2 = vector.broadcast %broadcast_in_dim3A_1 : f32 to vector<128x128xf32>
    %get3A = arith.constant 1 : index
    %get3A_3 = arith.constant 0 : index
    %get3A_4 = memref.load %arg7[%get3A, %get3A_3] : memref<2x4xf32, #tpu.memory_space<smem>>
    %get3A_5 = arith.constant 0 : index
    %get3A_6 = arith.constant 0 : index
    %get3A_7 = arith.constant 0 : index
    %get3A_8 = vector.load %arg6[%get3A_5, %get3A_6, %get3A_7] : memref<4x128x128xf32, #tpu.memory_space<vmem>>, vector<1x128x128xf32>
    %get3A_9 = vector.shape_cast %get3A_8 : vector<1x128x128xf32> to vector<128x128xf32>
    %mul3A = vector.broadcast %get3A_4 : f32 to vector<128x128xf32>
    %mul3A_10 = arith.mulf %mul3A, %get3A_9 : vector<128x128xf32>
    %add3A = arith.addf %broadcast_in_dim3A_0, %mul3A_10 : vector<128x128xf32>
    %get3A_11 = arith.constant 0 : index
    %get3A_12 = arith.constant 0 : index
    %get3A_13 = memref.load %arg7[%get3A_11, %get3A_12] : memref<2x4xf32, #tpu.memory_space<smem>>
    %get3A_14 = arith.constant 0 : index
    %get3A_15 = arith.constant 0 : index
    %get3A_16 = arith.constant 0 : index
    %get3A_17 = vector.load %arg6[%get3A_14, %get3A_15, %get3A_16] : memref<4x128x128xf32, #tpu.memory_space<vmem>>, vector<1x128x128xf32>
    %get3A_18 = vector.shape_cast %get3A_17 : vector<1x128x128xf32> to vector<128x128xf32>
    %mul3A_19 = vector.broadcast %get3A_13 : f32 to vector<128x128xf32>
    %mul3A_20 = arith.mulf %mul3A_19, %get3A_18 : vector<128x128xf32>
    %add3A_21 = arith.addf %broadcast_in_dim3A_2, %mul3A_20 : vector<128x128xf32>
    %get3A_22 = arith.constant 1 : index
    %get3A_23 = arith.constant 1 : index
    %get3A_24 = memref.load %arg7[%get3A_22, %get3A_23] : memref<2x4xf32, #tpu.memory_space<smem>>
    %get3A_25 = arith.constant 1 : index
    %get3A_26 = arith.constant 0 : index
    %get3A_27 = arith.constant 0 : index
    %get3A_28 = vector.load %arg6[%get3A_25, %get3A_26, %get3A_27] : memref<4x128x128xf32, #tpu.memory_space<vmem>>, vector<1x128x128xf32>
    %get3A_29 = vector.shape_cast %get3A_28 : vector<1x128x128xf32> to vector<128x128xf32>
    %mul3A_30 = vector.broadcast %get3A_24 : f32 to vector<128x128xf32>
    %mul3A_31 = arith.mulf %mul3A_30, %get3A_29 : vector<128x128xf32>
    %add3A_32 = arith.addf %add3A, %mul3A_31 : vector<128x128xf32>
    %get3A_33 = arith.constant 0 : index
    %get3A_34 = arith.constant 1 : index
    %get3A_35 = memref.load %arg7[%get3A_33, %get3A_34] : memref<2x4xf32, #tpu.memory_space<smem>>
    %get3A_36 = arith.constant 1 : index
    %get3A_37 = arith.constant 0 : index
    %get3A_38 = arith.constant 0 : index
    %get3A_39 = vector.load %arg6[%get3A_36, %get3A_37, %get3A_38] : memref<4x128x128xf32, #tpu.memory_space<vmem>>, vector<1x128x128xf32>
    %get3A_40 = vector.shape_cast %get3A_39 : vector<1x128x128xf32> to vector<128x128xf32>
    %mul3A_41 = vector.broadcast %get3A_35 : f32 to vector<128x128xf32>
    %mul3A_42 = arith.mulf %mul3A_41, %get3A_40 : vector<128x128xf32>
    %add3A_43 = arith.addf %add3A_21, %mul3A_42 : vector<128x128xf32>
    %get3A_44 = arith.constant 1 : index
    %get3A_45 = arith.constant 2 : index
    %get3A_46 = memref.load %arg7[%get3A_44, %get3A_45] : memref<2x4xf32, #tpu.memory_space<smem>>
    %get3A_47 = arith.constant 2 : index
    %get3A_48 = arith.constant 0 : index
    %get3A_49 = arith.constant 0 : index
    %get3A_50 = vector.load %arg6[%get3A_47, %get3A_48, %get3A_49] : memref<4x128x128xf32, #tpu.memory_space<vmem>>, vector<1x128x128xf32>
    %get3A_51 = vector.shape_cast %get3A_50 : vector<1x128x128xf32> to vector<128x128xf32>
    %mul3A_52 = vector.broadcast %get3A_46 : f32 to vector<128x128xf32>
    %mul3A_53 = arith.mulf %mul3A_52, %get3A_51 : vector<128x128xf32>
    %add3A_54 = arith.addf %add3A_32, %mul3A_53 : vector<128x128xf32>
    %get3A_55 = arith.constant 0 : index
    %get3A_56 = arith.constant 2 : index
    %get3A_57 = memref.load %arg7[%get3A_55, %get3A_56] : memref<2x4xf32, #tpu.memory_space<smem>>
    %get3A_58 = arith.constant 2 : index
    %get3A_59 = arith.constant 0 : index
    %get3A_60 = arith.constant 0 : index
    %get3A_61 = vector.load %arg6[%get3A_58, %get3A_59, %get3A_60] : memref<4x128x128xf32, #tpu.memory_space<vmem>>, vector<1x128x128xf32>
    %get3A_62 = vector.shape_cast %get3A_61 : vector<1x128x128xf32> to vector<128x128xf32>
    %mul3A_63 = vector.broadcast %get3A_57 : f32 to vector<128x128xf32>
    %mul3A_64 = arith.mulf %mul3A_63, %get3A_62 : vector<128x128xf32>
    %add3A_65 = arith.addf %add3A_43, %mul3A_64 : vector<128x128xf32>
    %get3A_66 = arith.constant 1 : index
    %get3A_67 = arith.constant 3 : index
    %get3A_68 = memref.load %arg7[%get3A_66, %get3A_67] : memref<2x4xf32, #tpu.memory_space<smem>>
    %get3A_69 = arith.constant 3 : index
    %get3A_70 = arith.constant 0 : index
    %get3A_71 = arith.constant 0 : index
    %get3A_72 = vector.load %arg6[%get3A_69, %get3A_70, %get3A_71] : memref<4x128x128xf32, #tpu.memory_space<vmem>>, vector<1x128x128xf32>
    %get3A_73 = vector.shape_cast %get3A_72 : vector<1x128x128xf32> to vector<128x128xf32>
    %mul3A_74 = vector.broadcast %get3A_68 : f32 to vector<128x128xf32>
    %mul3A_75 = arith.mulf %mul3A_74, %get3A_73 : vector<128x128xf32>
    %add3A_76 = arith.addf %add3A_54, %mul3A_75 : vector<128x128xf32>
    %get3A_77 = arith.constant 0 : index
    %get3A_78 = arith.constant 3 : index
    %get3A_79 = memref.load %arg7[%get3A_77, %get3A_78] : memref<2x4xf32, #tpu.memory_space<smem>>
    %get3A_80 = arith.constant 3 : index
    %get3A_81 = arith.constant 0 : index
    %get3A_82 = arith.constant 0 : index
    %get3A_83 = vector.load %arg6[%get3A_80, %get3A_81, %get3A_82] : memref<4x128x128xf32, #tpu.memory_space<vmem>>, vector<1x128x128xf32>
    %get3A_84 = vector.shape_cast %get3A_83 : vector<1x128x128xf32> to vector<128x128xf32>
    %mul3A_85 = vector.broadcast %get3A_79 : f32 to vector<128x128xf32>
    %mul3A_86 = arith.mulf %mul3A_85, %get3A_84 : vector<128x128xf32>
    %add3A_87 = arith.addf %add3A_65, %mul3A_86 : vector<128x128xf32>
    %lt3A = arith.constant 8 : i32
    %lt3A_88 = arith.cmpi slt, %arg0, %lt3A : i32
    %select_n3A = arith.select %lt3A_88, %add3A_76, %add3A_87 : vector<128x128xf32>
    %get3A_89 = arith.constant 0 : index
    %get3A_90 = arith.constant 0 : index
    %get3A_91 = vector.load %arg5[%get3A_89, %get3A_90] : memref<1280x16xf32, #tpu.memory_space<vmem>>, vector<1280x1xf32>
    %max3A = arith.constant 1.000000e+00 : f32
    %max3A_92 = vector.broadcast %max3A : f32 to vector<1280x1xf32>
    %max3A_93 = arith.maximumf %get3A_91, %max3A_92 : vector<1280x1xf32>
    %div3A = arith.constant 1.000000e+00 : f32
    %div3A_94 = vector.broadcast %div3A : f32 to vector<1280x1xf32>
    %div3A_95 = arith.divf %div3A_94, %max3A_93 : vector<1280x1xf32>
    %get3A_96 = arith.constant 0 : index
    %get3A_97 = arith.constant 0 : index
    %get3A_98 = vector.load %arg8[%get3A_96, %get3A_97] : memref<128x128xf32, #tpu.memory_space<vmem>>, vector<128x128xf32>
    %get3A_99 = arith.constant 0 : index
    %get3A_100 = arith.constant 0 : index
    %get3A_101 = vector.load %arg1[%get3A_99, %get3A_100] : memref<1280x64xf32, #tpu.memory_space<vmem>>, vector<1280x64xf32>
    %slice3A = vector.extract_strided_slice %get3A_98 {offsets = [0, 0], sizes = [64, 128], strides = [1, 1]} : vector<128x128xf32> to vector<64x128xf32>
    %dot_general3A = arith.constant dense<0.000000e+00> : vector<1280x128xf32>
    %dot_general3A_102 = tpu.matmul %get3A_101, %slice3A, %dot_general3A {dimension_numbers = #tpu.dot_dimension_numbers<[1], [0], [0], [1], [0, 0, 1, 1], [], []>, transpose_lhs_hint = false} : vector<1280x64xf32>, vector<64x128xf32>, vector<1280x128xf32> -> vector<1280x128xf32>
    %get3A_103 = arith.constant 0 : index
    %get3A_104 = arith.constant 0 : index
    %get3A_105 = vector.load %arg2[%get3A_103, %get3A_104] : memref<1280x64xf32, #tpu.memory_space<vmem>>, vector<1280x64xf32>
    %slice3A_106 = vector.extract_strided_slice %get3A_98 {offsets = [64, 0], sizes = [64, 128], strides = [1, 1]} : vector<128x128xf32> to vector<64x128xf32>
    %dot_general3A_107 = arith.constant dense<0.000000e+00> : vector<1280x128xf32>
    %dot_general3A_108 = tpu.matmul %get3A_105, %slice3A_106, %dot_general3A_107 {dimension_numbers = #tpu.dot_dimension_numbers<[1], [0], [0], [1], [0, 0, 1, 1], [], []>, transpose_lhs_hint = false} : vector<1280x64xf32>, vector<64x128xf32>, vector<1280x128xf32> -> vector<1280x128xf32>
    %add3A_109 = arith.addf %dot_general3A_102, %dot_general3A_108 : vector<1280x128xf32>
    %get3A_110 = arith.constant 0 : index
    %get3A_111 = arith.constant 0 : index
    %get3A_112 = vector.load %arg3[%get3A_110, %get3A_111] : memref<1280x64xf32, #tpu.memory_space<vmem>>, vector<1280x64xf32>
    %mul3A_113 = vector.broadcast %div3A_95 : vector<1280x1xf32> to vector<1280x64xf32>
    %mul3A_114 = arith.mulf %get3A_112, %mul3A_113 : vector<1280x64xf32>
    %slice3A_115 = vector.extract_strided_slice %select_n3A {offsets = [0, 0], sizes = [64, 128], strides = [1, 1]} : vector<128x128xf32> to vector<64x128xf32>
    %dot_general3A_116 = arith.constant dense<0.000000e+00> : vector<1280x128xf32>
    %dot_general3A_117 = tpu.matmul %mul3A_114, %slice3A_115, %dot_general3A_116 {dimension_numbers = #tpu.dot_dimension_numbers<[1], [0], [0], [1], [0, 0, 1, 1], [], []>, transpose_lhs_hint = false} : vector<1280x64xf32>, vector<64x128xf32>, vector<1280x128xf32> -> vector<1280x128xf32>
    %add3A_118 = arith.addf %add3A_109, %dot_general3A_117 : vector<1280x128xf32>
    %get3A_119 = arith.constant 0 : index
    %get3A_120 = arith.constant 0 : index
    %get3A_121 = vector.load %arg4[%get3A_119, %get3A_120] : memref<1280x64xf32, #tpu.memory_space<vmem>>, vector<1280x64xf32>
    %mul3A_122 = vector.broadcast %div3A_95 : vector<1280x1xf32> to vector<1280x64xf32>
    %mul3A_123 = arith.mulf %get3A_121, %mul3A_122 : vector<1280x64xf32>
    %slice3A_124 = vector.extract_strided_slice %select_n3A {offsets = [64, 0], sizes = [64, 128], strides = [1, 1]} : vector<128x128xf32> to vector<64x128xf32>
    %dot_general3A_125 = arith.constant dense<0.000000e+00> : vector<1280x128xf32>
    %dot_general3A_126 = tpu.matmul %mul3A_123, %slice3A_124, %dot_general3A_125 {dimension_numbers = #tpu.dot_dimension_numbers<[1], [0], [0], [1], [0, 0, 1, 1], [], []>, transpose_lhs_hint = false} : vector<1280x64xf32>, vector<64x128xf32>, vector<1280x128xf32> -> vector<1280x128xf32>
    %add3A_127 = arith.addf %add3A_118, %dot_general3A_126 : vector<1280x128xf32>
    %get3A_128 = arith.constant 0 : index
    %get3A_129 = arith.constant 0 : index
    %get3A_130 = vector.load %arg9[%get3A_128, %get3A_129] : memref<1x128xf32, #tpu.memory_space<vmem>>, vector<1x128xf32>
    %add3A_131 = vector.broadcast %get3A_130 : vector<1x128xf32> to vector<1280x128xf32>
    %add3A_132 = arith.addf %add3A_127, %add3A_131 : vector<1280x128xf32>
    %max3A_133 = arith.constant 0.000000e+00 : f32
    %max3A_134 = vector.broadcast %max3A_133 : f32 to vector<1280x128xf32>
    %max3A_135 = arith.maximumf %add3A_132, %max3A_134 : vector<1280x128xf32>
    %slice3A_136 = vector.extract_strided_slice %max3A_135 {offsets = [0, 0], sizes = [1280, 64], strides = [1, 1]} : vector<1280x128xf32> to vector<1280x64xf32>
    %swap3A = arith.constant 0 : index
    %swap3A_137 = arith.constant 0 : index
    %swap3A_138 = vector.load %arg10[%swap3A, %swap3A_137] : memref<1280x64xf32, #tpu.memory_space<vmem>>, vector<1280x64xf32>
    tpu.vector_store %arg10[%swap3A, %swap3A_137], %slice3A_136 {strides = array<i32>} : memref<1280x64xf32, #tpu.memory_space<vmem>>, vector<1280x64xf32>,
    %slice3A_139 = vector.extract_strided_slice %max3A_135 {offsets = [0, 64], sizes = [1280, 64], strides = [1, 1]} : vector<1280x128xf32> to vector<1280x64xf32>
    %swap3A_140 = arith.constant 0 : index
    %swap3A_141 = arith.constant 0 : index
    %swap3A_142 = vector.load %arg11[%swap3A_140, %swap3A_141] : memref<1280x64xf32, #tpu.memory_space<vmem>>, vector<1280x64xf32>
    tpu.vector_store %arg11[%swap3A_140, %swap3A_141], %slice3A_139 {strides = array<i32>} : memref<1280x64xf32, #tpu.memory_space<vmem>>, vector<1280x64xf32>,
    return
  }
  func.func @transform_0(%arg0: i32) -> (i32, i32) {
    %c0_i32 = arith.constant 0 : i32
    %c0_i32_0 = arith.constant 0 : i32
    return %arg0, %c0_i32 : i32, i32
  }
  func.func @transform_1(%arg0: i32) -> (i32, i32) {
    %c0_i32 = arith.constant 0 : i32
    %c0_i32_0 = arith.constant 0 : i32
    return %arg0, %c0_i32 : i32, i32
  }
  func.func @transform_2(%arg0: i32) -> (i32, i32) {
    %c0_i32 = arith.constant 0 : i32
    %c0_i32_0 = arith.constant 0 : i32
    return %arg0, %c0_i32 : i32, i32
  }
  func.func @transform_3(%arg0: i32) -> (i32, i32) {
    %c0_i32 = arith.constant 0 : i32
    %c0_i32_0 = arith.constant 0 : i32
    return %arg0, %c0_i32 : i32, i32
  }
  func.func @transform_4(%arg0: i32) -> (i32, i32) {
    %c0_i32 = arith.constant 0 : i32
    %c0_i32_0 = arith.constant 0 : i32
    return %arg0, %c0_i32 : i32, i32
  }
  func.func @transform_5(%arg0: i32) -> (i32, i32, i32) {
    %c0_i32 = arith.constant 0 : i32
    %c0_i32_0 = arith.constant 0 : i32
    %c0_i32_1 = arith.constant 0 : i32
    %c0_i32_2 = arith.constant 0 : i32
    return %c0_i32, %c0_i32_0, %c0_i32_1 : i32, i32, i32
  }
  func.func @transform_6(%arg0: i32) -> (i32, i32) {
    %c0_i32 = arith.constant 0 : i32
    %c0_i32_0 = arith.constant 0 : i32
    %c0_i32_1 = arith.constant 0 : i32
    return %c0_i32, %c0_i32_0 : i32, i32
  }
  func.func @transform_7(%arg0: i32) -> (i32, i32) {
    %c0_i32 = arith.constant 0 : i32
    %c0_i32_0 = arith.constant 0 : i32
    %c0_i32_1 = arith.constant 0 : i32
    return %c0_i32, %c0_i32_0 : i32, i32
  }
  func.func @transform_8(%arg0: i32) -> (i32, i32) {
    %c0_i32 = arith.constant 0 : i32
    %c0_i32_0 = arith.constant 0 : i32
    %c0_i32_1 = arith.constant 0 : i32
    return %c0_i32, %c0_i32_0 : i32, i32
  }
  func.func @transform_9(%arg0: i32) -> (i32, i32) {
    %c0_i32 = arith.constant 0 : i32
    %c0_i32_0 = arith.constant 0 : i32
    return %arg0, %c0_i32 : i32, i32
  }
  func.func @transform_10(%arg0: i32) -> (i32, i32) {
    %c0_i32 = arith.constant 0 : i32
    %c0_i32_0 = arith.constant 0 : i32
    return %arg0, %c0_i32 : i32, i32
  }
}

module attributes {stable_mosaic.version = 14 : i64} {
  func.func @_tc_dense_body(%arg0: i32, %arg1: memref<1280x64xf32, #tpu.memory_space<vmem>>, %arg2: memref<1280x64xf32, #tpu.memory_space<vmem>>, %arg3: memref<1280x64xf32, #tpu.memory_space<vmem>>, %arg4: memref<1280x64xf32, #tpu.memory_space<vmem>>, %arg5: memref<1280x16xf32, #tpu.memory_space<vmem>>, %arg6: memref<4x128x128xf32, #tpu.memory_space<vmem>>, %arg7: memref<2x4xf32, #tpu.memory_space<smem>>, %arg8: memref<128x128xf32, #tpu.memory_space<vmem>>, %arg9: memref<1x128xf32, #tpu.memory_space<vmem>>, %arg10: memref<1280x128xf32, #tpu.memory_space<vmem>>) attributes {dimension_semantics = [#tpu.dimension_semantics<arbitrary>], iteration_bounds = array<i64: 16>, scalar_prefetch = 0 : i64, scratch_operands = 0 : i64, tpu.core_type = #tpu.core_type<tc>, window_params = [{transform_indices = @transform_0, window_bounds = array<i64: 1280, 64>}, {transform_indices = @transform_1, window_bounds = array<i64: 1280, 64>}, {transform_indices = @transform_2, window_bounds = array<i64: 1280, 64>}, {transform_indices = @transform_3, window_bounds = array<i64: 1280, 64>}, {transform_indices = @transform_4, window_bounds = array<i64: 1280, 16>}, {pipeline_mode = #tpu.pipeline_mode<synchronous>, transform_indices = @transform_5, window_bounds = array<i64: 4, 128, 128>}, {transform_indices = @transform_6, window_bounds = array<i64: 2, 4>}, {pipeline_mode = #tpu.pipeline_mode<synchronous>, transform_indices = @transform_7, window_bounds = array<i64: 128, 128>}, {pipeline_mode = #tpu.pipeline_mode<synchronous>, transform_indices = @transform_8, window_bounds = array<i64: 1, 128>}, {transform_indices = @transform_9, window_bounds = array<i64: 1280, 128>}]} {
    %broadcast_in_dim3A = arith.constant 0.000000e+00 : f32
    %broadcast_in_dim3A_0 = vector.broadcast %broadcast_in_dim3A : f32 to vector<128x128xf32>
    %broadcast_in_dim3A_1 = arith.constant 0.000000e+00 : f32
    %broadcast_in_dim3A_2 = vector.broadcast %broadcast_in_dim3A_1 : f32 to vector<128x128xf32>
    %get3A = arith.constant 1 : index
    %get3A_3 = arith.constant 0 : index
    %get3A_4 = memref.load %arg7[%get3A, %get3A_3] : memref<2x4xf32, #tpu.memory_space<smem>>
    %get3A_5 = arith.constant 0 : index
    %get3A_6 = arith.constant 0 : index
    %get3A_7 = arith.constant 0 : index
    %get3A_8 = vector.load %arg6[%get3A_5, %get3A_6, %get3A_7] : memref<4x128x128xf32, #tpu.memory_space<vmem>>, vector<1x128x128xf32>
    %get3A_9 = vector.shape_cast %get3A_8 : vector<1x128x128xf32> to vector<128x128xf32>
    %mul3A = vector.broadcast %get3A_4 : f32 to vector<128x128xf32>
    %mul3A_10 = arith.mulf %mul3A, %get3A_9 : vector<128x128xf32>
    %add3A = arith.addf %broadcast_in_dim3A_0, %mul3A_10 : vector<128x128xf32>
    %get3A_11 = arith.constant 0 : index
    %get3A_12 = arith.constant 0 : index
    %get3A_13 = memref.load %arg7[%get3A_11, %get3A_12] : memref<2x4xf32, #tpu.memory_space<smem>>
    %get3A_14 = arith.constant 0 : index
    %get3A_15 = arith.constant 0 : index
    %get3A_16 = arith.constant 0 : index
    %get3A_17 = vector.load %arg6[%get3A_14, %get3A_15, %get3A_16] : memref<4x128x128xf32, #tpu.memory_space<vmem>>, vector<1x128x128xf32>
    %get3A_18 = vector.shape_cast %get3A_17 : vector<1x128x128xf32> to vector<128x128xf32>
    %mul3A_19 = vector.broadcast %get3A_13 : f32 to vector<128x128xf32>
    %mul3A_20 = arith.mulf %mul3A_19, %get3A_18 : vector<128x128xf32>
    %add3A_21 = arith.addf %broadcast_in_dim3A_2, %mul3A_20 : vector<128x128xf32>
    %get3A_22 = arith.constant 1 : index
    %get3A_23 = arith.constant 1 : index
    %get3A_24 = memref.load %arg7[%get3A_22, %get3A_23] : memref<2x4xf32, #tpu.memory_space<smem>>
    %get3A_25 = arith.constant 1 : index
    %get3A_26 = arith.constant 0 : index
    %get3A_27 = arith.constant 0 : index
    %get3A_28 = vector.load %arg6[%get3A_25, %get3A_26, %get3A_27] : memref<4x128x128xf32, #tpu.memory_space<vmem>>, vector<1x128x128xf32>
    %get3A_29 = vector.shape_cast %get3A_28 : vector<1x128x128xf32> to vector<128x128xf32>
    %mul3A_30 = vector.broadcast %get3A_24 : f32 to vector<128x128xf32>
    %mul3A_31 = arith.mulf %mul3A_30, %get3A_29 : vector<128x128xf32>
    %add3A_32 = arith.addf %add3A, %mul3A_31 : vector<128x128xf32>
    %get3A_33 = arith.constant 0 : index
    %get3A_34 = arith.constant 1 : index
    %get3A_35 = memref.load %arg7[%get3A_33, %get3A_34] : memref<2x4xf32, #tpu.memory_space<smem>>
    %get3A_36 = arith.constant 1 : index
    %get3A_37 = arith.constant 0 : index
    %get3A_38 = arith.constant 0 : index
    %get3A_39 = vector.load %arg6[%get3A_36, %get3A_37, %get3A_38] : memref<4x128x128xf32, #tpu.memory_space<vmem>>, vector<1x128x128xf32>
    %get3A_40 = vector.shape_cast %get3A_39 : vector<1x128x128xf32> to vector<128x128xf32>
    %mul3A_41 = vector.broadcast %get3A_35 : f32 to vector<128x128xf32>
    %mul3A_42 = arith.mulf %mul3A_41, %get3A_40 : vector<128x128xf32>
    %add3A_43 = arith.addf %add3A_21, %mul3A_42 : vector<128x128xf32>
    %get3A_44 = arith.constant 1 : index
    %get3A_45 = arith.constant 2 : index
    %get3A_46 = memref.load %arg7[%get3A_44, %get3A_45] : memref<2x4xf32, #tpu.memory_space<smem>>
    %get3A_47 = arith.constant 2 : index
    %get3A_48 = arith.constant 0 : index
    %get3A_49 = arith.constant 0 : index
    %get3A_50 = vector.load %arg6[%get3A_47, %get3A_48, %get3A_49] : memref<4x128x128xf32, #tpu.memory_space<vmem>>, vector<1x128x128xf32>
    %get3A_51 = vector.shape_cast %get3A_50 : vector<1x128x128xf32> to vector<128x128xf32>
    %mul3A_52 = vector.broadcast %get3A_46 : f32 to vector<128x128xf32>
    %mul3A_53 = arith.mulf %mul3A_52, %get3A_51 : vector<128x128xf32>
    %add3A_54 = arith.addf %add3A_32, %mul3A_53 : vector<128x128xf32>
    %get3A_55 = arith.constant 0 : index
    %get3A_56 = arith.constant 2 : index
    %get3A_57 = memref.load %arg7[%get3A_55, %get3A_56] : memref<2x4xf32, #tpu.memory_space<smem>>
    %get3A_58 = arith.constant 2 : index
    %get3A_59 = arith.constant 0 : index
    %get3A_60 = arith.constant 0 : index
    %get3A_61 = vector.load %arg6[%get3A_58, %get3A_59, %get3A_60] : memref<4x128x128xf32, #tpu.memory_space<vmem>>, vector<1x128x128xf32>
    %get3A_62 = vector.shape_cast %get3A_61 : vector<1x128x128xf32> to vector<128x128xf32>
    %mul3A_63 = vector.broadcast %get3A_57 : f32 to vector<128x128xf32>
    %mul3A_64 = arith.mulf %mul3A_63, %get3A_62 : vector<128x128xf32>
    %add3A_65 = arith.addf %add3A_43, %mul3A_64 : vector<128x128xf32>
    %get3A_66 = arith.constant 1 : index
    %get3A_67 = arith.constant 3 : index
    %get3A_68 = memref.load %arg7[%get3A_66, %get3A_67] : memref<2x4xf32, #tpu.memory_space<smem>>
    %get3A_69 = arith.constant 3 : index
    %get3A_70 = arith.constant 0 : index
    %get3A_71 = arith.constant 0 : index
    %get3A_72 = vector.load %arg6[%get3A_69, %get3A_70, %get3A_71] : memref<4x128x128xf32, #tpu.memory_space<vmem>>, vector<1x128x128xf32>
    %get3A_73 = vector.shape_cast %get3A_72 : vector<1x128x128xf32> to vector<128x128xf32>
    %mul3A_74 = vector.broadcast %get3A_68 : f32 to vector<128x128xf32>
    %mul3A_75 = arith.mulf %mul3A_74, %get3A_73 : vector<128x128xf32>
    %add3A_76 = arith.addf %add3A_54, %mul3A_75 : vector<128x128xf32>
    %get3A_77 = arith.constant 0 : index
    %get3A_78 = arith.constant 3 : index
    %get3A_79 = memref.load %arg7[%get3A_77, %get3A_78] : memref<2x4xf32, #tpu.memory_space<smem>>
    %get3A_80 = arith.constant 3 : index
    %get3A_81 = arith.constant 0 : index
    %get3A_82 = arith.constant 0 : index
    %get3A_83 = vector.load %arg6[%get3A_80, %get3A_81, %get3A_82] : memref<4x128x128xf32, #tpu.memory_space<vmem>>, vector<1x128x128xf32>
    %get3A_84 = vector.shape_cast %get3A_83 : vector<1x128x128xf32> to vector<128x128xf32>
    %mul3A_85 = vector.broadcast %get3A_79 : f32 to vector<128x128xf32>
    %mul3A_86 = arith.mulf %mul3A_85, %get3A_84 : vector<128x128xf32>
    %add3A_87 = arith.addf %add3A_65, %mul3A_86 : vector<128x128xf32>
    %lt3A = arith.constant 8 : i32
    %lt3A_88 = arith.cmpi slt, %arg0, %lt3A : i32
    %select_n3A = arith.select %lt3A_88, %add3A_76, %add3A_87 : vector<128x128xf32>
    %get3A_89 = arith.constant 0 : index
    %get3A_90 = arith.constant 0 : index
    %get3A_91 = vector.load %arg5[%get3A_89, %get3A_90] : memref<1280x16xf32, #tpu.memory_space<vmem>>, vector<1280x1xf32>
    %max3A = arith.constant 1.000000e+00 : f32
    %max3A_92 = vector.broadcast %max3A : f32 to vector<1280x1xf32>
    %max3A_93 = arith.maximumf %get3A_91, %max3A_92 : vector<1280x1xf32>
    %div3A = arith.constant 1.000000e+00 : f32
    %div3A_94 = vector.broadcast %div3A : f32 to vector<1280x1xf32>
    %div3A_95 = arith.divf %div3A_94, %max3A_93 : vector<1280x1xf32>
    %get3A_96 = arith.constant 0 : index
    %get3A_97 = arith.constant 0 : index
    %get3A_98 = vector.load %arg8[%get3A_96, %get3A_97] : memref<128x128xf32, #tpu.memory_space<vmem>>, vector<128x128xf32>
    %get3A_99 = arith.constant 0 : index
    %get3A_100 = arith.constant 0 : index
    %get3A_101 = vector.load %arg1[%get3A_99, %get3A_100] : memref<1280x64xf32, #tpu.memory_space<vmem>>, vector<1280x64xf32>
    %slice3A = vector.extract_strided_slice %get3A_98 {offsets = [0, 0], sizes = [64, 128], strides = [1, 1]} : vector<128x128xf32> to vector<64x128xf32>
    %dot_general3A = arith.constant dense<0.000000e+00> : vector<1280x128xf32>
    %dot_general3A_102 = tpu.matmul %get3A_101, %slice3A, %dot_general3A {dimension_numbers = #tpu.dot_dimension_numbers<[1], [0], [0], [1], [0, 0, 1, 1], [], []>, transpose_lhs_hint = false} : vector<1280x64xf32>, vector<64x128xf32>, vector<1280x128xf32> -> vector<1280x128xf32>
    %get3A_103 = arith.constant 0 : index
    %get3A_104 = arith.constant 0 : index
    %get3A_105 = vector.load %arg2[%get3A_103, %get3A_104] : memref<1280x64xf32, #tpu.memory_space<vmem>>, vector<1280x64xf32>
    %slice3A_106 = vector.extract_strided_slice %get3A_98 {offsets = [64, 0], sizes = [64, 128], strides = [1, 1]} : vector<128x128xf32> to vector<64x128xf32>
    %dot_general3A_107 = arith.constant dense<0.000000e+00> : vector<1280x128xf32>
    %dot_general3A_108 = tpu.matmul %get3A_105, %slice3A_106, %dot_general3A_107 {dimension_numbers = #tpu.dot_dimension_numbers<[1], [0], [0], [1], [0, 0, 1, 1], [], []>, transpose_lhs_hint = false} : vector<1280x64xf32>, vector<64x128xf32>, vector<1280x128xf32> -> vector<1280x128xf32>
    %add3A_109 = arith.addf %dot_general3A_102, %dot_general3A_108 : vector<1280x128xf32>
    %get3A_110 = arith.constant 0 : index
    %get3A_111 = arith.constant 0 : index
    %get3A_112 = vector.load %arg3[%get3A_110, %get3A_111] : memref<1280x64xf32, #tpu.memory_space<vmem>>, vector<1280x64xf32>
    %mul3A_113 = vector.broadcast %div3A_95 : vector<1280x1xf32> to vector<1280x64xf32>
    %mul3A_114 = arith.mulf %get3A_112, %mul3A_113 : vector<1280x64xf32>
    %slice3A_115 = vector.extract_strided_slice %select_n3A {offsets = [0, 0], sizes = [64, 128], strides = [1, 1]} : vector<128x128xf32> to vector<64x128xf32>
    %dot_general3A_116 = arith.constant dense<0.000000e+00> : vector<1280x128xf32>
    %dot_general3A_117 = tpu.matmul %mul3A_114, %slice3A_115, %dot_general3A_116 {dimension_numbers = #tpu.dot_dimension_numbers<[1], [0], [0], [1], [0, 0, 1, 1], [], []>, transpose_lhs_hint = false} : vector<1280x64xf32>, vector<64x128xf32>, vector<1280x128xf32> -> vector<1280x128xf32>
    %add3A_118 = arith.addf %add3A_109, %dot_general3A_117 : vector<1280x128xf32>
    %get3A_119 = arith.constant 0 : index
    %get3A_120 = arith.constant 0 : index
    %get3A_121 = vector.load %arg4[%get3A_119, %get3A_120] : memref<1280x64xf32, #tpu.memory_space<vmem>>, vector<1280x64xf32>
    %mul3A_122 = vector.broadcast %div3A_95 : vector<1280x1xf32> to vector<1280x64xf32>
    %mul3A_123 = arith.mulf %get3A_121, %mul3A_122 : vector<1280x64xf32>
    %slice3A_124 = vector.extract_strided_slice %select_n3A {offsets = [64, 0], sizes = [64, 128], strides = [1, 1]} : vector<128x128xf32> to vector<64x128xf32>
    %dot_general3A_125 = arith.constant dense<0.000000e+00> : vector<1280x128xf32>
    %dot_general3A_126 = tpu.matmul %mul3A_123, %slice3A_124, %dot_general3A_125 {dimension_numbers = #tpu.dot_dimension_numbers<[1], [0], [0], [1], [0, 0, 1, 1], [], []>, transpose_lhs_hint = false} : vector<1280x64xf32>, vector<64x128xf32>, vector<1280x128xf32> -> vector<1280x128xf32>
    %add3A_127 = arith.addf %add3A_118, %dot_general3A_126 : vector<1280x128xf32>
    %get3A_128 = arith.constant 0 : index
    %get3A_129 = arith.constant 0 : index
    %get3A_130 = vector.load %arg9[%get3A_128, %get3A_129] : memref<1x128xf32, #tpu.memory_space<vmem>>, vector<1x128xf32>
    %add3A_131 = vector.broadcast %get3A_130 : vector<1x128xf32> to vector<1280x128xf32>
    %add3A_132 = arith.addf %add3A_127, %add3A_131 : vector<1280x128xf32>
    %swap3A = arith.constant 0 : index
    %swap3A_133 = arith.constant 0 : index
    %swap3A_134 = vector.load %arg10[%swap3A, %swap3A_133] : memref<1280x128xf32, #tpu.memory_space<vmem>>, vector<1280x128xf32>
    tpu.vector_store %arg10[%swap3A, %swap3A_133], %add3A_132 {strides = array<i32>} : memref<1280x128xf32, #tpu.memory_space<vmem>>, vector<1280x128xf32>,
    return
  }
  func.func @transform_0(%arg0: i32) -> (i32, i32) {
    %c0_i32 = arith.constant 0 : i32
    %c0_i32_0 = arith.constant 0 : i32
    return %arg0, %c0_i32 : i32, i32
  }
  func.func @transform_1(%arg0: i32) -> (i32, i32) {
    %c0_i32 = arith.constant 0 : i32
    %c0_i32_0 = arith.constant 0 : i32
    return %arg0, %c0_i32 : i32, i32
  }
  func.func @transform_2(%arg0: i32) -> (i32, i32) {
    %c0_i32 = arith.constant 0 : i32
    %c0_i32_0 = arith.constant 0 : i32
    return %arg0, %c0_i32 : i32, i32
  }
  func.func @transform_3(%arg0: i32) -> (i32, i32) {
    %c0_i32 = arith.constant 0 : i32
    %c0_i32_0 = arith.constant 0 : i32
    return %arg0, %c0_i32 : i32, i32
  }
  func.func @transform_4(%arg0: i32) -> (i32, i32) {
    %c0_i32 = arith.constant 0 : i32
    %c0_i32_0 = arith.constant 0 : i32
    return %arg0, %c0_i32 : i32, i32
  }
  func.func @transform_5(%arg0: i32) -> (i32, i32, i32) {
    %c0_i32 = arith.constant 0 : i32
    %c0_i32_0 = arith.constant 0 : i32
    %c0_i32_1 = arith.constant 0 : i32
    %c0_i32_2 = arith.constant 0 : i32
    return %c0_i32, %c0_i32_0, %c0_i32_1 : i32, i32, i32
  }
  func.func @transform_6(%arg0: i32) -> (i32, i32) {
    %c0_i32 = arith.constant 0 : i32
    %c0_i32_0 = arith.constant 0 : i32
    %c0_i32_1 = arith.constant 0 : i32
    return %c0_i32, %c0_i32_0 : i32, i32
  }
  func.func @transform_7(%arg0: i32) -> (i32, i32) {
    %c0_i32 = arith.constant 0 : i32
    %c0_i32_0 = arith.constant 0 : i32
    %c0_i32_1 = arith.constant 0 : i32
    return %c0_i32, %c0_i32_0 : i32, i32
  }
  func.func @transform_8(%arg0: i32) -> (i32, i32) {
    %c0_i32 = arith.constant 0 : i32
    %c0_i32_0 = arith.constant 0 : i32
    %c0_i32_1 = arith.constant 0 : i32
    return %c0_i32, %c0_i32_0 : i32, i32
  }
  func.func @transform_9(%arg0: i32) -> (i32, i32) {
    %c0_i32 = arith.constant 0 : i32
    %c0_i32_0 = arith.constant 0 : i32
    return %arg0, %c0_i32 : i32, i32
  }
}

</mosaic_0001>

<sc_bundles>
// kernel: kernel.11.cloned.1.call-start
scs
__scs_entry_jumppad:
0x0: {  	(pc) =	sbr.rel $0x88, $3  }
0x1: {  	(tag) =	ssettag $0x0;
	lr =	simm.s32 $0x1  }
0x2: {  	[smem:$0x3F95] =	sst lr;
	_ =	strace $0xD0000000  }
0x3: {  	_ = 	snop  }
0x4: {  	_ = 	snop  }
0x5: {  	_ = 	snop  }
0x6: {  	_ = 	snop  }
0x7: {  	_ = 	snop  }
__scs_overlays_trampoline_lowered:
0x8: {  	[smem:$0x3FA4] =	sst s0  }
0x9: {  	[smem:$0x3FA5] =	sst s1  }
0xa: {  	[smem:$0x3FA6] =	sst s2  }
0xb: {  	[smem:$0x3FA7] =	sst s3  }
0xc: {  	[smem:$0x3FA8] =	sst s4  }
0xd: {  	[smem:$0x3FA9] =	sst s5  }
0xe: {  	[smem:$0x3FAA] =	sst s6  }
0xf: {  	[smem:$0x3FAB] =	sst s7  }
0x10: {  	[smem:$0x3FAC] =	sst s8  }
0x11: {  	[smem:$0x3FAD] =	sst s9;
	s0 =	simm.s32 @!p0 $0x0  }
0x12: {  	s1 =	sld [smem:$0x3F93];
	s0 =	simm.s32 @p0 $0x1  }
0x13: {  	[smem:$0x3FAE] =	sst s0;
	s0 =	simm.s32 @!p1 $0x0  }
0x14: {  	s2 =	sld [smem:$0x3F92];
	s0 =	simm.s32 @p1 $0x1  }
0x15: {  	[smem:$0x3FAF] =	sst s0;
	s0 =	simm.s32 @!p2 $0x0  }
0x16: {  	s3 =	sld [smem:$0x3FDB];
	s0 =	simm.s32 @p2 $0x1  }
0x17: {  	s4 =	simm.s32 $0x1BF5;
	[smem:$0x3FB1] =	sst s0  }
0x18: {  	s0 =	sld [smem:$0x3F94];
	_ =	swait.ge [sflag:s4], $0x0  }
0x19: {  	s7 =	sld [smem:$0x3F95]  }
0x1a: {  	s8 =	sadd.s32 $0xFFFFE003, lr  }
0x1b: {  	s9 =	sadd.s32 $0xFFFFFEF7, lr;
	s5 =	simm.s32 $0xFFFFFFFF;
	p2 =	slt.u32 s8, $0xFFFFF086  }
0x1c: {  	p1 =	slt.u32 s9, $0xF7A;
	s5 =	simm.s32 @!p2 $0x0  }
0x1d: {  	s5 =	simm.s32 @p1 $0x1;
	p0 =	seq.s32 s7, s2  }
0x1e: {  	s7 =	smul.u32 @!p0 $0xF7A, s2;
	p2 =	seq.s32 @!p0 s5, $0x0  }
0x1f: {  	s9 =	smul.u32 $0xF7A, s1;
	s8 =	simm.s32 @!p0 $0x1BF5;
	p2 =	por !p2, p0  }
0x20: {  	[sflag:s8] =	ssyncset.s32 @!p0 $0xFFFFF086;
	s6 =	sadd.s32 @!p0 s3, s7;
	s7 =	simm.s32 @!p0 $0x108  }
0x21: {  	s3 =	sadd.s32 s3, s9;
	s6 =	sadd.s32 @!p0 $0x88, s6;
	s7 =	simm.s32 @p2 $0x1082  }
0x22: {  	[simem:s7], [sflag:s8] =	dma.local @!p0 [hbm:s6], $0xF7A  }
0x23: {  	s9 =	sor.u32 $0xD0000000, s2;
	s6 =	simm.s32 $0x108;
	_ =	swait.ge @!p0 [sflag:s8], $0x0  }
0x24: {  	s3 =	sadd.s32 $0x88, s3;
	s6 =	simm.s32 @!p1 $0x1082;
	[sflag:s4] =	ssyncset.s32 $0xFFFFF086  }
0x25: {  	[simem:s6], [sflag:s4] =	dma.local [hbm:s3], $0xF7A  }
0x26: {  	[smem:$0x3F95] =	sst s1;
	(tag) =	ssettag s2;
	_ =	strace s9  }
0x27: {  	s1 =	sld [smem:$0x3FA5]  }
0x28: {  	s2 =	sld [smem:$0x3FA6]  }
0x29: {  	s4 =	sld [smem:$0x3FA8]  }
0x2a: {  	p0 =	seq.s32 s5, $0x0;
	s5 =	sld [smem:$0x3FA9]  }
0x2b: {  	s6 =	sld [smem:$0x3FAA]  }
0x2c: {  	s7 =	sld [smem:$0x3FAB]  }
0x2d: {  	s3 =	simm.s32 $0x108;
	s8 =	sld [smem:$0x3FAC]  }
0x2e: {  	s3 =	simm.s32 @!p0 $0x1082;
	s9 =	sld [smem:$0x3FAD]  }
0x2f: {  	lr =	sadd.s32 s0, s3;
	s0 =	sld [smem:$0x3FA4]  }
0x30: {  	s3 =	sld [smem:$0x3FA7]  }
0x31: {  	[smem:$0x3FB0] =	sst s10  }
0x32: {  	s10 =	sld [smem:$0x3FAE];
	_ =	sdelay $0x3  }
0x33: {  	p0 =	seq.s32 s10, $0x1;
	s10 =	sld [smem:$0x3FB0];
	_ =	sdelay $0x3  }
0x34: {  	[smem:$0x3FB0] =	sst s10  }
0x35: {  	s10 =	sld [smem:$0x3FAF];
	_ =	sdelay $0x3  }
0x36: {  	p1 =	seq.s32 s10, $0x1;
	s10 =	sld [smem:$0x3FB0];
	_ =	sdelay $0x3  }
0x37: {  	[smem:$0x3FB0] =	sst s10  }
0x38: {  	s10 =	sld [smem:$0x3FB1]  }
0x39: {  	_ = 	snop;
	(pc) =	sbr.ind lr, $3  }
0x3a: {  	_ = 	snop  }
0x3b: {  	_ = 	snop  }
0x3c: {  	p2 =	seq.s32 s10, $0x1;
	s10 =	sld [smem:$0x3FB0]  }
0x3d: {  	_ =	shalt  }
0x3e: {  	_ =	shalt  }
0x3f: {  	_ =	shalt  }
0x40: {  	_ =	shalt  }
0x41: {  	_ =	shalt  }
0x42: {  	_ =	shalt  }
0x43: {  	_ =	shalt  }
0x44: {  	_ =	shalt  }
0x45: {  	_ =	shalt  }
0x46: {  	_ =	shalt  }
0x47: {  	_ =	shalt  }
0x48: {  	_ =	shalt  }
0x49: {  	_ =	shalt  }
0x4a: {  	_ =	shalt  }
0x4b: {  	_ =	shalt  }
0x4c: {  	_ =	shalt  }
0x4d: {  	_ =	shalt  }
0x4e: {  	_ =	shalt  }
0x4f: {  	_ =	shalt  }
0x50: {  	_ =	shalt  }
0x51: {  	_ =	shalt  }
0x52: {  	_ =	shalt  }
0x53: {  	_ =	shalt  }
0x54: {  	_ =	shalt  }
0x55: {  	_ =	shalt  }
0x56: {  	_ =	shalt  }
0x57: {  	_ =	shalt  }
0x58: {  	_ =	shalt  }
0x59: {  	_ =	shalt  }
0x5a: {  	_ =	shalt  }
0x5b: {  	_ =	shalt  }
0x5c: {  	_ =	shalt  }
0x5d: {  	_ =	shalt  }
0x5e: {  	_ =	shalt  }
0x5f: {  	_ =	shalt  }
0x60: {  	_ =	shalt  }
0x61: {  	_ =	shalt  }
0x62: {  	_ =	shalt  }
0x63: {  	_ =	shalt  }
0x64: {  	_ =	shalt  }
0x65: {  	_ =	shalt  }
0x66: {  	_ =	shalt  }
0x67: {  	_ =	shalt  }
0x68: {  	_ =	shalt  }
0x69: {  	_ =	shalt  }
0x6a: {  	_ =	shalt  }
0x6b: {  	_ =	shalt  }
0x6c: {  	_ =	shalt  }
0x6d: {  	_ =	shalt  }
0x6e: {  	_ =	shalt  }
0x6f: {  	_ =	shalt  }
0x70: {  	_ =	shalt  }
0x71: {  	_ =	shalt  }
0x72: {  	_ =	shalt  }
0x73: {  	_ =	shalt  }
0x74: {  	_ =	shalt  }
0x75: {  	_ =	shalt  }
0x76: {  	_ =	shalt  }
0x77: {  	_ =	shalt  }
0x78: {  	_ =	shalt  }
0x79: {  	_ =	shalt  }
0x7a: {  	_ =	shalt  }
0x7b: {  	_ =	shalt  }
0x7c: {  	_ =	shalt  }
0x7d: {  	_ =	shalt  }
0x7e: {  	_ =	shalt  }
0x7f: {  	_ =	shalt  }
0x80: {  	_ =	shalt  }
0x81: {  	_ =	shalt  }
0x82: {  	_ =	shalt  }
0x83: {  	_ =	shalt  }
0x84: {  	_ =	shalt  }
0x85: {  	_ =	shalt  }
0x86: {  	_ =	shalt  }
0x87: {  	_ =	shalt  }
.Lfunc_end0:
.L_simem_size_0:
called_computation.1_lowered:
.L_overlay_start_0:
0x88: {  	s2 =	sld [smem:$0x3FD9]  }
0x89: {  	s3 =	sld [smem:$0x3FFE];
	_ =	sdelay $0x1  }
0x8a: {  	s1 =	srdreg.scid  }
0x8b: {  	s0 =	sand.u32 $0x1, s1  }
0x8c: {  	s17 =	sshll.u32 s0, $0xA;
	s2 =	sadd.s32 s3, s2  }
0x8d: {  	s2 =	sadd.s32 s2, s17  }
0x8e: {  	[smem:$0x3FBC] =	sst s2  }
0x8f: {  	_ = 	snop  }
0x90: {  	(tm) =	ssettm $0x1  }
0x91: {  	s18 =	sld [smem:$0x3FFB];
	_ =	sdelay $0x3  }
0x92: {  	_ =	strace s18  }
0x93: {  	s2 =	sld [smem:$0x3FFC];
	_ =	sdelay $0x3  }
0x94: {  	_ =	strace s2  }
0x95: {  	s2 =	sld [smem:$0x3FFD];
	_ =	sdelay $0x3  }
0x96: {  	_ =	strace s2  }
0x97: {  	_ =	strace $0x8FFFFFFF  }
0x98: {  	s19 =	sld [smem:$0x3FDB];
	_ =	sdelay $0x1  }
0x99: {  	s20 =	simm.s32 $_scs_section_size  }
0x9a: {  	s4 =	simm.s32 $_size__tile_overlayer_lowered;
	s5 =	simm.s32 $_tile_overlayer_lowered  }
0x9b: {  	s6 =	simm.s32 $0x1BFF;
	s21 =	sshll.u32 s5, $0x1;
	s3 =	sadd.s32 s20, s19  }
0x9c: {  	s22 =	simm.s32 $0x0;
	s4 =	sshll.u32 s4, $0x1;
	s5 =	sadd.s32 s21, s3  }
0x9d: {  	[timem:s22], [sflag:s6] =	dma.local [hbm:s5], s4  }
0x9e: {  	_ =	swait.ge [sflag:s6], s4  }
0x9f: {  	s4 =	ssub.s32 $0x0, s4;
	[sflag:s6] =	ssyncset.done $0x0  }
0xa0: {  	[sflag:s6] =	ssyncadd.s32 s4;
	_ =	sdelay $0x1  }
0xa1: {  	s23 =	simm.s32 $0x1B8B  }
0xa2: {  	_ =	swait.ge [sflag:s23], $0x1  }
0xa3: {  	[sflag:s23] =	ssyncset.done $0x0  }
0xa4: {  	[sflag:s23] =	ssyncadd.s32 $0xFFFFFFFF  }
0xa5: {  	s4 =	sld [smem:$0x0]  }
0xa6: {  	s5 =	sand.u32 $0xFFFFFFFE, s1  }
0xa7: {  	p0 =	sne.s32 s1, s5  }
0xa8: {  	s5 =	sshll.u32 @p0 s5, $0xE  }
0xa9: {  	s5 =	sadd.s32 @p0 $0x11B8D, s5;
	s6 =	sshll.u32 @p0 s4, $0x11  }
0xaa: {  	s5 =	sor.u32 @p0 s6, s5  }
0xab: {  	[sflag:s5] =	ssyncadd.remote.s32 @p0 $0x1;
	_ =	sdelay $0x1  }
0xac: {  	s5 =	simm.s32 @p0 $0x1B8D  }
0xad: {  	_ =	swait.eq @p0 [sflag:s5], $0x1  }
0xae: {  	[sflag:s5] =	ssyncadd.s32 @p0 $0xFFFFFFFF  }
0xaf: {  	s6 =	sshll.u32 @!p0 s1, $0xE  }
0xb0: {  	s6 =	sor.u32 @!p0 $0x4000, s6;
	s5 =	simm.s32 @!p0 $0x1B8D  }
0xb1: {  	s4 =	sshll.u32 @!p0 s4, $0x11;
	s6 =	sadd.s32 @!p0 $0x11B8D, s6;
	_ =	swait.eq @!p0 [sflag:s5], $0x1  }
0xb2: {  	s4 =	sor.u32 @!p0 s4, s6;
	[sflag:s5] =	ssyncadd.s32 @!p0 $0xFFFFFFFF  }
0xb3: {  	s25 =	simm.s32 $0x1B8E;
	s24 =	sld [smem:$0x3FFE];
	[sflag:s4] =	ssyncadd.remote.s32 @!p0 $0x1  }
0xb4: {  	s26 =	simm.s32 $execute0_lowered;
	[smem:$0x3FD2] =	sst s25  }
0xb5: {  	s5 =	sshll.u32 s26, $0x1;
	_ =	strace $0x80000049;
	[dreg:$0x1] =	wrdreg $0xFFFFFFFF  }
0xb6: {  	s28 =	simm.s32 $_size_execute0_lowered;
	s3 =	sadd.s32 s3, s5;
	[dreg:$0x0] =	wrdreg $0x0  }
0xb7: {  	s5 =	sshll.u32 s28, $0x1;
	[dreg:$0x2] =	wrdreg s3  }
0xb8: {  	[dreg:$0x3] =	wrdreg s5  }
0xb9: {  	[dreg:$0x4] =	wrdreg $0xC0  }
0xba: {  	_ =	task [dreg:s22], $0x5FFFF  }
0xbb: {  	[dreg:$0x1] =	wrdreg $0xFFFFFFFF  }
0xbc: {  	[dreg:$0x0] =	wrdreg $0x60  }
0xbd: {  	[dreg:$0x2] =	wrdreg s24  }
0xbe: {  	[dreg:$0x3] =	wrdreg $0xF0000  }
0xbf: {  	[dreg:$0x4] =	wrdreg $0xA  }
0xc0: {  	_ =	task.clear_ibuf [dreg:s22], $0x5FFFF;
	_ =	strace $0x90000049  }
0xc1: {  	s29 =	simm.s32 $0xA;
	_ =	strace $0x8000004B  }
0xc2: {  	_ =	swait.ge [sflag:s29], $0x1  }
0xc3: {  	[sflag:s29] =	ssyncadd.s32 $0xFFFFFFFF  }
0xc4: {  	_ =	strace $0x9000004B  }
0xc5: {  	_ =	sfence  }
0xc6: {  	s30 =	sld [smem:$0x0];
	_ =	sdelay $0x2  }
0xc7: {  	s31 =	sshll.u32 s1, $0xD;
	s1 =	sshrl.u32 s1, $0x2  }
0xc8: {  	s4 =	sand.u32 $0x4000, s31;
	s1 =	sadd.s32 s1, s30  }
0xc9: {  	s0 =	sor.u32 s4, s0;
	s1 =	sshll.u32 s1, $0x11  }
0xca: {  	s0 =	sor.u32 s1, s0  }
0xcb: {  	s0 =	sadd.s32 $0x8F2B, s0  }
0xcc: {  	[sflag:s0] =	ssyncadd.remote.s32 $0x1  }
0xcd: {  	_ =	sfence.sel $0xFFFF  }
0xce: {  	[dreg:$0x0] =	wrdreg $0xFFFFFFFF;
	(pc) =	sbr.abs _section_cstart, $3  }
0xcf: {  	[dreg:$0x1] =	wrdreg $0xFFFFFFFF  }
0xd0: {  	_ =	task.clear_ibuf [dreg:s22], $0x2FFFF;
	_ =	strace $0x9FFFFFFF  }
0xd1: {  	(tm) =	ssettm $0x7FFFFFFF  }
tec
execute0_lowered:
.L_overlay_start_1:
0x0: {  	(tag) =	ssettag $0x1  }
0x1: {  	s1 =	rddreg [dreg:$0x0]  }
0x2: {  	s0 =	srdreg.scid;
	s2 =	rddreg [dreg:$0x1]  }
0x3: {  	s9 =	stileid.u32;
	s3 =	simm.s32 $0x0;
	s28 =	simm.s32 $0x7000  }
0x4: {  	s30 =	simm.s32 $0x9000;
	s29 =	simm.s32 $0x3;
	s31 =	simm.s32 $0x4  }
0x5: {  	s0 =	sand.u32 $0x1, s0;
	[smem:$0x7FF] =	sst s3;
	s7 =	smul.u32 $0x28000, s9  }
0x6: {  	s18 =	smul.u32 $0x280, s9;
	s4 =	sshll.u32 s0, $0x4;
	_ =	strace $0x8000004A  }
0x7: {  	s11 =	ssub.s32 $0x2, s0;
	s0 =	smul.u32 $0x2800, s0;
	s4 =	sor.u32 s9, s4  }
0x8: {  	s8 =	sshrl.u32 s11, $0x1;
	s12 =	sshrl.u32 s7, $0x2;
	s17 =	sadd.s32 $0x80, s18  }
0x9: {  	s20 =	sadd.s32 $0x100, s18;
	s23 =	sadd.s32 $0x180, s18;
	s25 =	sadd.s32 $0x200, s18  }
0xa: {  	s5 =	smul.u32 $0x500, s4;
	s4 =	sadd.s32 $0x108400, s1;
	s8 =	ssub.s32 s11, s8  }
0xb: {  	s16 =	sadd.s32 s0, s18;
	s19 =	sshll.u32 s17, $0x6;
	s21 =	sadd.s32 s0, s20  }
0xc: {  	s22 =	sshll.u32 s20, $0x6;
	s24 =	sshll.u32 s23, $0x6;
	s26 =	sshll.u32 s25, $0x6  }
0xd: {  	s14 =	smax.u32 s8, $0x1;
	s7 =	sshll.u32 s21, $0x3;
	s18 =	sadd.s32 s24, s2  }
0xe: {  	s20 =	sadd.s32 s26, s2;
	s26 =	simm.s32 $0x5000;
	s24 =	simm.s32 $0x2  }
0xf: {  	s6 =	sadd.s32 s5, s1;
	s1 =	sadd.s32 $0x130400, s1;
	s5 =	sadd.s32 s12, s2  }
0x10: {  	[dreg:$0x5] =	wrdreg s14;
	s14 =	sadd.s32 s19, s2;
	s13 =	sadd.s32 $0xE400, s6  }
0x11: {  	s6 =	sadd.s32 $0x4400, s6;
	s15 =	sadd.s32 $0x2000, s5;
	[dreg:$0x3] =	wrdreg s13  }
0x12: {  	s10 =	sadd.s32 $0x4000, s5;
	s11 =	sadd.s32 $0x6000, s5;
	[dreg:$0x4] =	wrdreg s6  }
0x13: {  	s12 =	sadd.s32 $0x8000, s5;
	[dreg:$0x6] =	wrdreg s15;
	s6 =	sshll.u32 s16, $0x3  }
0x14: {  	s16 =	sadd.s32 s22, s2;
	s13 =	sadd.s32 s1, s6;
	s6 =	sadd.s32 s0, s17  }
0x15: {  	s22 =	simm.s32 $0xD000;
	s17 =	sadd.s32 s1, s7;
	s6 =	sshll.u32 s6, $0x3  }
0x16: {  	s15 =	sadd.s32 s1, s6;
	s6 =	sadd.s32 s0, s23;
	s0 =	sadd.s32 s0, s25  }
0x17: {  	s23 =	simm.s32 $0x5;
	s6 =	sshll.u32 s6, $0x3;
	s0 =	sshll.u32 s0, $0x3  }
0x18: {  	s25 =	simm.s32 $0x80;
	s19 =	sadd.s32 s1, s6;
	s21 =	sadd.s32 s1, s0  }
0x19: {  	v0 =	vimm.f32 $0.0e+00;
	s0 =	simm.s32 $0xB000;
	s1 =	simm.s32 $0x1;
	s6 =	simm.s32 $0x0  }
.LBB2_1:
0x1a: {  	s8 =	simm.s32 $0x100;
	s7 =	simm.s32 $0x0  }
.LBB2_2:
0x1b: {  	p0 =	sne.s32 s8, $0x7F00;
	[tilespmem:s7+$0xD030] =	vst v0;
	s9 =	smov.u32 s8;
	s8 =	sadd.s32 $0x100, s8  }
.Ltmp0:
0x1c: {  	[tilespmem:s7+$0xD020] =	vst v0;
	(pc) =	sbr.rel @p0 .LBB2_2-.Ltmp0, $3  }
0x1d: {  	[tilespmem:s7+$0xD000] =	vst v0  }
0x1e: {  	[tilespmem:s7+$0xD010] =	vst v0;
	_ =	sdelay $0x1  }
0x1f: {  	s7 =	sshra.s32 s9, $0x2  }
0x20: {  	[tilespmem:s7+$0xD030] =	vst v0  }
0x21: {  	[tilespmem:s7+$0xD020] =	vst v0  }
0x22: {  	[tilespmem:s7+$0xD000] =	vst v0  }
0x23: {  	[tilespmem:s7+$0xD010] =	vst v0  }
0x24: {  	[spmem:s5] =	stream.linear.scatter [tilespmem:s22], [sflag:$0x5], $0x2000, $0x38;
	[tilespmem:$0x19000] =	vst v63  }
0x25: {  	_ =	swait.ge [sflag:s23], $0x2000  }
0x26: {  	[sflag:s23] =	ssyncset.done $0x0  }
0x27: {  	s8 =	rddreg [dreg:$0x6];
	[sflag:s23] =	ssyncadd.s32 $0xFFFFE000  }
0x28: {  	[spmem:s8] =	stream.linear.scatter [tilespmem:s22], [sflag:$0x5], $0x2000, $0x38;
	[tilespmem:$0x19000] =	vst v63  }
0x29: {  	_ =	swait.ge [sflag:s23], $0x2000  }
0x2a: {  	[sflag:s23] =	ssyncset.done $0x0  }
0x2b: {  	[sflag:s23] =	ssyncadd.s32 $0xFFFFE000  }
0x2c: {  	[spmem:s10] =	stream.linear.scatter [tilespmem:s22], [sflag:$0x5], $0x2000, $0x38;
	[tilespmem:$0x19000] =	vst v63  }
0x2d: {  	_ =	swait.ge [sflag:s23], $0x2000  }
0x2e: {  	[sflag:s23] =	ssyncset.done $0x0  }
0x2f: {  	[sflag:s23] =	ssyncadd.s32 $0xFFFFE000  }
0x30: {  	[spmem:s11] =	stream.linear.scatter [tilespmem:s22], [sflag:$0x5], $0x2000, $0x38;
	[tilespmem:$0x19000] =	vst v63  }
0x31: {  	_ =	swait.ge [sflag:s23], $0x2000  }
0x32: {  	[sflag:s23] =	ssyncset.done $0x0  }
0x33: {  	[sflag:s23] =	ssyncadd.s32 $0xFFFFE000  }
0x34: {  	[spmem:s12] =	stream.linear.scatter [tilespmem:s22], [sflag:$0x5], $0x2000, $0x38;
	[tilespmem:$0x19000] =	vst v63  }
0x35: {  	_ =	swait.ge [sflag:s23], $0x2000  }
0x36: {  	[sflag:s23] =	ssyncset.done $0x0  }
0x37: {  	[sflag:s23] =	ssyncadd.s32 $0xFFFFE000  }
0x38: {  	[bflag:$0x0] =	sbarrier.arrive $0xFFFF  }
0x39: {  	s7 =	simm.s32 $0x0;
	s8 =	rddreg [dreg:$0x3]  }
0x3a: {  	[tilespmem:s7], [sflag:$0x5] =	stream.linear.gather [hbm4b:s8+s7], $0x2800, $0x38;
	[tilespmem:$0x19000] =	vst v63  }
0x3b: {  	_ =	swait.ge [sflag:s23], $0x2800  }
0x3c: {  	[sflag:s23] =	ssyncset.done $0x0  }
0x3d: {  	s9 =	simm.s32 $0x2800;
	s8 =	rddreg [dreg:$0x4];
	[sflag:s23] =	ssyncadd.s32 $0xFFFFD800  }
0x3e: {  	[tilespmem:s9], [sflag:$0x5] =	stream.linear.gather [hbm4b:s8+s7], $0x2800, $0x38;
	[tilespmem:$0x19000] =	vst v63  }
0x3f: {  	_ =	swait.ge [sflag:s23], $0x2800  }
0x40: {  	[sflag:s23] =	ssyncset.done $0x0  }
0x41: {  	[sflag:s23] =	ssyncadd.s32 $0xFFFFD800  }
0x42: {  	[tilespmem:s26], [sflag:$0x1] =	stream.indirect.gather [hbm4b:s4+s25], $0x40, s7, s25, $0xb8;
	[tilespmem:$0x19000] =	vst v63  }
0x43: {  	_ = 	snop  }
0x44: {  	[tilespmem:s28], [sflag:$0x2] =	stream.indirect.gather [hbm4b:s4+s25], $0x40, s25, s25, $0xb8;
	[tilespmem:$0x19000] =	vst v63  }
0x45: {  	s9 =	simm.s32 $0x100  }
0x46: {  	[tilespmem:s30], [sflag:$0x3] =	stream.indirect.gather [hbm4b:s4+s25], $0x40, s9, s25, $0xb8;
	[tilespmem:$0x19000] =	vst v63  }
0x47: {  	s8 =	simm.s32 $0x180  }
0x48: {  	[tilespmem:s0], [sflag:$0x4] =	stream.indirect.gather [hbm4b:s4+s25], $0x40, s8, s25, $0xb8;
	[tilespmem:$0x19000] =	vst v63  }
0x49: {  	_ =	swait.ge [sflag:s1], $0x2000  }
0x4a: {  	[sflag:s1] =	ssyncset.done $0x0  }
0x4b: {  	s9 =	simm.s32 $0x2800;
	[sflag:s1] =	ssyncadd.s32 $0xFFFFE000  }
0x4c: {  	[spmem:s2] =	stream.indirect.scatter.add.f32 [tilespmem:s26], [sflag:$0x5], $0x40, s9, s25, $0xb8;
	[tilespmem:$0x19000] =	vst v63  }
0x4d: {  	_ =	swait.ge [sflag:s23], $0x2000  }
0x4e: {  	[sflag:s23] =	ssyncset.done $0x0  }
0x4f: {  	s8 =	simm.s32 $0x200;
	[sflag:s23] =	ssyncadd.s32 $0xFFFFE000  }
0x50: {  	[tilespmem:s26], [sflag:$0x1] =	stream.indirect.gather [hbm4b:s4+s25], $0x40, s8, s25, $0xb8;
	[tilespmem:$0x19000] =	vst v63  }
0x51: {  	_ =	swait.ge [sflag:s24], $0x2000  }
0x52: {  	[sflag:s24] =	ssyncset.done $0x0  }
0x53: {  	s9 =	simm.s32 $0x2880;
	[sflag:s24] =	ssyncadd.s32 $0xFFFFE000  }
0x54: {  	[spmem:s2] =	stream.indirect.scatter.add.f32 [tilespmem:s28], [sflag:$0x5], $0x40, s9, s25, $0xb8;
	[tilespmem:$0x19000] =	vst v63  }
0x55: {  	_ =	swait.ge [sflag:s23], $0x2000  }
0x56: {  	[sflag:s23] =	ssyncset.done $0x0  }
0x57: {  	s8 =	simm.s32 $0x280;
	[sflag:s23] =	ssyncadd.s32 $0xFFFFE000  }
0x58: {  	[tilespmem:s28], [sflag:$0x2] =	stream.indirect.gather [hbm4b:s4+s25], $0x40, s8, s25, $0xb8;
	[tilespmem:$0x19000] =	vst v63  }
0x59: {  	_ =	swait.ge [sflag:s29], $0x2000  }
0x5a: {  	[sflag:s29] =	ssyncset.done $0x0  }
0x5b: {  	s9 =	simm.s32 $0x2900;
	[sflag:s29] =	ssyncadd.s32 $0xFFFFE000  }
0x5c: {  	[spmem:s2] =	stream.indirect.scatter.add.f32 [tilespmem:s30], [sflag:$0x5], $0x40, s9, s25, $0xb8;
	[tilespmem:$0x19000] =	vst v63  }
0x5d: {  	_ =	swait.ge [sflag:s23], $0x2000  }
0x5e: {  	[sflag:s23] =	ssyncset.done $0x0  }
0x5f: {  	s8 =	simm.s32 $0x300;
	[sflag:s23] =	ssyncadd.s32 $0xFFFFE000  }
0x60: {  	[tilespmem:s30], [sflag:$0x3] =	stream.indirect.gather [hbm4b:s4+s25], $0x40, s8, s25, $0xb8;
	[tilespmem:$0x19000] =	vst v63  }
0x61: {  	_ =	swait.ge [sflag:s31], $0x2000  }
0x62: {  	[sflag:s31] =	ssyncset.done $0x0  }
0x63: {  	s9 =	simm.s32 $0x2980;
	[sflag:s31] =	ssyncadd.s32 $0xFFFFE000  }
0x64: {  	[spmem:s2] =	stream.indirect.scatter.add.f32 [tilespmem:s0], [sflag:$0x5], $0x40, s9, s25, $0xb8;
	[tilespmem:$0x19000] =	vst v63  }
0x65: {  	_ =	swait.ge [sflag:s23], $0x2000  }
0x66: {  	[sflag:s23] =	ssyncset.done $0x0  }
0x67: {  	s7 =	simm.s32 $0x800;
	s8 =	simm.s32 $0x380;
	[sflag:s23] =	ssyncadd.s32 $0xFFFFE000  }
.LBB2_4:
0x68: {  	[tilespmem:s0], [sflag:$0x4] =	stream.indirect.gather [hbm4b:s4+s25], $0x40, s8, s25, $0xb8;
	[tilespmem:$0x19000] =	vst v63  }
0x69: {  	s8 =	smov.u32 s7  }
0x6a: {  	p0 =	sne.s32 s7, $0x9000;
	s7 =	sadd.s32 $0x800, s7;
	_ =	swait.ge [sflag:s1], $0x2000  }
0x6b: {  	s8 =	sshra.s32 s8, $0x2;
	[sflag:s1] =	ssyncset.done $0x0  }
0x6c: {  	s9 =	sadd.s32 $0x2800, s8;
	[sflag:s1] =	ssyncadd.s32 $0xFFFFE000  }
0x6d: {  	[spmem:s2] =	stream.indirect.scatter.add.f32 [tilespmem:s26], [sflag:$0x5], $0x40, s9, s25, $0xb8;
	[tilespmem:$0x19000] =	vst v63  }
0x6e: {  	_ =	swait.ge [sflag:s23], $0x2000  }
0x6f: {  	[sflag:s23] =	ssyncset.done $0x0  }
0x70: {  	s9 =	sadd.s32 $0x200, s8;
	[sflag:s23] =	ssyncadd.s32 $0xFFFFE000  }
0x71: {  	[tilespmem:s26], [sflag:$0x1] =	stream.indirect.gather [hbm4b:s4+s25], $0x40, s9, s25, $0xb8;
	[tilespmem:$0x19000] =	vst v63  }
0x72: {  	_ =	swait.ge [sflag:s24], $0x2000  }
0x73: {  	[sflag:s24] =	ssyncset.done $0x0  }
0x74: {  	s9 =	sadd.s32 $0x2880, s8;
	[sflag:s24] =	ssyncadd.s32 $0xFFFFE000  }
0x75: {  	[spmem:s2] =	stream.indirect.scatter.add.f32 [tilespmem:s28], [sflag:$0x5], $0x40, s9, s25, $0xb8;
	[tilespmem:$0x19000] =	vst v63  }
0x76: {  	_ =	swait.ge [sflag:s23], $0x2000  }
0x77: {  	[sflag:s23] =	ssyncset.done $0x0  }
0x78: {  	s9 =	sadd.s32 $0x280, s8;
	[sflag:s23] =	ssyncadd.s32 $0xFFFFE000  }
0x79: {  	[tilespmem:s28], [sflag:$0x2] =	stream.indirect.gather [hbm4b:s4+s25], $0x40, s9, s25, $0xb8;
	[tilespmem:$0x19000] =	vst v63  }
0x7a: {  	_ =	swait.ge [sflag:s29], $0x2000  }
0x7b: {  	[sflag:s29] =	ssyncset.done $0x0  }
0x7c: {  	s9 =	sadd.s32 $0x2900, s8;
	[sflag:s29] =	ssyncadd.s32 $0xFFFFE000  }
0x7d: {  	[spmem:s2] =	stream.indirect.scatter.add.f32 [tilespmem:s30], [sflag:$0x5], $0x40, s9, s25, $0xb8;
	[tilespmem:$0x19000] =	vst v63  }
0x7e: {  	_ =	swait.ge [sflag:s23], $0x2000  }
0x7f: {  	[sflag:s23] =	ssyncset.done $0x0  }
0x80: {  	s9 =	sadd.s32 $0x300, s8;
	[sflag:s23] =	ssyncadd.s32 $0xFFFFE000  }
0x81: {  	[tilespmem:s30], [sflag:$0x3] =	stream.indirect.gather [hbm4b:s4+s25], $0x40, s9, s25, $0xb8;
	[tilespmem:$0x19000] =	vst v63  }
0x82: {  	_ =	swait.ge [sflag:s31], $0x2000  }
0x83: {  	[sflag:s31] =	ssyncset.done $0x0  }
.Ltmp1:
0x84: {  	s9 =	sadd.s32 $0x2980, s8;
	[sflag:s31] =	ssyncadd.s32 $0xFFFFE000;
	(pc) =	sbr.rel @p0 .LBB2_4-.Ltmp1, $4  }
0x85: {  	[spmem:s2] =	stream.indirect.scatter.add.f32 [tilespmem:s0], [sflag:$0x5], $0x40, s9, s25, $0xb8;
	[tilespmem:$0x19000] =	vst v63  }
0x86: {  	_ =	swait.ge [sflag:s23], $0x2000  }
0x87: {  	[sflag:s23] =	ssyncset.done $0x0  }
0x88: {  	s8 =	sadd.s32 $0x380, s8;
	[sflag:s23] =	ssyncadd.s32 $0xFFFFE000  }
0x89: {  	[tilespmem:s0], [sflag:$0x4] =	stream.indirect.gather [hbm4b:s4+s25], $0x40, s8, s25, $0xb8;
	[tilespmem:$0x19000] =	vst v63  }
0x8a: {  	_ =	swait.ge [sflag:s1], $0x2000  }
0x8b: {  	[sflag:s1] =	ssyncset.done $0x0  }
0x8c: {  	s7 =	simm.s32 $0x4E00;
	[sflag:s1] =	ssyncadd.s32 $0xFFFFE000  }
0x8d: {  	[spmem:s2] =	stream.indirect.scatter.add.f32 [tilespmem:s26], [sflag:$0x5], $0x40, s7, s25, $0xb8;
	[tilespmem:$0x19000] =	vst v63  }
0x8e: {  	_ =	swait.ge [sflag:s23], $0x2000  }
0x8f: {  	[sflag:s23] =	ssyncset.done $0x0  }
0x90: {  	[sflag:s23] =	ssyncadd.s32 $0xFFFFE000  }
0x91: {  	_ =	swait.ge [sflag:s24], $0x2000  }
0x92: {  	[sflag:s24] =	ssyncset.done $0x0  }
0x93: {  	s8 =	simm.s32 $0x4E80;
	[sflag:s24] =	ssyncadd.s32 $0xFFFFE000  }
0x94: {  	[spmem:s2] =	stream.indirect.scatter.add.f32 [tilespmem:s28], [sflag:$0x5], $0x40, s8, s25, $0xb8;
	[tilespmem:$0x19000] =	vst v63  }
0x95: {  	_ =	swait.ge [sflag:s23], $0x2000  }
0x96: {  	[sflag:s23] =	ssyncset.done $0x0  }
0x97: {  	[sflag:s23] =	ssyncadd.s32 $0xFFFFE000  }
0x98: {  	_ =	swait.ge [sflag:s29], $0x2000  }
0x99: {  	[sflag:s29] =	ssyncset.done $0x0  }
0x9a: {  	s9 =	simm.s32 $0x4F00;
	[sflag:s29] =	ssyncadd.s32 $0xFFFFE000  }
0x9b: {  	[spmem:s2] =	stream.indirect.scatter.add.f32 [tilespmem:s30], [sflag:$0x5], $0x40, s9, s25, $0xb8;
	[tilespmem:$0x19000] =	vst v63  }
0x9c: {  	_ =	swait.ge [sflag:s23], $0x2000  }
0x9d: {  	[sflag:s23] =	ssyncset.done $0x0  }
0x9e: {  	[sflag:s23] =	ssyncadd.s32 $0xFFFFE000  }
0x9f: {  	_ =	swait.ge [sflag:s31], $0x2000  }
0xa0: {  	[sflag:s31] =	ssyncset.done $0x0  }
0xa1: {  	s8 =	simm.s32 $0x4F80;
	[sflag:s31] =	ssyncadd.s32 $0xFFFFE000  }
0xa2: {  	[spmem:s2] =	stream.indirect.scatter.add.f32 [tilespmem:s0], [sflag:$0x5], $0x40, s8, s25, $0xb8;
	[tilespmem:$0x19000] =	vst v63  }
0xa3: {  	_ =	swait.ge [sflag:s23], $0x2000  }
0xa4: {  	[sflag:s23] =	ssyncset.done $0x0  }
0xa5: {  	[sflag:s23] =	ssyncadd.s32 $0xFFFFE000  }
0xa6: {  	[bflag:$0x0] =	sbarrier.arrive $0xFFFF  }
0xa7: {  	[tilespmem:s22], [sflag:$0x5] =	stream.linear.gather [spmem:s5], $0x2000, $0x38;
	[tilespmem:$0x19000] =	vst v63  }
0xa8: {  	_ =	swait.ge [sflag:s23], $0x2000  }
0xa9: {  	[sflag:s23] =	ssyncset.done $0x0  }
0xaa: {  	[sflag:s23] =	ssyncadd.s32 $0xFFFFE000  }
0xab: {  	[hbm4b:s13+s3] =	stream.linear.scatter [tilespmem:s22], [sflag:$0x5], $0x2000, $0x38;
	[tilespmem:$0x19000] =	vst v63  }
0xac: {  	_ =	swait.ge [sflag:s23], $0x2000  }
0xad: {  	[sflag:s23] =	ssyncset.done $0x0  }
0xae: {  	[sflag:s23] =	ssyncadd.s32 $0xFFFFE000  }
0xaf: {  	[tilespmem:s22], [sflag:$0x5] =	stream.linear.gather [spmem:s14], $0x2000, $0x38;
	[tilespmem:$0x19000] =	vst v63  }
0xb0: {  	_ =	swait.ge [sflag:s23], $0x2000  }
0xb1: {  	[sflag:s23] =	ssyncset.done $0x0  }
0xb2: {  	[sflag:s23] =	ssyncadd.s32 $0xFFFFE000  }
0xb3: {  	[hbm4b:s15+s3] =	stream.linear.scatter [tilespmem:s22], [sflag:$0x5], $0x2000, $0x38;
	[tilespmem:$0x19000] =	vst v63  }
0xb4: {  	_ =	swait.ge [sflag:s23], $0x2000  }
0xb5: {  	[sflag:s23] =	ssyncset.done $0x0  }
0xb6: {  	[sflag:s23] =	ssyncadd.s32 $0xFFFFE000  }
0xb7: {  	[tilespmem:s22], [sflag:$0x5] =	stream.linear.gather [spmem:s16], $0x2000, $0x38;
	[tilespmem:$0x19000] =	vst v63  }
0xb8: {  	_ =	swait.ge [sflag:s23], $0x2000  }
0xb9: {  	[sflag:s23] =	ssyncset.done $0x0  }
0xba: {  	[sflag:s23] =	ssyncadd.s32 $0xFFFFE000  }
0xbb: {  	[hbm4b:s17+s3] =	stream.linear.scatter [tilespmem:s22], [sflag:$0x5], $0x2000, $0x38;
	[tilespmem:$0x19000] =	vst v63  }
0xbc: {  	_ =	swait.ge [sflag:s23], $0x2000  }
0xbd: {  	[sflag:s23] =	ssyncset.done $0x0  }
0xbe: {  	[sflag:s23] =	ssyncadd.s32 $0xFFFFE000  }
0xbf: {  	[tilespmem:s22], [sflag:$0x5] =	stream.linear.gather [spmem:s18], $0x2000, $0x38;
	[tilespmem:$0x19000] =	vst v63  }
0xc0: {  	_ =	swait.ge [sflag:s23], $0x2000  }
0xc1: {  	[sflag:s23] =	ssyncset.done $0x0  }
0xc2: {  	[sflag:s23] =	ssyncadd.s32 $0xFFFFE000  }
0xc3: {  	[hbm4b:s19+s3] =	stream.linear.scatter [tilespmem:s22], [sflag:$0x5], $0x2000, $0x38;
	[tilespmem:$0x19000] =	vst v63  }
0xc4: {  	_ =	swait.ge [sflag:s23], $0x2000  }
0xc5: {  	[sflag:s23] =	ssyncset.done $0x0  }
0xc6: {  	[sflag:s23] =	ssyncadd.s32 $0xFFFFE000  }
0xc7: {  	[tilespmem:s22], [sflag:$0x5] =	stream.linear.gather [spmem:s20], $0x2000, $0x38;
	[tilespmem:$0x19000] =	vst v63  }
0xc8: {  	_ =	swait.ge [sflag:s23], $0x2000  }
0xc9: {  	[sflag:s23] =	ssyncset.done $0x0  }
0xca: {  	[sflag:s23] =	ssyncadd.s32 $0xFFFFE000  }
0xcb: {  	[hbm4b:s21+s3] =	stream.linear.scatter [tilespmem:s22], [sflag:$0x5], $0x2000, $0x38;
	[tilespmem:$0x19000] =	vst v63  }
0xcc: {  	_ =	swait.ge [sflag:s23], $0x2000  }
0xcd: {  	s6 =	sadd.s32 $0x1, s6;
	s9 =	rddreg [dreg:$0x5]  }
0xce: {  	p0 =	sne.s32 s6, s9  }
.Ltmp2:
0xcf: {  	_ = 	snop;
	(pc) =	sbr.rel @p0 .LBB2_1-.Ltmp2, $3  }
0xd0: {  	_ =	sdelay $0x1  }
0xd1: {  	[sflag:s23] =	ssyncset.done $0x0  }
0xd2: {  	[sflag:s23] =	ssyncadd.s32 $0xFFFFE000  }
0xd3: {  	_ =	sfence.sel $0x180000  }
0xd4: {  	[bflag:$0x0] =	sbarrier.arrive $0xFFFF  }
0xd5: {  	_ =	strace $0x9000004A  }
0xd6: {  	s0 =	stileid.u32;
	[bflag:$0x2] =	sbarrier.arrive $0xFFFF  }
0xd7: {  	p0 =	sne.s32 s0, $0x0;
	s0 =	rddreg [dreg:$0x2]  }
0xd8: {  	s0 =	sadd.s32 @!p0 $0x100000, s0  }
0xd9: {  	[sflag:s0] =	ssyncadd.tile.s32 @!p0 $0x1;
	_ =	shalt  }
.Lfunc_end2:
_tile_overlayer_lowered:
.L_overlay_start_2:
0xda: {  	(tag) =	ssettag $0x2  }
0xdb: {  	s0 =	rddreg [dreg:$0x0];
	s2 =	stileid.u32  }
0xdc: {  	s1 =	rddreg [dreg:$0x1];
	p0 =	sne.s32 s2, $0x0  }
0xdd: {  	s3 =	rddreg [dreg:$0x2];
	[bflag:$0x3] =	sbarrier.arrive $0xFFFF;
	s2 =	simm.s32 @!p0 $0x1C05  }
0xde: {  	[timem:s3], [sflag:s2] =	dma.local @!p0 [hbm:s0], s1  }
0xdf: {  	s0 =	simm.s32 @!p0 $0x5  }
0xe0: {  	_ =	swait.ge @!p0 [sflag:s0], s1  }
0xe1: {  	s1 =	ssub.s32 @!p0 $0x0, s1;
	[sflag:s0] =	ssyncset.done @!p0 $0x0  }
0xe2: {  	[sflag:s0] =	ssyncadd.s32 @!p0 s1  }
0xe3: {  	[bflag:$0x3] =	sbarrier.arrive $0xFFFF  }
0xe4: {  	_ =	shalt  }

// kernel: kernel.14.cloned.1.call-start
scs
__scs_entry_jumppad:
0x0: {  	(pc) =	sbr.rel $0x88, $3  }
0x1: {  	(tag) =	ssettag $0x0;
	lr =	simm.s32 $0x1  }
0x2: {  	[smem:$0x3F95] =	sst lr;
	_ =	strace $0xD0000000  }
0x3: {  	_ = 	snop  }
0x4: {  	_ = 	snop  }
0x5: {  	_ = 	snop  }
0x6: {  	_ = 	snop  }
0x7: {  	_ = 	snop  }
__scs_overlays_trampoline_lowered:
0x8: {  	[smem:$0x3FA4] =	sst s0  }
0x9: {  	[smem:$0x3FA5] =	sst s1  }
0xa: {  	[smem:$0x3FA6] =	sst s2  }
0xb: {  	[smem:$0x3FA7] =	sst s3  }
0xc: {  	[smem:$0x3FA8] =	sst s4  }
0xd: {  	[smem:$0x3FA9] =	sst s5  }
0xe: {  	[smem:$0x3FAA] =	sst s6  }
0xf: {  	[smem:$0x3FAB] =	sst s7  }
0x10: {  	[smem:$0x3FAC] =	sst s8  }
0x11: {  	[smem:$0x3FAD] =	sst s9;
	s0 =	simm.s32 @!p0 $0x0  }
0x12: {  	s1 =	sld [smem:$0x3F93];
	s0 =	simm.s32 @p0 $0x1  }
0x13: {  	[smem:$0x3FAE] =	sst s0;
	s0 =	simm.s32 @!p1 $0x0  }
0x14: {  	s2 =	sld [smem:$0x3F92];
	s0 =	simm.s32 @p1 $0x1  }
0x15: {  	[smem:$0x3FAF] =	sst s0;
	s0 =	simm.s32 @!p2 $0x0  }
0x16: {  	s3 =	sld [smem:$0x3FDB];
	s0 =	simm.s32 @p2 $0x1  }
0x17: {  	s4 =	simm.s32 $0x1BF5;
	[smem:$0x3FB1] =	sst s0  }
0x18: {  	s0 =	sld [smem:$0x3F94];
	_ =	swait.ge [sflag:s4], $0x0  }
0x19: {  	s7 =	sld [smem:$0x3F95]  }
0x1a: {  	s8 =	sadd.s32 $0xFFFFE003, lr  }
0x1b: {  	s9 =	sadd.s32 $0xFFFFFEF7, lr;
	s5 =	simm.s32 $0xFFFFFFFF;
	p2 =	slt.u32 s8, $0xFFFFF086  }
0x1c: {  	p1 =	slt.u32 s9, $0xF7A;
	s5 =	simm.s32 @!p2 $0x0  }
0x1d: {  	s5 =	simm.s32 @p1 $0x1;
	p0 =	seq.s32 s7, s2  }
0x1e: {  	s7 =	smul.u32 @!p0 $0xF7A, s2;
	p2 =	seq.s32 @!p0 s5, $0x0  }
0x1f: {  	s9 =	smul.u32 $0xF7A, s1;
	s8 =	simm.s32 @!p0 $0x1BF5;
	p2 =	por !p2, p0  }
0x20: {  	[sflag:s8] =	ssyncset.s32 @!p0 $0xFFFFF086;
	s6 =	sadd.s32 @!p0 s3, s7;
	s7 =	simm.s32 @!p0 $0x108  }
0x21: {  	s3 =	sadd.s32 s3, s9;
	s6 =	sadd.s32 @!p0 $0x88, s6;
	s7 =	simm.s32 @p2 $0x1082  }
0x22: {  	[simem:s7], [sflag:s8] =	dma.local @!p0 [hbm:s6], $0xF7A  }
0x23: {  	s9 =	sor.u32 $0xD0000000, s2;
	s6 =	simm.s32 $0x108;
	_ =	swait.ge @!p0 [sflag:s8], $0x0  }
0x24: {  	s3 =	sadd.s32 $0x88, s3;
	s6 =	simm.s32 @!p1 $0x1082;
	[sflag:s4] =	ssyncset.s32 $0xFFFFF086  }
0x25: {  	[simem:s6], [sflag:s4] =	dma.local [hbm:s3], $0xF7A  }
0x26: {  	[smem:$0x3F95] =	sst s1;
	(tag) =	ssettag s2;
	_ =	strace s9  }
0x27: {  	s1 =	sld [smem:$0x3FA5]  }
0x28: {  	s2 =	sld [smem:$0x3FA6]  }
0x29: {  	s4 =	sld [smem:$0x3FA8]  }
0x2a: {  	p0 =	seq.s32 s5, $0x0;
	s5 =	sld [smem:$0x3FA9]  }
0x2b: {  	s6 =	sld [smem:$0x3FAA]  }
0x2c: {  	s7 =	sld [smem:$0x3FAB]  }
0x2d: {  	s3 =	simm.s32 $0x108;
	s8 =	sld [smem:$0x3FAC]  }
0x2e: {  	s3 =	simm.s32 @!p0 $0x1082;
	s9 =	sld [smem:$0x3FAD]  }
0x2f: {  	lr =	sadd.s32 s0, s3;
	s0 =	sld [smem:$0x3FA4]  }
0x30: {  	s3 =	sld [smem:$0x3FA7]  }
0x31: {  	[smem:$0x3FB0] =	sst s10  }
0x32: {  	s10 =	sld [smem:$0x3FAE];
	_ =	sdelay $0x3  }
0x33: {  	p0 =	seq.s32 s10, $0x1;
	s10 =	sld [smem:$0x3FB0];
	_ =	sdelay $0x3  }
0x34: {  	[smem:$0x3FB0] =	sst s10  }
0x35: {  	s10 =	sld [smem:$0x3FAF];
	_ =	sdelay $0x3  }
0x36: {  	p1 =	seq.s32 s10, $0x1;
	s10 =	sld [smem:$0x3FB0];
	_ =	sdelay $0x3  }
0x37: {  	[smem:$0x3FB0] =	sst s10  }
0x38: {  	s10 =	sld [smem:$0x3FB1]  }
0x39: {  	_ = 	snop;
	(pc) =	sbr.ind lr, $3  }
0x3a: {  	_ = 	snop  }
0x3b: {  	_ = 	snop  }
0x3c: {  	p2 =	seq.s32 s10, $0x1;
	s10 =	sld [smem:$0x3FB0]  }
0x3d: {  	_ =	shalt  }
0x3e: {  	_ =	shalt  }
0x3f: {  	_ =	shalt  }
0x40: {  	_ =	shalt  }
0x41: {  	_ =	shalt  }
0x42: {  	_ =	shalt  }
0x43: {  	_ =	shalt  }
0x44: {  	_ =	shalt  }
0x45: {  	_ =	shalt  }
0x46: {  	_ =	shalt  }
0x47: {  	_ =	shalt  }
0x48: {  	_ =	shalt  }
0x49: {  	_ =	shalt  }
0x4a: {  	_ =	shalt  }
0x4b: {  	_ =	shalt  }
0x4c: {  	_ =	shalt  }
0x4d: {  	_ =	shalt  }
0x4e: {  	_ =	shalt  }
0x4f: {  	_ =	shalt  }
0x50: {  	_ =	shalt  }
0x51: {  	_ =	shalt  }
0x52: {  	_ =	shalt  }
0x53: {  	_ =	shalt  }
0x54: {  	_ =	shalt  }
0x55: {  	_ =	shalt  }
0x56: {  	_ =	shalt  }
0x57: {  	_ =	shalt  }
0x58: {  	_ =	shalt  }
0x59: {  	_ =	shalt  }
0x5a: {  	_ =	shalt  }
0x5b: {  	_ =	shalt  }
0x5c: {  	_ =	shalt  }
0x5d: {  	_ =	shalt  }
0x5e: {  	_ =	shalt  }
0x5f: {  	_ =	shalt  }
0x60: {  	_ =	shalt  }
0x61: {  	_ =	shalt  }
0x62: {  	_ =	shalt  }
0x63: {  	_ =	shalt  }
0x64: {  	_ =	shalt  }
0x65: {  	_ =	shalt  }
0x66: {  	_ =	shalt  }
0x67: {  	_ =	shalt  }
0x68: {  	_ =	shalt  }
0x69: {  	_ =	shalt  }
0x6a: {  	_ =	shalt  }
0x6b: {  	_ =	shalt  }
0x6c: {  	_ =	shalt  }
0x6d: {  	_ =	shalt  }
0x6e: {  	_ =	shalt  }
0x6f: {  	_ =	shalt  }
0x70: {  	_ =	shalt  }
0x71: {  	_ =	shalt  }
0x72: {  	_ =	shalt  }
0x73: {  	_ =	shalt  }
0x74: {  	_ =	shalt  }
0x75: {  	_ =	shalt  }
0x76: {  	_ =	shalt  }
0x77: {  	_ =	shalt  }
0x78: {  	_ =	shalt  }
0x79: {  	_ =	shalt  }
0x7a: {  	_ =	shalt  }
0x7b: {  	_ =	shalt  }
0x7c: {  	_ =	shalt  }
0x7d: {  	_ =	shalt  }
0x7e: {  	_ =	shalt  }
0x7f: {  	_ =	shalt  }
0x80: {  	_ =	shalt  }
0x81: {  	_ =	shalt  }
0x82: {  	_ =	shalt  }
0x83: {  	_ =	shalt  }
0x84: {  	_ =	shalt  }
0x85: {  	_ =	shalt  }
0x86: {  	_ =	shalt  }
0x87: {  	_ =	shalt  }
.Lfunc_end0:
.L_simem_size_0:
called_computation.2_lowered:
.L_overlay_start_0:
0x88: {  	s2 =	sld [smem:$0x3FD9]  }
0x89: {  	s3 =	sld [smem:$0x3FFE];
	_ =	sdelay $0x1  }
0x8a: {  	s1 =	srdreg.scid  }
0x8b: {  	s0 =	sand.u32 $0x1, s1  }
0x8c: {  	s17 =	sshll.u32 s0, $0xA;
	s2 =	sadd.s32 s3, s2  }
0x8d: {  	s2 =	sadd.s32 s2, s17  }
0x8e: {  	[smem:$0x3FBC] =	sst s2  }
0x8f: {  	_ = 	snop  }
0x90: {  	(tm) =	ssettm $0x1  }
0x91: {  	s18 =	sld [smem:$0x3FFB];
	_ =	sdelay $0x3  }
0x92: {  	_ =	strace s18  }
0x93: {  	s2 =	sld [smem:$0x3FFC];
	_ =	sdelay $0x3  }
0x94: {  	_ =	strace s2  }
0x95: {  	s2 =	sld [smem:$0x3FFD];
	_ =	sdelay $0x3  }
0x96: {  	_ =	strace s2  }
0x97: {  	_ =	strace $0x8FFFFFFF  }
0x98: {  	s19 =	sld [smem:$0x3FDB];
	_ =	sdelay $0x1  }
0x99: {  	s20 =	simm.s32 $_scs_section_size  }
0x9a: {  	s4 =	simm.s32 $_size__tile_overlayer_lowered;
	s5 =	simm.s32 $_tile_overlayer_lowered  }
0x9b: {  	s6 =	simm.s32 $0x1BFF;
	s21 =	sshll.u32 s5, $0x1;
	s3 =	sadd.s32 s20, s19  }
0x9c: {  	s22 =	simm.s32 $0x0;
	s4 =	sshll.u32 s4, $0x1;
	s5 =	sadd.s32 s21, s3  }
0x9d: {  	[timem:s22], [sflag:s6] =	dma.local [hbm:s5], s4  }
0x9e: {  	_ =	swait.ge [sflag:s6], s4  }
0x9f: {  	s4 =	ssub.s32 $0x0, s4;
	[sflag:s6] =	ssyncset.done $0x0  }
0xa0: {  	[sflag:s6] =	ssyncadd.s32 s4;
	_ =	sdelay $0x1  }
0xa1: {  	s23 =	simm.s32 $0x1B8B  }
0xa2: {  	_ =	swait.ge [sflag:s23], $0x1  }
0xa3: {  	[sflag:s23] =	ssyncset.done $0x0  }
0xa4: {  	[sflag:s23] =	ssyncadd.s32 $0xFFFFFFFF  }
0xa5: {  	s4 =	sld [smem:$0x0]  }
0xa6: {  	s5 =	sand.u32 $0xFFFFFFFE, s1  }
0xa7: {  	p0 =	sne.s32 s1, s5  }
0xa8: {  	s5 =	sshll.u32 @p0 s5, $0xE  }
0xa9: {  	s5 =	sadd.s32 @p0 $0x11B8D, s5;
	s6 =	sshll.u32 @p0 s4, $0x11  }
0xaa: {  	s5 =	sor.u32 @p0 s6, s5  }
0xab: {  	[sflag:s5] =	ssyncadd.remote.s32 @p0 $0x1;
	_ =	sdelay $0x1  }
0xac: {  	s5 =	simm.s32 @p0 $0x1B8D  }
0xad: {  	_ =	swait.eq @p0 [sflag:s5], $0x1  }
0xae: {  	[sflag:s5] =	ssyncadd.s32 @p0 $0xFFFFFFFF  }
0xaf: {  	s6 =	sshll.u32 @!p0 s1, $0xE  }
0xb0: {  	s6 =	sor.u32 @!p0 $0x4000, s6;
	s5 =	simm.s32 @!p0 $0x1B8D  }
0xb1: {  	s4 =	sshll.u32 @!p0 s4, $0x11;
	s6 =	sadd.s32 @!p0 $0x11B8D, s6;
	_ =	swait.eq @!p0 [sflag:s5], $0x1  }
0xb2: {  	s4 =	sor.u32 @!p0 s4, s6;
	[sflag:s5] =	ssyncadd.s32 @!p0 $0xFFFFFFFF  }
0xb3: {  	s25 =	simm.s32 $0x1B8E;
	s24 =	sld [smem:$0x3FFE];
	[sflag:s4] =	ssyncadd.remote.s32 @!p0 $0x1  }
0xb4: {  	s26 =	simm.s32 $execute0_lowered;
	[smem:$0x3FD2] =	sst s25  }
0xb5: {  	s5 =	sshll.u32 s26, $0x1;
	_ =	strace $0x8000004F;
	[dreg:$0x1] =	wrdreg $0xFFFFFFFF  }
0xb6: {  	s28 =	simm.s32 $_size_execute0_lowered;
	s3 =	sadd.s32 s3, s5;
	[dreg:$0x0] =	wrdreg $0x0  }
0xb7: {  	s5 =	sshll.u32 s28, $0x1;
	[dreg:$0x2] =	wrdreg s3  }
0xb8: {  	[dreg:$0x3] =	wrdreg s5  }
0xb9: {  	[dreg:$0x4] =	wrdreg $0xC0  }
0xba: {  	_ =	task [dreg:s22], $0x5FFFF  }
0xbb: {  	[dreg:$0x1] =	wrdreg $0xFFFFFFFF  }
0xbc: {  	[dreg:$0x0] =	wrdreg $0x60  }
0xbd: {  	[dreg:$0x2] =	wrdreg s24  }
0xbe: {  	[dreg:$0x3] =	wrdreg $0xF0000  }
0xbf: {  	[dreg:$0x4] =	wrdreg $0x9  }
0xc0: {  	_ =	task.clear_ibuf [dreg:s22], $0x5FFFF;
	_ =	strace $0x9000004F  }
0xc1: {  	s29 =	simm.s32 $0x9;
	_ =	strace $0x80000051  }
0xc2: {  	_ =	swait.ge [sflag:s29], $0x1  }
0xc3: {  	[sflag:s29] =	ssyncadd.s32 $0xFFFFFFFF  }
0xc4: {  	_ =	strace $0x90000051  }
0xc5: {  	_ =	sfence  }
0xc6: {  	s30 =	sld [smem:$0x0];
	_ =	sdelay $0x2  }
0xc7: {  	s31 =	sshll.u32 s1, $0xD;
	s1 =	sshrl.u32 s1, $0x2  }
0xc8: {  	s4 =	sand.u32 $0x4000, s31;
	s1 =	sadd.s32 s1, s30  }
0xc9: {  	s0 =	sor.u32 s4, s0;
	s1 =	sshll.u32 s1, $0x11  }
0xca: {  	s0 =	sor.u32 s1, s0  }
0xcb: {  	s0 =	sadd.s32 $0x8F2B, s0  }
0xcc: {  	[sflag:s0] =	ssyncadd.remote.s32 $0x1  }
0xcd: {  	_ =	sfence.sel $0xFFFF  }
0xce: {  	[dreg:$0x0] =	wrdreg $0xFFFFFFFF;
	(pc) =	sbr.abs _section_cstart, $3  }
0xcf: {  	[dreg:$0x1] =	wrdreg $0xFFFFFFFF  }
0xd0: {  	_ =	task.clear_ibuf [dreg:s22], $0x2FFFF;
	_ =	strace $0x9FFFFFFF  }
0xd1: {  	(tm) =	ssettm $0x7FFFFFFF  }
tec
execute0_lowered:
.L_overlay_start_1:
0x0: {  	(tag) =	ssettag $0x1  }
0x1: {  	s1 =	rddreg [dreg:$0x0]  }
0x2: {  	s0 =	srdreg.scid;
	s2 =	rddreg [dreg:$0x1]  }
0x3: {  	s9 =	stileid.u32;
	s3 =	simm.s32 $0x0;
	s28 =	simm.s32 $0x7000  }
0x4: {  	s30 =	simm.s32 $0x9000;
	s29 =	simm.s32 $0x3;
	s31 =	simm.s32 $0x4  }
0x5: {  	s0 =	sand.u32 $0x1, s0;
	[smem:$0x7FF] =	sst s3;
	s7 =	smul.u32 $0x28000, s9  }
0x6: {  	s18 =	smul.u32 $0x280, s9;
	s4 =	sshll.u32 s0, $0x4;
	_ =	strace $0x80000050  }
0x7: {  	s11 =	ssub.s32 $0x2, s0;
	s0 =	smul.u32 $0x2800, s0;
	s4 =	sor.u32 s9, s4  }
0x8: {  	s8 =	sshrl.u32 s11, $0x1;
	s12 =	sshrl.u32 s7, $0x2;
	s17 =	sadd.s32 $0x80, s18  }
0x9: {  	s20 =	sadd.s32 $0x100, s18;
	s23 =	sadd.s32 $0x180, s18;
	s25 =	sadd.s32 $0x200, s18  }
0xa: {  	s5 =	smul.u32 $0x500, s4;
	s4 =	sadd.s32 $0xB8400, s1;
	s8 =	ssub.s32 s11, s8  }
0xb: {  	s16 =	sadd.s32 s0, s18;
	s19 =	sshll.u32 s17, $0x6;
	s21 =	sadd.s32 s0, s20  }
0xc: {  	s22 =	sshll.u32 s20, $0x6;
	s24 =	sshll.u32 s23, $0x6;
	s26 =	sshll.u32 s25, $0x6  }
0xd: {  	s14 =	smax.u32 s8, $0x1;
	s7 =	sshll.u32 s21, $0x3;
	s18 =	sadd.s32 s24, s2  }
0xe: {  	s20 =	sadd.s32 s26, s2;
	s26 =	simm.s32 $0x5000;
	s24 =	simm.s32 $0x2  }
0xf: {  	s6 =	sadd.s32 s5, s1;
	s1 =	sadd.s32 $0xE0400, s1;
	s5 =	sadd.s32 s12, s2  }
0x10: {  	[dreg:$0x5] =	wrdreg s14;
	s14 =	sadd.s32 s19, s2;
	s13 =	sadd.s32 $0xE400, s6  }
0x11: {  	s6 =	sadd.s32 $0x4400, s6;
	s15 =	sadd.s32 $0x2000, s5;
	[dreg:$0x3] =	wrdreg s13  }
0x12: {  	s10 =	sadd.s32 $0x4000, s5;
	s11 =	sadd.s32 $0x6000, s5;
	[dreg:$0x4] =	wrdreg s6  }
0x13: {  	s12 =	sadd.s32 $0x8000, s5;
	[dreg:$0x6] =	wrdreg s15;
	s6 =	sshll.u32 s16, $0x3  }
0x14: {  	s16 =	sadd.s32 s22, s2;
	s13 =	sadd.s32 s1, s6;
	s6 =	sadd.s32 s0, s17  }
0x15: {  	s22 =	simm.s32 $0xD000;
	s17 =	sadd.s32 s1, s7;
	s6 =	sshll.u32 s6, $0x3  }
0x16: {  	s15 =	sadd.s32 s1, s6;
	s6 =	sadd.s32 s0, s23;
	s0 =	sadd.s32 s0, s25  }
0x17: {  	s23 =	simm.s32 $0x5;
	s6 =	sshll.u32 s6, $0x3;
	s0 =	sshll.u32 s0, $0x3  }
0x18: {  	s25 =	simm.s32 $0x80;
	s19 =	sadd.s32 s1, s6;
	s21 =	sadd.s32 s1, s0  }
0x19: {  	v0 =	vimm.f32 $0.0e+00;
	s0 =	simm.s32 $0xB000;
	s1 =	simm.s32 $0x1;
	s6 =	simm.s32 $0x0  }
.LBB2_1:
0x1a: {  	s8 =	simm.s32 $0x100;
	s7 =	simm.s32 $0x0  }
.LBB2_2:
0x1b: {  	p0 =	sne.s32 s8, $0x7F00;
	[tilespmem:s7+$0xD030] =	vst v0;
	s9 =	smov.u32 s8;
	s8 =	sadd.s32 $0x100, s8  }
.Ltmp0:
0x1c: {  	[tilespmem:s7+$0xD020] =	vst v0;
	(pc) =	sbr.rel @p0 .LBB2_2-.Ltmp0, $3  }
0x1d: {  	[tilespmem:s7+$0xD000] =	vst v0  }
0x1e: {  	[tilespmem:s7+$0xD010] =	vst v0;
	_ =	sdelay $0x1  }
0x1f: {  	s7 =	sshra.s32 s9, $0x2  }
0x20: {  	[tilespmem:s7+$0xD030] =	vst v0  }
0x21: {  	[tilespmem:s7+$0xD020] =	vst v0  }
0x22: {  	[tilespmem:s7+$0xD000] =	vst v0  }
0x23: {  	[tilespmem:s7+$0xD010] =	vst v0  }
0x24: {  	[spmem:s5] =	stream.linear.scatter [tilespmem:s22], [sflag:$0x5], $0x2000, $0x38;
	[tilespmem:$0x19000] =	vst v63  }
0x25: {  	_ =	swait.ge [sflag:s23], $0x2000  }
0x26: {  	[sflag:s23] =	ssyncset.done $0x0  }
0x27: {  	s8 =	rddreg [dreg:$0x6];
	[sflag:s23] =	ssyncadd.s32 $0xFFFFE000  }
0x28: {  	[spmem:s8] =	stream.linear.scatter [tilespmem:s22], [sflag:$0x5], $0x2000, $0x38;
	[tilespmem:$0x19000] =	vst v63  }
0x29: {  	_ =	swait.ge [sflag:s23], $0x2000  }
0x2a: {  	[sflag:s23] =	ssyncset.done $0x0  }
0x2b: {  	[sflag:s23] =	ssyncadd.s32 $0xFFFFE000  }
0x2c: {  	[spmem:s10] =	stream.linear.scatter [tilespmem:s22], [sflag:$0x5], $0x2000, $0x38;
	[tilespmem:$0x19000] =	vst v63  }
0x2d: {  	_ =	swait.ge [sflag:s23], $0x2000  }
0x2e: {  	[sflag:s23] =	ssyncset.done $0x0  }
0x2f: {  	[sflag:s23] =	ssyncadd.s32 $0xFFFFE000  }
0x30: {  	[spmem:s11] =	stream.linear.scatter [tilespmem:s22], [sflag:$0x5], $0x2000, $0x38;
	[tilespmem:$0x19000] =	vst v63  }
0x31: {  	_ =	swait.ge [sflag:s23], $0x2000  }
0x32: {  	[sflag:s23] =	ssyncset.done $0x0  }
0x33: {  	[sflag:s23] =	ssyncadd.s32 $0xFFFFE000  }
0x34: {  	[spmem:s12] =	stream.linear.scatter [tilespmem:s22], [sflag:$0x5], $0x2000, $0x38;
	[tilespmem:$0x19000] =	vst v63  }
0x35: {  	_ =	swait.ge [sflag:s23], $0x2000  }
0x36: {  	[sflag:s23] =	ssyncset.done $0x0  }
0x37: {  	[sflag:s23] =	ssyncadd.s32 $0xFFFFE000  }
0x38: {  	[bflag:$0x0] =	sbarrier.arrive $0xFFFF  }
0x39: {  	s7 =	simm.s32 $0x0;
	s8 =	rddreg [dreg:$0x3]  }
0x3a: {  	[tilespmem:s7], [sflag:$0x5] =	stream.linear.gather [hbm4b:s8+s7], $0x2800, $0x38;
	[tilespmem:$0x19000] =	vst v63  }
0x3b: {  	_ =	swait.ge [sflag:s23], $0x2800  }
0x3c: {  	[sflag:s23] =	ssyncset.done $0x0  }
0x3d: {  	s9 =	simm.s32 $0x2800;
	s8 =	rddreg [dreg:$0x4];
	[sflag:s23] =	ssyncadd.s32 $0xFFFFD800  }
0x3e: {  	[tilespmem:s9], [sflag:$0x5] =	stream.linear.gather [hbm4b:s8+s7], $0x2800, $0x38;
	[tilespmem:$0x19000] =	vst v63  }
0x3f: {  	_ =	swait.ge [sflag:s23], $0x2800  }
0x40: {  	[sflag:s23] =	ssyncset.done $0x0  }
0x41: {  	[sflag:s23] =	ssyncadd.s32 $0xFFFFD800  }
0x42: {  	[tilespmem:s26], [sflag:$0x1] =	stream.indirect.gather [hbm4b:s4+s25], $0x40, s7, s25, $0xb8;
	[tilespmem:$0x19000] =	vst v63  }
0x43: {  	_ = 	snop  }
0x44: {  	[tilespmem:s28], [sflag:$0x2] =	stream.indirect.gather [hbm4b:s4+s25], $0x40, s25, s25, $0xb8;
	[tilespmem:$0x19000] =	vst v63  }
0x45: {  	s9 =	simm.s32 $0x100  }
0x46: {  	[tilespmem:s30], [sflag:$0x3] =	stream.indirect.gather [hbm4b:s4+s25], $0x40, s9, s25, $0xb8;
	[tilespmem:$0x19000] =	vst v63  }
0x47: {  	s8 =	simm.s32 $0x180  }
0x48: {  	[tilespmem:s0], [sflag:$0x4] =	stream.indirect.gather [hbm4b:s4+s25], $0x40, s8, s25, $0xb8;
	[tilespmem:$0x19000] =	vst v63  }
0x49: {  	_ =	swait.ge [sflag:s1], $0x2000  }
0x4a: {  	[sflag:s1] =	ssyncset.done $0x0  }
0x4b: {  	s9 =	simm.s32 $0x2800;
	[sflag:s1] =	ssyncadd.s32 $0xFFFFE000  }
0x4c: {  	[spmem:s2] =	stream.indirect.scatter.add.f32 [tilespmem:s26], [sflag:$0x5], $0x40, s9, s25, $0xb8;
	[tilespmem:$0x19000] =	vst v63  }
0x4d: {  	_ =	swait.ge [sflag:s23], $0x2000  }
0x4e: {  	[sflag:s23] =	ssyncset.done $0x0  }
0x4f: {  	s8 =	simm.s32 $0x200;
	[sflag:s23] =	ssyncadd.s32 $0xFFFFE000  }
0x50: {  	[tilespmem:s26], [sflag:$0x1] =	stream.indirect.gather [hbm4b:s4+s25], $0x40, s8, s25, $0xb8;
	[tilespmem:$0x19000] =	vst v63  }
0x51: {  	_ =	swait.ge [sflag:s24], $0x2000  }
0x52: {  	[sflag:s24] =	ssyncset.done $0x0  }
0x53: {  	s9 =	simm.s32 $0x2880;
	[sflag:s24] =	ssyncadd.s32 $0xFFFFE000  }
0x54: {  	[spmem:s2] =	stream.indirect.scatter.add.f32 [tilespmem:s28], [sflag:$0x5], $0x40, s9, s25, $0xb8;
	[tilespmem:$0x19000] =	vst v63  }
0x55: {  	_ =	swait.ge [sflag:s23], $0x2000  }
0x56: {  	[sflag:s23] =	ssyncset.done $0x0  }
0x57: {  	s8 =	simm.s32 $0x280;
	[sflag:s23] =	ssyncadd.s32 $0xFFFFE000  }
0x58: {  	[tilespmem:s28], [sflag:$0x2] =	stream.indirect.gather [hbm4b:s4+s25], $0x40, s8, s25, $0xb8;
	[tilespmem:$0x19000] =	vst v63  }
0x59: {  	_ =	swait.ge [sflag:s29], $0x2000  }
0x5a: {  	[sflag:s29] =	ssyncset.done $0x0  }
0x5b: {  	s9 =	simm.s32 $0x2900;
	[sflag:s29] =	ssyncadd.s32 $0xFFFFE000  }
0x5c: {  	[spmem:s2] =	stream.indirect.scatter.add.f32 [tilespmem:s30], [sflag:$0x5], $0x40, s9, s25, $0xb8;
	[tilespmem:$0x19000] =	vst v63  }
0x5d: {  	_ =	swait.ge [sflag:s23], $0x2000  }
0x5e: {  	[sflag:s23] =	ssyncset.done $0x0  }
0x5f: {  	s8 =	simm.s32 $0x300;
	[sflag:s23] =	ssyncadd.s32 $0xFFFFE000  }
0x60: {  	[tilespmem:s30], [sflag:$0x3] =	stream.indirect.gather [hbm4b:s4+s25], $0x40, s8, s25, $0xb8;
	[tilespmem:$0x19000] =	vst v63  }
0x61: {  	_ =	swait.ge [sflag:s31], $0x2000  }
0x62: {  	[sflag:s31] =	ssyncset.done $0x0  }
0x63: {  	s9 =	simm.s32 $0x2980;
	[sflag:s31] =	ssyncadd.s32 $0xFFFFE000  }
0x64: {  	[spmem:s2] =	stream.indirect.scatter.add.f32 [tilespmem:s0], [sflag:$0x5], $0x40, s9, s25, $0xb8;
	[tilespmem:$0x19000] =	vst v63  }
0x65: {  	_ =	swait.ge [sflag:s23], $0x2000  }
0x66: {  	[sflag:s23] =	ssyncset.done $0x0  }
0x67: {  	s7 =	simm.s32 $0x800;
	s8 =	simm.s32 $0x380;
	[sflag:s23] =	ssyncadd.s32 $0xFFFFE000  }
.LBB2_4:
0x68: {  	[tilespmem:s0], [sflag:$0x4] =	stream.indirect.gather [hbm4b:s4+s25], $0x40, s8, s25, $0xb8;
	[tilespmem:$0x19000] =	vst v63  }
0x69: {  	s8 =	smov.u32 s7  }
0x6a: {  	p0 =	sne.s32 s7, $0x9000;
	s7 =	sadd.s32 $0x800, s7;
	_ =	swait.ge [sflag:s1], $0x2000  }
0x6b: {  	s8 =	sshra.s32 s8, $0x2;
	[sflag:s1] =	ssyncset.done $0x0  }
0x6c: {  	s9 =	sadd.s32 $0x2800, s8;
	[sflag:s1] =	ssyncadd.s32 $0xFFFFE000  }
0x6d: {  	[spmem:s2] =	stream.indirect.scatter.add.f32 [tilespmem:s26], [sflag:$0x5], $0x40, s9, s25, $0xb8;
	[tilespmem:$0x19000] =	vst v63  }
0x6e: {  	_ =	swait.ge [sflag:s23], $0x2000  }
0x6f: {  	[sflag:s23] =	ssyncset.done $0x0  }
0x70: {  	s9 =	sadd.s32 $0x200, s8;
	[sflag:s23] =	ssyncadd.s32 $0xFFFFE000  }
0x71: {  	[tilespmem:s26], [sflag:$0x1] =	stream.indirect.gather [hbm4b:s4+s25], $0x40, s9, s25, $0xb8;
	[tilespmem:$0x19000] =	vst v63  }
0x72: {  	_ =	swait.ge [sflag:s24], $0x2000  }
0x73: {  	[sflag:s24] =	ssyncset.done $0x0  }
0x74: {  	s9 =	sadd.s32 $0x2880, s8;
	[sflag:s24] =	ssyncadd.s32 $0xFFFFE000  }
0x75: {  	[spmem:s2] =	stream.indirect.scatter.add.f32 [tilespmem:s28], [sflag:$0x5], $0x40, s9, s25, $0xb8;
	[tilespmem:$0x19000] =	vst v63  }
0x76: {  	_ =	swait.ge [sflag:s23], $0x2000  }
0x77: {  	[sflag:s23] =	ssyncset.done $0x0  }
0x78: {  	s9 =	sadd.s32 $0x280, s8;
	[sflag:s23] =	ssyncadd.s32 $0xFFFFE000  }
0x79: {  	[tilespmem:s28], [sflag:$0x2] =	stream.indirect.gather [hbm4b:s4+s25], $0x40, s9, s25, $0xb8;
	[tilespmem:$0x19000] =	vst v63  }
0x7a: {  	_ =	swait.ge [sflag:s29], $0x2000  }
0x7b: {  	[sflag:s29] =	ssyncset.done $0x0  }
0x7c: {  	s9 =	sadd.s32 $0x2900, s8;
	[sflag:s29] =	ssyncadd.s32 $0xFFFFE000  }
0x7d: {  	[spmem:s2] =	stream.indirect.scatter.add.f32 [tilespmem:s30], [sflag:$0x5], $0x40, s9, s25, $0xb8;
	[tilespmem:$0x19000] =	vst v63  }
0x7e: {  	_ =	swait.ge [sflag:s23], $0x2000  }
0x7f: {  	[sflag:s23] =	ssyncset.done $0x0  }
0x80: {  	s9 =	sadd.s32 $0x300, s8;
	[sflag:s23] =	ssyncadd.s32 $0xFFFFE000  }
0x81: {  	[tilespmem:s30], [sflag:$0x3] =	stream.indirect.gather [hbm4b:s4+s25], $0x40, s9, s25, $0xb8;
	[tilespmem:$0x19000] =	vst v63  }
0x82: {  	_ =	swait.ge [sflag:s31], $0x2000  }
0x83: {  	[sflag:s31] =	ssyncset.done $0x0  }
.Ltmp1:
0x84: {  	s9 =	sadd.s32 $0x2980, s8;
	[sflag:s31] =	ssyncadd.s32 $0xFFFFE000;
	(pc) =	sbr.rel @p0 .LBB2_4-.Ltmp1, $4  }
0x85: {  	[spmem:s2] =	stream.indirect.scatter.add.f32 [tilespmem:s0], [sflag:$0x5], $0x40, s9, s25, $0xb8;
	[tilespmem:$0x19000] =	vst v63  }
0x86: {  	_ =	swait.ge [sflag:s23], $0x2000  }
0x87: {  	[sflag:s23] =	ssyncset.done $0x0  }
0x88: {  	s8 =	sadd.s32 $0x380, s8;
	[sflag:s23] =	ssyncadd.s32 $0xFFFFE000  }
0x89: {  	[tilespmem:s0], [sflag:$0x4] =	stream.indirect.gather [hbm4b:s4+s25], $0x40, s8, s25, $0xb8;
	[tilespmem:$0x19000] =	vst v63  }
0x8a: {  	_ =	swait.ge [sflag:s1], $0x2000  }
0x8b: {  	[sflag:s1] =	ssyncset.done $0x0  }
0x8c: {  	s7 =	simm.s32 $0x4E00;
	[sflag:s1] =	ssyncadd.s32 $0xFFFFE000  }
0x8d: {  	[spmem:s2] =	stream.indirect.scatter.add.f32 [tilespmem:s26], [sflag:$0x5], $0x40, s7, s25, $0xb8;
	[tilespmem:$0x19000] =	vst v63  }
0x8e: {  	_ =	swait.ge [sflag:s23], $0x2000  }
0x8f: {  	[sflag:s23] =	ssyncset.done $0x0  }
0x90: {  	[sflag:s23] =	ssyncadd.s32 $0xFFFFE000  }
0x91: {  	_ =	swait.ge [sflag:s24], $0x2000  }
0x92: {  	[sflag:s24] =	ssyncset.done $0x0  }
0x93: {  	s8 =	simm.s32 $0x4E80;
	[sflag:s24] =	ssyncadd.s32 $0xFFFFE000  }
0x94: {  	[spmem:s2] =	stream.indirect.scatter.add.f32 [tilespmem:s28], [sflag:$0x5], $0x40, s8, s25, $0xb8;
	[tilespmem:$0x19000] =	vst v63  }
0x95: {  	_ =	swait.ge [sflag:s23], $0x2000  }
0x96: {  	[sflag:s23] =	ssyncset.done $0x0  }
0x97: {  	[sflag:s23] =	ssyncadd.s32 $0xFFFFE000  }
0x98: {  	_ =	swait.ge [sflag:s29], $0x2000  }
0x99: {  	[sflag:s29] =	ssyncset.done $0x0  }
0x9a: {  	s9 =	simm.s32 $0x4F00;
	[sflag:s29] =	ssyncadd.s32 $0xFFFFE000  }
0x9b: {  	[spmem:s2] =	stream.indirect.scatter.add.f32 [tilespmem:s30], [sflag:$0x5], $0x40, s9, s25, $0xb8;
	[tilespmem:$0x19000] =	vst v63  }
0x9c: {  	_ =	swait.ge [sflag:s23], $0x2000  }
0x9d: {  	[sflag:s23] =	ssyncset.done $0x0  }
0x9e: {  	[sflag:s23] =	ssyncadd.s32 $0xFFFFE000  }
0x9f: {  	_ =	swait.ge [sflag:s31], $0x2000  }
0xa0: {  	[sflag:s31] =	ssyncset.done $0x0  }
0xa1: {  	s8 =	simm.s32 $0x4F80;
	[sflag:s31] =	ssyncadd.s32 $0xFFFFE000  }
0xa2: {  	[spmem:s2] =	stream.indirect.scatter.add.f32 [tilespmem:s0], [sflag:$0x5], $0x40, s8, s25, $0xb8;
	[tilespmem:$0x19000] =	vst v63  }
0xa3: {  	_ =	swait.ge [sflag:s23], $0x2000  }
0xa4: {  	[sflag:s23] =	ssyncset.done $0x0  }
0xa5: {  	[sflag:s23] =	ssyncadd.s32 $0xFFFFE000  }
0xa6: {  	[bflag:$0x0] =	sbarrier.arrive $0xFFFF  }
0xa7: {  	[tilespmem:s22], [sflag:$0x5] =	stream.linear.gather [spmem:s5], $0x2000, $0x38;
	[tilespmem:$0x19000] =	vst v63  }
0xa8: {  	_ =	swait.ge [sflag:s23], $0x2000  }
0xa9: {  	[sflag:s23] =	ssyncset.done $0x0  }
0xaa: {  	[sflag:s23] =	ssyncadd.s32 $0xFFFFE000  }
0xab: {  	[hbm4b:s13+s3] =	stream.linear.scatter [tilespmem:s22], [sflag:$0x5], $0x2000, $0x38;
	[tilespmem:$0x19000] =	vst v63  }
0xac: {  	_ =	swait.ge [sflag:s23], $0x2000  }
0xad: {  	[sflag:s23] =	ssyncset.done $0x0  }
0xae: {  	[sflag:s23] =	ssyncadd.s32 $0xFFFFE000  }
0xaf: {  	[tilespmem:s22], [sflag:$0x5] =	stream.linear.gather [spmem:s14], $0x2000, $0x38;
	[tilespmem:$0x19000] =	vst v63  }
0xb0: {  	_ =	swait.ge [sflag:s23], $0x2000  }
0xb1: {  	[sflag:s23] =	ssyncset.done $0x0  }
0xb2: {  	[sflag:s23] =	ssyncadd.s32 $0xFFFFE000  }
0xb3: {  	[hbm4b:s15+s3] =	stream.linear.scatter [tilespmem:s22], [sflag:$0x5], $0x2000, $0x38;
	[tilespmem:$0x19000] =	vst v63  }
0xb4: {  	_ =	swait.ge [sflag:s23], $0x2000  }
0xb5: {  	[sflag:s23] =	ssyncset.done $0x0  }
0xb6: {  	[sflag:s23] =	ssyncadd.s32 $0xFFFFE000  }
0xb7: {  	[tilespmem:s22], [sflag:$0x5] =	stream.linear.gather [spmem:s16], $0x2000, $0x38;
	[tilespmem:$0x19000] =	vst v63  }
0xb8: {  	_ =	swait.ge [sflag:s23], $0x2000  }
0xb9: {  	[sflag:s23] =	ssyncset.done $0x0  }
0xba: {  	[sflag:s23] =	ssyncadd.s32 $0xFFFFE000  }
0xbb: {  	[hbm4b:s17+s3] =	stream.linear.scatter [tilespmem:s22], [sflag:$0x5], $0x2000, $0x38;
	[tilespmem:$0x19000] =	vst v63  }
0xbc: {  	_ =	swait.ge [sflag:s23], $0x2000  }
0xbd: {  	[sflag:s23] =	ssyncset.done $0x0  }
0xbe: {  	[sflag:s23] =	ssyncadd.s32 $0xFFFFE000  }
0xbf: {  	[tilespmem:s22], [sflag:$0x5] =	stream.linear.gather [spmem:s18], $0x2000, $0x38;
	[tilespmem:$0x19000] =	vst v63  }
0xc0: {  	_ =	swait.ge [sflag:s23], $0x2000  }
0xc1: {  	[sflag:s23] =	ssyncset.done $0x0  }
0xc2: {  	[sflag:s23] =	ssyncadd.s32 $0xFFFFE000  }
0xc3: {  	[hbm4b:s19+s3] =	stream.linear.scatter [tilespmem:s22], [sflag:$0x5], $0x2000, $0x38;
	[tilespmem:$0x19000] =	vst v63  }
0xc4: {  	_ =	swait.ge [sflag:s23], $0x2000  }
0xc5: {  	[sflag:s23] =	ssyncset.done $0x0  }
0xc6: {  	[sflag:s23] =	ssyncadd.s32 $0xFFFFE000  }
0xc7: {  	[tilespmem:s22], [sflag:$0x5] =	stream.linear.gather [spmem:s20], $0x2000, $0x38;
	[tilespmem:$0x19000] =	vst v63  }
0xc8: {  	_ =	swait.ge [sflag:s23], $0x2000  }
0xc9: {  	[sflag:s23] =	ssyncset.done $0x0  }
0xca: {  	[sflag:s23] =	ssyncadd.s32 $0xFFFFE000  }
0xcb: {  	[hbm4b:s21+s3] =	stream.linear.scatter [tilespmem:s22], [sflag:$0x5], $0x2000, $0x38;
	[tilespmem:$0x19000] =	vst v63  }
0xcc: {  	_ =	swait.ge [sflag:s23], $0x2000  }
0xcd: {  	s6 =	sadd.s32 $0x1, s6;
	s9 =	rddreg [dreg:$0x5]  }
0xce: {  	p0 =	sne.s32 s6, s9  }
.Ltmp2:
0xcf: {  	_ = 	snop;
	(pc) =	sbr.rel @p0 .LBB2_1-.Ltmp2, $3  }
0xd0: {  	_ =	sdelay $0x1  }
0xd1: {  	[sflag:s23] =	ssyncset.done $0x0  }
0xd2: {  	[sflag:s23] =	ssyncadd.s32 $0xFFFFE000  }
0xd3: {  	_ =	sfence.sel $0x180000  }
0xd4: {  	[bflag:$0x0] =	sbarrier.arrive $0xFFFF  }
0xd5: {  	_ =	strace $0x90000050  }
0xd6: {  	s0 =	stileid.u32;
	[bflag:$0x2] =	sbarrier.arrive $0xFFFF  }
0xd7: {  	p0 =	sne.s32 s0, $0x0;
	s0 =	rddreg [dreg:$0x2]  }
0xd8: {  	s0 =	sadd.s32 @!p0 $0x100000, s0  }
0xd9: {  	[sflag:s0] =	ssyncadd.tile.s32 @!p0 $0x1;
	_ =	shalt  }
.Lfunc_end2:
_tile_overlayer_lowered:
.L_overlay_start_2:
0xda: {  	(tag) =	ssettag $0x2  }
0xdb: {  	s0 =	rddreg [dreg:$0x0];
	s2 =	stileid.u32  }
0xdc: {  	s1 =	rddreg [dreg:$0x1];
	p0 =	sne.s32 s2, $0x0  }
0xdd: {  	s3 =	rddreg [dreg:$0x2];
	[bflag:$0x3] =	sbarrier.arrive $0xFFFF;
	s2 =	simm.s32 @!p0 $0x1C05  }
0xde: {  	[timem:s3], [sflag:s2] =	dma.local @!p0 [hbm:s0], s1  }
0xdf: {  	s0 =	simm.s32 @!p0 $0x5  }
0xe0: {  	_ =	swait.ge @!p0 [sflag:s0], s1  }
0xe1: {  	s1 =	ssub.s32 @!p0 $0x0, s1;
	[sflag:s0] =	ssyncset.done @!p0 $0x0  }
0xe2: {  	[sflag:s0] =	ssyncadd.s32 @!p0 s1  }
0xe3: {  	[bflag:$0x3] =	sbarrier.arrive $0xFFFF  }
0xe4: {  	_ =	shalt  }

// kernel: kernel.17.cloned.1.call-start
scs
__scs_entry_jumppad:
0x0: {  	(pc) =	sbr.rel $0x88, $3  }
0x1: {  	(tag) =	ssettag $0x0;
	lr =	simm.s32 $0x1  }
0x2: {  	[smem:$0x3F95] =	sst lr;
	_ =	strace $0xD0000000  }
0x3: {  	_ = 	snop  }
0x4: {  	_ = 	snop  }
0x5: {  	_ = 	snop  }
0x6: {  	_ = 	snop  }
0x7: {  	_ = 	snop  }
__scs_overlays_trampoline_lowered:
0x8: {  	[smem:$0x3FA4] =	sst s0  }
0x9: {  	[smem:$0x3FA5] =	sst s1  }
0xa: {  	[smem:$0x3FA6] =	sst s2  }
0xb: {  	[smem:$0x3FA7] =	sst s3  }
0xc: {  	[smem:$0x3FA8] =	sst s4  }
0xd: {  	[smem:$0x3FA9] =	sst s5  }
0xe: {  	[smem:$0x3FAA] =	sst s6  }
0xf: {  	[smem:$0x3FAB] =	sst s7  }
0x10: {  	[smem:$0x3FAC] =	sst s8  }
0x11: {  	[smem:$0x3FAD] =	sst s9;
	s0 =	simm.s32 @!p0 $0x0  }
0x12: {  	s1 =	sld [smem:$0x3F93];
	s0 =	simm.s32 @p0 $0x1  }
0x13: {  	[smem:$0x3FAE] =	sst s0;
	s0 =	simm.s32 @!p1 $0x0  }
0x14: {  	s2 =	sld [smem:$0x3F92];
	s0 =	simm.s32 @p1 $0x1  }
0x15: {  	[smem:$0x3FAF] =	sst s0;
	s0 =	simm.s32 @!p2 $0x0  }
0x16: {  	s3 =	sld [smem:$0x3FDB];
	s0 =	simm.s32 @p2 $0x1  }
0x17: {  	s4 =	simm.s32 $0x1BF5;
	[smem:$0x3FB1] =	sst s0  }
0x18: {  	s0 =	sld [smem:$0x3F94];
	_ =	swait.ge [sflag:s4], $0x0  }
0x19: {  	s7 =	sld [smem:$0x3F95]  }
0x1a: {  	s8 =	sadd.s32 $0xFFFFE003, lr  }
0x1b: {  	s9 =	sadd.s32 $0xFFFFFEF7, lr;
	s5 =	simm.s32 $0xFFFFFFFF;
	p2 =	slt.u32 s8, $0xFFFFF086  }
0x1c: {  	p1 =	slt.u32 s9, $0xF7A;
	s5 =	simm.s32 @!p2 $0x0  }
0x1d: {  	s5 =	simm.s32 @p1 $0x1;
	p0 =	seq.s32 s7, s2  }
0x1e: {  	s7 =	smul.u32 @!p0 $0xF7A, s2;
	p2 =	seq.s32 @!p0 s5, $0x0  }
0x1f: {  	s9 =	smul.u32 $0xF7A, s1;
	s8 =	simm.s32 @!p0 $0x1BF5;
	p2 =	por !p2, p0  }
0x20: {  	[sflag:s8] =	ssyncset.s32 @!p0 $0xFFFFF086;
	s6 =	sadd.s32 @!p0 s3, s7;
	s7 =	simm.s32 @!p0 $0x108  }
0x21: {  	s3 =	sadd.s32 s3, s9;
	s6 =	sadd.s32 @!p0 $0x88, s6;
	s7 =	simm.s32 @p2 $0x1082  }
0x22: {  	[simem:s7], [sflag:s8] =	dma.local @!p0 [hbm:s6], $0xF7A  }
0x23: {  	s9 =	sor.u32 $0xD0000000, s2;
	s6 =	simm.s32 $0x108;
	_ =	swait.ge @!p0 [sflag:s8], $0x0  }
0x24: {  	s3 =	sadd.s32 $0x88, s3;
	s6 =	simm.s32 @!p1 $0x1082;
	[sflag:s4] =	ssyncset.s32 $0xFFFFF086  }
0x25: {  	[simem:s6], [sflag:s4] =	dma.local [hbm:s3], $0xF7A  }
0x26: {  	[smem:$0x3F95] =	sst s1;
	(tag) =	ssettag s2;
	_ =	strace s9  }
0x27: {  	s1 =	sld [smem:$0x3FA5]  }
0x28: {  	s2 =	sld [smem:$0x3FA6]  }
0x29: {  	s4 =	sld [smem:$0x3FA8]  }
0x2a: {  	p0 =	seq.s32 s5, $0x0;
	s5 =	sld [smem:$0x3FA9]  }
0x2b: {  	s6 =	sld [smem:$0x3FAA]  }
0x2c: {  	s7 =	sld [smem:$0x3FAB]  }
0x2d: {  	s3 =	simm.s32 $0x108;
	s8 =	sld [smem:$0x3FAC]  }
0x2e: {  	s3 =	simm.s32 @!p0 $0x1082;
	s9 =	sld [smem:$0x3FAD]  }
0x2f: {  	lr =	sadd.s32 s0, s3;
	s0 =	sld [smem:$0x3FA4]  }
0x30: {  	s3 =	sld [smem:$0x3FA7]  }
0x31: {  	[smem:$0x3FB0] =	sst s10  }
0x32: {  	s10 =	sld [smem:$0x3FAE];
	_ =	sdelay $0x3  }
0x33: {  	p0 =	seq.s32 s10, $0x1;
	s10 =	sld [smem:$0x3FB0];
	_ =	sdelay $0x3  }
0x34: {  	[smem:$0x3FB0] =	sst s10  }
0x35: {  	s10 =	sld [smem:$0x3FAF];
	_ =	sdelay $0x3  }
0x36: {  	p1 =	seq.s32 s10, $0x1;
	s10 =	sld [smem:$0x3FB0];
	_ =	sdelay $0x3  }
0x37: {  	[smem:$0x3FB0] =	sst s10  }
0x38: {  	s10 =	sld [smem:$0x3FB1]  }
0x39: {  	_ = 	snop;
	(pc) =	sbr.ind lr, $3  }
0x3a: {  	_ = 	snop  }
0x3b: {  	_ = 	snop  }
0x3c: {  	p2 =	seq.s32 s10, $0x1;
	s10 =	sld [smem:$0x3FB0]  }
0x3d: {  	_ =	shalt  }
0x3e: {  	_ =	shalt  }
0x3f: {  	_ =	shalt  }
0x40: {  	_ =	shalt  }
0x41: {  	_ =	shalt  }
0x42: {  	_ =	shalt  }
0x43: {  	_ =	shalt  }
0x44: {  	_ =	shalt  }
0x45: {  	_ =	shalt  }
0x46: {  	_ =	shalt  }
0x47: {  	_ =	shalt  }
0x48: {  	_ =	shalt  }
0x49: {  	_ =	shalt  }
0x4a: {  	_ =	shalt  }
0x4b: {  	_ =	shalt  }
0x4c: {  	_ =	shalt  }
0x4d: {  	_ =	shalt  }
0x4e: {  	_ =	shalt  }
0x4f: {  	_ =	shalt  }
0x50: {  	_ =	shalt  }
0x51: {  	_ =	shalt  }
0x52: {  	_ =	shalt  }
0x53: {  	_ =	shalt  }
0x54: {  	_ =	shalt  }
0x55: {  	_ =	shalt  }
0x56: {  	_ =	shalt  }
0x57: {  	_ =	shalt  }
0x58: {  	_ =	shalt  }
0x59: {  	_ =	shalt  }
0x5a: {  	_ =	shalt  }
0x5b: {  	_ =	shalt  }
0x5c: {  	_ =	shalt  }
0x5d: {  	_ =	shalt  }
0x5e: {  	_ =	shalt  }
0x5f: {  	_ =	shalt  }
0x60: {  	_ =	shalt  }
0x61: {  	_ =	shalt  }
0x62: {  	_ =	shalt  }
0x63: {  	_ =	shalt  }
0x64: {  	_ =	shalt  }
0x65: {  	_ =	shalt  }
0x66: {  	_ =	shalt  }
0x67: {  	_ =	shalt  }
0x68: {  	_ =	shalt  }
0x69: {  	_ =	shalt  }
0x6a: {  	_ =	shalt  }
0x6b: {  	_ =	shalt  }
0x6c: {  	_ =	shalt  }
0x6d: {  	_ =	shalt  }
0x6e: {  	_ =	shalt  }
0x6f: {  	_ =	shalt  }
0x70: {  	_ =	shalt  }
0x71: {  	_ =	shalt  }
0x72: {  	_ =	shalt  }
0x73: {  	_ =	shalt  }
0x74: {  	_ =	shalt  }
0x75: {  	_ =	shalt  }
0x76: {  	_ =	shalt  }
0x77: {  	_ =	shalt  }
0x78: {  	_ =	shalt  }
0x79: {  	_ =	shalt  }
0x7a: {  	_ =	shalt  }
0x7b: {  	_ =	shalt  }
0x7c: {  	_ =	shalt  }
0x7d: {  	_ =	shalt  }
0x7e: {  	_ =	shalt  }
0x7f: {  	_ =	shalt  }
0x80: {  	_ =	shalt  }
0x81: {  	_ =	shalt  }
0x82: {  	_ =	shalt  }
0x83: {  	_ =	shalt  }
0x84: {  	_ =	shalt  }
0x85: {  	_ =	shalt  }
0x86: {  	_ =	shalt  }
0x87: {  	_ =	shalt  }
.Lfunc_end0:
.L_simem_size_0:
called_computation.3_lowered:
.L_overlay_start_0:
0x88: {  	s2 =	sld [smem:$0x3FD9]  }
0x89: {  	s3 =	sld [smem:$0x3FFE];
	_ =	sdelay $0x1  }
0x8a: {  	s1 =	srdreg.scid  }
0x8b: {  	s0 =	sand.u32 $0x1, s1  }
0x8c: {  	s16 =	sshll.u32 s0, $0xA;
	s2 =	sadd.s32 s3, s2  }
0x8d: {  	s2 =	sadd.s32 s2, s16  }
0x8e: {  	[smem:$0x3FBC] =	sst s2  }
0x8f: {  	_ = 	snop  }
0x90: {  	(tm) =	ssettm $0x1  }
0x91: {  	s17 =	sld [smem:$0x3FFB];
	_ =	sdelay $0x3  }
0x92: {  	_ =	strace s17  }
0x93: {  	s2 =	sld [smem:$0x3FFC];
	_ =	sdelay $0x3  }
0x94: {  	_ =	strace s2  }
0x95: {  	s2 =	sld [smem:$0x3FFD];
	_ =	sdelay $0x3  }
0x96: {  	_ =	strace s2  }
0x97: {  	_ =	strace $0x8FFFFFFF  }
0x98: {  	s18 =	sld [smem:$0x3FDB];
	_ =	sdelay $0x1  }
0x99: {  	s19 =	simm.s32 $_scs_section_size  }
0x9a: {  	s4 =	simm.s32 $_size__tile_overlayer_lowered;
	s5 =	simm.s32 $_tile_overlayer_lowered  }
0x9b: {  	s22 =	simm.s32 $0x1BFF;
	s21 =	sshll.u32 s5, $0x1;
	s2 =	sadd.s32 s19, s18  }
0x9c: {  	s6 =	simm.s32 $0x0;
	s20 =	sshll.u32 s4, $0x1;
	s4 =	sadd.s32 s21, s2  }
0x9d: {  	[timem:s6], [sflag:s22] =	dma.local [hbm:s4], s20  }
0x9e: {  	_ =	swait.ge [sflag:s22], s20  }
0x9f: {  	s3 =	ssub.s32 $0x0, s20;
	[sflag:s22] =	ssyncset.done $0x0  }
0xa0: {  	[sflag:s22] =	ssyncadd.s32 s3;
	_ =	sdelay $0x1  }
0xa1: {  	s23 =	simm.s32 $0x1B8B  }
0xa2: {  	_ =	swait.ge [sflag:s23], $0x1  }
0xa3: {  	[sflag:s23] =	ssyncset.done $0x0  }
0xa4: {  	s25 =	simm.s32 $0x1B8E;
	s24 =	sld [smem:$0x3FFE];
	[sflag:s23] =	ssyncadd.s32 $0xFFFFFFFF  }
0xa5: {  	s26 =	simm.s32 $execute0_lowered;
	[smem:$0x3FD2] =	sst s25  }
0xa6: {  	s4 =	sshll.u32 s26, $0x1;
	_ =	strace $0x8000004C;
	[dreg:$0x1] =	wrdreg $0xFFFFFFFF  }
0xa7: {  	s28 =	simm.s32 $_size_execute0_lowered;
	s2 =	sadd.s32 s2, s4;
	[dreg:$0x0] =	wrdreg $0x0  }
0xa8: {  	s4 =	sshll.u32 s28, $0x1;
	[dreg:$0x2] =	wrdreg s2  }
0xa9: {  	[dreg:$0x3] =	wrdreg s4  }
0xaa: {  	[dreg:$0x4] =	wrdreg $0xC0  }
0xab: {  	_ =	task [dreg:s6], $0x5FFFF  }
0xac: {  	[dreg:$0x1] =	wrdreg $0xFFFFFFFF  }
0xad: {  	[dreg:$0x0] =	wrdreg $0x60  }
0xae: {  	[dreg:$0x2] =	wrdreg s24  }
0xaf: {  	[dreg:$0x3] =	wrdreg $0xF0000  }
0xb0: {  	[dreg:$0x4] =	wrdreg $0xA  }
0xb1: {  	_ =	task.clear_ibuf [dreg:s6], $0x5FFFF;
	_ =	strace $0x9000004C  }
0xb2: {  	s29 =	simm.s32 $0xA;
	_ =	strace $0x8000004E  }
0xb3: {  	_ =	swait.ge [sflag:s29], $0x1  }
0xb4: {  	[sflag:s29] =	ssyncadd.s32 $0xFFFFFFFF  }
0xb5: {  	_ =	strace $0x9000004E  }
0xb6: {  	_ =	sfence  }
0xb7: {  	s30 =	sld [smem:$0x0];
	_ =	sdelay $0x2  }
0xb8: {  	s31 =	sshll.u32 s1, $0xD;
	s1 =	sshrl.u32 s1, $0x2  }
0xb9: {  	s3 =	sand.u32 $0x4000, s31;
	s1 =	sadd.s32 s1, s30  }
0xba: {  	s0 =	sor.u32 s3, s0;
	s1 =	sshll.u32 s1, $0x11  }
0xbb: {  	s0 =	sor.u32 s1, s0  }
0xbc: {  	s0 =	sadd.s32 $0x8F2B, s0  }
0xbd: {  	[sflag:s0] =	ssyncadd.remote.s32 $0x1  }
0xbe: {  	_ =	sfence.sel $0xFFFF  }
0xbf: {  	[dreg:$0x0] =	wrdreg $0xFFFFFFFF;
	(pc) =	sbr.abs _section_cstart, $3  }
0xc0: {  	[dreg:$0x1] =	wrdreg $0xFFFFFFFF  }
0xc1: {  	_ =	task.clear_ibuf [dreg:s6], $0x2FFFF;
	_ =	strace $0x9FFFFFFF  }
0xc2: {  	(tm) =	ssettm $0x7FFFFFFF  }
0xc3: {  	_ =	shalt  }
tec
execute0_lowered:
.L_overlay_start_1:
0x0: {  	(tag) =	ssettag $0x1  }
0x1: {  	s1 =	rddreg [dreg:$0x0]  }
0x2: {  	s0 =	srdreg.scid;
	s2 =	rddreg [dreg:$0x1]  }
0x3: {  	s9 =	stileid.u32;
	s3 =	simm.s32 $0x0;
	s28 =	simm.s32 $0x7000  }
0x4: {  	s30 =	simm.s32 $0x9000;
	s29 =	simm.s32 $0x3;
	s31 =	simm.s32 $0x4  }
0x5: {  	s0 =	sand.u32 $0x1, s0;
	[smem:$0x7FF] =	sst s3;
	s7 =	smul.u32 $0x28000, s9  }
0x6: {  	s18 =	smul.u32 $0x280, s9;
	s4 =	sshll.u32 s0, $0x4;
	_ =	strace $0x8000004D  }
0x7: {  	s11 =	ssub.s32 $0x2, s0;
	s0 =	smul.u32 $0x2800, s0;
	s4 =	sor.u32 s9, s4  }
0x8: {  	s8 =	sshrl.u32 s11, $0x1;
	s12 =	sshrl.u32 s7, $0x2;
	s17 =	sadd.s32 $0x80, s18  }
0x9: {  	s20 =	sadd.s32 $0x100, s18;
	s23 =	sadd.s32 $0x180, s18;
	s25 =	sadd.s32 $0x200, s18  }
0xa: {  	s5 =	smul.u32 $0x500, s4;
	s4 =	sadd.s32 $0x68400, s1;
	s8 =	ssub.s32 s11, s8  }
0xb: {  	s16 =	sadd.s32 s0, s18;
	s19 =	sshll.u32 s17, $0x6;
	s21 =	sadd.s32 s0, s20  }
0xc: {  	s22 =	sshll.u32 s20, $0x6;
	s24 =	sshll.u32 s23, $0x6;
	s26 =	sshll.u32 s25, $0x6  }
0xd: {  	s14 =	smax.u32 s8, $0x1;
	s7 =	sshll.u32 s21, $0x3;
	s18 =	sadd.s32 s24, s2  }
0xe: {  	s20 =	sadd.s32 s26, s2;
	s26 =	simm.s32 $0x5000;
	s24 =	simm.s32 $0x2  }
0xf: {  	s6 =	sadd.s32 s5, s1;
	s1 =	sadd.s32 $0x90400, s1;
	s5 =	sadd.s32 s12, s2  }
0x10: {  	[dreg:$0x5] =	wrdreg s14;
	s14 =	sadd.s32 s19, s2;
	s13 =	sadd.s32 $0xE400, s6  }
0x11: {  	s6 =	sadd.s32 $0x4400, s6;
	s15 =	sadd.s32 $0x2000, s5;
	[dreg:$0x3] =	wrdreg s13  }
0x12: {  	s10 =	sadd.s32 $0x4000, s5;
	s11 =	sadd.s32 $0x6000, s5;
	[dreg:$0x4] =	wrdreg s6  }
0x13: {  	s12 =	sadd.s32 $0x8000, s5;
	[dreg:$0x6] =	wrdreg s15;
	s6 =	sshll.u32 s16, $0x3  }
0x14: {  	s16 =	sadd.s32 s22, s2;
	s13 =	sadd.s32 s1, s6;
	s6 =	sadd.s32 s0, s17  }
0x15: {  	s22 =	simm.s32 $0xD000;
	s17 =	sadd.s32 s1, s7;
	s6 =	sshll.u32 s6, $0x3  }
0x16: {  	s15 =	sadd.s32 s1, s6;
	s6 =	sadd.s32 s0, s23;
	s0 =	sadd.s32 s0, s25  }
0x17: {  	s23 =	simm.s32 $0x5;
	s6 =	sshll.u32 s6, $0x3;
	s0 =	sshll.u32 s0, $0x3  }
0x18: {  	s25 =	simm.s32 $0x80;
	s19 =	sadd.s32 s1, s6;
	s21 =	sadd.s32 s1, s0  }
0x19: {  	v0 =	vimm.f32 $0.0e+00;
	s0 =	simm.s32 $0xB000;
	s1 =	simm.s32 $0x1;
	s6 =	simm.s32 $0x0  }
.LBB2_1:
0x1a: {  	s8 =	simm.s32 $0x100;
	s7 =	simm.s32 $0x0  }
.LBB2_2:
0x1b: {  	p0 =	sne.s32 s8, $0x7F00;
	[tilespmem:s7+$0xD030] =	vst v0;
	s9 =	smov.u32 s8;
	s8 =	sadd.s32 $0x100, s8  }
.Ltmp0:
0x1c: {  	[tilespmem:s7+$0xD020] =	vst v0;
	(pc) =	sbr.rel @p0 .LBB2_2-.Ltmp0, $3  }
0x1d: {  	[tilespmem:s7+$0xD000] =	vst v0  }
0x1e: {  	[tilespmem:s7+$0xD010] =	vst v0;
	_ =	sdelay $0x1  }
0x1f: {  	s7 =	sshra.s32 s9, $0x2  }
0x20: {  	[tilespmem:s7+$0xD030] =	vst v0  }
0x21: {  	[tilespmem:s7+$0xD020] =	vst v0  }
0x22: {  	[tilespmem:s7+$0xD000] =	vst v0  }
0x23: {  	[tilespmem:s7+$0xD010] =	vst v0  }
0x24: {  	[spmem:s5] =	stream.linear.scatter [tilespmem:s22], [sflag:$0x5], $0x2000, $0x38;
	[tilespmem:$0x19000] =	vst v63  }
0x25: {  	_ =	swait.ge [sflag:s23], $0x2000  }
0x26: {  	[sflag:s23] =	ssyncset.done $0x0  }
0x27: {  	s8 =	rddreg [dreg:$0x6];
	[sflag:s23] =	ssyncadd.s32 $0xFFFFE000  }
0x28: {  	[spmem:s8] =	stream.linear.scatter [tilespmem:s22], [sflag:$0x5], $0x2000, $0x38;
	[tilespmem:$0x19000] =	vst v63  }
0x29: {  	_ =	swait.ge [sflag:s23], $0x2000  }
0x2a: {  	[sflag:s23] =	ssyncset.done $0x0  }
0x2b: {  	[sflag:s23] =	ssyncadd.s32 $0xFFFFE000  }
0x2c: {  	[spmem:s10] =	stream.linear.scatter [tilespmem:s22], [sflag:$0x5], $0x2000, $0x38;
	[tilespmem:$0x19000] =	vst v63  }
0x2d: {  	_ =	swait.ge [sflag:s23], $0x2000  }
0x2e: {  	[sflag:s23] =	ssyncset.done $0x0  }
0x2f: {  	[sflag:s23] =	ssyncadd.s32 $0xFFFFE000  }
0x30: {  	[spmem:s11] =	stream.linear.scatter [tilespmem:s22], [sflag:$0x5], $0x2000, $0x38;
	[tilespmem:$0x19000] =	vst v63  }
0x31: {  	_ =	swait.ge [sflag:s23], $0x2000  }
0x32: {  	[sflag:s23] =	ssyncset.done $0x0  }
0x33: {  	[sflag:s23] =	ssyncadd.s32 $0xFFFFE000  }
0x34: {  	[spmem:s12] =	stream.linear.scatter [tilespmem:s22], [sflag:$0x5], $0x2000, $0x38;
	[tilespmem:$0x19000] =	vst v63  }
0x35: {  	_ =	swait.ge [sflag:s23], $0x2000  }
0x36: {  	[sflag:s23] =	ssyncset.done $0x0  }
0x37: {  	[sflag:s23] =	ssyncadd.s32 $0xFFFFE000  }
0x38: {  	[bflag:$0x0] =	sbarrier.arrive $0xFFFF  }
0x39: {  	s7 =	simm.s32 $0x0;
	s8 =	rddreg [dreg:$0x3]  }
0x3a: {  	[tilespmem:s7], [sflag:$0x5] =	stream.linear.gather [hbm4b:s8+s7], $0x2800, $0x38;
	[tilespmem:$0x19000] =	vst v63  }
0x3b: {  	_ =	swait.ge [sflag:s23], $0x2800  }
0x3c: {  	[sflag:s23] =	ssyncset.done $0x0  }
0x3d: {  	s9 =	simm.s32 $0x2800;
	s8 =	rddreg [dreg:$0x4];
	[sflag:s23] =	ssyncadd.s32 $0xFFFFD800  }
0x3e: {  	[tilespmem:s9], [sflag:$0x5] =	stream.linear.gather [hbm4b:s8+s7], $0x2800, $0x38;
	[tilespmem:$0x19000] =	vst v63  }
0x3f: {  	_ =	swait.ge [sflag:s23], $0x2800  }
0x40: {  	[sflag:s23] =	ssyncset.done $0x0  }
0x41: {  	[sflag:s23] =	ssyncadd.s32 $0xFFFFD800  }
0x42: {  	[tilespmem:s26], [sflag:$0x1] =	stream.indirect.gather [hbm4b:s4+s25], $0x40, s7, s25, $0xb8;
	[tilespmem:$0x19000] =	vst v63  }
0x43: {  	_ = 	snop  }
0x44: {  	[tilespmem:s28], [sflag:$0x2] =	stream.indirect.gather [hbm4b:s4+s25], $0x40, s25, s25, $0xb8;
	[tilespmem:$0x19000] =	vst v63  }
0x45: {  	s9 =	simm.s32 $0x100  }
0x46: {  	[tilespmem:s30], [sflag:$0x3] =	stream.indirect.gather [hbm4b:s4+s25], $0x40, s9, s25, $0xb8;
	[tilespmem:$0x19000] =	vst v63  }
0x47: {  	s8 =	simm.s32 $0x180  }
0x48: {  	[tilespmem:s0], [sflag:$0x4] =	stream.indirect.gather [hbm4b:s4+s25], $0x40, s8, s25, $0xb8;
	[tilespmem:$0x19000] =	vst v63  }
0x49: {  	_ =	swait.ge [sflag:s1], $0x2000  }
0x4a: {  	[sflag:s1] =	ssyncset.done $0x0  }
0x4b: {  	s9 =	simm.s32 $0x2800;
	[sflag:s1] =	ssyncadd.s32 $0xFFFFE000  }
0x4c: {  	[spmem:s2] =	stream.indirect.scatter.add.f32 [tilespmem:s26], [sflag:$0x5], $0x40, s9, s25, $0xb8;
	[tilespmem:$0x19000] =	vst v63  }
0x4d: {  	_ =	swait.ge [sflag:s23], $0x2000  }
0x4e: {  	[sflag:s23] =	ssyncset.done $0x0  }
0x4f: {  	s8 =	simm.s32 $0x200;
	[sflag:s23] =	ssyncadd.s32 $0xFFFFE000  }
0x50: {  	[tilespmem:s26], [sflag:$0x1] =	stream.indirect.gather [hbm4b:s4+s25], $0x40, s8, s25, $0xb8;
	[tilespmem:$0x19000] =	vst v63  }
0x51: {  	_ =	swait.ge [sflag:s24], $0x2000  }
0x52: {  	[sflag:s24] =	ssyncset.done $0x0  }
0x53: {  	s9 =	simm.s32 $0x2880;
	[sflag:s24] =	ssyncadd.s32 $0xFFFFE000  }
0x54: {  	[spmem:s2] =	stream.indirect.scatter.add.f32 [tilespmem:s28], [sflag:$0x5], $0x40, s9, s25, $0xb8;
	[tilespmem:$0x19000] =	vst v63  }
0x55: {  	_ =	swait.ge [sflag:s23], $0x2000  }
0x56: {  	[sflag:s23] =	ssyncset.done $0x0  }
0x57: {  	s8 =	simm.s32 $0x280;
	[sflag:s23] =	ssyncadd.s32 $0xFFFFE000  }
0x58: {  	[tilespmem:s28], [sflag:$0x2] =	stream.indirect.gather [hbm4b:s4+s25], $0x40, s8, s25, $0xb8;
	[tilespmem:$0x19000] =	vst v63  }
0x59: {  	_ =	swait.ge [sflag:s29], $0x2000  }
0x5a: {  	[sflag:s29] =	ssyncset.done $0x0  }
0x5b: {  	s9 =	simm.s32 $0x2900;
	[sflag:s29] =	ssyncadd.s32 $0xFFFFE000  }
0x5c: {  	[spmem:s2] =	stream.indirect.scatter.add.f32 [tilespmem:s30], [sflag:$0x5], $0x40, s9, s25, $0xb8;
	[tilespmem:$0x19000] =	vst v63  }
0x5d: {  	_ =	swait.ge [sflag:s23], $0x2000  }
0x5e: {  	[sflag:s23] =	ssyncset.done $0x0  }
0x5f: {  	s8 =	simm.s32 $0x300;
	[sflag:s23] =	ssyncadd.s32 $0xFFFFE000  }
0x60: {  	[tilespmem:s30], [sflag:$0x3] =	stream.indirect.gather [hbm4b:s4+s25], $0x40, s8, s25, $0xb8;
	[tilespmem:$0x19000] =	vst v63  }
0x61: {  	_ =	swait.ge [sflag:s31], $0x2000  }
0x62: {  	[sflag:s31] =	ssyncset.done $0x0  }
0x63: {  	s9 =	simm.s32 $0x2980;
	[sflag:s31] =	ssyncadd.s32 $0xFFFFE000  }
0x64: {  	[spmem:s2] =	stream.indirect.scatter.add.f32 [tilespmem:s0], [sflag:$0x5], $0x40, s9, s25, $0xb8;
	[tilespmem:$0x19000] =	vst v63  }
0x65: {  	_ =	swait.ge [sflag:s23], $0x2000  }
0x66: {  	[sflag:s23] =	ssyncset.done $0x0  }
0x67: {  	s7 =	simm.s32 $0x800;
	s8 =	simm.s32 $0x380;
	[sflag:s23] =	ssyncadd.s32 $0xFFFFE000  }
.LBB2_4:
0x68: {  	[tilespmem:s0], [sflag:$0x4] =	stream.indirect.gather [hbm4b:s4+s25], $0x40, s8, s25, $0xb8;
	[tilespmem:$0x19000] =	vst v63  }
0x69: {  	s8 =	smov.u32 s7  }
0x6a: {  	p0 =	sne.s32 s7, $0x9000;
	s7 =	sadd.s32 $0x800, s7;
	_ =	swait.ge [sflag:s1], $0x2000  }
0x6b: {  	s8 =	sshra.s32 s8, $0x2;
	[sflag:s1] =	ssyncset.done $0x0  }
0x6c: {  	s9 =	sadd.s32 $0x2800, s8;
	[sflag:s1] =	ssyncadd.s32 $0xFFFFE000  }
0x6d: {  	[spmem:s2] =	stream.indirect.scatter.add.f32 [tilespmem:s26], [sflag:$0x5], $0x40, s9, s25, $0xb8;
	[tilespmem:$0x19000] =	vst v63  }
0x6e: {  	_ =	swait.ge [sflag:s23], $0x2000  }
0x6f: {  	[sflag:s23] =	ssyncset.done $0x0  }
0x70: {  	s9 =	sadd.s32 $0x200, s8;
	[sflag:s23] =	ssyncadd.s32 $0xFFFFE000  }
0x71: {  	[tilespmem:s26], [sflag:$0x1] =	stream.indirect.gather [hbm4b:s4+s25], $0x40, s9, s25, $0xb8;
	[tilespmem:$0x19000] =	vst v63  }
0x72: {  	_ =	swait.ge [sflag:s24], $0x2000  }
0x73: {  	[sflag:s24] =	ssyncset.done $0x0  }
0x74: {  	s9 =	sadd.s32 $0x2880, s8;
	[sflag:s24] =	ssyncadd.s32 $0xFFFFE000  }
0x75: {  	[spmem:s2] =	stream.indirect.scatter.add.f32 [tilespmem:s28], [sflag:$0x5], $0x40, s9, s25, $0xb8;
	[tilespmem:$0x19000] =	vst v63  }
0x76: {  	_ =	swait.ge [sflag:s23], $0x2000  }
0x77: {  	[sflag:s23] =	ssyncset.done $0x0  }
0x78: {  	s9 =	sadd.s32 $0x280, s8;
	[sflag:s23] =	ssyncadd.s32 $0xFFFFE000  }
0x79: {  	[tilespmem:s28], [sflag:$0x2] =	stream.indirect.gather [hbm4b:s4+s25], $0x40, s9, s25, $0xb8;
	[tilespmem:$0x19000] =	vst v63  }
0x7a: {  	_ =	swait.ge [sflag:s29], $0x2000  }
0x7b: {  	[sflag:s29] =	ssyncset.done $0x0  }
0x7c: {  	s9 =	sadd.s32 $0x2900, s8;
	[sflag:s29] =	ssyncadd.s32 $0xFFFFE000  }
0x7d: {  	[spmem:s2] =	stream.indirect.scatter.add.f32 [tilespmem:s30], [sflag:$0x5], $0x40, s9, s25, $0xb8;
	[tilespmem:$0x19000] =	vst v63  }
0x7e: {  	_ =	swait.ge [sflag:s23], $0x2000  }
0x7f: {  	[sflag:s23] =	ssyncset.done $0x0  }
0x80: {  	s9 =	sadd.s32 $0x300, s8;
	[sflag:s23] =	ssyncadd.s32 $0xFFFFE000  }
0x81: {  	[tilespmem:s30], [sflag:$0x3] =	stream.indirect.gather [hbm4b:s4+s25], $0x40, s9, s25, $0xb8;
	[tilespmem:$0x19000] =	vst v63  }
0x82: {  	_ =	swait.ge [sflag:s31], $0x2000  }
0x83: {  	[sflag:s31] =	ssyncset.done $0x0  }
.Ltmp1:
0x84: {  	s9 =	sadd.s32 $0x2980, s8;
	[sflag:s31] =	ssyncadd.s32 $0xFFFFE000;
	(pc) =	sbr.rel @p0 .LBB2_4-.Ltmp1, $4  }
0x85: {  	[spmem:s2] =	stream.indirect.scatter.add.f32 [tilespmem:s0], [sflag:$0x5], $0x40, s9, s25, $0xb8;
	[tilespmem:$0x19000] =	vst v63  }
0x86: {  	_ =	swait.ge [sflag:s23], $0x2000  }
0x87: {  	[sflag:s23] =	ssyncset.done $0x0  }
0x88: {  	s8 =	sadd.s32 $0x380, s8;
	[sflag:s23] =	ssyncadd.s32 $0xFFFFE000  }
0x89: {  	[tilespmem:s0], [sflag:$0x4] =	stream.indirect.gather [hbm4b:s4+s25], $0x40, s8, s25, $0xb8;
	[tilespmem:$0x19000] =	vst v63  }
0x8a: {  	_ =	swait.ge [sflag:s1], $0x2000  }
0x8b: {  	[sflag:s1] =	ssyncset.done $0x0  }
0x8c: {  	s7 =	simm.s32 $0x4E00;
	[sflag:s1] =	ssyncadd.s32 $0xFFFFE000  }
0x8d: {  	[spmem:s2] =	stream.indirect.scatter.add.f32 [tilespmem:s26], [sflag:$0x5], $0x40, s7, s25, $0xb8;
	[tilespmem:$0x19000] =	vst v63  }
0x8e: {  	_ =	swait.ge [sflag:s23], $0x2000  }
0x8f: {  	[sflag:s23] =	ssyncset.done $0x0  }
0x90: {  	[sflag:s23] =	ssyncadd.s32 $0xFFFFE000  }
0x91: {  	_ =	swait.ge [sflag:s24], $0x2000  }
0x92: {  	[sflag:s24] =	ssyncset.done $0x0  }
0x93: {  	s8 =	simm.s32 $0x4E80;
	[sflag:s24] =	ssyncadd.s32 $0xFFFFE000  }
0x94: {  	[spmem:s2] =	stream.indirect.scatter.add.f32 [tilespmem:s28], [sflag:$0x5], $0x40, s8, s25, $0xb8;
	[tilespmem:$0x19000] =	vst v63  }
0x95: {  	_ =	swait.ge [sflag:s23], $0x2000  }
0x96: {  	[sflag:s23] =	ssyncset.done $0x0  }
0x97: {  	[sflag:s23] =	ssyncadd.s32 $0xFFFFE000  }
0x98: {  	_ =	swait.ge [sflag:s29], $0x2000  }
0x99: {  	[sflag:s29] =	ssyncset.done $0x0  }
0x9a: {  	s9 =	simm.s32 $0x4F00;
	[sflag:s29] =	ssyncadd.s32 $0xFFFFE000  }
0x9b: {  	[spmem:s2] =	stream.indirect.scatter.add.f32 [tilespmem:s30], [sflag:$0x5], $0x40, s9, s25, $0xb8;
	[tilespmem:$0x19000] =	vst v63  }
0x9c: {  	_ =	swait.ge [sflag:s23], $0x2000  }
0x9d: {  	[sflag:s23] =	ssyncset.done $0x0  }
0x9e: {  	[sflag:s23] =	ssyncadd.s32 $0xFFFFE000  }
0x9f: {  	_ =	swait.ge [sflag:s31], $0x2000  }
0xa0: {  	[sflag:s31] =	ssyncset.done $0x0  }
0xa1: {  	s8 =	simm.s32 $0x4F80;
	[sflag:s31] =	ssyncadd.s32 $0xFFFFE000  }
0xa2: {  	[spmem:s2] =	stream.indirect.scatter.add.f32 [tilespmem:s0], [sflag:$0x5], $0x40, s8, s25, $0xb8;
	[tilespmem:$0x19000] =	vst v63  }
0xa3: {  	_ =	swait.ge [sflag:s23], $0x2000  }
0xa4: {  	[sflag:s23] =	ssyncset.done $0x0  }
0xa5: {  	[sflag:s23] =	ssyncadd.s32 $0xFFFFE000  }
0xa6: {  	[bflag:$0x0] =	sbarrier.arrive $0xFFFF  }
0xa7: {  	[tilespmem:s22], [sflag:$0x5] =	stream.linear.gather [spmem:s5], $0x2000, $0x38;
	[tilespmem:$0x19000] =	vst v63  }
0xa8: {  	_ =	swait.ge [sflag:s23], $0x2000  }
0xa9: {  	[sflag:s23] =	ssyncset.done $0x0  }
0xaa: {  	[sflag:s23] =	ssyncadd.s32 $0xFFFFE000  }
0xab: {  	[hbm4b:s13+s3] =	stream.linear.scatter [tilespmem:s22], [sflag:$0x5], $0x2000, $0x38;
	[tilespmem:$0x19000] =	vst v63  }
0xac: {  	_ =	swait.ge [sflag:s23], $0x2000  }
0xad: {  	[sflag:s23] =	ssyncset.done $0x0  }
0xae: {  	[sflag:s23] =	ssyncadd.s32 $0xFFFFE000  }
0xaf: {  	[tilespmem:s22], [sflag:$0x5] =	stream.linear.gather [spmem:s14], $0x2000, $0x38;
	[tilespmem:$0x19000] =	vst v63  }
0xb0: {  	_ =	swait.ge [sflag:s23], $0x2000  }
0xb1: {  	[sflag:s23] =	ssyncset.done $0x0  }
0xb2: {  	[sflag:s23] =	ssyncadd.s32 $0xFFFFE000  }
0xb3: {  	[hbm4b:s15+s3] =	stream.linear.scatter [tilespmem:s22], [sflag:$0x5], $0x2000, $0x38;
	[tilespmem:$0x19000] =	vst v63  }
0xb4: {  	_ =	swait.ge [sflag:s23], $0x2000  }
0xb5: {  	[sflag:s23] =	ssyncset.done $0x0  }
0xb6: {  	[sflag:s23] =	ssyncadd.s32 $0xFFFFE000  }
0xb7: {  	[tilespmem:s22], [sflag:$0x5] =	stream.linear.gather [spmem:s16], $0x2000, $0x38;
	[tilespmem:$0x19000] =	vst v63  }
0xb8: {  	_ =	swait.ge [sflag:s23], $0x2000  }
0xb9: {  	[sflag:s23] =	ssyncset.done $0x0  }
0xba: {  	[sflag:s23] =	ssyncadd.s32 $0xFFFFE000  }
0xbb: {  	[hbm4b:s17+s3] =	stream.linear.scatter [tilespmem:s22], [sflag:$0x5], $0x2000, $0x38;
	[tilespmem:$0x19000] =	vst v63  }
0xbc: {  	_ =	swait.ge [sflag:s23], $0x2000  }
0xbd: {  	[sflag:s23] =	ssyncset.done $0x0  }
0xbe: {  	[sflag:s23] =	ssyncadd.s32 $0xFFFFE000  }
0xbf: {  	[tilespmem:s22], [sflag:$0x5] =	stream.linear.gather [spmem:s18], $0x2000, $0x38;
	[tilespmem:$0x19000] =	vst v63  }
0xc0: {  	_ =	swait.ge [sflag:s23], $0x2000  }
0xc1: {  	[sflag:s23] =	ssyncset.done $0x0  }
0xc2: {  	[sflag:s23] =	ssyncadd.s32 $0xFFFFE000  }
0xc3: {  	[hbm4b:s19+s3] =	stream.linear.scatter [tilespmem:s22], [sflag:$0x5], $0x2000, $0x38;
	[tilespmem:$0x19000] =	vst v63  }
0xc4: {  	_ =	swait.ge [sflag:s23], $0x2000  }
0xc5: {  	[sflag:s23] =	ssyncset.done $0x0  }
0xc6: {  	[sflag:s23] =	ssyncadd.s32 $0xFFFFE000  }
0xc7: {  	[tilespmem:s22], [sflag:$0x5] =	stream.linear.gather [spmem:s20], $0x2000, $0x38;
	[tilespmem:$0x19000] =	vst v63  }
0xc8: {  	_ =	swait.ge [sflag:s23], $0x2000  }
0xc9: {  	[sflag:s23] =	ssyncset.done $0x0  }
0xca: {  	[sflag:s23] =	ssyncadd.s32 $0xFFFFE000  }
0xcb: {  	[hbm4b:s21+s3] =	stream.linear.scatter [tilespmem:s22], [sflag:$0x5], $0x2000, $0x38;
	[tilespmem:$0x19000] =	vst v63  }
0xcc: {  	_ =	swait.ge [sflag:s23], $0x2000  }
0xcd: {  	s6 =	sadd.s32 $0x1, s6;
	s9 =	rddreg [dreg:$0x5]  }
0xce: {  	p0 =	sne.s32 s6, s9  }
.Ltmp2:
0xcf: {  	_ = 	snop;
	(pc) =	sbr.rel @p0 .LBB2_1-.Ltmp2, $3  }
0xd0: {  	_ =	sdelay $0x1  }
0xd1: {  	[sflag:s23] =	ssyncset.done $0x0  }
0xd2: {  	[sflag:s23] =	ssyncadd.s32 $0xFFFFE000  }
0xd3: {  	_ =	sfence.sel $0x180000  }
0xd4: {  	[bflag:$0x0] =	sbarrier.arrive $0xFFFF  }
0xd5: {  	_ =	strace $0x9000004D  }
0xd6: {  	s0 =	stileid.u32;
	[bflag:$0x2] =	sbarrier.arrive $0xFFFF  }
0xd7: {  	p0 =	sne.s32 s0, $0x0;
	s0 =	rddreg [dreg:$0x2]  }
0xd8: {  	s0 =	sadd.s32 @!p0 $0x100000, s0  }
0xd9: {  	[sflag:s0] =	ssyncadd.tile.s32 @!p0 $0x1;
	_ =	shalt  }
.Lfunc_end2:
_tile_overlayer_lowered:
.L_overlay_start_2:
0xda: {  	(tag) =	ssettag $0x2  }
0xdb: {  	s0 =	rddreg [dreg:$0x0];
	s2 =	stileid.u32  }
0xdc: {  	s1 =	rddreg [dreg:$0x1];
	p0 =	sne.s32 s2, $0x0  }
0xdd: {  	s3 =	rddreg [dreg:$0x2];
	[bflag:$0x3] =	sbarrier.arrive $0xFFFF;
	s2 =	simm.s32 @!p0 $0x1C05  }
0xde: {  	[timem:s3], [sflag:s2] =	dma.local @!p0 [hbm:s0], s1  }
0xdf: {  	s0 =	simm.s32 @!p0 $0x5  }
0xe0: {  	_ =	swait.ge @!p0 [sflag:s0], s1  }
0xe1: {  	s1 =	ssub.s32 @!p0 $0x0, s1;
	[sflag:s0] =	ssyncset.done @!p0 $0x0  }
0xe2: {  	[sflag:s0] =	ssyncadd.s32 @!p0 s1  }
0xe3: {  	[bflag:$0x3] =	sbarrier.arrive $0xFFFF  }
0xe4: {  	_ =	shalt  }

// kernel: kernel.8.cloned.1.call-start
scs
__scs_entry_jumppad:
0x0: {  	(pc) =	sbr.rel $0x88, $3  }
0x1: {  	(tag) =	ssettag $0x0;
	lr =	simm.s32 $0x1  }
0x2: {  	[smem:$0x3F95] =	sst lr;
	_ =	strace $0xD0000000  }
0x3: {  	_ = 	snop  }
0x4: {  	_ = 	snop  }
0x5: {  	_ = 	snop  }
0x6: {  	_ = 	snop  }
0x7: {  	_ = 	snop  }
__scs_overlays_trampoline_lowered:
0x8: {  	[smem:$0x3FA4] =	sst s0  }
0x9: {  	[smem:$0x3FA5] =	sst s1  }
0xa: {  	[smem:$0x3FA6] =	sst s2  }
0xb: {  	[smem:$0x3FA7] =	sst s3  }
0xc: {  	[smem:$0x3FA8] =	sst s4  }
0xd: {  	[smem:$0x3FA9] =	sst s5  }
0xe: {  	[smem:$0x3FAA] =	sst s6  }
0xf: {  	[smem:$0x3FAB] =	sst s7  }
0x10: {  	[smem:$0x3FAC] =	sst s8  }
0x11: {  	[smem:$0x3FAD] =	sst s9;
	s0 =	simm.s32 @!p0 $0x0  }
0x12: {  	s1 =	sld [smem:$0x3F93];
	s0 =	simm.s32 @p0 $0x1  }
0x13: {  	[smem:$0x3FAE] =	sst s0;
	s0 =	simm.s32 @!p1 $0x0  }
0x14: {  	s2 =	sld [smem:$0x3F92];
	s0 =	simm.s32 @p1 $0x1  }
0x15: {  	[smem:$0x3FAF] =	sst s0;
	s0 =	simm.s32 @!p2 $0x0  }
0x16: {  	s3 =	sld [smem:$0x3FDB];
	s0 =	simm.s32 @p2 $0x1  }
0x17: {  	s4 =	simm.s32 $0x1BF5;
	[smem:$0x3FB1] =	sst s0  }
0x18: {  	s0 =	sld [smem:$0x3F94];
	_ =	swait.ge [sflag:s4], $0x0  }
0x19: {  	s7 =	sld [smem:$0x3F95]  }
0x1a: {  	s8 =	sadd.s32 $0xFFFFE003, lr  }
0x1b: {  	s9 =	sadd.s32 $0xFFFFFEF7, lr;
	s5 =	simm.s32 $0xFFFFFFFF;
	p2 =	slt.u32 s8, $0xFFFFF086  }
0x1c: {  	p1 =	slt.u32 s9, $0xF7A;
	s5 =	simm.s32 @!p2 $0x0  }
0x1d: {  	s5 =	simm.s32 @p1 $0x1;
	p0 =	seq.s32 s7, s2  }
0x1e: {  	s7 =	smul.u32 @!p0 $0xF7A, s2;
	p2 =	seq.s32 @!p0 s5, $0x0  }
0x1f: {  	s9 =	smul.u32 $0xF7A, s1;
	s8 =	simm.s32 @!p0 $0x1BF5;
	p2 =	por !p2, p0  }
0x20: {  	[sflag:s8] =	ssyncset.s32 @!p0 $0xFFFFF086;
	s6 =	sadd.s32 @!p0 s3, s7;
	s7 =	simm.s32 @!p0 $0x108  }
0x21: {  	s3 =	sadd.s32 s3, s9;
	s6 =	sadd.s32 @!p0 $0x88, s6;
	s7 =	simm.s32 @p2 $0x1082  }
0x22: {  	[simem:s7], [sflag:s8] =	dma.local @!p0 [hbm:s6], $0xF7A  }
0x23: {  	s9 =	sor.u32 $0xD0000000, s2;
	s6 =	simm.s32 $0x108;
	_ =	swait.ge @!p0 [sflag:s8], $0x0  }
0x24: {  	s3 =	sadd.s32 $0x88, s3;
	s6 =	simm.s32 @!p1 $0x1082;
	[sflag:s4] =	ssyncset.s32 $0xFFFFF086  }
0x25: {  	[simem:s6], [sflag:s4] =	dma.local [hbm:s3], $0xF7A  }
0x26: {  	[smem:$0x3F95] =	sst s1;
	(tag) =	ssettag s2;
	_ =	strace s9  }
0x27: {  	s1 =	sld [smem:$0x3FA5]  }
0x28: {  	s2 =	sld [smem:$0x3FA6]  }
0x29: {  	s4 =	sld [smem:$0x3FA8]  }
0x2a: {  	p0 =	seq.s32 s5, $0x0;
	s5 =	sld [smem:$0x3FA9]  }
0x2b: {  	s6 =	sld [smem:$0x3FAA]  }
0x2c: {  	s7 =	sld [smem:$0x3FAB]  }
0x2d: {  	s3 =	simm.s32 $0x108;
	s8 =	sld [smem:$0x3FAC]  }
0x2e: {  	s3 =	simm.s32 @!p0 $0x1082;
	s9 =	sld [smem:$0x3FAD]  }
0x2f: {  	lr =	sadd.s32 s0, s3;
	s0 =	sld [smem:$0x3FA4]  }
0x30: {  	s3 =	sld [smem:$0x3FA7]  }
0x31: {  	[smem:$0x3FB0] =	sst s10  }
0x32: {  	s10 =	sld [smem:$0x3FAE];
	_ =	sdelay $0x3  }
0x33: {  	p0 =	seq.s32 s10, $0x1;
	s10 =	sld [smem:$0x3FB0];
	_ =	sdelay $0x3  }
0x34: {  	[smem:$0x3FB0] =	sst s10  }
0x35: {  	s10 =	sld [smem:$0x3FAF];
	_ =	sdelay $0x3  }
0x36: {  	p1 =	seq.s32 s10, $0x1;
	s10 =	sld [smem:$0x3FB0];
	_ =	sdelay $0x3  }
0x37: {  	[smem:$0x3FB0] =	sst s10  }
0x38: {  	s10 =	sld [smem:$0x3FB1]  }
0x39: {  	_ = 	snop;
	(pc) =	sbr.ind lr, $3  }
0x3a: {  	_ = 	snop  }
0x3b: {  	_ = 	snop  }
0x3c: {  	p2 =	seq.s32 s10, $0x1;
	s10 =	sld [smem:$0x3FB0]  }
0x3d: {  	_ =	shalt  }
0x3e: {  	_ =	shalt  }
0x3f: {  	_ =	shalt  }
0x40: {  	_ =	shalt  }
0x41: {  	_ =	shalt  }
0x42: {  	_ =	shalt  }
0x43: {  	_ =	shalt  }
0x44: {  	_ =	shalt  }
0x45: {  	_ =	shalt  }
0x46: {  	_ =	shalt  }
0x47: {  	_ =	shalt  }
0x48: {  	_ =	shalt  }
0x49: {  	_ =	shalt  }
0x4a: {  	_ =	shalt  }
0x4b: {  	_ =	shalt  }
0x4c: {  	_ =	shalt  }
0x4d: {  	_ =	shalt  }
0x4e: {  	_ =	shalt  }
0x4f: {  	_ =	shalt  }
0x50: {  	_ =	shalt  }
0x51: {  	_ =	shalt  }
0x52: {  	_ =	shalt  }
0x53: {  	_ =	shalt  }
0x54: {  	_ =	shalt  }
0x55: {  	_ =	shalt  }
0x56: {  	_ =	shalt  }
0x57: {  	_ =	shalt  }
0x58: {  	_ =	shalt  }
0x59: {  	_ =	shalt  }
0x5a: {  	_ =	shalt  }
0x5b: {  	_ =	shalt  }
0x5c: {  	_ =	shalt  }
0x5d: {  	_ =	shalt  }
0x5e: {  	_ =	shalt  }
0x5f: {  	_ =	shalt  }
0x60: {  	_ =	shalt  }
0x61: {  	_ =	shalt  }
0x62: {  	_ =	shalt  }
0x63: {  	_ =	shalt  }
0x64: {  	_ =	shalt  }
0x65: {  	_ =	shalt  }
0x66: {  	_ =	shalt  }
0x67: {  	_ =	shalt  }
0x68: {  	_ =	shalt  }
0x69: {  	_ =	shalt  }
0x6a: {  	_ =	shalt  }
0x6b: {  	_ =	shalt  }
0x6c: {  	_ =	shalt  }
0x6d: {  	_ =	shalt  }
0x6e: {  	_ =	shalt  }
0x6f: {  	_ =	shalt  }
0x70: {  	_ =	shalt  }
0x71: {  	_ =	shalt  }
0x72: {  	_ =	shalt  }
0x73: {  	_ =	shalt  }
0x74: {  	_ =	shalt  }
0x75: {  	_ =	shalt  }
0x76: {  	_ =	shalt  }
0x77: {  	_ =	shalt  }
0x78: {  	_ =	shalt  }
0x79: {  	_ =	shalt  }
0x7a: {  	_ =	shalt  }
0x7b: {  	_ =	shalt  }
0x7c: {  	_ =	shalt  }
0x7d: {  	_ =	shalt  }
0x7e: {  	_ =	shalt  }
0x7f: {  	_ =	shalt  }
0x80: {  	_ =	shalt  }
0x81: {  	_ =	shalt  }
0x82: {  	_ =	shalt  }
0x83: {  	_ =	shalt  }
0x84: {  	_ =	shalt  }
0x85: {  	_ =	shalt  }
0x86: {  	_ =	shalt  }
0x87: {  	_ =	shalt  }
.Lfunc_end0:
.L_simem_size_0:
called_computation_lowered:
.L_overlay_start_0:
0x88: {  	s2 =	sld [smem:$0x3FD9]  }
0x89: {  	s3 =	sld [smem:$0x3FFE];
	_ =	sdelay $0x1  }
0x8a: {  	s1 =	srdreg.scid  }
0x8b: {  	s0 =	sand.u32 $0x1, s1  }
0x8c: {  	s14 =	sshll.u32 s0, $0xA;
	s2 =	sadd.s32 s3, s2  }
0x8d: {  	s2 =	sadd.s32 s2, s14  }
0x8e: {  	[smem:$0x3FBC] =	sst s2  }
0x8f: {  	_ = 	snop  }
0x90: {  	s2 =	sld [smem:$0x3FD0];
	_ =	sdelay $0x2  }
0x91: {  	s15 =	simm.s32 $0xB;
	s4 =	simm.s32 $0x10  }
0x92: {  	[smem:s4], [sflag:s15] =	dma.local [hbm:s2], $0x1  }
0x93: {  	_ =	swait.eq [sflag:s15], $0x1  }
0x94: {  	[sflag:s15] =	ssyncset.done $0x0  }
0x95: {  	[sflag:s15] =	ssyncadd.s32 $0xFFFFFFFF  }
0x96: {  	s16 =	sld [smem:$0x11];
	(tm) =	ssettm $0x1  }
0x97: {  	s17 =	sld [smem:$0x3FFB];
	_ =	sdelay $0x3  }
0x98: {  	_ =	strace s17  }
0x99: {  	s3 =	sld [smem:$0x3FFC];
	_ =	sdelay $0x3  }
0x9a: {  	_ =	strace s3  }
0x9b: {  	s3 =	sld [smem:$0x3FFD];
	_ =	sdelay $0x3  }
0x9c: {  	_ =	strace s3  }
0x9d: {  	_ =	strace $0x8FFFFFFF  }
0x9e: {  	s18 =	sld [smem:$0x3FDB];
	_ =	sdelay $0x1  }
0x9f: {  	s19 =	simm.s32 $_scs_section_size  }
0xa0: {  	s5 =	simm.s32 $_size__tile_overlayer_lowered;
	s6 =	simm.s32 $_tile_overlayer_lowered  }
0xa1: {  	s22 =	simm.s32 $0x1BFF;
	s21 =	sshll.u32 s6, $0x1;
	s3 =	sadd.s32 s19, s18  }
0xa2: {  	s7 =	simm.s32 $0x0;
	s20 =	sshll.u32 s5, $0x1;
	s5 =	sadd.s32 s21, s3  }
0xa3: {  	[timem:s7], [sflag:s22] =	dma.local [hbm:s5], s20  }
0xa4: {  	_ =	swait.ge [sflag:s22], s20  }
0xa5: {  	s4 =	ssub.s32 $0x0, s20;
	[sflag:s22] =	ssyncset.done $0x0  }
0xa6: {  	[sflag:s22] =	ssyncadd.s32 s4;
	_ =	sdelay $0x1  }
0xa7: {  	s23 =	simm.s32 $0x1B8B  }
0xa8: {  	_ =	swait.ge [sflag:s23], $0x1  }
0xa9: {  	[sflag:s23] =	ssyncset.done $0x0  }
0xaa: {  	s25 =	simm.s32 $0x1B8E;
	s24 =	sld [smem:$0x3FFE];
	[sflag:s23] =	ssyncadd.s32 $0xFFFFFFFF  }
0xab: {  	s26 =	simm.s32 $execute0_lowered;
	[smem:$0x3FD2] =	sst s25  }
0xac: {  	s5 =	sshll.u32 s26, $0x1;
	_ =	strace $0x80000046;
	[dreg:$0x1] =	wrdreg $0xFFFFFFFF  }
0xad: {  	s28 =	simm.s32 $_size_execute0_lowered;
	s3 =	sadd.s32 s3, s5;
	[dreg:$0x0] =	wrdreg $0x0  }
0xae: {  	s5 =	sshll.u32 s28, $0x1;
	[dreg:$0x2] =	wrdreg s3  }
0xaf: {  	[dreg:$0x3] =	wrdreg s5  }
0xb0: {  	[dreg:$0x4] =	wrdreg $0xC0  }
0xb1: {  	_ =	task [dreg:s7], $0x5FFFF  }
0xb2: {  	[dreg:$0x1] =	wrdreg $0xFFFFFFFF  }
0xb3: {  	[dreg:$0x0] =	wrdreg $0x60  }
0xb4: {  	[dreg:$0x2] =	wrdreg s24  }
0xb5: {  	[dreg:$0x3] =	wrdreg s16  }
0xb6: {  	[dreg:$0x4] =	wrdreg $0x100000  }
0xb7: {  	[dreg:$0x5] =	wrdreg $0x1A0000  }
0xb8: {  	[dreg:$0x6] =	wrdreg $0x9  }
0xb9: {  	_ =	task.clear_ibuf [dreg:s7], $0x7FFFF;
	_ =	strace $0x90000046  }
0xba: {  	s29 =	simm.s32 $0x9;
	_ =	strace $0x80000048  }
0xbb: {  	_ =	swait.ge [sflag:s29], $0x1  }
0xbc: {  	[sflag:s29] =	ssyncadd.s32 $0xFFFFFFFF  }
0xbd: {  	_ =	strace $0x90000048  }
0xbe: {  	_ =	sfence  }
0xbf: {  	s30 =	sld [smem:$0x0];
	_ =	sdelay $0x2  }
0xc0: {  	s31 =	sshll.u32 s1, $0xD;
	s1 =	sshrl.u32 s1, $0x2  }
0xc1: {  	s3 =	sand.u32 $0x4000, s31;
	s1 =	sadd.s32 s1, s30  }
0xc2: {  	s0 =	sor.u32 s3, s0;
	s1 =	sshll.u32 s1, $0x11  }
0xc3: {  	s0 =	sor.u32 s1, s0  }
0xc4: {  	s0 =	sadd.s32 $0x8F2B, s0  }
0xc5: {  	[sflag:s0] =	ssyncadd.remote.s32 $0x1  }
0xc6: {  	_ =	sfence.sel $0xFFFF  }
0xc7: {  	[dreg:$0x0] =	wrdreg $0xFFFFFFFF;
	(pc) =	sbr.abs _section_cstart, $3  }
0xc8: {  	[dreg:$0x1] =	wrdreg $0xFFFFFFFF  }
0xc9: {  	_ =	task.clear_ibuf [dreg:s7], $0x2FFFF;
	_ =	strace $0x9FFFFFFF  }
0xca: {  	(tm) =	ssettm $0x7FFFFFFF  }
0xcb: {  	_ =	shalt  }
tec
execute0_lowered:
.L_overlay_start_1:
0x0: {  	(tag) =	ssettag $0x1  }
0x1: {  	s0 =	rddreg [dreg:$0x0]  }
0x2: {  	s1 =	rddreg [dreg:$0x1];
	s3 =	srdreg.scid  }
0x3: {  	s2 =	rddreg [dreg:$0x2];
	s19 =	stileid.u32;
	s4 =	simm.s32 $0x0  }
0x4: {  	s30 =	simm.s32 $0xD800;
	s31 =	simm.s32 $0x5;
	s10 =	smul.u32 $0x280, s19  }
0x5: {  	s6 =	sand.u32 $0x1, s3;
	s3 =	rddreg [dreg:$0x3];
	s21 =	smul.u32 $0x28000, s19  }
0x6: {  	[smem:$0x7FF] =	sst s4;
	s20 =	smul.u32 $0xA000, s19;
	s5 =	sshll.u32 s6, $0x4  }
0x7: {  	_ =	strace $0x80000047;
	s8 =	ssub.s32 $0x2, s6;
	s6 =	smul.u32 $0x2800, s6  }
0x8: {  	s5 =	sor.u32 s19, s5;
	s9 =	sshrl.u32 s8, $0x1;
	s22 =	sshrl.u32 s21, $0x2  }
0x9: {  	s12 =	sadd.s32 $0x180, s10;
	s7 =	smul.u32 $0x500, s5;
	s5 =	sadd.s32 $0xB8400, s0  }
0xa: {  	s8 =	ssub.s32 s8, s9;
	s9 =	sadd.s32 $0x80, s10;
	s14 =	sadd.s32 s6, s10  }
0xb: {  	s17 =	sadd.s32 s6, s12;
	s15 =	sadd.s32 s6, s9;
	s13 =	sshll.u32 s14, $0x3  }
0xc: {  	s26 =	sshll.u32 s17, $0x3;
	s21 =	smax.u32 s8, $0x1;
	s8 =	sshll.u32 s9, $0x6  }
0xd: {  	s9 =	sshll.u32 s9, $0x4;
	s7 =	sadd.s32 s7, s0;
	s0 =	sadd.s32 $0xE0400, s0  }
0xe: {  	s16 =	sshll.u32 s15, $0x3;
	[dreg:$0xc] =	wrdreg s21;
	s11 =	sadd.s32 $0xE400, s7  }
0xf: {  	s21 =	sadd.s32 s8, s2;
	s7 =	sadd.s32 $0x4400, s7;
	[dreg:$0x5] =	wrdreg s11  }
0x10: {  	s8 =	simm.s32 $0x9000;
	s13 =	sadd.s32 s0, s13;
	[dreg:$0x6] =	wrdreg s7  }
0x11: {  	s23 =	sadd.s32 s0, s16;
	s16 =	sshll.u32 s12, $0x6;
	[dreg:$0x7] =	wrdreg s13  }
0x12: {  	s11 =	sadd.s32 $0x100, s10;
	s10 =	sadd.s32 $0x200, s10;
	[dreg:$0x8] =	wrdreg s23  }
0x13: {  	s23 =	sshll.u32 s15, $0x1;
	s24 =	sadd.s32 s6, s11;
	s6 =	sadd.s32 s6, s10  }
0x14: {  	s15 =	sshll.u32 s11, $0x4;
	s19 =	sshll.u32 s10, $0x4;
	s25 =	sshll.u32 s24, $0x3  }
0x15: {  	s18 =	sshll.u32 s6, $0x3;
	s24 =	sshll.u32 s24, $0x1;
	s6 =	sshll.u32 s6, $0x1  }
0x16: {  	s29 =	sadd.s32 s19, s3;
	s13 =	sadd.s32 s0, s25;
	s25 =	sshll.u32 s17, $0x1  }
0x17: {  	s17 =	sshll.u32 s12, $0x4;
	s12 =	simm.s32 $0x2;
	[dreg:$0x9] =	wrdreg s13  }
0x18: {  	s13 =	sadd.s32 s0, s26;
	s0 =	sadd.s32 s0, s18;
	s26 =	sadd.s32 s1, s25  }
0x19: {  	s25 =	sadd.s32 s16, s2;
	s18 =	sshll.u32 s10, $0x6;
	[dreg:$0xa] =	wrdreg s13  }
0x1a: {  	s10 =	simm.s32 $0x1;
	s16 =	simm.s32 $0x0;
	[dreg:$0xb] =	wrdreg s0  }
0x1b: {  	s13 =	sadd.s32 s22, s2;
	s22 =	sshll.u32 s14, $0x1;
	s0 =	sshrl.u32 s20, $0x2  }
0x1c: {  	[dreg:$0x10] =	wrdreg s26;
	s14 =	sshll.u32 s11, $0x6;
	s26 =	sadd.s32 s17, s3  }
0x1d: {  	s28 =	sadd.s32 s18, s2;
	s11 =	simm.s32 $0xD000;
	s7 =	sadd.s32 s1, s22  }
0x1e: {  	s20 =	sadd.s32 s0, s3;
	s22 =	sadd.s32 s9, s3;
	s0 =	simm.s32 $0xF800  }
0x1f: {  	s9 =	simm.s32 $0xB000;
	[dreg:$0xd] =	wrdreg s7;
	s7 =	sadd.s32 s1, s23  }
0x20: {  	s23 =	sadd.s32 s14, s2;
	s14 =	simm.s32 $0x3;
	[dreg:$0xe] =	wrdreg s7  }
0x21: {  	s7 =	sadd.s32 s1, s24;
	s1 =	sadd.s32 s1, s6;
	s24 =	sadd.s32 s15, s3  }
0x22: {  	s6 =	simm.s32 $0x5000;
	s15 =	simm.s32 $0x4;
	[dreg:$0xf] =	wrdreg s7  }
0x23: {  	v0 =	vimm.f32 $0.0e+00;
	v1 =	vimm.f32 $1.000000000e+00;
	[dreg:$0x11] =	wrdreg s1;
	s1 =	simm.s32 $0x80;
	s7 =	simm.s32 $0x7000  }
.LBB2_1:
0x24: {  	s17 =	simm.s32 $0xD820;
	s18 =	simm.s32 $0x0  }
.LBB2_2:
0x25: {  	p0 =	sne.s32 s18, $0x1FC0  }
.Ltmp0:
0x26: {  	[tilespmem:s17+$0xFFFFFFE0] =	vst v0;
	(pc) =	sbr.rel @p0 .LBB2_2-.Ltmp0, $4  }
0x27: {  	[tilespmem:s17+$0xFFFFFFF0] =	vst v0  }
0x28: {  	[tilespmem:s17+$0x0] =	vst v0  }
0x29: {  	[tilespmem:s17+$0x10] =	vst v0;
	s19 =	sshra.s32 s18, $0x2  }
0x2a: {  	s17 =	sadd.s32 $0x40, s17;
	s18 =	sadd.s32 $0x40, s18;
	[tilespmem:s19+$0xF800] =	vst v0  }
0x2b: {  	s17 =	simm.s32 $0x40;
	s18 =	simm.s32 $0x0  }
.LBB2_4:
0x2c: {  	p0 =	sne.s32 s17, $0x1FC0;
	[tilespmem:s18+$0xD000] =	vst v1;
	s18 =	smov.u32 s17;
	s17 =	sadd.s32 $0x40, s17  }
.Ltmp1:
0x2d: {  	(pc) =	sbr.rel @p0 .LBB2_4-.Ltmp1, $2  }
0x2e: {  	_ =	sdelay $0x2  }
0x2f: {  	s18 =	sshra.s32 s18, $0x2  }
0x30: {  	[tilespmem:s18+$0xD000] =	vst v1  }
0x31: {  	[spmem:s13] =	stream.linear.scatter [tilespmem:s30], [sflag:$0x5], $0x2000, $0x38;
	[tilespmem:$0x1C800] =	vst v63  }
0x32: {  	_ =	swait.ge [sflag:s31], $0x2000  }
0x33: {  	[sflag:s31] =	ssyncset.done $0x0  }
0x34: {  	[sflag:s31] =	ssyncadd.s32 $0xFFFFE000  }
0x35: {  	[spmem:s20] =	stream.linear.scatter [tilespmem:s0], [sflag:$0x5], $0x800, $0x38;
	[tilespmem:$0x1C800] =	vst v63  }
0x36: {  	_ =	swait.ge [sflag:s31], $0x800  }
0x37: {  	[sflag:s31] =	ssyncset.done $0x0  }
0x38: {  	[sflag:s31] =	ssyncadd.s32 $0xFFFFF800  }
0x39: {  	[spmem:s21] =	stream.linear.scatter [tilespmem:s30], [sflag:$0x5], $0x2000, $0x38;
	[tilespmem:$0x1C800] =	vst v63  }
0x3a: {  	_ =	swait.ge [sflag:s31], $0x2000  }
0x3b: {  	[sflag:s31] =	ssyncset.done $0x0  }
0x3c: {  	[sflag:s31] =	ssyncadd.s32 $0xFFFFE000  }
0x3d: {  	[spmem:s22] =	stream.linear.scatter [tilespmem:s0], [sflag:$0x5], $0x800, $0x38;
	[tilespmem:$0x1C800] =	vst v63  }
0x3e: {  	_ =	swait.ge [sflag:s31], $0x800  }
0x3f: {  	[sflag:s31] =	ssyncset.done $0x0  }
0x40: {  	[sflag:s31] =	ssyncadd.s32 $0xFFFFF800  }
0x41: {  	[spmem:s23] =	stream.linear.scatter [tilespmem:s30], [sflag:$0x5], $0x2000, $0x38;
	[tilespmem:$0x1C800] =	vst v63  }
0x42: {  	_ =	swait.ge [sflag:s31], $0x2000  }
0x43: {  	[sflag:s31] =	ssyncset.done $0x0  }
0x44: {  	[sflag:s31] =	ssyncadd.s32 $0xFFFFE000  }
0x45: {  	[spmem:s24] =	stream.linear.scatter [tilespmem:s0], [sflag:$0x5], $0x800, $0x38;
	[tilespmem:$0x1C800] =	vst v63  }
0x46: {  	_ =	swait.ge [sflag:s31], $0x800  }
0x47: {  	[sflag:s31] =	ssyncset.done $0x0  }
0x48: {  	[sflag:s31] =	ssyncadd.s32 $0xFFFFF800  }
0x49: {  	[spmem:s25] =	stream.linear.scatter [tilespmem:s30], [sflag:$0x5], $0x2000, $0x38;
	[tilespmem:$0x1C800] =	vst v63  }
0x4a: {  	_ =	swait.ge [sflag:s31], $0x2000  }
0x4b: {  	[sflag:s31] =	ssyncset.done $0x0  }
0x4c: {  	[sflag:s31] =	ssyncadd.s32 $0xFFFFE000  }
0x4d: {  	[spmem:s26] =	stream.linear.scatter [tilespmem:s0], [sflag:$0x5], $0x800, $0x38;
	[tilespmem:$0x1C800] =	vst v63  }
0x4e: {  	_ =	swait.ge [sflag:s31], $0x800  }
0x4f: {  	[sflag:s31] =	ssyncset.done $0x0  }
0x50: {  	[sflag:s31] =	ssyncadd.s32 $0xFFFFF800  }
0x51: {  	[spmem:s28] =	stream.linear.scatter [tilespmem:s30], [sflag:$0x5], $0x2000, $0x38;
	[tilespmem:$0x1C800] =	vst v63  }
0x52: {  	_ =	swait.ge [sflag:s31], $0x2000  }
0x53: {  	[sflag:s31] =	ssyncset.done $0x0  }
0x54: {  	[sflag:s31] =	ssyncadd.s32 $0xFFFFE000  }
0x55: {  	[spmem:s29] =	stream.linear.scatter [tilespmem:s0], [sflag:$0x5], $0x800, $0x38;
	[tilespmem:$0x1C800] =	vst v63  }
0x56: {  	_ =	swait.ge [sflag:s31], $0x800  }
0x57: {  	[sflag:s31] =	ssyncset.done $0x0  }
0x58: {  	[sflag:s31] =	ssyncadd.s32 $0xFFFFF800  }
0x59: {  	[bflag:$0x0] =	sbarrier.arrive $0xFFFF  }
0x5a: {  	s17 =	simm.s32 $0x0;
	s19 =	rddreg [dreg:$0x5]  }
0x5b: {  	[tilespmem:s17], [sflag:$0x5] =	stream.linear.gather [hbm4b:s19+s17], $0x2800, $0x38;
	[tilespmem:$0x1C800] =	vst v63  }
0x5c: {  	_ =	swait.ge [sflag:s31], $0x2800  }
0x5d: {  	[sflag:s31] =	ssyncset.done $0x0  }
0x5e: {  	s19 =	simm.s32 $0x2800;
	s18 =	rddreg [dreg:$0x6];
	[sflag:s31] =	ssyncadd.s32 $0xFFFFD800  }
0x5f: {  	[tilespmem:s19], [sflag:$0x5] =	stream.linear.gather [hbm4b:s18+s17], $0x2800, $0x38;
	[tilespmem:$0x1C800] =	vst v63  }
0x60: {  	_ =	swait.ge [sflag:s31], $0x2800  }
0x61: {  	[sflag:s31] =	ssyncset.done $0x0  }
0x62: {  	[sflag:s31] =	ssyncadd.s32 $0xFFFFD800  }
0x63: {  	[tilespmem:s6], [sflag:$0x1] =	stream.indirect.gather [hbm4b:s5+s1], $0x40, s17, s1, $0xb8;
	[tilespmem:$0x1C800] =	vst v63  }
0x64: {  	_ = 	snop  }
0x65: {  	[tilespmem:s7], [sflag:$0x2] =	stream.indirect.gather [hbm4b:s5+s1], $0x40, s1, s1, $0xb8;
	[tilespmem:$0x1C800] =	vst v63  }
0x66: {  	s19 =	simm.s32 $0x100  }
0x67: {  	[tilespmem:s8], [sflag:$0x3] =	stream.indirect.gather [hbm4b:s5+s1], $0x40, s19, s1, $0xb8;
	[tilespmem:$0x1C800] =	vst v63  }
0x68: {  	s18 =	simm.s32 $0x180  }
0x69: {  	[tilespmem:s9], [sflag:$0x4] =	stream.indirect.gather [hbm4b:s5+s1], $0x40, s18, s1, $0xb8;
	[tilespmem:$0x1C800] =	vst v63  }
0x6a: {  	_ =	swait.ge [sflag:s10], $0x2000  }
0x6b: {  	[sflag:s10] =	ssyncset.done $0x0  }
0x6c: {  	s19 =	simm.s32 $0x2800;
	[sflag:s10] =	ssyncadd.s32 $0xFFFFE000  }
0x6d: {  	[spmem:s2] =	stream.indirect.scatter.add.f32 [tilespmem:s6], [sflag:$0x5], $0x40, s19, s1, $0xb8;
	[tilespmem:$0x1C800] =	vst v63  }
0x6e: {  	_ =	swait.ge [sflag:s31], $0x2000  }
0x6f: {  	[sflag:s31] =	ssyncset.done $0x0  }
0x70: {  	[sflag:s31] =	ssyncadd.s32 $0xFFFFE000  }
0x71: {  	[spmem:s3] =	stream.indirect.scatter.add.f32 [tilespmem:s11], [sflag:$0x5], $0x10, s19, s1, $0xb8;
	[tilespmem:$0x1C800] =	vst v63  }
0x72: {  	_ =	swait.ge [sflag:s31], $0x800  }
0x73: {  	[sflag:s31] =	ssyncset.done $0x0  }
0x74: {  	s18 =	simm.s32 $0x200;
	[sflag:s31] =	ssyncadd.s32 $0xFFFFF800  }
0x75: {  	[tilespmem:s6], [sflag:$0x1] =	stream.indirect.gather [hbm4b:s5+s1], $0x40, s18, s1, $0xb8;
	[tilespmem:$0x1C800] =	vst v63  }
0x76: {  	_ =	swait.ge [sflag:s12], $0x2000  }
0x77: {  	[sflag:s12] =	ssyncset.done $0x0  }
0x78: {  	s19 =	simm.s32 $0x2880;
	[sflag:s12] =	ssyncadd.s32 $0xFFFFE000  }
0x79: {  	[spmem:s2] =	stream.indirect.scatter.add.f32 [tilespmem:s7], [sflag:$0x5], $0x40, s19, s1, $0xb8;
	[tilespmem:$0x1C800] =	vst v63  }
0x7a: {  	_ =	swait.ge [sflag:s31], $0x2000  }
0x7b: {  	[sflag:s31] =	ssyncset.done $0x0  }
0x7c: {  	[sflag:s31] =	ssyncadd.s32 $0xFFFFE000  }
0x7d: {  	[spmem:s3] =	stream.indirect.scatter.add.f32 [tilespmem:s11], [sflag:$0x5], $0x10, s19, s1, $0xb8;
	[tilespmem:$0x1C800] =	vst v63  }
0x7e: {  	_ =	swait.ge [sflag:s31], $0x800  }
0x7f: {  	[sflag:s31] =	ssyncset.done $0x0  }
0x80: {  	s18 =	simm.s32 $0x280;
	[sflag:s31] =	ssyncadd.s32 $0xFFFFF800  }
0x81: {  	[tilespmem:s7], [sflag:$0x2] =	stream.indirect.gather [hbm4b:s5+s1], $0x40, s18, s1, $0xb8;
	[tilespmem:$0x1C800] =	vst v63  }
0x82: {  	_ =	swait.ge [sflag:s14], $0x2000  }
0x83: {  	[sflag:s14] =	ssyncset.done $0x0  }
0x84: {  	s19 =	simm.s32 $0x2900;
	[sflag:s14] =	ssyncadd.s32 $0xFFFFE000  }
0x85: {  	[spmem:s2] =	stream.indirect.scatter.add.f32 [tilespmem:s8], [sflag:$0x5], $0x40, s19, s1, $0xb8;
	[tilespmem:$0x1C800] =	vst v63  }
0x86: {  	_ =	swait.ge [sflag:s31], $0x2000  }
0x87: {  	[sflag:s31] =	ssyncset.done $0x0  }
0x88: {  	[sflag:s31] =	ssyncadd.s32 $0xFFFFE000  }
0x89: {  	[spmem:s3] =	stream.indirect.scatter.add.f32 [tilespmem:s11], [sflag:$0x5], $0x10, s19, s1, $0xb8;
	[tilespmem:$0x1C800] =	vst v63  }
0x8a: {  	_ =	swait.ge [sflag:s31], $0x800  }
0x8b: {  	[sflag:s31] =	ssyncset.done $0x0  }
0x8c: {  	s18 =	simm.s32 $0x300;
	[sflag:s31] =	ssyncadd.s32 $0xFFFFF800  }
0x8d: {  	[tilespmem:s8], [sflag:$0x3] =	stream.indirect.gather [hbm4b:s5+s1], $0x40, s18, s1, $0xb8;
	[tilespmem:$0x1C800] =	vst v63  }
0x8e: {  	_ =	swait.ge [sflag:s15], $0x2000  }
0x8f: {  	[sflag:s15] =	ssyncset.done $0x0  }
0x90: {  	s19 =	simm.s32 $0x2980;
	[sflag:s15] =	ssyncadd.s32 $0xFFFFE000  }
0x91: {  	[spmem:s2] =	stream.indirect.scatter.add.f32 [tilespmem:s9], [sflag:$0x5], $0x40, s19, s1, $0xb8;
	[tilespmem:$0x1C800] =	vst v63  }
0x92: {  	_ =	swait.ge [sflag:s31], $0x2000  }
0x93: {  	[sflag:s31] =	ssyncset.done $0x0  }
0x94: {  	[sflag:s31] =	ssyncadd.s32 $0xFFFFE000  }
0x95: {  	[spmem:s3] =	stream.indirect.scatter.add.f32 [tilespmem:s11], [sflag:$0x5], $0x10, s19, s1, $0xb8;
	[tilespmem:$0x1C800] =	vst v63  }
0x96: {  	_ =	swait.ge [sflag:s31], $0x800  }
0x97: {  	[sflag:s31] =	ssyncset.done $0x0  }
0x98: {  	s17 =	simm.s32 $0x800;
	s18 =	simm.s32 $0x380;
	[sflag:s31] =	ssyncadd.s32 $0xFFFFF800  }
.LBB2_6:
0x99: {  	[tilespmem:s9], [sflag:$0x4] =	stream.indirect.gather [hbm4b:s5+s1], $0x40, s18, s1, $0xb8;
	[tilespmem:$0x1C800] =	vst v63  }
0x9a: {  	s18 =	smov.u32 s17  }
0x9b: {  	p0 =	sne.s32 s17, $0x9000;
	s17 =	sadd.s32 $0x800, s17;
	_ =	swait.ge [sflag:s10], $0x2000  }
0x9c: {  	s18 =	sshra.s32 s18, $0x2;
	[sflag:s10] =	ssyncset.done $0x0  }
0x9d: {  	s19 =	sadd.s32 $0x2800, s18;
	[sflag:s10] =	ssyncadd.s32 $0xFFFFE000  }
0x9e: {  	[spmem:s2] =	stream.indirect.scatter.add.f32 [tilespmem:s6], [sflag:$0x5], $0x40, s19, s1, $0xb8;
	[tilespmem:$0x1C800] =	vst v63  }
0x9f: {  	_ =	swait.ge [sflag:s31], $0x2000  }
0xa0: {  	[sflag:s31] =	ssyncset.done $0x0  }
0xa1: {  	[sflag:s31] =	ssyncadd.s32 $0xFFFFE000  }
0xa2: {  	[spmem:s3] =	stream.indirect.scatter.add.f32 [tilespmem:s11], [sflag:$0x5], $0x10, s19, s1, $0xb8;
	[tilespmem:$0x1C800] =	vst v63  }
0xa3: {  	_ =	swait.ge [sflag:s31], $0x800  }
0xa4: {  	[sflag:s31] =	ssyncset.done $0x0  }
0xa5: {  	s19 =	sadd.s32 $0x200, s18;
	[sflag:s31] =	ssyncadd.s32 $0xFFFFF800  }
0xa6: {  	[tilespmem:s6], [sflag:$0x1] =	stream.indirect.gather [hbm4b:s5+s1], $0x40, s19, s1, $0xb8;
	[tilespmem:$0x1C800] =	vst v63  }
0xa7: {  	_ =	swait.ge [sflag:s12], $0x2000  }
0xa8: {  	[sflag:s12] =	ssyncset.done $0x0  }
0xa9: {  	s19 =	sadd.s32 $0x2880, s18;
	[sflag:s12] =	ssyncadd.s32 $0xFFFFE000  }
0xaa: {  	[spmem:s2] =	stream.indirect.scatter.add.f32 [tilespmem:s7], [sflag:$0x5], $0x40, s19, s1, $0xb8;
	[tilespmem:$0x1C800] =	vst v63  }
0xab: {  	_ =	swait.ge [sflag:s31], $0x2000  }
0xac: {  	[sflag:s31] =	ssyncset.done $0x0  }
0xad: {  	[sflag:s31] =	ssyncadd.s32 $0xFFFFE000  }
0xae: {  	[spmem:s3] =	stream.indirect.scatter.add.f32 [tilespmem:s11], [sflag:$0x5], $0x10, s19, s1, $0xb8;
	[tilespmem:$0x1C800] =	vst v63  }
0xaf: {  	_ =	swait.ge [sflag:s31], $0x800  }
0xb0: {  	[sflag:s31] =	ssyncset.done $0x0  }
0xb1: {  	s19 =	sadd.s32 $0x280, s18;
	[sflag:s31] =	ssyncadd.s32 $0xFFFFF800  }
0xb2: {  	[tilespmem:s7], [sflag:$0x2] =	stream.indirect.gather [hbm4b:s5+s1], $0x40, s19, s1, $0xb8;
	[tilespmem:$0x1C800] =	vst v63  }
0xb3: {  	_ =	swait.ge [sflag:s14], $0x2000  }
0xb4: {  	[sflag:s14] =	ssyncset.done $0x0  }
0xb5: {  	s19 =	sadd.s32 $0x2900, s18;
	[sflag:s14] =	ssyncadd.s32 $0xFFFFE000  }
0xb6: {  	[spmem:s2] =	stream.indirect.scatter.add.f32 [tilespmem:s8], [sflag:$0x5], $0x40, s19, s1, $0xb8;
	[tilespmem:$0x1C800] =	vst v63  }
0xb7: {  	_ =	swait.ge [sflag:s31], $0x2000  }
0xb8: {  	[sflag:s31] =	ssyncset.done $0x0  }
0xb9: {  	[sflag:s31] =	ssyncadd.s32 $0xFFFFE000  }
0xba: {  	[spmem:s3] =	stream.indirect.scatter.add.f32 [tilespmem:s11], [sflag:$0x5], $0x10, s19, s1, $0xb8;
	[tilespmem:$0x1C800] =	vst v63  }
0xbb: {  	_ =	swait.ge [sflag:s31], $0x800  }
0xbc: {  	[sflag:s31] =	ssyncset.done $0x0  }
0xbd: {  	s19 =	sadd.s32 $0x300, s18;
	[sflag:s31] =	ssyncadd.s32 $0xFFFFF800  }
0xbe: {  	[tilespmem:s8], [sflag:$0x3] =	stream.indirect.gather [hbm4b:s5+s1], $0x40, s19, s1, $0xb8;
	[tilespmem:$0x1C800] =	vst v63  }
0xbf: {  	_ =	swait.ge [sflag:s15], $0x2000  }
0xc0: {  	[sflag:s15] =	ssyncset.done $0x0  }
0xc1: {  	s19 =	sadd.s32 $0x2980, s18;
	[sflag:s15] =	ssyncadd.s32 $0xFFFFE000  }
0xc2: {  	[spmem:s2] =	stream.indirect.scatter.add.f32 [tilespmem:s9], [sflag:$0x5], $0x40, s19, s1, $0xb8;
	[tilespmem:$0x1C800] =	vst v63  }
0xc3: {  	_ =	swait.ge [sflag:s31], $0x2000  }
0xc4: {  	[sflag:s31] =	ssyncset.done $0x0  }
.Ltmp2:
0xc5: {  	[sflag:s31] =	ssyncadd.s32 $0xFFFFE000;
	(pc) =	sbr.rel @p0 .LBB2_6-.Ltmp2, $4  }
0xc6: {  	[spmem:s3] =	stream.indirect.scatter.add.f32 [tilespmem:s11], [sflag:$0x5], $0x10, s19, s1, $0xb8;
	[tilespmem:$0x1C800] =	vst v63  }
0xc7: {  	_ =	swait.ge [sflag:s31], $0x800  }
0xc8: {  	[sflag:s31] =	ssyncset.done $0x0  }
0xc9: {  	s18 =	sadd.s32 $0x380, s18;
	[sflag:s31] =	ssyncadd.s32 $0xFFFFF800  }
0xca: {  	[tilespmem:s9], [sflag:$0x4] =	stream.indirect.gather [hbm4b:s5+s1], $0x40, s18, s1, $0xb8;
	[tilespmem:$0x1C800] =	vst v63  }
0xcb: {  	_ =	swait.ge [sflag:s10], $0x2000  }
0xcc: {  	[sflag:s10] =	ssyncset.done $0x0  }
0xcd: {  	s17 =	simm.s32 $0x4E00;
	[sflag:s10] =	ssyncadd.s32 $0xFFFFE000  }
0xce: {  	[spmem:s2] =	stream.indirect.scatter.add.f32 [tilespmem:s6], [sflag:$0x5], $0x40, s17, s1, $0xb8;
	[tilespmem:$0x1C800] =	vst v63  }
0xcf: {  	_ =	swait.ge [sflag:s31], $0x2000  }
0xd0: {  	[sflag:s31] =	ssyncset.done $0x0  }
0xd1: {  	[sflag:s31] =	ssyncadd.s32 $0xFFFFE000  }
0xd2: {  	[spmem:s3] =	stream.indirect.scatter.add.f32 [tilespmem:s11], [sflag:$0x5], $0x10, s17, s1, $0xb8;
	[tilespmem:$0x1C800] =	vst v63  }
0xd3: {  	_ =	swait.ge [sflag:s31], $0x800  }
0xd4: {  	[sflag:s31] =	ssyncset.done $0x0  }
0xd5: {  	[sflag:s31] =	ssyncadd.s32 $0xFFFFF800  }
0xd6: {  	_ =	swait.ge [sflag:s12], $0x2000  }
0xd7: {  	[sflag:s12] =	ssyncset.done $0x0  }
0xd8: {  	s18 =	simm.s32 $0x4E80;
	[sflag:s12] =	ssyncadd.s32 $0xFFFFE000  }
0xd9: {  	[spmem:s2] =	stream.indirect.scatter.add.f32 [tilespmem:s7], [sflag:$0x5], $0x40, s18, s1, $0xb8;
	[tilespmem:$0x1C800] =	vst v63  }
0xda: {  	_ =	swait.ge [sflag:s31], $0x2000  }
0xdb: {  	[sflag:s31] =	ssyncset.done $0x0  }
0xdc: {  	[sflag:s31] =	ssyncadd.s32 $0xFFFFE000  }
0xdd: {  	[spmem:s3] =	stream.indirect.scatter.add.f32 [tilespmem:s11], [sflag:$0x5], $0x10, s18, s1, $0xb8;
	[tilespmem:$0x1C800] =	vst v63  }
0xde: {  	_ =	swait.ge [sflag:s31], $0x800  }
0xdf: {  	[sflag:s31] =	ssyncset.done $0x0  }
0xe0: {  	[sflag:s31] =	ssyncadd.s32 $0xFFFFF800  }
0xe1: {  	_ =	swait.ge [sflag:s14], $0x2000  }
0xe2: {  	[sflag:s14] =	ssyncset.done $0x0  }
0xe3: {  	s19 =	simm.s32 $0x4F00;
	[sflag:s14] =	ssyncadd.s32 $0xFFFFE000  }
0xe4: {  	[spmem:s2] =	stream.indirect.scatter.add.f32 [tilespmem:s8], [sflag:$0x5], $0x40, s19, s1, $0xb8;
	[tilespmem:$0x1C800] =	vst v63  }
0xe5: {  	_ =	swait.ge [sflag:s31], $0x2000  }
0xe6: {  	[sflag:s31] =	ssyncset.done $0x0  }
0xe7: {  	[sflag:s31] =	ssyncadd.s32 $0xFFFFE000  }
0xe8: {  	[spmem:s3] =	stream.indirect.scatter.add.f32 [tilespmem:s11], [sflag:$0x5], $0x10, s19, s1, $0xb8;
	[tilespmem:$0x1C800] =	vst v63  }
0xe9: {  	_ =	swait.ge [sflag:s31], $0x800  }
0xea: {  	[sflag:s31] =	ssyncset.done $0x0  }
0xeb: {  	[sflag:s31] =	ssyncadd.s32 $0xFFFFF800  }
0xec: {  	_ =	swait.ge [sflag:s15], $0x2000  }
0xed: {  	[sflag:s15] =	ssyncset.done $0x0  }
0xee: {  	s18 =	simm.s32 $0x4F80;
	[sflag:s15] =	ssyncadd.s32 $0xFFFFE000  }
0xef: {  	[spmem:s2] =	stream.indirect.scatter.add.f32 [tilespmem:s9], [sflag:$0x5], $0x40, s18, s1, $0xb8;
	[tilespmem:$0x1C800] =	vst v63  }
0xf0: {  	_ =	swait.ge [sflag:s31], $0x2000  }
0xf1: {  	[sflag:s31] =	ssyncset.done $0x0  }
0xf2: {  	[sflag:s31] =	ssyncadd.s32 $0xFFFFE000  }
0xf3: {  	[spmem:s3] =	stream.indirect.scatter.add.f32 [tilespmem:s11], [sflag:$0x5], $0x10, s18, s1, $0xb8;
	[tilespmem:$0x1C800] =	vst v63  }
0xf4: {  	_ =	swait.ge [sflag:s31], $0x800  }
0xf5: {  	[sflag:s31] =	ssyncset.done $0x0  }
0xf6: {  	[sflag:s31] =	ssyncadd.s32 $0xFFFFF800  }
0xf7: {  	[bflag:$0x0] =	sbarrier.arrive $0xFFFF  }
0xf8: {  	[tilespmem:s30], [sflag:$0x5] =	stream.linear.gather [spmem:s13], $0x2000, $0x38;
	[tilespmem:$0x1C800] =	vst v63  }
0xf9: {  	_ =	swait.ge [sflag:s31], $0x2000  }
0xfa: {  	[sflag:s31] =	ssyncset.done $0x0  }
0xfb: {  	s19 =	rddreg [dreg:$0x7];
	[sflag:s31] =	ssyncadd.s32 $0xFFFFE000  }
0xfc: {  	[hbm4b:s19+s4] =	stream.linear.scatter [tilespmem:s30], [sflag:$0x5], $0x2000, $0x38;
	[tilespmem:$0x1C800] =	vst v63  }
0xfd: {  	_ =	swait.ge [sflag:s31], $0x2000  }
0xfe: {  	[sflag:s31] =	ssyncset.done $0x0  }
0xff: {  	[sflag:s31] =	ssyncadd.s32 $0xFFFFE000  }
0x100: {  	[tilespmem:s0], [sflag:$0x5] =	stream.linear.gather [spmem:s20], $0x800, $0x38;
	[tilespmem:$0x1C800] =	vst v63  }
0x101: {  	_ =	swait.ge [sflag:s31], $0x800  }
0x102: {  	[sflag:s31] =	ssyncset.done $0x0  }
0x103: {  	s18 =	rddreg [dreg:$0xd];
	[sflag:s31] =	ssyncadd.s32 $0xFFFFF800  }
0x104: {  	[hbm4b:s18+s4] =	stream.linear.scatter [tilespmem:s0], [sflag:$0x5], $0x800, $0x38;
	[tilespmem:$0x1C800] =	vst v63  }
0x105: {  	_ =	swait.ge [sflag:s31], $0x800  }
0x106: {  	[sflag:s31] =	ssyncset.done $0x0  }
0x107: {  	[sflag:s31] =	ssyncadd.s32 $0xFFFFF800  }
0x108: {  	[tilespmem:s30], [sflag:$0x5] =	stream.linear.gather [spmem:s21], $0x2000, $0x38;
	[tilespmem:$0x1C800] =	vst v63  }
0x109: {  	_ =	swait.ge [sflag:s31], $0x2000  }
0x10a: {  	[sflag:s31] =	ssyncset.done $0x0  }
0x10b: {  	s19 =	rddreg [dreg:$0x8];
	[sflag:s31] =	ssyncadd.s32 $0xFFFFE000  }
0x10c: {  	[hbm4b:s19+s4] =	stream.linear.scatter [tilespmem:s30], [sflag:$0x5], $0x2000, $0x38;
	[tilespmem:$0x1C800] =	vst v63  }
0x10d: {  	_ =	swait.ge [sflag:s31], $0x2000  }
0x10e: {  	[sflag:s31] =	ssyncset.done $0x0  }
0x10f: {  	[sflag:s31] =	ssyncadd.s32 $0xFFFFE000  }
0x110: {  	[tilespmem:s0], [sflag:$0x5] =	stream.linear.gather [spmem:s22], $0x800, $0x38;
	[tilespmem:$0x1C800] =	vst v63  }
0x111: {  	_ =	swait.ge [sflag:s31], $0x800  }
0x112: {  	[sflag:s31] =	ssyncset.done $0x0  }
0x113: {  	s18 =	rddreg [dreg:$0xe];
	[sflag:s31] =	ssyncadd.s32 $0xFFFFF800  }
0x114: {  	[hbm4b:s18+s4] =	stream.linear.scatter [tilespmem:s0], [sflag:$0x5], $0x800, $0x38;
	[tilespmem:$0x1C800] =	vst v63  }
0x115: {  	_ =	swait.ge [sflag:s31], $0x800  }
0x116: {  	[sflag:s31] =	ssyncset.done $0x0  }
0x117: {  	[sflag:s31] =	ssyncadd.s32 $0xFFFFF800  }
0x118: {  	[tilespmem:s30], [sflag:$0x5] =	stream.linear.gather [spmem:s23], $0x2000, $0x38;
	[tilespmem:$0x1C800] =	vst v63  }
0x119: {  	_ =	swait.ge [sflag:s31], $0x2000  }
0x11a: {  	[sflag:s31] =	ssyncset.done $0x0  }
0x11b: {  	s19 =	rddreg [dreg:$0x9];
	[sflag:s31] =	ssyncadd.s32 $0xFFFFE000  }
0x11c: {  	[hbm4b:s19+s4] =	stream.linear.scatter [tilespmem:s30], [sflag:$0x5], $0x2000, $0x38;
	[tilespmem:$0x1C800] =	vst v63  }
0x11d: {  	_ =	swait.ge [sflag:s31], $0x2000  }
0x11e: {  	[sflag:s31] =	ssyncset.done $0x0  }
0x11f: {  	[sflag:s31] =	ssyncadd.s32 $0xFFFFE000  }
0x120: {  	[tilespmem:s0], [sflag:$0x5] =	stream.linear.gather [spmem:s24], $0x800, $0x38;
	[tilespmem:$0x1C800] =	vst v63  }
0x121: {  	_ =	swait.ge [sflag:s31], $0x800  }
0x122: {  	[sflag:s31] =	ssyncset.done $0x0  }
0x123: {  	s18 =	rddreg [dreg:$0xf];
	[sflag:s31] =	ssyncadd.s32 $0xFFFFF800  }
0x124: {  	[hbm4b:s18+s4] =	stream.linear.scatter [tilespmem:s0], [sflag:$0x5], $0x800, $0x38;
	[tilespmem:$0x1C800] =	vst v63  }
0x125: {  	_ =	swait.ge [sflag:s31], $0x800  }
0x126: {  	[sflag:s31] =	ssyncset.done $0x0  }
0x127: {  	[sflag:s31] =	ssyncadd.s32 $0xFFFFF800  }
0x128: {  	[tilespmem:s30], [sflag:$0x5] =	stream.linear.gather [spmem:s25], $0x2000, $0x38;
	[tilespmem:$0x1C800] =	vst v63  }
0x129: {  	_ =	swait.ge [sflag:s31], $0x2000  }
0x12a: {  	[sflag:s31] =	ssyncset.done $0x0  }
0x12b: {  	s19 =	rddreg [dreg:$0xa];
	[sflag:s31] =	ssyncadd.s32 $0xFFFFE000  }
0x12c: {  	[hbm4b:s19+s4] =	stream.linear.scatter [tilespmem:s30], [sflag:$0x5], $0x2000, $0x38;
	[tilespmem:$0x1C800] =	vst v63  }
0x12d: {  	_ =	swait.ge [sflag:s31], $0x2000  }
0x12e: {  	[sflag:s31] =	ssyncset.done $0x0  }
0x12f: {  	[sflag:s31] =	ssyncadd.s32 $0xFFFFE000  }
0x130: {  	[tilespmem:s0], [sflag:$0x5] =	stream.linear.gather [spmem:s26], $0x800, $0x38;
	[tilespmem:$0x1C800] =	vst v63  }
0x131: {  	_ =	swait.ge [sflag:s31], $0x800  }
0x132: {  	[sflag:s31] =	ssyncset.done $0x0  }
0x133: {  	s18 =	rddreg [dreg:$0x10];
	[sflag:s31] =	ssyncadd.s32 $0xFFFFF800  }
0x134: {  	[hbm4b:s18+s4] =	stream.linear.scatter [tilespmem:s0], [sflag:$0x5], $0x800, $0x38;
	[tilespmem:$0x1C800] =	vst v63  }
0x135: {  	_ =	swait.ge [sflag:s31], $0x800  }
0x136: {  	[sflag:s31] =	ssyncset.done $0x0  }
0x137: {  	[sflag:s31] =	ssyncadd.s32 $0xFFFFF800  }
0x138: {  	[tilespmem:s30], [sflag:$0x5] =	stream.linear.gather [spmem:s28], $0x2000, $0x38;
	[tilespmem:$0x1C800] =	vst v63  }
0x139: {  	_ =	swait.ge [sflag:s31], $0x2000  }
0x13a: {  	[sflag:s31] =	ssyncset.done $0x0  }
0x13b: {  	s19 =	rddreg [dreg:$0xb];
	[sflag:s31] =	ssyncadd.s32 $0xFFFFE000  }
0x13c: {  	[hbm4b:s19+s4] =	stream.linear.scatter [tilespmem:s30], [sflag:$0x5], $0x2000, $0x38;
	[tilespmem:$0x1C800] =	vst v63  }
0x13d: {  	_ =	swait.ge [sflag:s31], $0x2000  }
0x13e: {  	[sflag:s31] =	ssyncset.done $0x0  }
0x13f: {  	[sflag:s31] =	ssyncadd.s32 $0xFFFFE000  }
0x140: {  	[tilespmem:s0], [sflag:$0x5] =	stream.linear.gather [spmem:s29], $0x800, $0x38;
	[tilespmem:$0x1C800] =	vst v63  }
0x141: {  	_ =	swait.ge [sflag:s31], $0x800  }
0x142: {  	[sflag:s31] =	ssyncset.done $0x0  }
0x143: {  	s18 =	rddreg [dreg:$0x11];
	[sflag:s31] =	ssyncadd.s32 $0xFFFFF800  }
0x144: {  	[hbm4b:s18+s4] =	stream.linear.scatter [tilespmem:s0], [sflag:$0x5], $0x800, $0x38;
	[tilespmem:$0x1C800] =	vst v63  }
0x145: {  	_ =	swait.ge [sflag:s31], $0x800  }
0x146: {  	s16 =	sadd.s32 $0x1, s16;
	s19 =	rddreg [dreg:$0xc]  }
0x147: {  	p0 =	sne.s32 s16, s19  }
.Ltmp3:
0x148: {  	_ = 	snop;
	(pc) =	sbr.rel @p0 .LBB2_1-.Ltmp3, $3  }
0x149: {  	_ =	sdelay $0x1  }
0x14a: {  	[sflag:s31] =	ssyncset.done $0x0  }
0x14b: {  	[sflag:s31] =	ssyncadd.s32 $0xFFFFF800  }
0x14c: {  	_ =	sfence.sel $0x180000  }
0x14d: {  	[bflag:$0x0] =	sbarrier.arrive $0xFFFF  }
0x14e: {  	_ =	strace $0x90000047  }
0x14f: {  	s0 =	stileid.u32;
	[bflag:$0x2] =	sbarrier.arrive $0xFFFF  }
0x150: {  	p0 =	sne.s32 s0, $0x0;
	s0 =	rddreg [dreg:$0x4]  }
0x151: {  	s0 =	sadd.s32 @!p0 $0x100000, s0  }
0x152: {  	[sflag:s0] =	ssyncadd.tile.s32 @!p0 $0x1;
	_ =	shalt  }
.Lfunc_end2:
_tile_overlayer_lowered:
.L_overlay_start_2:
0x153: {  	(tag) =	ssettag $0x2  }
0x154: {  	s0 =	rddreg [dreg:$0x0];
	s2 =	stileid.u32  }
0x155: {  	s1 =	rddreg [dreg:$0x1];
	p0 =	sne.s32 s2, $0x0  }
0x156: {  	s3 =	rddreg [dreg:$0x2];
	[bflag:$0x3] =	sbarrier.arrive $0xFFFF;
	s2 =	simm.s32 @!p0 $0x1C05  }
0x157: {  	[timem:s3], [sflag:s2] =	dma.local @!p0 [hbm:s0], s1  }
0x158: {  	s0 =	simm.s32 @!p0 $0x5  }
0x159: {  	_ =	swait.ge @!p0 [sflag:s0], s1  }
0x15a: {  	s1 =	ssub.s32 @!p0 $0x0, s1;
	[sflag:s0] =	ssyncset.done @!p0 $0x0  }
0x15b: {  	[sflag:s0] =	ssyncadd.s32 @!p0 s1  }
0x15c: {  	[bflag:$0x3] =	sbarrier.arrive $0xFFFF  }
0x15d: {  	_ =	shalt  }

</sc_bundles>
